<compile_context>
chip_gen: v7x
topology: tpu7x:2x2x1
jax: 0.10.2.dev20260603
libtpu: 0.0.44.dev20260713+nightly
codegen_flags: <defaults>
</compile_context>

<pallas_src>
import functools

import jax
import jax.numpy as jnp
from jax import lax
from jax.experimental import pallas as pl
from jax.experimental.pallas import tpu as pltpu
from jax.experimental.pallas import tpu_sc as plsc

N = 10000
E = 320000
DZ = 128
DH = 32

NC = 2
NS = 16
NW = NC * NS
CH = 80
NCHUNK = 125
NP = 10240
RPT = NP // NS
NSET = 4
UNR = 8

ROWBLK_A = 1000
ROWBLK_C = 1000


def _proj_body(z_ref, wd_ref, ws_ref, bn_ref, ea_ref, eb_ref):
    zb = z_ref[...]
    ea_ref[...] = jnp.exp(
        -(jnp.dot(zb, wd_ref[...], preferred_element_type=jnp.float32)
          + bn_ref[...])
    )
    eb_ref[...] = jnp.exp(
        -jnp.dot(zb, ws_ref[...], preferred_element_type=jnp.float32)
    )


def _proj(z, wd, ws, bn):
    grid = (N // ROWBLK_A,)
    return pl.pallas_call(
        _proj_body,
        grid=grid,
        in_specs=[
            pl.BlockSpec((ROWBLK_A, DZ), lambda i: (i, 0)),
            pl.BlockSpec((DZ, DH), lambda i: (0, 0)),
            pl.BlockSpec((DZ, DH), lambda i: (0, 0)),
            pl.BlockSpec((1, DH), lambda i: (0, 0)),
        ],
        out_specs=[
            pl.BlockSpec((ROWBLK_A, DH), lambda i: (i, 0)),
            pl.BlockSpec((ROWBLK_A, DH), lambda i: (i, 0)),
        ],
        out_shape=[
            jax.ShapeDtypeStruct((NP, DH), jnp.float32),
            jax.ShapeDtypeStruct((NP, DH), jnp.float32),
        ],
    )(z, wd, ws, bn)


_MESH = plsc.VectorSubcoreMesh(core_axis_name="c", subcore_axis_name="s")


@functools.partial(
    pl.kernel,
    out_type=jax.ShapeDtypeStruct((NC, NP, DH), jnp.float32),
    mesh=_MESH,
    scratch_types=[
        pltpu.VMEM((NCHUNK, CH), jnp.int32),
        pltpu.VMEM((NCHUNK, CH), jnp.int32),
        [pltpu.VMEM((CH, DH), jnp.float32)] * NSET,
        [pltpu.VMEM((CH, DH), jnp.float32)] * NSET,
        pltpu.VMEM((RPT, DH), jnp.float32),
        pltpu.VMEM_SHARED((NP, DH), jnp.float32),
        pltpu.VMEM_SHARED((NP, DH), jnp.float32),
        pltpu.VMEM_SHARED((NP, DH), jnp.float32),
        [pltpu.SemaphoreType.DMA] * NSET,
        [pltpu.SemaphoreType.DMA] * NSET,
        [pltpu.SemaphoreType.DMA] * NSET,
    ],
    compiler_params=pltpu.CompilerParams(
        use_tc_tiling_on_sc=False,
        disable_bounds_checks=True,
    ),
)
def _edge_kernel(ea_hbm, eb_hbm, dst_hbm, src_hbm, out_hbm,
                 dst_v, src_v, ra, rb, stage, ea_sp, eb_sp, acc,
                 sga, sgb, ssc):
    c = lax.axis_index("c")
    s = lax.axis_index("s")
    wid = c * NS + s
    sl = pl.ds(s * RPT, RPT)

    pltpu.async_copy(dst_hbm.at[wid], dst_v, sga[0])
    pltpu.async_copy(src_hbm.at[wid], src_v, sga[1])
    pltpu.async_copy(ea_hbm.at[sl], ea_sp.at[sl], sga[2])
    pltpu.async_copy(eb_hbm.at[sl], eb_sp.at[sl], sga[3])

    zero16 = jnp.zeros((16,), jnp.float32)

    def zero_body(i, carry):
        r0 = i * UNR
        for u in range(UNR):
            stage[r0 + u, pl.ds(0, 16)] = zero16
            stage[r0 + u, pl.ds(16, 16)] = zero16
        return carry

    lax.fori_loop(0, RPT // UNR, zero_body, 0)
    pltpu.make_async_copy(dst_hbm.at[wid], dst_v, sga[0]).wait()
    pltpu.make_async_copy(src_hbm.at[wid], src_v, sga[1]).wait()
    pltpu.make_async_copy(ea_hbm.at[sl], ea_sp.at[sl], sga[2]).wait()
    pltpu.make_async_copy(eb_hbm.at[sl], eb_sp.at[sl], sga[3]).wait()
    pltpu.sync_copy(stage, acc.at[sl])
    plsc.subcore_barrier()

    def issue_gather(j, t):
        pltpu.async_copy(ea_sp.at[dst_v.at[j]], ra[t], sga[t])
        pltpu.async_copy(eb_sp.at[src_v.at[j]], rb[t], sgb[t])

    def wait_gather(j, t):
        pltpu.make_async_copy(ea_sp.at[dst_v.at[j]], ra[t], sga[t]).wait()
        pltpu.make_async_copy(eb_sp.at[src_v.at[j]], rb[t], sgb[t]).wait()

    def issue_scatter(j, t):
        pltpu.async_copy(ra[t], acc.at[dst_v.at[j]], ssc[t], add=True)

    def wait_scatter(j, t):
        pltpu.make_async_copy(ra[t], acc.at[dst_v.at[j]], ssc[t]).wait()

    def compute(t):
        ra_t = ra[t]
        rb_t = rb[t]
        one16 = jnp.full((16,), 1.0, jnp.float32)

        def row_body(i, rc):
            r0 = i * UNR
            for u in range(UNR):
                for h in (0, 16):
                    p = ra_t[r0 + u, pl.ds(h, 16)] * rb_t[r0 + u, pl.ds(h, 16)]
                    ra_t[r0 + u, pl.ds(h, 16)] = one16 / (1.0 + p)
            return rc

        lax.fori_loop(0, CH // UNR, row_body, 0)

    def run_slot(j, t, issue_ahead, wait_behind):
        if wait_behind:
            wait_scatter(j - 2, (t + 2) % NSET)
        if issue_ahead:
            issue_gather(j + 2, (t + 2) % NSET)
        wait_gather(j, t)
        compute(t)
        issue_scatter(j, t)

    issue_gather(0, 0)
    issue_gather(1, 1)
    run_slot(jnp.int32(0), 0, True, False)
    run_slot(jnp.int32(1), 1, True, False)

    def group_body(g, carry):
        j0 = 2 + 4 * g
        run_slot(j0 + 0, 2, True, True)
        run_slot(j0 + 1, 3, True, True)
        run_slot(j0 + 2, 0, True, True)
        run_slot(j0 + 3, 1, True, True)
        return carry

    lax.fori_loop(0, 30, group_body, 0)

    run_slot(jnp.int32(122), 2, True, True)
    run_slot(jnp.int32(123), 3, False, True)
    run_slot(jnp.int32(124), 0, False, True)

    wait_scatter(jnp.int32(NCHUNK - 2), 3)
    wait_scatter(jnp.int32(NCHUNK - 1), 0)

    plsc.subcore_barrier()

    pltpu.sync_copy(acc.at[sl], out_hbm.at[c, sl])


def _final_body(z_ref, p0_ref, p1_ref, wc_ref, bc_ref, wt_ref, wb_ref, bo_ref,
                out_ref):
    zb = z_ref[...]
    cur = jax.nn.sigmoid(
        jnp.dot(zb, wc_ref[...], preferred_element_type=jnp.float32) + bc_ref[...]
    )
    nbr = p0_ref[0] + p1_ref[0]
    out_ref[...] = jnp.tanh(
        jnp.dot(cur, wt_ref[...], preferred_element_type=jnp.float32)
        + jnp.dot(nbr, wb_ref[...], preferred_element_type=jnp.float32)
        + bo_ref[...]
    )


def _final(z, partial, wc, bc, wt, wb, bo):
    grid = (N // ROWBLK_C,)
    return pl.pallas_call(
        _final_body,
        grid=grid,
        in_specs=[
            pl.BlockSpec((ROWBLK_C, DZ), lambda i: (i, 0)),
            pl.BlockSpec((1, ROWBLK_C, DH), lambda i: (0, i, 0)),
            pl.BlockSpec((1, ROWBLK_C, DH), lambda i: (1, i, 0)),
            pl.BlockSpec((DZ, DH), lambda i: (0, 0)),
            pl.BlockSpec((1, DH), lambda i: (0, 0)),
            pl.BlockSpec((DH, DZ), lambda i: (0, 0)),
            pl.BlockSpec((DH, DZ), lambda i: (0, 0)),
            pl.BlockSpec((1, DZ), lambda i: (0, 0)),
        ],
        out_specs=pl.BlockSpec((ROWBLK_C, DZ), lambda i: (i, 0)),
        out_shape=jax.ShapeDtypeStruct((N, DZ), jnp.float32),
    )(z, partial, partial, wc, bc, wt, wb, bo)


def kernel(z, edge_index, W_cur, b_cur, W_nbr, b_nbr, W_out, b_out):
    wd = W_nbr[:DZ]
    ws = W_nbr[DZ:]
    ea, eb = _proj(z, wd, ws, b_nbr.reshape(1, DH))

    dst2 = edge_index[0].reshape(NW, NCHUNK, CH)
    src2 = edge_index[1].reshape(NW, NCHUNK, CH)
    partial = _edge_kernel(ea, eb, dst2, src2)

    return _final(
        z, partial,
        W_cur, b_cur.reshape(1, DH),
        W_out[:DH], W_out[DH:], b_out.reshape(1, DZ),
    )

# --- scband reference (transcript-rebuilt; emitter-appended) ---
"""Pipeline reference for scband-gcu-64476049047913 (READ-ONLY COPY).

The authoritative reference and input builder live on the scoring server;
editing this copy changes nothing except your own understanding.
"""

import jax, jax.numpy as jnp
import numpy as np

N = 10000
E = 320000
DZ = 128
DH = 32


def setup_inputs(seed: int = 0) -> dict:
    key = jax.random.key(seed)
    ks = jax.random.split(key, 8)
    z = jax.random.normal(ks[0], (N, DZ), dtype=jnp.float32)
    edge_index = jax.random.randint(ks[1], (2, E), 0, N, dtype=jnp.int32)
    # Parameters sized per init_kwargs (num_h=0 -> each MLP is a single Linear).
    # torch init: weight ~ N(0, 0.1), bias ~ U(-0.1, 0.1). Stored as [in, out].
    W_cur = 0.1 * jax.random.normal(ks[2], (DZ, DH), dtype=jnp.float32)
    b_cur = jax.random.uniform(ks[3], (DH,), minval=-0.1, maxval=0.1, dtype=jnp.float32)
    W_nbr = 0.1 * jax.random.normal(ks[4], (2 * DZ, DH), dtype=jnp.float32)
    b_nbr = jax.random.uniform(ks[5], (DH,), minval=-0.1, maxval=0.1, dtype=jnp.float32)
    W_out = 0.1 * jax.random.normal(ks[6], (2 * DH, DZ), dtype=jnp.float32)
    b_out = jax.random.uniform(ks[7], (DZ,), minval=-0.1, maxval=0.1, dtype=jnp.float32)
    return {"z": z, "edge_index": edge_index, "W_cur": W_cur, "b_cur": b_cur,
            "W_nbr": W_nbr, "b_nbr": b_nbr, "W_out": W_out, "b_out": b_out}


def reference(z, edge_index, W_cur, b_cur, W_nbr, b_nbr, W_out, b_out):
    # cur = Sigmoid(MLP(dim_z -> dim_h))
    curvv = jax.nn.sigmoid(z @ W_cur + b_cur)
    # neighbor aggregation: for each node nid, sum over neighbors env of
    # sigmoid(Linear(cat(z[nid], z[env]))); nodes with no neighbors get zeros.
    dst = edge_index[0]
    src = edge_index[1]
    h = jnp.concatenate([jnp.take(z, dst, axis=0), jnp.take(z, src, axis=0)], axis=-1)
    msg = jax.nn.sigmoid(h @ W_nbr + b_nbr)
    nbrvv = jax.ops.segment_sum(msg, dst, num_segments=N)
    # out = Tanh(Linear(dim_h*2 -> dim_z))
    dzdt = jnp.tanh(jnp.concatenate([curvv, nbrvv], axis=-1) @ W_out + b_out)
    return dzdt

if __name__ == "__main__":
    import jax
    _d = setup_inputs()
    print(jax.jit(kernel)(*tuple(_d.values())))

</pallas_src>

<mosaic_0001>
#map = affine_map<(d0, d1) -> (0, 0)>
#map1 = affine_map<(d0, d1) -> (0, 0, 0)>
module attributes {stable_mosaic.version = 14 : i64} {
  func.func @_edge_kernel(%arg0: i32, %arg1: i32, %arg2: memref<10240x32xf32, #tpu.memory_space<hbm>>, %arg3: memref<10240x32xf32, #tpu.memory_space<hbm>>, %arg4: memref<32x125x80xi32, #tpu.memory_space<hbm>>, %arg5: memref<32x125x80xi32, #tpu.memory_space<hbm>>, %arg6: memref<2x10240x32xf32, #tpu.memory_space<hbm>>, %arg7: memref<125x80xi32, #tpu.memory_space<vmem>>, %arg8: memref<125x80xi32, #tpu.memory_space<vmem>>, %arg9: memref<80x32xf32, #tpu.memory_space<vmem>>, %arg10: memref<80x32xf32, #tpu.memory_space<vmem>>, %arg11: memref<80x32xf32, #tpu.memory_space<vmem>>, %arg12: memref<80x32xf32, #tpu.memory_space<vmem>>, %arg13: memref<80x32xf32, #tpu.memory_space<vmem>>, %arg14: memref<80x32xf32, #tpu.memory_space<vmem>>, %arg15: memref<80x32xf32, #tpu.memory_space<vmem>>, %arg16: memref<80x32xf32, #tpu.memory_space<vmem>>, %arg17: memref<640x32xf32, #tpu.memory_space<vmem>>, %arg18: memref<10240x32xf32, #tpu.memory_space<vmem_shared>>, %arg19: memref<10240x32xf32, #tpu.memory_space<vmem_shared>>, %arg20: memref<10240x32xf32, #tpu.memory_space<vmem_shared>>, %arg21: memref<!tpu.dma_semaphore, #tpu.memory_space<semaphore_mem>>, %arg22: memref<!tpu.dma_semaphore, #tpu.memory_space<semaphore_mem>>, %arg23: memref<!tpu.dma_semaphore, #tpu.memory_space<semaphore_mem>>, %arg24: memref<!tpu.dma_semaphore, #tpu.memory_space<semaphore_mem>>, %arg25: memref<!tpu.dma_semaphore, #tpu.memory_space<semaphore_mem>>, %arg26: memref<!tpu.dma_semaphore, #tpu.memory_space<semaphore_mem>>, %arg27: memref<!tpu.dma_semaphore, #tpu.memory_space<semaphore_mem>>, %arg28: memref<!tpu.dma_semaphore, #tpu.memory_space<semaphore_mem>>, %arg29: memref<!tpu.dma_semaphore, #tpu.memory_space<semaphore_mem>>, %arg30: memref<!tpu.dma_semaphore, #tpu.memory_space<semaphore_mem>>, %arg31: memref<!tpu.dma_semaphore, #tpu.memory_space<semaphore_mem>>, %arg32: memref<!tpu.dma_semaphore, #tpu.memory_space<semaphore_mem>>) attributes {dimension_semantics = [#tpu.dimension_semantics<core_parallel>, #tpu.dimension_semantics<subcore_parallel>], iteration_bounds = array<i64: 2, 16>, scalar_prefetch = 0 : i64, scratch_operands = 26 : i64, tpu.core_type = #tpu.core_type<sc_vector_subcore>, window_params = [{transform_indices = #map}, {transform_indices = #map}, {transform_indices = #map1}, {transform_indices = #map1}, {transform_indices = #map1}]} {
    %mul3A = arith.constant 16 : i32
    %mul3A_0 = arith.muli %arg0, %mul3A : i32
    %add3A = arith.addi %mul3A_0, %arg1 : i32
    %mul3A_1 = arith.constant 640 : i32
    %mul3A_2 = arith.muli %arg1, %mul3A_1 : i32
    %dma_start3A = arith.constant 0 : i32
    %dma_start3A_3 = arith.constant 0 : i32
    %dma_start3A_4 = tpu.memref_slice %arg4[%add3A, %dma_start3A, %dma_start3A_3] : memref<32x125x80xi32, #tpu.memory_space<hbm>> -> memref<1x125x80xi32, #tpu.memory_space<hbm>>
    %dma_start3A_5 = tpu.memref_squeeze %dma_start3A_4 : memref<1x125x80xi32, #tpu.memory_space<hbm>> -> memref<125x80xi32, #tpu.memory_space<hbm>>
    %dma_start3A_6 = arith.constant 0 : i32
    %dma_start3A_7 = arith.constant 0 : i32
    %dma_start3A_8 = tpu.memref_slice %arg4[%add3A, %dma_start3A_6, %dma_start3A_7] : memref<32x125x80xi32, #tpu.memory_space<hbm>> -> memref<1x125x80xi32, #tpu.memory_space<hbm>>
    %dma_start3A_9 = tpu.memref_squeeze %dma_start3A_8 : memref<1x125x80xi32, #tpu.memory_space<hbm>> -> memref<125x80xi32, #tpu.memory_space<hbm>>
    tpu.enqueue_dma source(%dma_start3A_9 : memref<125x80xi32, #tpu.memory_space<hbm>>) target(%arg7 : memref<125x80xi32, #tpu.memory_space<vmem>>) target_semaphore(%arg21 : memref<!tpu.dma_semaphore, #tpu.memory_space<semaphore_mem>>)
    %dma_start3A_10 = arith.constant 0 : i32
    %dma_start3A_11 = arith.constant 0 : i32
    %dma_start3A_12 = tpu.memref_slice %arg5[%add3A, %dma_start3A_10, %dma_start3A_11] : memref<32x125x80xi32, #tpu.memory_space<hbm>> -> memref<1x125x80xi32, #tpu.memory_space<hbm>>
    %dma_start3A_13 = tpu.memref_squeeze %dma_start3A_12 : memref<1x125x80xi32, #tpu.memory_space<hbm>> -> memref<125x80xi32, #tpu.memory_space<hbm>>
    %dma_start3A_14 = arith.constant 0 : i32
    %dma_start3A_15 = arith.constant 0 : i32
    %dma_start3A_16 = tpu.memref_slice %arg5[%add3A, %dma_start3A_14, %dma_start3A_15] : memref<32x125x80xi32, #tpu.memory_space<hbm>> -> memref<1x125x80xi32, #tpu.memory_space<hbm>>
    %dma_start3A_17 = tpu.memref_squeeze %dma_start3A_16 : memref<1x125x80xi32, #tpu.memory_space<hbm>> -> memref<125x80xi32, #tpu.memory_space<hbm>>
    tpu.enqueue_dma source(%dma_start3A_17 : memref<125x80xi32, #tpu.memory_space<hbm>>) target(%arg8 : memref<125x80xi32, #tpu.memory_space<vmem>>) target_semaphore(%arg22 : memref<!tpu.dma_semaphore, #tpu.memory_space<semaphore_mem>>)
    %dma_start3A_18 = arith.constant 0 : i32
    %dma_start3A_19 = tpu.memref_slice %arg18[%mul3A_2, %dma_start3A_18] : memref<10240x32xf32, #tpu.memory_space<vmem_shared>> -> memref<640x32xf32, #tpu.memory_space<vmem_shared>>
    %dma_start3A_20 = arith.constant 0 : i32
    %dma_start3A_21 = tpu.memref_slice %arg2[%mul3A_2, %dma_start3A_20] : memref<10240x32xf32, #tpu.memory_space<hbm>> -> memref<640x32xf32, #tpu.memory_space<hbm>>
    tpu.enqueue_dma source(%dma_start3A_21 : memref<640x32xf32, #tpu.memory_space<hbm>>) target(%dma_start3A_19 : memref<640x32xf32, #tpu.memory_space<vmem_shared>>) target_semaphore(%arg23 : memref<!tpu.dma_semaphore, #tpu.memory_space<semaphore_mem>>)
    %dma_start3A_22 = arith.constant 0 : i32
    %dma_start3A_23 = tpu.memref_slice %arg19[%mul3A_2, %dma_start3A_22] : memref<10240x32xf32, #tpu.memory_space<vmem_shared>> -> memref<640x32xf32, #tpu.memory_space<vmem_shared>>
    %dma_start3A_24 = arith.constant 0 : i32
    %dma_start3A_25 = tpu.memref_slice %arg3[%mul3A_2, %dma_start3A_24] : memref<10240x32xf32, #tpu.memory_space<hbm>> -> memref<640x32xf32, #tpu.memory_space<hbm>>
    tpu.enqueue_dma source(%dma_start3A_25 : memref<640x32xf32, #tpu.memory_space<hbm>>) target(%dma_start3A_23 : memref<640x32xf32, #tpu.memory_space<vmem_shared>>) target_semaphore(%arg24 : memref<!tpu.dma_semaphore, #tpu.memory_space<semaphore_mem>>)
    %broadcast_in_dim3A = arith.constant 0.000000e+00 : f32
    %broadcast_in_dim3A_26 = vector.broadcast %broadcast_in_dim3A : f32 to vector<16xf32>
    %scan3A = arith.constant 0 : i32
    %scan3A_27 = arith.constant 0 : i32
    %scan3A_28 = arith.constant 80 : i32
    %scan3A_29 = arith.addi %scan3A_27, %scan3A_28 : i32
    %scan3A_30 = arith.constant 1 : i32
    scf.for %scan3A_320 = %scan3A_27 to %scan3A_29 step %scan3A_30  : i32 {
      %mul3A_321 = arith.constant 8 : i32
      %mul3A_322 = arith.muli %scan3A_320, %mul3A_321 : i32
      %add3A_323 = arith.constant 0 : i32
      %add3A_324 = arith.addi %mul3A_322, %add3A_323 : i32
      %swap3A = arith.index_cast %add3A_324 : i32 to index
      %swap3A_325 = arith.constant 0 : index
      %swap3A_326 = tpu.vector_load %arg17[%swap3A, %swap3A_325] {strides = array<i32>} : memref<640x32xf32, #tpu.memory_space<vmem>>, vector<1x16xf32>,
      %swap3A_327 = vector.shape_cast %swap3A_326 : vector<1x16xf32> to vector<16xf32>
      %swap3A_328 = vector.shape_cast %broadcast_in_dim3A_26 : vector<16xf32> to vector<1x16xf32>
      tpu.vector_store %arg17[%swap3A, %swap3A_325], %swap3A_328 {strides = array<i32>} : memref<640x32xf32, #tpu.memory_space<vmem>>, vector<1x16xf32>,
      %add3A_329 = arith.constant 0 : i32
      %add3A_330 = arith.addi %mul3A_322, %add3A_329 : i32
      %swap3A_331 = arith.index_cast %add3A_330 : i32 to index
      %swap3A_332 = arith.constant 16 : index
      %swap3A_333 = tpu.vector_load %arg17[%swap3A_331, %swap3A_332] {strides = array<i32>} : memref<640x32xf32, #tpu.memory_space<vmem>>, vector<1x16xf32>,
      %swap3A_334 = vector.shape_cast %swap3A_333 : vector<1x16xf32> to vector<16xf32>
      %swap3A_335 = vector.shape_cast %broadcast_in_dim3A_26 : vector<16xf32> to vector<1x16xf32>
      tpu.vector_store %arg17[%swap3A_331, %swap3A_332], %swap3A_335 {strides = array<i32>} : memref<640x32xf32, #tpu.memory_space<vmem>>, vector<1x16xf32>,
      %add3A_336 = arith.constant 1 : i32
      %add3A_337 = arith.addi %mul3A_322, %add3A_336 : i32
      %swap3A_338 = arith.index_cast %add3A_337 : i32 to index
      %swap3A_339 = arith.constant 0 : index
      %swap3A_340 = tpu.vector_load %arg17[%swap3A_338, %swap3A_339] {strides = array<i32>} : memref<640x32xf32, #tpu.memory_space<vmem>>, vector<1x16xf32>,
      %swap3A_341 = vector.shape_cast %swap3A_340 : vector<1x16xf32> to vector<16xf32>
      %swap3A_342 = vector.shape_cast %broadcast_in_dim3A_26 : vector<16xf32> to vector<1x16xf32>
      tpu.vector_store %arg17[%swap3A_338, %swap3A_339], %swap3A_342 {strides = array<i32>} : memref<640x32xf32, #tpu.memory_space<vmem>>, vector<1x16xf32>,
      %add3A_343 = arith.constant 1 : i32
      %add3A_344 = arith.addi %mul3A_322, %add3A_343 : i32
      %swap3A_345 = arith.index_cast %add3A_344 : i32 to index
      %swap3A_346 = arith.constant 16 : index
      %swap3A_347 = tpu.vector_load %arg17[%swap3A_345, %swap3A_346] {strides = array<i32>} : memref<640x32xf32, #tpu.memory_space<vmem>>, vector<1x16xf32>,
      %swap3A_348 = vector.shape_cast %swap3A_347 : vector<1x16xf32> to vector<16xf32>
      %swap3A_349 = vector.shape_cast %broadcast_in_dim3A_26 : vector<16xf32> to vector<1x16xf32>
      tpu.vector_store %arg17[%swap3A_345, %swap3A_346], %swap3A_349 {strides = array<i32>} : memref<640x32xf32, #tpu.memory_space<vmem>>, vector<1x16xf32>,
      %add3A_350 = arith.constant 2 : i32
      %add3A_351 = arith.addi %mul3A_322, %add3A_350 : i32
      %swap3A_352 = arith.index_cast %add3A_351 : i32 to index
      %swap3A_353 = arith.constant 0 : index
      %swap3A_354 = tpu.vector_load %arg17[%swap3A_352, %swap3A_353] {strides = array<i32>} : memref<640x32xf32, #tpu.memory_space<vmem>>, vector<1x16xf32>,
      %swap3A_355 = vector.shape_cast %swap3A_354 : vector<1x16xf32> to vector<16xf32>
      %swap3A_356 = vector.shape_cast %broadcast_in_dim3A_26 : vector<16xf32> to vector<1x16xf32>
      tpu.vector_store %arg17[%swap3A_352, %swap3A_353], %swap3A_356 {strides = array<i32>} : memref<640x32xf32, #tpu.memory_space<vmem>>, vector<1x16xf32>,
      %add3A_357 = arith.constant 2 : i32
      %add3A_358 = arith.addi %mul3A_322, %add3A_357 : i32
      %swap3A_359 = arith.index_cast %add3A_358 : i32 to index
      %swap3A_360 = arith.constant 16 : index
      %swap3A_361 = tpu.vector_load %arg17[%swap3A_359, %swap3A_360] {strides = array<i32>} : memref<640x32xf32, #tpu.memory_space<vmem>>, vector<1x16xf32>,
      %swap3A_362 = vector.shape_cast %swap3A_361 : vector<1x16xf32> to vector<16xf32>
      %swap3A_363 = vector.shape_cast %broadcast_in_dim3A_26 : vector<16xf32> to vector<1x16xf32>
      tpu.vector_store %arg17[%swap3A_359, %swap3A_360], %swap3A_363 {strides = array<i32>} : memref<640x32xf32, #tpu.memory_space<vmem>>, vector<1x16xf32>,
      %add3A_364 = arith.constant 3 : i32
      %add3A_365 = arith.addi %mul3A_322, %add3A_364 : i32
      %swap3A_366 = arith.index_cast %add3A_365 : i32 to index
      %swap3A_367 = arith.constant 0 : index
      %swap3A_368 = tpu.vector_load %arg17[%swap3A_366, %swap3A_367] {strides = array<i32>} : memref<640x32xf32, #tpu.memory_space<vmem>>, vector<1x16xf32>,
      %swap3A_369 = vector.shape_cast %swap3A_368 : vector<1x16xf32> to vector<16xf32>
      %swap3A_370 = vector.shape_cast %broadcast_in_dim3A_26 : vector<16xf32> to vector<1x16xf32>
      tpu.vector_store %arg17[%swap3A_366, %swap3A_367], %swap3A_370 {strides = array<i32>} : memref<640x32xf32, #tpu.memory_space<vmem>>, vector<1x16xf32>,
      %add3A_371 = arith.constant 3 : i32
      %add3A_372 = arith.addi %mul3A_322, %add3A_371 : i32
      %swap3A_373 = arith.index_cast %add3A_372 : i32 to index
      %swap3A_374 = arith.constant 16 : index
      %swap3A_375 = tpu.vector_load %arg17[%swap3A_373, %swap3A_374] {strides = array<i32>} : memref<640x32xf32, #tpu.memory_space<vmem>>, vector<1x16xf32>,
      %swap3A_376 = vector.shape_cast %swap3A_375 : vector<1x16xf32> to vector<16xf32>
      %swap3A_377 = vector.shape_cast %broadcast_in_dim3A_26 : vector<16xf32> to vector<1x16xf32>
      tpu.vector_store %arg17[%swap3A_373, %swap3A_374], %swap3A_377 {strides = array<i32>} : memref<640x32xf32, #tpu.memory_space<vmem>>, vector<1x16xf32>,
      %add3A_378 = arith.constant 4 : i32
      %add3A_379 = arith.addi %mul3A_322, %add3A_378 : i32
      %swap3A_380 = arith.index_cast %add3A_379 : i32 to index
      %swap3A_381 = arith.constant 0 : index
      %swap3A_382 = tpu.vector_load %arg17[%swap3A_380, %swap3A_381] {strides = array<i32>} : memref<640x32xf32, #tpu.memory_space<vmem>>, vector<1x16xf32>,
      %swap3A_383 = vector.shape_cast %swap3A_382 : vector<1x16xf32> to vector<16xf32>
      %swap3A_384 = vector.shape_cast %broadcast_in_dim3A_26 : vector<16xf32> to vector<1x16xf32>
      tpu.vector_store %arg17[%swap3A_380, %swap3A_381], %swap3A_384 {strides = array<i32>} : memref<640x32xf32, #tpu.memory_space<vmem>>, vector<1x16xf32>,
      %add3A_385 = arith.constant 4 : i32
      %add3A_386 = arith.addi %mul3A_322, %add3A_385 : i32
      %swap3A_387 = arith.index_cast %add3A_386 : i32 to index
      %swap3A_388 = arith.constant 16 : index
      %swap3A_389 = tpu.vector_load %arg17[%swap3A_387, %swap3A_388] {strides = array<i32>} : memref<640x32xf32, #tpu.memory_space<vmem>>, vector<1x16xf32>,
      %swap3A_390 = vector.shape_cast %swap3A_389 : vector<1x16xf32> to vector<16xf32>
      %swap3A_391 = vector.shape_cast %broadcast_in_dim3A_26 : vector<16xf32> to vector<1x16xf32>
      tpu.vector_store %arg17[%swap3A_387, %swap3A_388], %swap3A_391 {strides = array<i32>} : memref<640x32xf32, #tpu.memory_space<vmem>>, vector<1x16xf32>,
      %add3A_392 = arith.constant 5 : i32
      %add3A_393 = arith.addi %mul3A_322, %add3A_392 : i32
      %swap3A_394 = arith.index_cast %add3A_393 : i32 to index
      %swap3A_395 = arith.constant 0 : index
      %swap3A_396 = tpu.vector_load %arg17[%swap3A_394, %swap3A_395] {strides = array<i32>} : memref<640x32xf32, #tpu.memory_space<vmem>>, vector<1x16xf32>,
      %swap3A_397 = vector.shape_cast %swap3A_396 : vector<1x16xf32> to vector<16xf32>
      %swap3A_398 = vector.shape_cast %broadcast_in_dim3A_26 : vector<16xf32> to vector<1x16xf32>
      tpu.vector_store %arg17[%swap3A_394, %swap3A_395], %swap3A_398 {strides = array<i32>} : memref<640x32xf32, #tpu.memory_space<vmem>>, vector<1x16xf32>,
      %add3A_399 = arith.constant 5 : i32
      %add3A_400 = arith.addi %mul3A_322, %add3A_399 : i32
      %swap3A_401 = arith.index_cast %add3A_400 : i32 to index
      %swap3A_402 = arith.constant 16 : index
      %swap3A_403 = tpu.vector_load %arg17[%swap3A_401, %swap3A_402] {strides = array<i32>} : memref<640x32xf32, #tpu.memory_space<vmem>>, vector<1x16xf32>,
      %swap3A_404 = vector.shape_cast %swap3A_403 : vector<1x16xf32> to vector<16xf32>
      %swap3A_405 = vector.shape_cast %broadcast_in_dim3A_26 : vector<16xf32> to vector<1x16xf32>
      tpu.vector_store %arg17[%swap3A_401, %swap3A_402], %swap3A_405 {strides = array<i32>} : memref<640x32xf32, #tpu.memory_space<vmem>>, vector<1x16xf32>,
      %add3A_406 = arith.constant 6 : i32
      %add3A_407 = arith.addi %mul3A_322, %add3A_406 : i32
      %swap3A_408 = arith.index_cast %add3A_407 : i32 to index
      %swap3A_409 = arith.constant 0 : index
      %swap3A_410 = tpu.vector_load %arg17[%swap3A_408, %swap3A_409] {strides = array<i32>} : memref<640x32xf32, #tpu.memory_space<vmem>>, vector<1x16xf32>,
      %swap3A_411 = vector.shape_cast %swap3A_410 : vector<1x16xf32> to vector<16xf32>
      %swap3A_412 = vector.shape_cast %broadcast_in_dim3A_26 : vector<16xf32> to vector<1x16xf32>
      tpu.vector_store %arg17[%swap3A_408, %swap3A_409], %swap3A_412 {strides = array<i32>} : memref<640x32xf32, #tpu.memory_space<vmem>>, vector<1x16xf32>,
      %add3A_413 = arith.constant 6 : i32
      %add3A_414 = arith.addi %mul3A_322, %add3A_413 : i32
      %swap3A_415 = arith.index_cast %add3A_414 : i32 to index
      %swap3A_416 = arith.constant 16 : index
      %swap3A_417 = tpu.vector_load %arg17[%swap3A_415, %swap3A_416] {strides = array<i32>} : memref<640x32xf32, #tpu.memory_space<vmem>>, vector<1x16xf32>,
      %swap3A_418 = vector.shape_cast %swap3A_417 : vector<1x16xf32> to vector<16xf32>
      %swap3A_419 = vector.shape_cast %broadcast_in_dim3A_26 : vector<16xf32> to vector<1x16xf32>
      tpu.vector_store %arg17[%swap3A_415, %swap3A_416], %swap3A_419 {strides = array<i32>} : memref<640x32xf32, #tpu.memory_space<vmem>>, vector<1x16xf32>,
      %add3A_420 = arith.constant 7 : i32
      %add3A_421 = arith.addi %mul3A_322, %add3A_420 : i32
      %swap3A_422 = arith.index_cast %add3A_421 : i32 to index
      %swap3A_423 = arith.constant 0 : index
      %swap3A_424 = tpu.vector_load %arg17[%swap3A_422, %swap3A_423] {strides = array<i32>} : memref<640x32xf32, #tpu.memory_space<vmem>>, vector<1x16xf32>,
      %swap3A_425 = vector.shape_cast %swap3A_424 : vector<1x16xf32> to vector<16xf32>
      %swap3A_426 = vector.shape_cast %broadcast_in_dim3A_26 : vector<16xf32> to vector<1x16xf32>
      tpu.vector_store %arg17[%swap3A_422, %swap3A_423], %swap3A_426 {strides = array<i32>} : memref<640x32xf32, #tpu.memory_space<vmem>>, vector<1x16xf32>,
      %add3A_427 = arith.constant 7 : i32
      %add3A_428 = arith.addi %mul3A_322, %add3A_427 : i32
      %swap3A_429 = arith.index_cast %add3A_428 : i32 to index
      %swap3A_430 = arith.constant 16 : index
      %swap3A_431 = tpu.vector_load %arg17[%swap3A_429, %swap3A_430] {strides = array<i32>} : memref<640x32xf32, #tpu.memory_space<vmem>>, vector<1x16xf32>,
      %swap3A_432 = vector.shape_cast %swap3A_431 : vector<1x16xf32> to vector<16xf32>
      %swap3A_433 = vector.shape_cast %broadcast_in_dim3A_26 : vector<16xf32> to vector<1x16xf32>
      tpu.vector_store %arg17[%swap3A_429, %swap3A_430], %swap3A_433 {strides = array<i32>} : memref<640x32xf32, #tpu.memory_space<vmem>>, vector<1x16xf32>,
    }
    %scan3A_31 = arith.constant 80 : i32
    %dma_wait3A = arith.constant 0 : i32
    %dma_wait3A_32 = arith.constant 0 : i32
    %dma_wait3A_33 = tpu.memref_slice %arg4[%add3A, %dma_wait3A, %dma_wait3A_32] : memref<32x125x80xi32, #tpu.memory_space<hbm>> -> memref<1x125x80xi32, #tpu.memory_space<hbm>>
    %dma_wait3A_34 = tpu.memref_squeeze %dma_wait3A_33 : memref<1x125x80xi32, #tpu.memory_space<hbm>> -> memref<125x80xi32, #tpu.memory_space<hbm>>
    %dma_wait3A_35 = arith.constant 0 : i32
    %dma_wait3A_36 = arith.constant 0 : i32
    %dma_wait3A_37 = tpu.memref_slice %arg4[%add3A, %dma_wait3A_35, %dma_wait3A_36] : memref<32x125x80xi32, #tpu.memory_space<hbm>> -> memref<1x125x80xi32, #tpu.memory_space<hbm>>
    %dma_wait3A_38 = tpu.memref_squeeze %dma_wait3A_37 : memref<1x125x80xi32, #tpu.memory_space<hbm>> -> memref<125x80xi32, #tpu.memory_space<hbm>>
    tpu.wait_dma2 semaphore(%arg21 : memref<!tpu.dma_semaphore, #tpu.memory_space<semaphore_mem>>) src(%dma_wait3A_38 : memref<125x80xi32, #tpu.memory_space<hbm>>) dst(%arg7 : memref<125x80xi32, #tpu.memory_space<vmem>>)
    %dma_wait3A_39 = arith.constant 0 : i32
    %dma_wait3A_40 = arith.constant 0 : i32
    %dma_wait3A_41 = tpu.memref_slice %arg5[%add3A, %dma_wait3A_39, %dma_wait3A_40] : memref<32x125x80xi32, #tpu.memory_space<hbm>> -> memref<1x125x80xi32, #tpu.memory_space<hbm>>
    %dma_wait3A_42 = tpu.memref_squeeze %dma_wait3A_41 : memref<1x125x80xi32, #tpu.memory_space<hbm>> -> memref<125x80xi32, #tpu.memory_space<hbm>>
    %dma_wait3A_43 = arith.constant 0 : i32
    %dma_wait3A_44 = arith.constant 0 : i32
    %dma_wait3A_45 = tpu.memref_slice %arg5[%add3A, %dma_wait3A_43, %dma_wait3A_44] : memref<32x125x80xi32, #tpu.memory_space<hbm>> -> memref<1x125x80xi32, #tpu.memory_space<hbm>>
    %dma_wait3A_46 = tpu.memref_squeeze %dma_wait3A_45 : memref<1x125x80xi32, #tpu.memory_space<hbm>> -> memref<125x80xi32, #tpu.memory_space<hbm>>
    tpu.wait_dma2 semaphore(%arg22 : memref<!tpu.dma_semaphore, #tpu.memory_space<semaphore_mem>>) src(%dma_wait3A_46 : memref<125x80xi32, #tpu.memory_space<hbm>>) dst(%arg8 : memref<125x80xi32, #tpu.memory_space<vmem>>)
    %dma_wait3A_47 = arith.constant 0 : i32
    %dma_wait3A_48 = tpu.memref_slice %arg18[%mul3A_2, %dma_wait3A_47] : memref<10240x32xf32, #tpu.memory_space<vmem_shared>> -> memref<640x32xf32, #tpu.memory_space<vmem_shared>>
    %dma_wait3A_49 = arith.constant 0 : i32
    %dma_wait3A_50 = tpu.memref_slice %arg2[%mul3A_2, %dma_wait3A_49] : memref<10240x32xf32, #tpu.memory_space<hbm>> -> memref<640x32xf32, #tpu.memory_space<hbm>>
    tpu.wait_dma2 semaphore(%arg23 : memref<!tpu.dma_semaphore, #tpu.memory_space<semaphore_mem>>) src(%dma_wait3A_50 : memref<640x32xf32, #tpu.memory_space<hbm>>) dst(%dma_wait3A_48 : memref<640x32xf32, #tpu.memory_space<vmem_shared>>)
    %dma_wait3A_51 = arith.constant 0 : i32
    %dma_wait3A_52 = tpu.memref_slice %arg19[%mul3A_2, %dma_wait3A_51] : memref<10240x32xf32, #tpu.memory_space<vmem_shared>> -> memref<640x32xf32, #tpu.memory_space<vmem_shared>>
    %dma_wait3A_53 = arith.constant 0 : i32
    %dma_wait3A_54 = tpu.memref_slice %arg3[%mul3A_2, %dma_wait3A_53] : memref<10240x32xf32, #tpu.memory_space<hbm>> -> memref<640x32xf32, #tpu.memory_space<hbm>>
    tpu.wait_dma2 semaphore(%arg24 : memref<!tpu.dma_semaphore, #tpu.memory_space<semaphore_mem>>) src(%dma_wait3A_54 : memref<640x32xf32, #tpu.memory_space<hbm>>) dst(%dma_wait3A_52 : memref<640x32xf32, #tpu.memory_space<vmem_shared>>)
    "tpu.region"() ({
      %run_scoped3A = tpu.sem_alloc : memref<!tpu.dma_semaphore, #tpu.memory_space<semaphore_mem>>
      %dma_start3A_320 = arith.constant 0 : i32
      %dma_start3A_321 = tpu.memref_slice %arg20[%mul3A_2, %dma_start3A_320] : memref<10240x32xf32, #tpu.memory_space<vmem_shared>> -> memref<640x32xf32, #tpu.memory_space<vmem_shared>>
      %dma_start3A_322 = arith.constant 0 : i32
      %dma_start3A_323 = tpu.memref_slice %arg20[%mul3A_2, %dma_start3A_322] : memref<10240x32xf32, #tpu.memory_space<vmem_shared>> -> memref<640x32xf32, #tpu.memory_space<vmem_shared>>
      tpu.enqueue_dma source(%arg17 : memref<640x32xf32, #tpu.memory_space<vmem>>) target(%dma_start3A_323 : memref<640x32xf32, #tpu.memory_space<vmem_shared>>) target_semaphore(%run_scoped3A : memref<!tpu.dma_semaphore, #tpu.memory_space<semaphore_mem>>)
      %dma_wait3A_324 = arith.constant 0 : i32
      %dma_wait3A_325 = tpu.memref_slice %arg20[%mul3A_2, %dma_wait3A_324] : memref<10240x32xf32, #tpu.memory_space<vmem_shared>> -> memref<640x32xf32, #tpu.memory_space<vmem_shared>>
      %dma_wait3A_326 = arith.constant 0 : i32
      %dma_wait3A_327 = tpu.memref_slice %arg20[%mul3A_2, %dma_wait3A_326] : memref<10240x32xf32, #tpu.memory_space<vmem_shared>> -> memref<640x32xf32, #tpu.memory_space<vmem_shared>>
      tpu.wait_dma2 semaphore(%run_scoped3A : memref<!tpu.dma_semaphore, #tpu.memory_space<semaphore_mem>>) src(%arg17 : memref<640x32xf32, #tpu.memory_space<vmem>>) dst(%dma_wait3A_327 : memref<640x32xf32, #tpu.memory_space<vmem_shared>>)
      tpu.yield
    }) : () -> ()
    %barrier3A = arith.constant 0 : index
    tpu.barrier barrier_id(%barrier3A)
    %dma_start3A_55 = arith.constant 0 : i32
    %dma_start3A_56 = arith.constant 0 : i32
    %dma_start3A_57 = tpu.memref_slice %arg7[%dma_start3A_55, %dma_start3A_56] : memref<125x80xi32, #tpu.memory_space<vmem>> -> memref<1x80xi32, #tpu.memory_space<vmem>>
    %dma_start3A_58 = tpu.memref_squeeze %dma_start3A_57 : memref<1x80xi32, #tpu.memory_space<vmem>> -> memref<80xi32, #tpu.memory_space<vmem>>
    %dma_start3A_59 = arith.constant 0 : i32
    %dma_start3A_60 = arith.constant 0 : i32
    %dma_start3A_61 = tpu.memref_slice %arg18[%dma_start3A_59, %dma_start3A_60] : memref<10240x32xf32, #tpu.memory_space<vmem_shared>> -> memref<10240x32xf32, #tpu.memory_space<vmem_shared>>
    tpu.enqueue_indirect_dma source(%dma_start3A_61 : memref<10240x32xf32, #tpu.memory_space<vmem_shared>>) target(%arg9 : memref<80x32xf32, #tpu.memory_space<vmem>>) offsets(%dma_start3A_58 : memref<80xi32, #tpu.memory_space<vmem>>) semaphore(%arg21 : memref<!tpu.dma_semaphore, #tpu.memory_space<semaphore_mem>>)
    %dma_start3A_62 = arith.constant 0 : i32
    %dma_start3A_63 = arith.constant 0 : i32
    %dma_start3A_64 = tpu.memref_slice %arg8[%dma_start3A_62, %dma_start3A_63] : memref<125x80xi32, #tpu.memory_space<vmem>> -> memref<1x80xi32, #tpu.memory_space<vmem>>
    %dma_start3A_65 = tpu.memref_squeeze %dma_start3A_64 : memref<1x80xi32, #tpu.memory_space<vmem>> -> memref<80xi32, #tpu.memory_space<vmem>>
    %dma_start3A_66 = arith.constant 0 : i32
    %dma_start3A_67 = arith.constant 0 : i32
    %dma_start3A_68 = tpu.memref_slice %arg19[%dma_start3A_66, %dma_start3A_67] : memref<10240x32xf32, #tpu.memory_space<vmem_shared>> -> memref<10240x32xf32, #tpu.memory_space<vmem_shared>>
    tpu.enqueue_indirect_dma source(%dma_start3A_68 : memref<10240x32xf32, #tpu.memory_space<vmem_shared>>) target(%arg13 : memref<80x32xf32, #tpu.memory_space<vmem>>) offsets(%dma_start3A_65 : memref<80xi32, #tpu.memory_space<vmem>>) semaphore(%arg25 : memref<!tpu.dma_semaphore, #tpu.memory_space<semaphore_mem>>)
    %dma_start3A_69 = arith.constant 1 : i32
    %dma_start3A_70 = arith.constant 0 : i32
    %dma_start3A_71 = tpu.memref_slice %arg7[%dma_start3A_69, %dma_start3A_70] : memref<125x80xi32, #tpu.memory_space<vmem>> -> memref<1x80xi32, #tpu.memory_space<vmem>>
    %dma_start3A_72 = tpu.memref_squeeze %dma_start3A_71 : memref<1x80xi32, #tpu.memory_space<vmem>> -> memref<80xi32, #tpu.memory_space<vmem>>
    %dma_start3A_73 = arith.constant 0 : i32
    %dma_start3A_74 = arith.constant 0 : i32
    %dma_start3A_75 = tpu.memref_slice %arg18[%dma_start3A_73, %dma_start3A_74] : memref<10240x32xf32, #tpu.memory_space<vmem_shared>> -> memref<10240x32xf32, #tpu.memory_space<vmem_shared>>
    tpu.enqueue_indirect_dma source(%dma_start3A_75 : memref<10240x32xf32, #tpu.memory_space<vmem_shared>>) target(%arg10 : memref<80x32xf32, #tpu.memory_space<vmem>>) offsets(%dma_start3A_72 : memref<80xi32, #tpu.memory_space<vmem>>) semaphore(%arg22 : memref<!tpu.dma_semaphore, #tpu.memory_space<semaphore_mem>>)
    %dma_start3A_76 = arith.constant 1 : i32
    %dma_start3A_77 = arith.constant 0 : i32
    %dma_start3A_78 = tpu.memref_slice %arg8[%dma_start3A_76, %dma_start3A_77] : memref<125x80xi32, #tpu.memory_space<vmem>> -> memref<1x80xi32, #tpu.memory_space<vmem>>
    %dma_start3A_79 = tpu.memref_squeeze %dma_start3A_78 : memref<1x80xi32, #tpu.memory_space<vmem>> -> memref<80xi32, #tpu.memory_space<vmem>>
    %dma_start3A_80 = arith.constant 0 : i32
    %dma_start3A_81 = arith.constant 0 : i32
    %dma_start3A_82 = tpu.memref_slice %arg19[%dma_start3A_80, %dma_start3A_81] : memref<10240x32xf32, #tpu.memory_space<vmem_shared>> -> memref<10240x32xf32, #tpu.memory_space<vmem_shared>>
    tpu.enqueue_indirect_dma source(%dma_start3A_82 : memref<10240x32xf32, #tpu.memory_space<vmem_shared>>) target(%arg14 : memref<80x32xf32, #tpu.memory_space<vmem>>) offsets(%dma_start3A_79 : memref<80xi32, #tpu.memory_space<vmem>>) semaphore(%arg26 : memref<!tpu.dma_semaphore, #tpu.memory_space<semaphore_mem>>)
    %add3A_83 = arith.constant 0 : i32
    %add3A_84 = arith.constant 2 : i32
    %add3A_85 = arith.addi %add3A_83, %add3A_84 : i32
    %dma_start3A_86 = arith.constant 0 : i32
    %dma_start3A_87 = tpu.memref_slice %arg7[%add3A_85, %dma_start3A_86] : memref<125x80xi32, #tpu.memory_space<vmem>> -> memref<1x80xi32, #tpu.memory_space<vmem>>
    %dma_start3A_88 = tpu.memref_squeeze %dma_start3A_87 : memref<1x80xi32, #tpu.memory_space<vmem>> -> memref<80xi32, #tpu.memory_space<vmem>>
    %dma_start3A_89 = arith.constant 0 : i32
    %dma_start3A_90 = arith.constant 0 : i32
    %dma_start3A_91 = tpu.memref_slice %arg18[%dma_start3A_89, %dma_start3A_90] : memref<10240x32xf32, #tpu.memory_space<vmem_shared>> -> memref<10240x32xf32, #tpu.memory_space<vmem_shared>>
    tpu.enqueue_indirect_dma source(%dma_start3A_91 : memref<10240x32xf32, #tpu.memory_space<vmem_shared>>) target(%arg11 : memref<80x32xf32, #tpu.memory_space<vmem>>) offsets(%dma_start3A_88 : memref<80xi32, #tpu.memory_space<vmem>>) semaphore(%arg23 : memref<!tpu.dma_semaphore, #tpu.memory_space<semaphore_mem>>)
    %dma_start3A_92 = arith.constant 0 : i32
    %dma_start3A_93 = tpu.memref_slice %arg8[%add3A_85, %dma_start3A_92] : memref<125x80xi32, #tpu.memory_space<vmem>> -> memref<1x80xi32, #tpu.memory_space<vmem>>
    %dma_start3A_94 = tpu.memref_squeeze %dma_start3A_93 : memref<1x80xi32, #tpu.memory_space<vmem>> -> memref<80xi32, #tpu.memory_space<vmem>>
    %dma_start3A_95 = arith.constant 0 : i32
    %dma_start3A_96 = arith.constant 0 : i32
    %dma_start3A_97 = tpu.memref_slice %arg19[%dma_start3A_95, %dma_start3A_96] : memref<10240x32xf32, #tpu.memory_space<vmem_shared>> -> memref<10240x32xf32, #tpu.memory_space<vmem_shared>>
    tpu.enqueue_indirect_dma source(%dma_start3A_97 : memref<10240x32xf32, #tpu.memory_space<vmem_shared>>) target(%arg15 : memref<80x32xf32, #tpu.memory_space<vmem>>) offsets(%dma_start3A_94 : memref<80xi32, #tpu.memory_space<vmem>>) semaphore(%arg27 : memref<!tpu.dma_semaphore, #tpu.memory_space<semaphore_mem>>)
    %dma_wait3A_98 = arith.constant 0 : i32
    %dma_wait3A_99 = arith.constant 0 : i32
    %dma_wait3A_100 = tpu.memref_slice %arg7[%dma_wait3A_98, %dma_wait3A_99] : memref<125x80xi32, #tpu.memory_space<vmem>> -> memref<1x80xi32, #tpu.memory_space<vmem>>
    %dma_wait3A_101 = tpu.memref_squeeze %dma_wait3A_100 : memref<1x80xi32, #tpu.memory_space<vmem>> -> memref<80xi32, #tpu.memory_space<vmem>>
    %dma_wait3A_102 = arith.constant 0 : i32
    %dma_wait3A_103 = arith.constant 0 : i32
    %dma_wait3A_104 = tpu.memref_slice %arg18[%dma_wait3A_102, %dma_wait3A_103] : memref<10240x32xf32, #tpu.memory_space<vmem_shared>> -> memref<10240x32xf32, #tpu.memory_space<vmem_shared>>
    tpu.wait_indirect_dma semaphore(%arg21 : memref<!tpu.dma_semaphore, #tpu.memory_space<semaphore_mem>>) src(%dma_wait3A_104 : memref<10240x32xf32, #tpu.memory_space<vmem_shared>>) dst(%arg9 : memref<80x32xf32, #tpu.memory_space<vmem>>)
    %dma_wait3A_105 = arith.constant 0 : i32
    %dma_wait3A_106 = arith.constant 0 : i32
    %dma_wait3A_107 = tpu.memref_slice %arg8[%dma_wait3A_105, %dma_wait3A_106] : memref<125x80xi32, #tpu.memory_space<vmem>> -> memref<1x80xi32, #tpu.memory_space<vmem>>
    %dma_wait3A_108 = tpu.memref_squeeze %dma_wait3A_107 : memref<1x80xi32, #tpu.memory_space<vmem>> -> memref<80xi32, #tpu.memory_space<vmem>>
    %dma_wait3A_109 = arith.constant 0 : i32
    %dma_wait3A_110 = arith.constant 0 : i32
    %dma_wait3A_111 = tpu.memref_slice %arg19[%dma_wait3A_109, %dma_wait3A_110] : memref<10240x32xf32, #tpu.memory_space<vmem_shared>> -> memref<10240x32xf32, #tpu.memory_space<vmem_shared>>
    tpu.wait_indirect_dma semaphore(%arg25 : memref<!tpu.dma_semaphore, #tpu.memory_space<semaphore_mem>>) src(%dma_wait3A_111 : memref<10240x32xf32, #tpu.memory_space<vmem_shared>>) dst(%arg13 : memref<80x32xf32, #tpu.memory_space<vmem>>)
    %broadcast_in_dim3A_112 = arith.constant 1.000000e+00 : f32
    %broadcast_in_dim3A_113 = vector.broadcast %broadcast_in_dim3A_112 : f32 to vector<16xf32>
    %scan3A_114 = arith.constant 0 : i32
    %scan3A_115 = arith.constant 0 : i32
    %scan3A_116 = arith.constant 10 : i32
    %scan3A_117 = arith.addi %scan3A_115, %scan3A_116 : i32
    %scan3A_118 = arith.constant 1 : i32
    scf.for %scan3A_320 = %scan3A_115 to %scan3A_117 step %scan3A_118  : i32 {
      %mul3A_321 = arith.constant 8 : i32
      %mul3A_322 = arith.muli %scan3A_320, %mul3A_321 : i32
      %add3A_323 = arith.constant 0 : i32
      %add3A_324 = arith.addi %mul3A_322, %add3A_323 : i32
      %get3A = arith.index_cast %add3A_324 : i32 to index
      %get3A_325 = arith.constant 0 : index
      %get3A_326 = tpu.vector_load %arg9[%get3A, %get3A_325] {strides = array<i32>} : memref<80x32xf32, #tpu.memory_space<vmem>>, vector<1x16xf32>,
      %get3A_327 = vector.shape_cast %get3A_326 : vector<1x16xf32> to vector<16xf32>
      %add3A_328 = arith.constant 0 : i32
      %add3A_329 = arith.addi %mul3A_322, %add3A_328 : i32
      %get3A_330 = arith.index_cast %add3A_329 : i32 to index
      %get3A_331 = arith.constant 0 : index
      %get3A_332 = tpu.vector_load %arg13[%get3A_330, %get3A_331] {strides = array<i32>} : memref<80x32xf32, #tpu.memory_space<vmem>>, vector<1x16xf32>,
      %get3A_333 = vector.shape_cast %get3A_332 : vector<1x16xf32> to vector<16xf32>
      %mul3A_334 = arith.mulf %get3A_327, %get3A_333 : vector<16xf32>
      %add3A_335 = arith.constant 1.000000e+00 : f32
      %add3A_336 = vector.broadcast %add3A_335 : f32 to vector<16xf32>
      %add3A_337 = arith.addf %add3A_336, %mul3A_334 : vector<16xf32>
      %div3A = arith.divf %broadcast_in_dim3A_113, %add3A_337 : vector<16xf32>
      %add3A_338 = arith.constant 0 : i32
      %add3A_339 = arith.addi %mul3A_322, %add3A_338 : i32
      %swap3A = arith.index_cast %add3A_339 : i32 to index
      %swap3A_340 = arith.constant 0 : index
      %swap3A_341 = tpu.vector_load %arg9[%swap3A, %swap3A_340] {strides = array<i32>} : memref<80x32xf32, #tpu.memory_space<vmem>>, vector<1x16xf32>,
      %swap3A_342 = vector.shape_cast %swap3A_341 : vector<1x16xf32> to vector<16xf32>
      %swap3A_343 = vector.shape_cast %div3A : vector<16xf32> to vector<1x16xf32>
      tpu.vector_store %arg9[%swap3A, %swap3A_340], %swap3A_343 {strides = array<i32>} : memref<80x32xf32, #tpu.memory_space<vmem>>, vector<1x16xf32>,
      %add3A_344 = arith.constant 0 : i32
      %add3A_345 = arith.addi %mul3A_322, %add3A_344 : i32
      %get3A_346 = arith.index_cast %add3A_345 : i32 to index
      %get3A_347 = arith.constant 16 : index
      %get3A_348 = tpu.vector_load %arg9[%get3A_346, %get3A_347] {strides = array<i32>} : memref<80x32xf32, #tpu.memory_space<vmem>>, vector<1x16xf32>,
      %get3A_349 = vector.shape_cast %get3A_348 : vector<1x16xf32> to vector<16xf32>
      %add3A_350 = arith.constant 0 : i32
      %add3A_351 = arith.addi %mul3A_322, %add3A_350 : i32
      %get3A_352 = arith.index_cast %add3A_351 : i32 to index
      %get3A_353 = arith.constant 16 : index
      %get3A_354 = tpu.vector_load %arg13[%get3A_352, %get3A_353] {strides = array<i32>} : memref<80x32xf32, #tpu.memory_space<vmem>>, vector<1x16xf32>,
      %get3A_355 = vector.shape_cast %get3A_354 : vector<1x16xf32> to vector<16xf32>
      %mul3A_356 = arith.mulf %get3A_349, %get3A_355 : vector<16xf32>
      %add3A_357 = arith.constant 1.000000e+00 : f32
      %add3A_358 = vector.broadcast %add3A_357 : f32 to vector<16xf32>
      %add3A_359 = arith.addf %add3A_358, %mul3A_356 : vector<16xf32>
      %div3A_360 = arith.divf %broadcast_in_dim3A_113, %add3A_359 : vector<16xf32>
      %add3A_361 = arith.constant 0 : i32
      %add3A_362 = arith.addi %mul3A_322, %add3A_361 : i32
      %swap3A_363 = arith.index_cast %add3A_362 : i32 to index
      %swap3A_364 = arith.constant 16 : index
      %swap3A_365 = tpu.vector_load %arg9[%swap3A_363, %swap3A_364] {strides = array<i32>} : memref<80x32xf32, #tpu.memory_space<vmem>>, vector<1x16xf32>,
      %swap3A_366 = vector.shape_cast %swap3A_365 : vector<1x16xf32> to vector<16xf32>
      %swap3A_367 = vector.shape_cast %div3A_360 : vector<16xf32> to vector<1x16xf32>
      tpu.vector_store %arg9[%swap3A_363, %swap3A_364], %swap3A_367 {strides = array<i32>} : memref<80x32xf32, #tpu.memory_space<vmem>>, vector<1x16xf32>,
      %add3A_368 = arith.constant 1 : i32
      %add3A_369 = arith.addi %mul3A_322, %add3A_368 : i32
      %get3A_370 = arith.index_cast %add3A_369 : i32 to index
      %get3A_371 = arith.constant 0 : index
      %get3A_372 = tpu.vector_load %arg9[%get3A_370, %get3A_371] {strides = array<i32>} : memref<80x32xf32, #tpu.memory_space<vmem>>, vector<1x16xf32>,
      %get3A_373 = vector.shape_cast %get3A_372 : vector<1x16xf32> to vector<16xf32>
      %add3A_374 = arith.constant 1 : i32
      %add3A_375 = arith.addi %mul3A_322, %add3A_374 : i32
      %get3A_376 = arith.index_cast %add3A_375 : i32 to index
      %get3A_377 = arith.constant 0 : index
      %get3A_378 = tpu.vector_load %arg13[%get3A_376, %get3A_377] {strides = array<i32>} : memref<80x32xf32, #tpu.memory_space<vmem>>, vector<1x16xf32>,
      %get3A_379 = vector.shape_cast %get3A_378 : vector<1x16xf32> to vector<16xf32>
      %mul3A_380 = arith.mulf %get3A_373, %get3A_379 : vector<16xf32>
      %add3A_381 = arith.constant 1.000000e+00 : f32
      %add3A_382 = vector.broadcast %add3A_381 : f32 to vector<16xf32>
      %add3A_383 = arith.addf %add3A_382, %mul3A_380 : vector<16xf32>
      %div3A_384 = arith.divf %broadcast_in_dim3A_113, %add3A_383 : vector<16xf32>
      %add3A_385 = arith.constant 1 : i32
      %add3A_386 = arith.addi %mul3A_322, %add3A_385 : i32
      %swap3A_387 = arith.index_cast %add3A_386 : i32 to index
      %swap3A_388 = arith.constant 0 : index
      %swap3A_389 = tpu.vector_load %arg9[%swap3A_387, %swap3A_388] {strides = array<i32>} : memref<80x32xf32, #tpu.memory_space<vmem>>, vector<1x16xf32>,
      %swap3A_390 = vector.shape_cast %swap3A_389 : vector<1x16xf32> to vector<16xf32>
      %swap3A_391 = vector.shape_cast %div3A_384 : vector<16xf32> to vector<1x16xf32>
      tpu.vector_store %arg9[%swap3A_387, %swap3A_388], %swap3A_391 {strides = array<i32>} : memref<80x32xf32, #tpu.memory_space<vmem>>, vector<1x16xf32>,
      %add3A_392 = arith.constant 1 : i32
      %add3A_393 = arith.addi %mul3A_322, %add3A_392 : i32
      %get3A_394 = arith.index_cast %add3A_393 : i32 to index
      %get3A_395 = arith.constant 16 : index
      %get3A_396 = tpu.vector_load %arg9[%get3A_394, %get3A_395] {strides = array<i32>} : memref<80x32xf32, #tpu.memory_space<vmem>>, vector<1x16xf32>,
      %get3A_397 = vector.shape_cast %get3A_396 : vector<1x16xf32> to vector<16xf32>
      %add3A_398 = arith.constant 1 : i32
      %add3A_399 = arith.addi %mul3A_322, %add3A_398 : i32
      %get3A_400 = arith.index_cast %add3A_399 : i32 to index
      %get3A_401 = arith.constant 16 : index
      %get3A_402 = tpu.vector_load %arg13[%get3A_400, %get3A_401] {strides = array<i32>} : memref<80x32xf32, #tpu.memory_space<vmem>>, vector<1x16xf32>,
      %get3A_403 = vector.shape_cast %get3A_402 : vector<1x16xf32> to vector<16xf32>
      %mul3A_404 = arith.mulf %get3A_397, %get3A_403 : vector<16xf32>
      %add3A_405 = arith.constant 1.000000e+00 : f32
      %add3A_406 = vector.broadcast %add3A_405 : f32 to vector<16xf32>
      %add3A_407 = arith.addf %add3A_406, %mul3A_404 : vector<16xf32>
      %div3A_408 = arith.divf %broadcast_in_dim3A_113, %add3A_407 : vector<16xf32>
      %add3A_409 = arith.constant 1 : i32
      %add3A_410 = arith.addi %mul3A_322, %add3A_409 : i32
      %swap3A_411 = arith.index_cast %add3A_410 : i32 to index
      %swap3A_412 = arith.constant 16 : index
      %swap3A_413 = tpu.vector_load %arg9[%swap3A_411, %swap3A_412] {strides = array<i32>} : memref<80x32xf32, #tpu.memory_space<vmem>>, vector<1x16xf32>,
      %swap3A_414 = vector.shape_cast %swap3A_413 : vector<1x16xf32> to vector<16xf32>
      %swap3A_415 = vector.shape_cast %div3A_408 : vector<16xf32> to vector<1x16xf32>
      tpu.vector_store %arg9[%swap3A_411, %swap3A_412], %swap3A_415 {strides = array<i32>} : memref<80x32xf32, #tpu.memory_space<vmem>>, vector<1x16xf32>,
      %add3A_416 = arith.constant 2 : i32
      %add3A_417 = arith.addi %mul3A_322, %add3A_416 : i32
      %get3A_418 = arith.index_cast %add3A_417 : i32 to index
      %get3A_419 = arith.constant 0 : index
      %get3A_420 = tpu.vector_load %arg9[%get3A_418, %get3A_419] {strides = array<i32>} : memref<80x32xf32, #tpu.memory_space<vmem>>, vector<1x16xf32>,
      %get3A_421 = vector.shape_cast %get3A_420 : vector<1x16xf32> to vector<16xf32>
      %add3A_422 = arith.constant 2 : i32
      %add3A_423 = arith.addi %mul3A_322, %add3A_422 : i32
      %get3A_424 = arith.index_cast %add3A_423 : i32 to index
      %get3A_425 = arith.constant 0 : index
      %get3A_426 = tpu.vector_load %arg13[%get3A_424, %get3A_425] {strides = array<i32>} : memref<80x32xf32, #tpu.memory_space<vmem>>, vector<1x16xf32>,
      %get3A_427 = vector.shape_cast %get3A_426 : vector<1x16xf32> to vector<16xf32>
      %mul3A_428 = arith.mulf %get3A_421, %get3A_427 : vector<16xf32>
      %add3A_429 = arith.constant 1.000000e+00 : f32
      %add3A_430 = vector.broadcast %add3A_429 : f32 to vector<16xf32>
      %add3A_431 = arith.addf %add3A_430, %mul3A_428 : vector<16xf32>
      %div3A_432 = arith.divf %broadcast_in_dim3A_113, %add3A_431 : vector<16xf32>
      %add3A_433 = arith.constant 2 : i32
      %add3A_434 = arith.addi %mul3A_322, %add3A_433 : i32
      %swap3A_435 = arith.index_cast %add3A_434 : i32 to index
      %swap3A_436 = arith.constant 0 : index
      %swap3A_437 = tpu.vector_load %arg9[%swap3A_435, %swap3A_436] {strides = array<i32>} : memref<80x32xf32, #tpu.memory_space<vmem>>, vector<1x16xf32>,
      %swap3A_438 = vector.shape_cast %swap3A_437 : vector<1x16xf32> to vector<16xf32>
      %swap3A_439 = vector.shape_cast %div3A_432 : vector<16xf32> to vector<1x16xf32>
      tpu.vector_store %arg9[%swap3A_435, %swap3A_436], %swap3A_439 {strides = array<i32>} : memref<80x32xf32, #tpu.memory_space<vmem>>, vector<1x16xf32>,
      %add3A_440 = arith.constant 2 : i32
      %add3A_441 = arith.addi %mul3A_322, %add3A_440 : i32
      %get3A_442 = arith.index_cast %add3A_441 : i32 to index
      %get3A_443 = arith.constant 16 : index
      %get3A_444 = tpu.vector_load %arg9[%get3A_442, %get3A_443] {strides = array<i32>} : memref<80x32xf32, #tpu.memory_space<vmem>>, vector<1x16xf32>,
      %get3A_445 = vector.shape_cast %get3A_444 : vector<1x16xf32> to vector<16xf32>
      %add3A_446 = arith.constant 2 : i32
      %add3A_447 = arith.addi %mul3A_322, %add3A_446 : i32
      %get3A_448 = arith.index_cast %add3A_447 : i32 to index
      %get3A_449 = arith.constant 16 : index
      %get3A_450 = tpu.vector_load %arg13[%get3A_448, %get3A_449] {strides = array<i32>} : memref<80x32xf32, #tpu.memory_space<vmem>>, vector<1x16xf32>,
      %get3A_451 = vector.shape_cast %get3A_450 : vector<1x16xf32> to vector<16xf32>
      %mul3A_452 = arith.mulf %get3A_445, %get3A_451 : vector<16xf32>
      %add3A_453 = arith.constant 1.000000e+00 : f32
      %add3A_454 = vector.broadcast %add3A_453 : f32 to vector<16xf32>
      %add3A_455 = arith.addf %add3A_454, %mul3A_452 : vector<16xf32>
      %div3A_456 = arith.divf %broadcast_in_dim3A_113, %add3A_455 : vector<16xf32>
      %add3A_457 = arith.constant 2 : i32
      %add3A_458 = arith.addi %mul3A_322, %add3A_457 : i32
      %swap3A_459 = arith.index_cast %add3A_458 : i32 to index
      %swap3A_460 = arith.constant 16 : index
      %swap3A_461 = tpu.vector_load %arg9[%swap3A_459, %swap3A_460] {strides = array<i32>} : memref<80x32xf32, #tpu.memory_space<vmem>>, vector<1x16xf32>,
      %swap3A_462 = vector.shape_cast %swap3A_461 : vector<1x16xf32> to vector<16xf32>
      %swap3A_463 = vector.shape_cast %div3A_456 : vector<16xf32> to vector<1x16xf32>
      tpu.vector_store %arg9[%swap3A_459, %swap3A_460], %swap3A_463 {strides = array<i32>} : memref<80x32xf32, #tpu.memory_space<vmem>>, vector<1x16xf32>,
      %add3A_464 = arith.constant 3 : i32
      %add3A_465 = arith.addi %mul3A_322, %add3A_464 : i32
      %get3A_466 = arith.index_cast %add3A_465 : i32 to index
      %get3A_467 = arith.constant 0 : index
      %get3A_468 = tpu.vector_load %arg9[%get3A_466, %get3A_467] {strides = array<i32>} : memref<80x32xf32, #tpu.memory_space<vmem>>, vector<1x16xf32>,
      %get3A_469 = vector.shape_cast %get3A_468 : vector<1x16xf32> to vector<16xf32>
      %add3A_470 = arith.constant 3 : i32
      %add3A_471 = arith.addi %mul3A_322, %add3A_470 : i32
      %get3A_472 = arith.index_cast %add3A_471 : i32 to index
      %get3A_473 = arith.constant 0 : index
      %get3A_474 = tpu.vector_load %arg13[%get3A_472, %get3A_473] {strides = array<i32>} : memref<80x32xf32, #tpu.memory_space<vmem>>, vector<1x16xf32>,
      %get3A_475 = vector.shape_cast %get3A_474 : vector<1x16xf32> to vector<16xf32>
      %mul3A_476 = arith.mulf %get3A_469, %get3A_475 : vector<16xf32>
      %add3A_477 = arith.constant 1.000000e+00 : f32
      %add3A_478 = vector.broadcast %add3A_477 : f32 to vector<16xf32>
      %add3A_479 = arith.addf %add3A_478, %mul3A_476 : vector<16xf32>
      %div3A_480 = arith.divf %broadcast_in_dim3A_113, %add3A_479 : vector<16xf32>
      %add3A_481 = arith.constant 3 : i32
      %add3A_482 = arith.addi %mul3A_322, %add3A_481 : i32
      %swap3A_483 = arith.index_cast %add3A_482 : i32 to index
      %swap3A_484 = arith.constant 0 : index
      %swap3A_485 = tpu.vector_load %arg9[%swap3A_483, %swap3A_484] {strides = array<i32>} : memref<80x32xf32, #tpu.memory_space<vmem>>, vector<1x16xf32>,
      %swap3A_486 = vector.shape_cast %swap3A_485 : vector<1x16xf32> to vector<16xf32>
      %swap3A_487 = vector.shape_cast %div3A_480 : vector<16xf32> to vector<1x16xf32>
      tpu.vector_store %arg9[%swap3A_483, %swap3A_484], %swap3A_487 {strides = array<i32>} : memref<80x32xf32, #tpu.memory_space<vmem>>, vector<1x16xf32>,
      %add3A_488 = arith.constant 3 : i32
      %add3A_489 = arith.addi %mul3A_322, %add3A_488 : i32
      %get3A_490 = arith.index_cast %add3A_489 : i32 to index
      %get3A_491 = arith.constant 16 : index
      %get3A_492 = tpu.vector_load %arg9[%get3A_490, %get3A_491] {strides = array<i32>} : memref<80x32xf32, #tpu.memory_space<vmem>>, vector<1x16xf32>,
      %get3A_493 = vector.shape_cast %get3A_492 : vector<1x16xf32> to vector<16xf32>
      %add3A_494 = arith.constant 3 : i32
      %add3A_495 = arith.addi %mul3A_322, %add3A_494 : i32
      %get3A_496 = arith.index_cast %add3A_495 : i32 to index
      %get3A_497 = arith.constant 16 : index
      %get3A_498 = tpu.vector_load %arg13[%get3A_496, %get3A_497] {strides = array<i32>} : memref<80x32xf32, #tpu.memory_space<vmem>>, vector<1x16xf32>,
      %get3A_499 = vector.shape_cast %get3A_498 : vector<1x16xf32> to vector<16xf32>
      %mul3A_500 = arith.mulf %get3A_493, %get3A_499 : vector<16xf32>
      %add3A_501 = arith.constant 1.000000e+00 : f32
      %add3A_502 = vector.broadcast %add3A_501 : f32 to vector<16xf32>
      %add3A_503 = arith.addf %add3A_502, %mul3A_500 : vector<16xf32>
      %div3A_504 = arith.divf %broadcast_in_dim3A_113, %add3A_503 : vector<16xf32>
      %add3A_505 = arith.constant 3 : i32
      %add3A_506 = arith.addi %mul3A_322, %add3A_505 : i32
      %swap3A_507 = arith.index_cast %add3A_506 : i32 to index
      %swap3A_508 = arith.constant 16 : index
      %swap3A_509 = tpu.vector_load %arg9[%swap3A_507, %swap3A_508] {strides = array<i32>} : memref<80x32xf32, #tpu.memory_space<vmem>>, vector<1x16xf32>,
      %swap3A_510 = vector.shape_cast %swap3A_509 : vector<1x16xf32> to vector<16xf32>
      %swap3A_511 = vector.shape_cast %div3A_504 : vector<16xf32> to vector<1x16xf32>
      tpu.vector_store %arg9[%swap3A_507, %swap3A_508], %swap3A_511 {strides = array<i32>} : memref<80x32xf32, #tpu.memory_space<vmem>>, vector<1x16xf32>,
      %add3A_512 = arith.constant 4 : i32
      %add3A_513 = arith.addi %mul3A_322, %add3A_512 : i32
      %get3A_514 = arith.index_cast %add3A_513 : i32 to index
      %get3A_515 = arith.constant 0 : index
      %get3A_516 = tpu.vector_load %arg9[%get3A_514, %get3A_515] {strides = array<i32>} : memref<80x32xf32, #tpu.memory_space<vmem>>, vector<1x16xf32>,
      %get3A_517 = vector.shape_cast %get3A_516 : vector<1x16xf32> to vector<16xf32>
      %add3A_518 = arith.constant 4 : i32
      %add3A_519 = arith.addi %mul3A_322, %add3A_518 : i32
      %get3A_520 = arith.index_cast %add3A_519 : i32 to index
      %get3A_521 = arith.constant 0 : index
      %get3A_522 = tpu.vector_load %arg13[%get3A_520, %get3A_521] {strides = array<i32>} : memref<80x32xf32, #tpu.memory_space<vmem>>, vector<1x16xf32>,
      %get3A_523 = vector.shape_cast %get3A_522 : vector<1x16xf32> to vector<16xf32>
      %mul3A_524 = arith.mulf %get3A_517, %get3A_523 : vector<16xf32>
      %add3A_525 = arith.constant 1.000000e+00 : f32
      %add3A_526 = vector.broadcast %add3A_525 : f32 to vector<16xf32>
      %add3A_527 = arith.addf %add3A_526, %mul3A_524 : vector<16xf32>
      %div3A_528 = arith.divf %broadcast_in_dim3A_113, %add3A_527 : vector<16xf32>
      %add3A_529 = arith.constant 4 : i32
      %add3A_530 = arith.addi %mul3A_322, %add3A_529 : i32
      %swap3A_531 = arith.index_cast %add3A_530 : i32 to index
      %swap3A_532 = arith.constant 0 : index
      %swap3A_533 = tpu.vector_load %arg9[%swap3A_531, %swap3A_532] {strides = array<i32>} : memref<80x32xf32, #tpu.memory_space<vmem>>, vector<1x16xf32>,
      %swap3A_534 = vector.shape_cast %swap3A_533 : vector<1x16xf32> to vector<16xf32>
      %swap3A_535 = vector.shape_cast %div3A_528 : vector<16xf32> to vector<1x16xf32>
      tpu.vector_store %arg9[%swap3A_531, %swap3A_532], %swap3A_535 {strides = array<i32>} : memref<80x32xf32, #tpu.memory_space<vmem>>, vector<1x16xf32>,
      %add3A_536 = arith.constant 4 : i32
      %add3A_537 = arith.addi %mul3A_322, %add3A_536 : i32
      %get3A_538 = arith.index_cast %add3A_537 : i32 to index
      %get3A_539 = arith.constant 16 : index
      %get3A_540 = tpu.vector_load %arg9[%get3A_538, %get3A_539] {strides = array<i32>} : memref<80x32xf32, #tpu.memory_space<vmem>>, vector<1x16xf32>,
      %get3A_541 = vector.shape_cast %get3A_540 : vector<1x16xf32> to vector<16xf32>
      %add3A_542 = arith.constant 4 : i32
      %add3A_543 = arith.addi %mul3A_322, %add3A_542 : i32
      %get3A_544 = arith.index_cast %add3A_543 : i32 to index
      %get3A_545 = arith.constant 16 : index
      %get3A_546 = tpu.vector_load %arg13[%get3A_544, %get3A_545] {strides = array<i32>} : memref<80x32xf32, #tpu.memory_space<vmem>>, vector<1x16xf32>,
      %get3A_547 = vector.shape_cast %get3A_546 : vector<1x16xf32> to vector<16xf32>
      %mul3A_548 = arith.mulf %get3A_541, %get3A_547 : vector<16xf32>
      %add3A_549 = arith.constant 1.000000e+00 : f32
      %add3A_550 = vector.broadcast %add3A_549 : f32 to vector<16xf32>
      %add3A_551 = arith.addf %add3A_550, %mul3A_548 : vector<16xf32>
      %div3A_552 = arith.divf %broadcast_in_dim3A_113, %add3A_551 : vector<16xf32>
      %add3A_553 = arith.constant 4 : i32
      %add3A_554 = arith.addi %mul3A_322, %add3A_553 : i32
      %swap3A_555 = arith.index_cast %add3A_554 : i32 to index
      %swap3A_556 = arith.constant 16 : index
      %swap3A_557 = tpu.vector_load %arg9[%swap3A_555, %swap3A_556] {strides = array<i32>} : memref<80x32xf32, #tpu.memory_space<vmem>>, vector<1x16xf32>,
      %swap3A_558 = vector.shape_cast %swap3A_557 : vector<1x16xf32> to vector<16xf32>
      %swap3A_559 = vector.shape_cast %div3A_552 : vector<16xf32> to vector<1x16xf32>
      tpu.vector_store %arg9[%swap3A_555, %swap3A_556], %swap3A_559 {strides = array<i32>} : memref<80x32xf32, #tpu.memory_space<vmem>>, vector<1x16xf32>,
      %add3A_560 = arith.constant 5 : i32
      %add3A_561 = arith.addi %mul3A_322, %add3A_560 : i32
      %get3A_562 = arith.index_cast %add3A_561 : i32 to index
      %get3A_563 = arith.constant 0 : index
      %get3A_564 = tpu.vector_load %arg9[%get3A_562, %get3A_563] {strides = array<i32>} : memref<80x32xf32, #tpu.memory_space<vmem>>, vector<1x16xf32>,
      %get3A_565 = vector.shape_cast %get3A_564 : vector<1x16xf32> to vector<16xf32>
      %add3A_566 = arith.constant 5 : i32
      %add3A_567 = arith.addi %mul3A_322, %add3A_566 : i32
      %get3A_568 = arith.index_cast %add3A_567 : i32 to index
      %get3A_569 = arith.constant 0 : index
      %get3A_570 = tpu.vector_load %arg13[%get3A_568, %get3A_569] {strides = array<i32>} : memref<80x32xf32, #tpu.memory_space<vmem>>, vector<1x16xf32>,
      %get3A_571 = vector.shape_cast %get3A_570 : vector<1x16xf32> to vector<16xf32>
      %mul3A_572 = arith.mulf %get3A_565, %get3A_571 : vector<16xf32>
      %add3A_573 = arith.constant 1.000000e+00 : f32
      %add3A_574 = vector.broadcast %add3A_573 : f32 to vector<16xf32>
      %add3A_575 = arith.addf %add3A_574, %mul3A_572 : vector<16xf32>
      %div3A_576 = arith.divf %broadcast_in_dim3A_113, %add3A_575 : vector<16xf32>
      %add3A_577 = arith.constant 5 : i32
      %add3A_578 = arith.addi %mul3A_322, %add3A_577 : i32
      %swap3A_579 = arith.index_cast %add3A_578 : i32 to index
      %swap3A_580 = arith.constant 0 : index
      %swap3A_581 = tpu.vector_load %arg9[%swap3A_579, %swap3A_580] {strides = array<i32>} : memref<80x32xf32, #tpu.memory_space<vmem>>, vector<1x16xf32>,
      %swap3A_582 = vector.shape_cast %swap3A_581 : vector<1x16xf32> to vector<16xf32>
      %swap3A_583 = vector.shape_cast %div3A_576 : vector<16xf32> to vector<1x16xf32>
      tpu.vector_store %arg9[%swap3A_579, %swap3A_580], %swap3A_583 {strides = array<i32>} : memref<80x32xf32, #tpu.memory_space<vmem>>, vector<1x16xf32>,
      %add3A_584 = arith.constant 5 : i32
      %add3A_585 = arith.addi %mul3A_322, %add3A_584 : i32
      %get3A_586 = arith.index_cast %add3A_585 : i32 to index
      %get3A_587 = arith.constant 16 : index
      %get3A_588 = tpu.vector_load %arg9[%get3A_586, %get3A_587] {strides = array<i32>} : memref<80x32xf32, #tpu.memory_space<vmem>>, vector<1x16xf32>,
      %get3A_589 = vector.shape_cast %get3A_588 : vector<1x16xf32> to vector<16xf32>
      %add3A_590 = arith.constant 5 : i32
      %add3A_591 = arith.addi %mul3A_322, %add3A_590 : i32
      %get3A_592 = arith.index_cast %add3A_591 : i32 to index
      %get3A_593 = arith.constant 16 : index
      %get3A_594 = tpu.vector_load %arg13[%get3A_592, %get3A_593] {strides = array<i32>} : memref<80x32xf32, #tpu.memory_space<vmem>>, vector<1x16xf32>,
      %get3A_595 = vector.shape_cast %get3A_594 : vector<1x16xf32> to vector<16xf32>
      %mul3A_596 = arith.mulf %get3A_589, %get3A_595 : vector<16xf32>
      %add3A_597 = arith.constant 1.000000e+00 : f32
      %add3A_598 = vector.broadcast %add3A_597 : f32 to vector<16xf32>
      %add3A_599 = arith.addf %add3A_598, %mul3A_596 : vector<16xf32>
      %div3A_600 = arith.divf %broadcast_in_dim3A_113, %add3A_599 : vector<16xf32>
      %add3A_601 = arith.constant 5 : i32
      %add3A_602 = arith.addi %mul3A_322, %add3A_601 : i32
      %swap3A_603 = arith.index_cast %add3A_602 : i32 to index
      %swap3A_604 = arith.constant 16 : index
      %swap3A_605 = tpu.vector_load %arg9[%swap3A_603, %swap3A_604] {strides = array<i32>} : memref<80x32xf32, #tpu.memory_space<vmem>>, vector<1x16xf32>,
      %swap3A_606 = vector.shape_cast %swap3A_605 : vector<1x16xf32> to vector<16xf32>
      %swap3A_607 = vector.shape_cast %div3A_600 : vector<16xf32> to vector<1x16xf32>
      tpu.vector_store %arg9[%swap3A_603, %swap3A_604], %swap3A_607 {strides = array<i32>} : memref<80x32xf32, #tpu.memory_space<vmem>>, vector<1x16xf32>,
      %add3A_608 = arith.constant 6 : i32
      %add3A_609 = arith.addi %mul3A_322, %add3A_608 : i32
      %get3A_610 = arith.index_cast %add3A_609 : i32 to index
      %get3A_611 = arith.constant 0 : index
      %get3A_612 = tpu.vector_load %arg9[%get3A_610, %get3A_611] {strides = array<i32>} : memref<80x32xf32, #tpu.memory_space<vmem>>, vector<1x16xf32>,
      %get3A_613 = vector.shape_cast %get3A_612 : vector<1x16xf32> to vector<16xf32>
      %add3A_614 = arith.constant 6 : i32
      %add3A_615 = arith.addi %mul3A_322, %add3A_614 : i32
      %get3A_616 = arith.index_cast %add3A_615 : i32 to index
      %get3A_617 = arith.constant 0 : index
      %get3A_618 = tpu.vector_load %arg13[%get3A_616, %get3A_617] {strides = array<i32>} : memref<80x32xf32, #tpu.memory_space<vmem>>, vector<1x16xf32>,
      %get3A_619 = vector.shape_cast %get3A_618 : vector<1x16xf32> to vector<16xf32>
      %mul3A_620 = arith.mulf %get3A_613, %get3A_619 : vector<16xf32>
      %add3A_621 = arith.constant 1.000000e+00 : f32
      %add3A_622 = vector.broadcast %add3A_621 : f32 to vector<16xf32>
      %add3A_623 = arith.addf %add3A_622, %mul3A_620 : vector<16xf32>
      %div3A_624 = arith.divf %broadcast_in_dim3A_113, %add3A_623 : vector<16xf32>
      %add3A_625 = arith.constant 6 : i32
      %add3A_626 = arith.addi %mul3A_322, %add3A_625 : i32
      %swap3A_627 = arith.index_cast %add3A_626 : i32 to index
      %swap3A_628 = arith.constant 0 : index
      %swap3A_629 = tpu.vector_load %arg9[%swap3A_627, %swap3A_628] {strides = array<i32>} : memref<80x32xf32, #tpu.memory_space<vmem>>, vector<1x16xf32>,
      %swap3A_630 = vector.shape_cast %swap3A_629 : vector<1x16xf32> to vector<16xf32>
      %swap3A_631 = vector.shape_cast %div3A_624 : vector<16xf32> to vector<1x16xf32>
      tpu.vector_store %arg9[%swap3A_627, %swap3A_628], %swap3A_631 {strides = array<i32>} : memref<80x32xf32, #tpu.memory_space<vmem>>, vector<1x16xf32>,
      %add3A_632 = arith.constant 6 : i32
      %add3A_633 = arith.addi %mul3A_322, %add3A_632 : i32
      %get3A_634 = arith.index_cast %add3A_633 : i32 to index
      %get3A_635 = arith.constant 16 : index
      %get3A_636 = tpu.vector_load %arg9[%get3A_634, %get3A_635] {strides = array<i32>} : memref<80x32xf32, #tpu.memory_space<vmem>>, vector<1x16xf32>,
      %get3A_637 = vector.shape_cast %get3A_636 : vector<1x16xf32> to vector<16xf32>
      %add3A_638 = arith.constant 6 : i32
      %add3A_639 = arith.addi %mul3A_322, %add3A_638 : i32
      %get3A_640 = arith.index_cast %add3A_639 : i32 to index
      %get3A_641 = arith.constant 16 : index
      %get3A_642 = tpu.vector_load %arg13[%get3A_640, %get3A_641] {strides = array<i32>} : memref<80x32xf32, #tpu.memory_space<vmem>>, vector<1x16xf32>,
      %get3A_643 = vector.shape_cast %get3A_642 : vector<1x16xf32> to vector<16xf32>
      %mul3A_644 = arith.mulf %get3A_637, %get3A_643 : vector<16xf32>
      %add3A_645 = arith.constant 1.000000e+00 : f32
      %add3A_646 = vector.broadcast %add3A_645 : f32 to vector<16xf32>
      %add3A_647 = arith.addf %add3A_646, %mul3A_644 : vector<16xf32>
      %div3A_648 = arith.divf %broadcast_in_dim3A_113, %add3A_647 : vector<16xf32>
      %add3A_649 = arith.constant 6 : i32
      %add3A_650 = arith.addi %mul3A_322, %add3A_649 : i32
      %swap3A_651 = arith.index_cast %add3A_650 : i32 to index
      %swap3A_652 = arith.constant 16 : index
      %swap3A_653 = tpu.vector_load %arg9[%swap3A_651, %swap3A_652] {strides = array<i32>} : memref<80x32xf32, #tpu.memory_space<vmem>>, vector<1x16xf32>,
      %swap3A_654 = vector.shape_cast %swap3A_653 : vector<1x16xf32> to vector<16xf32>
      %swap3A_655 = vector.shape_cast %div3A_648 : vector<16xf32> to vector<1x16xf32>
      tpu.vector_store %arg9[%swap3A_651, %swap3A_652], %swap3A_655 {strides = array<i32>} : memref<80x32xf32, #tpu.memory_space<vmem>>, vector<1x16xf32>,
      %add3A_656 = arith.constant 7 : i32
      %add3A_657 = arith.addi %mul3A_322, %add3A_656 : i32
      %get3A_658 = arith.index_cast %add3A_657 : i32 to index
      %get3A_659 = arith.constant 0 : index
      %get3A_660 = tpu.vector_load %arg9[%get3A_658, %get3A_659] {strides = array<i32>} : memref<80x32xf32, #tpu.memory_space<vmem>>, vector<1x16xf32>,
      %get3A_661 = vector.shape_cast %get3A_660 : vector<1x16xf32> to vector<16xf32>
      %add3A_662 = arith.constant 7 : i32
      %add3A_663 = arith.addi %mul3A_322, %add3A_662 : i32
      %get3A_664 = arith.index_cast %add3A_663 : i32 to index
      %get3A_665 = arith.constant 0 : index
      %get3A_666 = tpu.vector_load %arg13[%get3A_664, %get3A_665] {strides = array<i32>} : memref<80x32xf32, #tpu.memory_space<vmem>>, vector<1x16xf32>,
      %get3A_667 = vector.shape_cast %get3A_666 : vector<1x16xf32> to vector<16xf32>
      %mul3A_668 = arith.mulf %get3A_661, %get3A_667 : vector<16xf32>
      %add3A_669 = arith.constant 1.000000e+00 : f32
      %add3A_670 = vector.broadcast %add3A_669 : f32 to vector<16xf32>
      %add3A_671 = arith.addf %add3A_670, %mul3A_668 : vector<16xf32>
      %div3A_672 = arith.divf %broadcast_in_dim3A_113, %add3A_671 : vector<16xf32>
      %add3A_673 = arith.constant 7 : i32
      %add3A_674 = arith.addi %mul3A_322, %add3A_673 : i32
      %swap3A_675 = arith.index_cast %add3A_674 : i32 to index
      %swap3A_676 = arith.constant 0 : index
      %swap3A_677 = tpu.vector_load %arg9[%swap3A_675, %swap3A_676] {strides = array<i32>} : memref<80x32xf32, #tpu.memory_space<vmem>>, vector<1x16xf32>,
      %swap3A_678 = vector.shape_cast %swap3A_677 : vector<1x16xf32> to vector<16xf32>
      %swap3A_679 = vector.shape_cast %div3A_672 : vector<16xf32> to vector<1x16xf32>
      tpu.vector_store %arg9[%swap3A_675, %swap3A_676], %swap3A_679 {strides = array<i32>} : memref<80x32xf32, #tpu.memory_space<vmem>>, vector<1x16xf32>,
      %add3A_680 = arith.constant 7 : i32
      %add3A_681 = arith.addi %mul3A_322, %add3A_680 : i32
      %get3A_682 = arith.index_cast %add3A_681 : i32 to index
      %get3A_683 = arith.constant 16 : index
      %get3A_684 = tpu.vector_load %arg9[%get3A_682, %get3A_683] {strides = array<i32>} : memref<80x32xf32, #tpu.memory_space<vmem>>, vector<1x16xf32>,
      %get3A_685 = vector.shape_cast %get3A_684 : vector<1x16xf32> to vector<16xf32>
      %add3A_686 = arith.constant 7 : i32
      %add3A_687 = arith.addi %mul3A_322, %add3A_686 : i32
      %get3A_688 = arith.index_cast %add3A_687 : i32 to index
      %get3A_689 = arith.constant 16 : index
      %get3A_690 = tpu.vector_load %arg13[%get3A_688, %get3A_689] {strides = array<i32>} : memref<80x32xf32, #tpu.memory_space<vmem>>, vector<1x16xf32>,
      %get3A_691 = vector.shape_cast %get3A_690 : vector<1x16xf32> to vector<16xf32>
      %mul3A_692 = arith.mulf %get3A_685, %get3A_691 : vector<16xf32>
      %add3A_693 = arith.constant 1.000000e+00 : f32
      %add3A_694 = vector.broadcast %add3A_693 : f32 to vector<16xf32>
      %add3A_695 = arith.addf %add3A_694, %mul3A_692 : vector<16xf32>
      %div3A_696 = arith.divf %broadcast_in_dim3A_113, %add3A_695 : vector<16xf32>
      %add3A_697 = arith.constant 7 : i32
      %add3A_698 = arith.addi %mul3A_322, %add3A_697 : i32
      %swap3A_699 = arith.index_cast %add3A_698 : i32 to index
      %swap3A_700 = arith.constant 16 : index
      %swap3A_701 = tpu.vector_load %arg9[%swap3A_699, %swap3A_700] {strides = array<i32>} : memref<80x32xf32, #tpu.memory_space<vmem>>, vector<1x16xf32>,
      %swap3A_702 = vector.shape_cast %swap3A_701 : vector<1x16xf32> to vector<16xf32>
      %swap3A_703 = vector.shape_cast %div3A_696 : vector<16xf32> to vector<1x16xf32>
      tpu.vector_store %arg9[%swap3A_699, %swap3A_700], %swap3A_703 {strides = array<i32>} : memref<80x32xf32, #tpu.memory_space<vmem>>, vector<1x16xf32>,
    }
    %scan3A_119 = arith.constant 10 : i32
    %dma_start3A_120 = arith.constant 0 : i32
    %dma_start3A_121 = arith.constant 0 : i32
    %dma_start3A_122 = tpu.memref_slice %arg7[%dma_start3A_120, %dma_start3A_121] : memref<125x80xi32, #tpu.memory_space<vmem>> -> memref<1x80xi32, #tpu.memory_space<vmem>>
    %dma_start3A_123 = tpu.memref_squeeze %dma_start3A_122 : memref<1x80xi32, #tpu.memory_space<vmem>> -> memref<80xi32, #tpu.memory_space<vmem>>
    %dma_start3A_124 = arith.constant 0 : i32
    %dma_start3A_125 = arith.constant 0 : i32
    %dma_start3A_126 = tpu.memref_slice %arg20[%dma_start3A_124, %dma_start3A_125] : memref<10240x32xf32, #tpu.memory_space<vmem_shared>> -> memref<10240x32xf32, #tpu.memory_space<vmem_shared>>
    tpu.enqueue_indirect_dma source(%arg9 : memref<80x32xf32, #tpu.memory_space<vmem>>) target(%dma_start3A_126 : memref<10240x32xf32, #tpu.memory_space<vmem_shared>>) offsets(%dma_start3A_123 : memref<80xi32, #tpu.memory_space<vmem>>) semaphore(%arg29 : memref<!tpu.dma_semaphore, #tpu.memory_space<semaphore_mem>>) {add = true}
    %add3A_127 = arith.constant 1 : i32
    %add3A_128 = arith.constant 2 : i32
    %add3A_129 = arith.addi %add3A_127, %add3A_128 : i32
    %dma_start3A_130 = arith.constant 0 : i32
    %dma_start3A_131 = tpu.memref_slice %arg7[%add3A_129, %dma_start3A_130] : memref<125x80xi32, #tpu.memory_space<vmem>> -> memref<1x80xi32, #tpu.memory_space<vmem>>
    %dma_start3A_132 = tpu.memref_squeeze %dma_start3A_131 : memref<1x80xi32, #tpu.memory_space<vmem>> -> memref<80xi32, #tpu.memory_space<vmem>>
    %dma_start3A_133 = arith.constant 0 : i32
    %dma_start3A_134 = arith.constant 0 : i32
    %dma_start3A_135 = tpu.memref_slice %arg18[%dma_start3A_133, %dma_start3A_134] : memref<10240x32xf32, #tpu.memory_space<vmem_shared>> -> memref<10240x32xf32, #tpu.memory_space<vmem_shared>>
    tpu.enqueue_indirect_dma source(%dma_start3A_135 : memref<10240x32xf32, #tpu.memory_space<vmem_shared>>) target(%arg12 : memref<80x32xf32, #tpu.memory_space<vmem>>) offsets(%dma_start3A_132 : memref<80xi32, #tpu.memory_space<vmem>>) semaphore(%arg24 : memref<!tpu.dma_semaphore, #tpu.memory_space<semaphore_mem>>)
    %dma_start3A_136 = arith.constant 0 : i32
    %dma_start3A_137 = tpu.memref_slice %arg8[%add3A_129, %dma_start3A_136] : memref<125x80xi32, #tpu.memory_space<vmem>> -> memref<1x80xi32, #tpu.memory_space<vmem>>
    %dma_start3A_138 = tpu.memref_squeeze %dma_start3A_137 : memref<1x80xi32, #tpu.memory_space<vmem>> -> memref<80xi32, #tpu.memory_space<vmem>>
    %dma_start3A_139 = arith.constant 0 : i32
    %dma_start3A_140 = arith.constant 0 : i32
    %dma_start3A_141 = tpu.memref_slice %arg19[%dma_start3A_139, %dma_start3A_140] : memref<10240x32xf32, #tpu.memory_space<vmem_shared>> -> memref<10240x32xf32, #tpu.memory_space<vmem_shared>>
    tpu.enqueue_indirect_dma source(%dma_start3A_141 : memref<10240x32xf32, #tpu.memory_space<vmem_shared>>) target(%arg16 : memref<80x32xf32, #tpu.memory_space<vmem>>) offsets(%dma_start3A_138 : memref<80xi32, #tpu.memory_space<vmem>>) semaphore(%arg28 : memref<!tpu.dma_semaphore, #tpu.memory_space<semaphore_mem>>)
    %dma_wait3A_142 = arith.constant 1 : i32
    %dma_wait3A_143 = arith.constant 0 : i32
    %dma_wait3A_144 = tpu.memref_slice %arg7[%dma_wait3A_142, %dma_wait3A_143] : memref<125x80xi32, #tpu.memory_space<vmem>> -> memref<1x80xi32, #tpu.memory_space<vmem>>
    %dma_wait3A_145 = tpu.memref_squeeze %dma_wait3A_144 : memref<1x80xi32, #tpu.memory_space<vmem>> -> memref<80xi32, #tpu.memory_space<vmem>>
    %dma_wait3A_146 = arith.constant 0 : i32
    %dma_wait3A_147 = arith.constant 0 : i32
    %dma_wait3A_148 = tpu.memref_slice %arg18[%dma_wait3A_146, %dma_wait3A_147] : memref<10240x32xf32, #tpu.memory_space<vmem_shared>> -> memref<10240x32xf32, #tpu.memory_space<vmem_shared>>
    tpu.wait_indirect_dma semaphore(%arg22 : memref<!tpu.dma_semaphore, #tpu.memory_space<semaphore_mem>>) src(%dma_wait3A_148 : memref<10240x32xf32, #tpu.memory_space<vmem_shared>>) dst(%arg10 : memref<80x32xf32, #tpu.memory_space<vmem>>)
    %dma_wait3A_149 = arith.constant 1 : i32
    %dma_wait3A_150 = arith.constant 0 : i32
    %dma_wait3A_151 = tpu.memref_slice %arg8[%dma_wait3A_149, %dma_wait3A_150] : memref<125x80xi32, #tpu.memory_space<vmem>> -> memref<1x80xi32, #tpu.memory_space<vmem>>
    %dma_wait3A_152 = tpu.memref_squeeze %dma_wait3A_151 : memref<1x80xi32, #tpu.memory_space<vmem>> -> memref<80xi32, #tpu.memory_space<vmem>>
    %dma_wait3A_153 = arith.constant 0 : i32
    %dma_wait3A_154 = arith.constant 0 : i32
    %dma_wait3A_155 = tpu.memref_slice %arg19[%dma_wait3A_153, %dma_wait3A_154] : memref<10240x32xf32, #tpu.memory_space<vmem_shared>> -> memref<10240x32xf32, #tpu.memory_space<vmem_shared>>
    tpu.wait_indirect_dma semaphore(%arg26 : memref<!tpu.dma_semaphore, #tpu.memory_space<semaphore_mem>>) src(%dma_wait3A_155 : memref<10240x32xf32, #tpu.memory_space<vmem_shared>>) dst(%arg14 : memref<80x32xf32, #tpu.memory_space<vmem>>)
    %broadcast_in_dim3A_156 = arith.constant 1.000000e+00 : f32
    %broadcast_in_dim3A_157 = vector.broadcast %broadcast_in_dim3A_156 : f32 to vector<16xf32>
    %scan3A_158 = arith.constant 0 : i32
    %scan3A_159 = arith.constant 0 : i32
    %scan3A_160 = arith.constant 10 : i32
    %scan3A_161 = arith.addi %scan3A_159, %scan3A_160 : i32
    %scan3A_162 = arith.constant 1 : i32
    scf.for %scan3A_320 = %scan3A_159 to %scan3A_161 step %scan3A_162  : i32 {
      %mul3A_321 = arith.constant 8 : i32
      %mul3A_322 = arith.muli %scan3A_320, %mul3A_321 : i32
      %add3A_323 = arith.constant 0 : i32
      %add3A_324 = arith.addi %mul3A_322, %add3A_323 : i32
      %get3A = arith.index_cast %add3A_324 : i32 to index
      %get3A_325 = arith.constant 0 : index
      %get3A_326 = tpu.vector_load %arg10[%get3A, %get3A_325] {strides = array<i32>} : memref<80x32xf32, #tpu.memory_space<vmem>>, vector<1x16xf32>,
      %get3A_327 = vector.shape_cast %get3A_326 : vector<1x16xf32> to vector<16xf32>
      %add3A_328 = arith.constant 0 : i32
      %add3A_329 = arith.addi %mul3A_322, %add3A_328 : i32
      %get3A_330 = arith.index_cast %add3A_329 : i32 to index
      %get3A_331 = arith.constant 0 : index
      %get3A_332 = tpu.vector_load %arg14[%get3A_330, %get3A_331] {strides = array<i32>} : memref<80x32xf32, #tpu.memory_space<vmem>>, vector<1x16xf32>,
      %get3A_333 = vector.shape_cast %get3A_332 : vector<1x16xf32> to vector<16xf32>
      %mul3A_334 = arith.mulf %get3A_327, %get3A_333 : vector<16xf32>
      %add3A_335 = arith.constant 1.000000e+00 : f32
      %add3A_336 = vector.broadcast %add3A_335 : f32 to vector<16xf32>
      %add3A_337 = arith.addf %add3A_336, %mul3A_334 : vector<16xf32>
      %div3A = arith.divf %broadcast_in_dim3A_157, %add3A_337 : vector<16xf32>
      %add3A_338 = arith.constant 0 : i32
      %add3A_339 = arith.addi %mul3A_322, %add3A_338 : i32
      %swap3A = arith.index_cast %add3A_339 : i32 to index
      %swap3A_340 = arith.constant 0 : index
      %swap3A_341 = tpu.vector_load %arg10[%swap3A, %swap3A_340] {strides = array<i32>} : memref<80x32xf32, #tpu.memory_space<vmem>>, vector<1x16xf32>,
      %swap3A_342 = vector.shape_cast %swap3A_341 : vector<1x16xf32> to vector<16xf32>
      %swap3A_343 = vector.shape_cast %div3A : vector<16xf32> to vector<1x16xf32>
      tpu.vector_store %arg10[%swap3A, %swap3A_340], %swap3A_343 {strides = array<i32>} : memref<80x32xf32, #tpu.memory_space<vmem>>, vector<1x16xf32>,
      %add3A_344 = arith.constant 0 : i32
      %add3A_345 = arith.addi %mul3A_322, %add3A_344 : i32
      %get3A_346 = arith.index_cast %add3A_345 : i32 to index
      %get3A_347 = arith.constant 16 : index
      %get3A_348 = tpu.vector_load %arg10[%get3A_346, %get3A_347] {strides = array<i32>} : memref<80x32xf32, #tpu.memory_space<vmem>>, vector<1x16xf32>,
      %get3A_349 = vector.shape_cast %get3A_348 : vector<1x16xf32> to vector<16xf32>
      %add3A_350 = arith.constant 0 : i32
      %add3A_351 = arith.addi %mul3A_322, %add3A_350 : i32
      %get3A_352 = arith.index_cast %add3A_351 : i32 to index
      %get3A_353 = arith.constant 16 : index
      %get3A_354 = tpu.vector_load %arg14[%get3A_352, %get3A_353] {strides = array<i32>} : memref<80x32xf32, #tpu.memory_space<vmem>>, vector<1x16xf32>,
      %get3A_355 = vector.shape_cast %get3A_354 : vector<1x16xf32> to vector<16xf32>
      %mul3A_356 = arith.mulf %get3A_349, %get3A_355 : vector<16xf32>
      %add3A_357 = arith.constant 1.000000e+00 : f32
      %add3A_358 = vector.broadcast %add3A_357 : f32 to vector<16xf32>
      %add3A_359 = arith.addf %add3A_358, %mul3A_356 : vector<16xf32>
      %div3A_360 = arith.divf %broadcast_in_dim3A_157, %add3A_359 : vector<16xf32>
      %add3A_361 = arith.constant 0 : i32
      %add3A_362 = arith.addi %mul3A_322, %add3A_361 : i32
      %swap3A_363 = arith.index_cast %add3A_362 : i32 to index
      %swap3A_364 = arith.constant 16 : index
      %swap3A_365 = tpu.vector_load %arg10[%swap3A_363, %swap3A_364] {strides = array<i32>} : memref<80x32xf32, #tpu.memory_space<vmem>>, vector<1x16xf32>,
      %swap3A_366 = vector.shape_cast %swap3A_365 : vector<1x16xf32> to vector<16xf32>
      %swap3A_367 = vector.shape_cast %div3A_360 : vector<16xf32> to vector<1x16xf32>
      tpu.vector_store %arg10[%swap3A_363, %swap3A_364], %swap3A_367 {strides = array<i32>} : memref<80x32xf32, #tpu.memory_space<vmem>>, vector<1x16xf32>,
      %add3A_368 = arith.constant 1 : i32
      %add3A_369 = arith.addi %mul3A_322, %add3A_368 : i32
      %get3A_370 = arith.index_cast %add3A_369 : i32 to index
      %get3A_371 = arith.constant 0 : index
      %get3A_372 = tpu.vector_load %arg10[%get3A_370, %get3A_371] {strides = array<i32>} : memref<80x32xf32, #tpu.memory_space<vmem>>, vector<1x16xf32>,
      %get3A_373 = vector.shape_cast %get3A_372 : vector<1x16xf32> to vector<16xf32>
      %add3A_374 = arith.constant 1 : i32
      %add3A_375 = arith.addi %mul3A_322, %add3A_374 : i32
      %get3A_376 = arith.index_cast %add3A_375 : i32 to index
      %get3A_377 = arith.constant 0 : index
      %get3A_378 = tpu.vector_load %arg14[%get3A_376, %get3A_377] {strides = array<i32>} : memref<80x32xf32, #tpu.memory_space<vmem>>, vector<1x16xf32>,
      %get3A_379 = vector.shape_cast %get3A_378 : vector<1x16xf32> to vector<16xf32>
      %mul3A_380 = arith.mulf %get3A_373, %get3A_379 : vector<16xf32>
      %add3A_381 = arith.constant 1.000000e+00 : f32
      %add3A_382 = vector.broadcast %add3A_381 : f32 to vector<16xf32>
      %add3A_383 = arith.addf %add3A_382, %mul3A_380 : vector<16xf32>
      %div3A_384 = arith.divf %broadcast_in_dim3A_157, %add3A_383 : vector<16xf32>
      %add3A_385 = arith.constant 1 : i32
      %add3A_386 = arith.addi %mul3A_322, %add3A_385 : i32
      %swap3A_387 = arith.index_cast %add3A_386 : i32 to index
      %swap3A_388 = arith.constant 0 : index
      %swap3A_389 = tpu.vector_load %arg10[%swap3A_387, %swap3A_388] {strides = array<i32>} : memref<80x32xf32, #tpu.memory_space<vmem>>, vector<1x16xf32>,
      %swap3A_390 = vector.shape_cast %swap3A_389 : vector<1x16xf32> to vector<16xf32>
      %swap3A_391 = vector.shape_cast %div3A_384 : vector<16xf32> to vector<1x16xf32>
      tpu.vector_store %arg10[%swap3A_387, %swap3A_388], %swap3A_391 {strides = array<i32>} : memref<80x32xf32, #tpu.memory_space<vmem>>, vector<1x16xf32>,
      %add3A_392 = arith.constant 1 : i32
      %add3A_393 = arith.addi %mul3A_322, %add3A_392 : i32
      %get3A_394 = arith.index_cast %add3A_393 : i32 to index
      %get3A_395 = arith.constant 16 : index
      %get3A_396 = tpu.vector_load %arg10[%get3A_394, %get3A_395] {strides = array<i32>} : memref<80x32xf32, #tpu.memory_space<vmem>>, vector<1x16xf32>,
      %get3A_397 = vector.shape_cast %get3A_396 : vector<1x16xf32> to vector<16xf32>
      %add3A_398 = arith.constant 1 : i32
      %add3A_399 = arith.addi %mul3A_322, %add3A_398 : i32
      %get3A_400 = arith.index_cast %add3A_399 : i32 to index
      %get3A_401 = arith.constant 16 : index
      %get3A_402 = tpu.vector_load %arg14[%get3A_400, %get3A_401] {strides = array<i32>} : memref<80x32xf32, #tpu.memory_space<vmem>>, vector<1x16xf32>,
      %get3A_403 = vector.shape_cast %get3A_402 : vector<1x16xf32> to vector<16xf32>
      %mul3A_404 = arith.mulf %get3A_397, %get3A_403 : vector<16xf32>
      %add3A_405 = arith.constant 1.000000e+00 : f32
      %add3A_406 = vector.broadcast %add3A_405 : f32 to vector<16xf32>
      %add3A_407 = arith.addf %add3A_406, %mul3A_404 : vector<16xf32>
      %div3A_408 = arith.divf %broadcast_in_dim3A_157, %add3A_407 : vector<16xf32>
      %add3A_409 = arith.constant 1 : i32
      %add3A_410 = arith.addi %mul3A_322, %add3A_409 : i32
      %swap3A_411 = arith.index_cast %add3A_410 : i32 to index
      %swap3A_412 = arith.constant 16 : index
      %swap3A_413 = tpu.vector_load %arg10[%swap3A_411, %swap3A_412] {strides = array<i32>} : memref<80x32xf32, #tpu.memory_space<vmem>>, vector<1x16xf32>,
      %swap3A_414 = vector.shape_cast %swap3A_413 : vector<1x16xf32> to vector<16xf32>
      %swap3A_415 = vector.shape_cast %div3A_408 : vector<16xf32> to vector<1x16xf32>
      tpu.vector_store %arg10[%swap3A_411, %swap3A_412], %swap3A_415 {strides = array<i32>} : memref<80x32xf32, #tpu.memory_space<vmem>>, vector<1x16xf32>,
      %add3A_416 = arith.constant 2 : i32
      %add3A_417 = arith.addi %mul3A_322, %add3A_416 : i32
      %get3A_418 = arith.index_cast %add3A_417 : i32 to index
      %get3A_419 = arith.constant 0 : index
      %get3A_420 = tpu.vector_load %arg10[%get3A_418, %get3A_419] {strides = array<i32>} : memref<80x32xf32, #tpu.memory_space<vmem>>, vector<1x16xf32>,
      %get3A_421 = vector.shape_cast %get3A_420 : vector<1x16xf32> to vector<16xf32>
      %add3A_422 = arith.constant 2 : i32
      %add3A_423 = arith.addi %mul3A_322, %add3A_422 : i32
      %get3A_424 = arith.index_cast %add3A_423 : i32 to index
      %get3A_425 = arith.constant 0 : index
      %get3A_426 = tpu.vector_load %arg14[%get3A_424, %get3A_425] {strides = array<i32>} : memref<80x32xf32, #tpu.memory_space<vmem>>, vector<1x16xf32>,
      %get3A_427 = vector.shape_cast %get3A_426 : vector<1x16xf32> to vector<16xf32>
      %mul3A_428 = arith.mulf %get3A_421, %get3A_427 : vector<16xf32>
      %add3A_429 = arith.constant 1.000000e+00 : f32
      %add3A_430 = vector.broadcast %add3A_429 : f32 to vector<16xf32>
      %add3A_431 = arith.addf %add3A_430, %mul3A_428 : vector<16xf32>
      %div3A_432 = arith.divf %broadcast_in_dim3A_157, %add3A_431 : vector<16xf32>
      %add3A_433 = arith.constant 2 : i32
      %add3A_434 = arith.addi %mul3A_322, %add3A_433 : i32
      %swap3A_435 = arith.index_cast %add3A_434 : i32 to index
      %swap3A_436 = arith.constant 0 : index
      %swap3A_437 = tpu.vector_load %arg10[%swap3A_435, %swap3A_436] {strides = array<i32>} : memref<80x32xf32, #tpu.memory_space<vmem>>, vector<1x16xf32>,
      %swap3A_438 = vector.shape_cast %swap3A_437 : vector<1x16xf32> to vector<16xf32>
      %swap3A_439 = vector.shape_cast %div3A_432 : vector<16xf32> to vector<1x16xf32>
      tpu.vector_store %arg10[%swap3A_435, %swap3A_436], %swap3A_439 {strides = array<i32>} : memref<80x32xf32, #tpu.memory_space<vmem>>, vector<1x16xf32>,
      %add3A_440 = arith.constant 2 : i32
      %add3A_441 = arith.addi %mul3A_322, %add3A_440 : i32
      %get3A_442 = arith.index_cast %add3A_441 : i32 to index
      %get3A_443 = arith.constant 16 : index
      %get3A_444 = tpu.vector_load %arg10[%get3A_442, %get3A_443] {strides = array<i32>} : memref<80x32xf32, #tpu.memory_space<vmem>>, vector<1x16xf32>,
      %get3A_445 = vector.shape_cast %get3A_444 : vector<1x16xf32> to vector<16xf32>
      %add3A_446 = arith.constant 2 : i32
      %add3A_447 = arith.addi %mul3A_322, %add3A_446 : i32
      %get3A_448 = arith.index_cast %add3A_447 : i32 to index
      %get3A_449 = arith.constant 16 : index
      %get3A_450 = tpu.vector_load %arg14[%get3A_448, %get3A_449] {strides = array<i32>} : memref<80x32xf32, #tpu.memory_space<vmem>>, vector<1x16xf32>,
      %get3A_451 = vector.shape_cast %get3A_450 : vector<1x16xf32> to vector<16xf32>
      %mul3A_452 = arith.mulf %get3A_445, %get3A_451 : vector<16xf32>
      %add3A_453 = arith.constant 1.000000e+00 : f32
      %add3A_454 = vector.broadcast %add3A_453 : f32 to vector<16xf32>
      %add3A_455 = arith.addf %add3A_454, %mul3A_452 : vector<16xf32>
      %div3A_456 = arith.divf %broadcast_in_dim3A_157, %add3A_455 : vector<16xf32>
      %add3A_457 = arith.constant 2 : i32
      %add3A_458 = arith.addi %mul3A_322, %add3A_457 : i32
      %swap3A_459 = arith.index_cast %add3A_458 : i32 to index
      %swap3A_460 = arith.constant 16 : index
      %swap3A_461 = tpu.vector_load %arg10[%swap3A_459, %swap3A_460] {strides = array<i32>} : memref<80x32xf32, #tpu.memory_space<vmem>>, vector<1x16xf32>,
      %swap3A_462 = vector.shape_cast %swap3A_461 : vector<1x16xf32> to vector<16xf32>
      %swap3A_463 = vector.shape_cast %div3A_456 : vector<16xf32> to vector<1x16xf32>
      tpu.vector_store %arg10[%swap3A_459, %swap3A_460], %swap3A_463 {strides = array<i32>} : memref<80x32xf32, #tpu.memory_space<vmem>>, vector<1x16xf32>,
      %add3A_464 = arith.constant 3 : i32
      %add3A_465 = arith.addi %mul3A_322, %add3A_464 : i32
      %get3A_466 = arith.index_cast %add3A_465 : i32 to index
      %get3A_467 = arith.constant 0 : index
      %get3A_468 = tpu.vector_load %arg10[%get3A_466, %get3A_467] {strides = array<i32>} : memref<80x32xf32, #tpu.memory_space<vmem>>, vector<1x16xf32>,
      %get3A_469 = vector.shape_cast %get3A_468 : vector<1x16xf32> to vector<16xf32>
      %add3A_470 = arith.constant 3 : i32
      %add3A_471 = arith.addi %mul3A_322, %add3A_470 : i32
      %get3A_472 = arith.index_cast %add3A_471 : i32 to index
      %get3A_473 = arith.constant 0 : index
      %get3A_474 = tpu.vector_load %arg14[%get3A_472, %get3A_473] {strides = array<i32>} : memref<80x32xf32, #tpu.memory_space<vmem>>, vector<1x16xf32>,
      %get3A_475 = vector.shape_cast %get3A_474 : vector<1x16xf32> to vector<16xf32>
      %mul3A_476 = arith.mulf %get3A_469, %get3A_475 : vector<16xf32>
      %add3A_477 = arith.constant 1.000000e+00 : f32
      %add3A_478 = vector.broadcast %add3A_477 : f32 to vector<16xf32>
      %add3A_479 = arith.addf %add3A_478, %mul3A_476 : vector<16xf32>
      %div3A_480 = arith.divf %broadcast_in_dim3A_157, %add3A_479 : vector<16xf32>
      %add3A_481 = arith.constant 3 : i32
      %add3A_482 = arith.addi %mul3A_322, %add3A_481 : i32
      %swap3A_483 = arith.index_cast %add3A_482 : i32 to index
      %swap3A_484 = arith.constant 0 : index
      %swap3A_485 = tpu.vector_load %arg10[%swap3A_483, %swap3A_484] {strides = array<i32>} : memref<80x32xf32, #tpu.memory_space<vmem>>, vector<1x16xf32>,
      %swap3A_486 = vector.shape_cast %swap3A_485 : vector<1x16xf32> to vector<16xf32>
      %swap3A_487 = vector.shape_cast %div3A_480 : vector<16xf32> to vector<1x16xf32>
      tpu.vector_store %arg10[%swap3A_483, %swap3A_484], %swap3A_487 {strides = array<i32>} : memref<80x32xf32, #tpu.memory_space<vmem>>, vector<1x16xf32>,
      %add3A_488 = arith.constant 3 : i32
      %add3A_489 = arith.addi %mul3A_322, %add3A_488 : i32
      %get3A_490 = arith.index_cast %add3A_489 : i32 to index
      %get3A_491 = arith.constant 16 : index
      %get3A_492 = tpu.vector_load %arg10[%get3A_490, %get3A_491] {strides = array<i32>} : memref<80x32xf32, #tpu.memory_space<vmem>>, vector<1x16xf32>,
      %get3A_493 = vector.shape_cast %get3A_492 : vector<1x16xf32> to vector<16xf32>
      %add3A_494 = arith.constant 3 : i32
      %add3A_495 = arith.addi %mul3A_322, %add3A_494 : i32
      %get3A_496 = arith.index_cast %add3A_495 : i32 to index
      %get3A_497 = arith.constant 16 : index
      %get3A_498 = tpu.vector_load %arg14[%get3A_496, %get3A_497] {strides = array<i32>} : memref<80x32xf32, #tpu.memory_space<vmem>>, vector<1x16xf32>,
      %get3A_499 = vector.shape_cast %get3A_498 : vector<1x16xf32> to vector<16xf32>
      %mul3A_500 = arith.mulf %get3A_493, %get3A_499 : vector<16xf32>
      %add3A_501 = arith.constant 1.000000e+00 : f32
      %add3A_502 = vector.broadcast %add3A_501 : f32 to vector<16xf32>
      %add3A_503 = arith.addf %add3A_502, %mul3A_500 : vector<16xf32>
      %div3A_504 = arith.divf %broadcast_in_dim3A_157, %add3A_503 : vector<16xf32>
      %add3A_505 = arith.constant 3 : i32
      %add3A_506 = arith.addi %mul3A_322, %add3A_505 : i32
      %swap3A_507 = arith.index_cast %add3A_506 : i32 to index
      %swap3A_508 = arith.constant 16 : index
      %swap3A_509 = tpu.vector_load %arg10[%swap3A_507, %swap3A_508] {strides = array<i32>} : memref<80x32xf32, #tpu.memory_space<vmem>>, vector<1x16xf32>,
      %swap3A_510 = vector.shape_cast %swap3A_509 : vector<1x16xf32> to vector<16xf32>
      %swap3A_511 = vector.shape_cast %div3A_504 : vector<16xf32> to vector<1x16xf32>
      tpu.vector_store %arg10[%swap3A_507, %swap3A_508], %swap3A_511 {strides = array<i32>} : memref<80x32xf32, #tpu.memory_space<vmem>>, vector<1x16xf32>,
      %add3A_512 = arith.constant 4 : i32
      %add3A_513 = arith.addi %mul3A_322, %add3A_512 : i32
      %get3A_514 = arith.index_cast %add3A_513 : i32 to index
      %get3A_515 = arith.constant 0 : index
      %get3A_516 = tpu.vector_load %arg10[%get3A_514, %get3A_515] {strides = array<i32>} : memref<80x32xf32, #tpu.memory_space<vmem>>, vector<1x16xf32>,
      %get3A_517 = vector.shape_cast %get3A_516 : vector<1x16xf32> to vector<16xf32>
      %add3A_518 = arith.constant 4 : i32
      %add3A_519 = arith.addi %mul3A_322, %add3A_518 : i32
      %get3A_520 = arith.index_cast %add3A_519 : i32 to index
      %get3A_521 = arith.constant 0 : index
      %get3A_522 = tpu.vector_load %arg14[%get3A_520, %get3A_521] {strides = array<i32>} : memref<80x32xf32, #tpu.memory_space<vmem>>, vector<1x16xf32>,
      %get3A_523 = vector.shape_cast %get3A_522 : vector<1x16xf32> to vector<16xf32>
      %mul3A_524 = arith.mulf %get3A_517, %get3A_523 : vector<16xf32>
      %add3A_525 = arith.constant 1.000000e+00 : f32
      %add3A_526 = vector.broadcast %add3A_525 : f32 to vector<16xf32>
      %add3A_527 = arith.addf %add3A_526, %mul3A_524 : vector<16xf32>
      %div3A_528 = arith.divf %broadcast_in_dim3A_157, %add3A_527 : vector<16xf32>
      %add3A_529 = arith.constant 4 : i32
      %add3A_530 = arith.addi %mul3A_322, %add3A_529 : i32
      %swap3A_531 = arith.index_cast %add3A_530 : i32 to index
      %swap3A_532 = arith.constant 0 : index
      %swap3A_533 = tpu.vector_load %arg10[%swap3A_531, %swap3A_532] {strides = array<i32>} : memref<80x32xf32, #tpu.memory_space<vmem>>, vector<1x16xf32>,
      %swap3A_534 = vector.shape_cast %swap3A_533 : vector<1x16xf32> to vector<16xf32>
      %swap3A_535 = vector.shape_cast %div3A_528 : vector<16xf32> to vector<1x16xf32>
      tpu.vector_store %arg10[%swap3A_531, %swap3A_532], %swap3A_535 {strides = array<i32>} : memref<80x32xf32, #tpu.memory_space<vmem>>, vector<1x16xf32>,
      %add3A_536 = arith.constant 4 : i32
      %add3A_537 = arith.addi %mul3A_322, %add3A_536 : i32
      %get3A_538 = arith.index_cast %add3A_537 : i32 to index
      %get3A_539 = arith.constant 16 : index
      %get3A_540 = tpu.vector_load %arg10[%get3A_538, %get3A_539] {strides = array<i32>} : memref<80x32xf32, #tpu.memory_space<vmem>>, vector<1x16xf32>,
      %get3A_541 = vector.shape_cast %get3A_540 : vector<1x16xf32> to vector<16xf32>
      %add3A_542 = arith.constant 4 : i32
      %add3A_543 = arith.addi %mul3A_322, %add3A_542 : i32
      %get3A_544 = arith.index_cast %add3A_543 : i32 to index
      %get3A_545 = arith.constant 16 : index
      %get3A_546 = tpu.vector_load %arg14[%get3A_544, %get3A_545] {strides = array<i32>} : memref<80x32xf32, #tpu.memory_space<vmem>>, vector<1x16xf32>,
      %get3A_547 = vector.shape_cast %get3A_546 : vector<1x16xf32> to vector<16xf32>
      %mul3A_548 = arith.mulf %get3A_541, %get3A_547 : vector<16xf32>
      %add3A_549 = arith.constant 1.000000e+00 : f32
      %add3A_550 = vector.broadcast %add3A_549 : f32 to vector<16xf32>
      %add3A_551 = arith.addf %add3A_550, %mul3A_548 : vector<16xf32>
      %div3A_552 = arith.divf %broadcast_in_dim3A_157, %add3A_551 : vector<16xf32>
      %add3A_553 = arith.constant 4 : i32
      %add3A_554 = arith.addi %mul3A_322, %add3A_553 : i32
      %swap3A_555 = arith.index_cast %add3A_554 : i32 to index
      %swap3A_556 = arith.constant 16 : index
      %swap3A_557 = tpu.vector_load %arg10[%swap3A_555, %swap3A_556] {strides = array<i32>} : memref<80x32xf32, #tpu.memory_space<vmem>>, vector<1x16xf32>,
      %swap3A_558 = vector.shape_cast %swap3A_557 : vector<1x16xf32> to vector<16xf32>
      %swap3A_559 = vector.shape_cast %div3A_552 : vector<16xf32> to vector<1x16xf32>
      tpu.vector_store %arg10[%swap3A_555, %swap3A_556], %swap3A_559 {strides = array<i32>} : memref<80x32xf32, #tpu.memory_space<vmem>>, vector<1x16xf32>,
      %add3A_560 = arith.constant 5 : i32
      %add3A_561 = arith.addi %mul3A_322, %add3A_560 : i32
      %get3A_562 = arith.index_cast %add3A_561 : i32 to index
      %get3A_563 = arith.constant 0 : index
      %get3A_564 = tpu.vector_load %arg10[%get3A_562, %get3A_563] {strides = array<i32>} : memref<80x32xf32, #tpu.memory_space<vmem>>, vector<1x16xf32>,
      %get3A_565 = vector.shape_cast %get3A_564 : vector<1x16xf32> to vector<16xf32>
      %add3A_566 = arith.constant 5 : i32
      %add3A_567 = arith.addi %mul3A_322, %add3A_566 : i32
      %get3A_568 = arith.index_cast %add3A_567 : i32 to index
      %get3A_569 = arith.constant 0 : index
      %get3A_570 = tpu.vector_load %arg14[%get3A_568, %get3A_569] {strides = array<i32>} : memref<80x32xf32, #tpu.memory_space<vmem>>, vector<1x16xf32>,
      %get3A_571 = vector.shape_cast %get3A_570 : vector<1x16xf32> to vector<16xf32>
      %mul3A_572 = arith.mulf %get3A_565, %get3A_571 : vector<16xf32>
      %add3A_573 = arith.constant 1.000000e+00 : f32
      %add3A_574 = vector.broadcast %add3A_573 : f32 to vector<16xf32>
      %add3A_575 = arith.addf %add3A_574, %mul3A_572 : vector<16xf32>
      %div3A_576 = arith.divf %broadcast_in_dim3A_157, %add3A_575 : vector<16xf32>
      %add3A_577 = arith.constant 5 : i32
      %add3A_578 = arith.addi %mul3A_322, %add3A_577 : i32
      %swap3A_579 = arith.index_cast %add3A_578 : i32 to index
      %swap3A_580 = arith.constant 0 : index
      %swap3A_581 = tpu.vector_load %arg10[%swap3A_579, %swap3A_580] {strides = array<i32>} : memref<80x32xf32, #tpu.memory_space<vmem>>, vector<1x16xf32>,
      %swap3A_582 = vector.shape_cast %swap3A_581 : vector<1x16xf32> to vector<16xf32>
      %swap3A_583 = vector.shape_cast %div3A_576 : vector<16xf32> to vector<1x16xf32>
      tpu.vector_store %arg10[%swap3A_579, %swap3A_580], %swap3A_583 {strides = array<i32>} : memref<80x32xf32, #tpu.memory_space<vmem>>, vector<1x16xf32>,
      %add3A_584 = arith.constant 5 : i32
      %add3A_585 = arith.addi %mul3A_322, %add3A_584 : i32
      %get3A_586 = arith.index_cast %add3A_585 : i32 to index
      %get3A_587 = arith.constant 16 : index
      %get3A_588 = tpu.vector_load %arg10[%get3A_586, %get3A_587] {strides = array<i32>} : memref<80x32xf32, #tpu.memory_space<vmem>>, vector<1x16xf32>,
      %get3A_589 = vector.shape_cast %get3A_588 : vector<1x16xf32> to vector<16xf32>
      %add3A_590 = arith.constant 5 : i32
      %add3A_591 = arith.addi %mul3A_322, %add3A_590 : i32
      %get3A_592 = arith.index_cast %add3A_591 : i32 to index
      %get3A_593 = arith.constant 16 : index
      %get3A_594 = tpu.vector_load %arg14[%get3A_592, %get3A_593] {strides = array<i32>} : memref<80x32xf32, #tpu.memory_space<vmem>>, vector<1x16xf32>,
      %get3A_595 = vector.shape_cast %get3A_594 : vector<1x16xf32> to vector<16xf32>
      %mul3A_596 = arith.mulf %get3A_589, %get3A_595 : vector<16xf32>
      %add3A_597 = arith.constant 1.000000e+00 : f32
      %add3A_598 = vector.broadcast %add3A_597 : f32 to vector<16xf32>
      %add3A_599 = arith.addf %add3A_598, %mul3A_596 : vector<16xf32>
      %div3A_600 = arith.divf %broadcast_in_dim3A_157, %add3A_599 : vector<16xf32>
      %add3A_601 = arith.constant 5 : i32
      %add3A_602 = arith.addi %mul3A_322, %add3A_601 : i32
      %swap3A_603 = arith.index_cast %add3A_602 : i32 to index
      %swap3A_604 = arith.constant 16 : index
      %swap3A_605 = tpu.vector_load %arg10[%swap3A_603, %swap3A_604] {strides = array<i32>} : memref<80x32xf32, #tpu.memory_space<vmem>>, vector<1x16xf32>,
      %swap3A_606 = vector.shape_cast %swap3A_605 : vector<1x16xf32> to vector<16xf32>
      %swap3A_607 = vector.shape_cast %div3A_600 : vector<16xf32> to vector<1x16xf32>
      tpu.vector_store %arg10[%swap3A_603, %swap3A_604], %swap3A_607 {strides = array<i32>} : memref<80x32xf32, #tpu.memory_space<vmem>>, vector<1x16xf32>,
      %add3A_608 = arith.constant 6 : i32
      %add3A_609 = arith.addi %mul3A_322, %add3A_608 : i32
      %get3A_610 = arith.index_cast %add3A_609 : i32 to index
      %get3A_611 = arith.constant 0 : index
      %get3A_612 = tpu.vector_load %arg10[%get3A_610, %get3A_611] {strides = array<i32>} : memref<80x32xf32, #tpu.memory_space<vmem>>, vector<1x16xf32>,
      %get3A_613 = vector.shape_cast %get3A_612 : vector<1x16xf32> to vector<16xf32>
      %add3A_614 = arith.constant 6 : i32
      %add3A_615 = arith.addi %mul3A_322, %add3A_614 : i32
      %get3A_616 = arith.index_cast %add3A_615 : i32 to index
      %get3A_617 = arith.constant 0 : index
      %get3A_618 = tpu.vector_load %arg14[%get3A_616, %get3A_617] {strides = array<i32>} : memref<80x32xf32, #tpu.memory_space<vmem>>, vector<1x16xf32>,
      %get3A_619 = vector.shape_cast %get3A_618 : vector<1x16xf32> to vector<16xf32>
      %mul3A_620 = arith.mulf %get3A_613, %get3A_619 : vector<16xf32>
      %add3A_621 = arith.constant 1.000000e+00 : f32
      %add3A_622 = vector.broadcast %add3A_621 : f32 to vector<16xf32>
      %add3A_623 = arith.addf %add3A_622, %mul3A_620 : vector<16xf32>
      %div3A_624 = arith.divf %broadcast_in_dim3A_157, %add3A_623 : vector<16xf32>
      %add3A_625 = arith.constant 6 : i32
      %add3A_626 = arith.addi %mul3A_322, %add3A_625 : i32
      %swap3A_627 = arith.index_cast %add3A_626 : i32 to index
      %swap3A_628 = arith.constant 0 : index
      %swap3A_629 = tpu.vector_load %arg10[%swap3A_627, %swap3A_628] {strides = array<i32>} : memref<80x32xf32, #tpu.memory_space<vmem>>, vector<1x16xf32>,
      %swap3A_630 = vector.shape_cast %swap3A_629 : vector<1x16xf32> to vector<16xf32>
      %swap3A_631 = vector.shape_cast %div3A_624 : vector<16xf32> to vector<1x16xf32>
      tpu.vector_store %arg10[%swap3A_627, %swap3A_628], %swap3A_631 {strides = array<i32>} : memref<80x32xf32, #tpu.memory_space<vmem>>, vector<1x16xf32>,
      %add3A_632 = arith.constant 6 : i32
      %add3A_633 = arith.addi %mul3A_322, %add3A_632 : i32
      %get3A_634 = arith.index_cast %add3A_633 : i32 to index
      %get3A_635 = arith.constant 16 : index
      %get3A_636 = tpu.vector_load %arg10[%get3A_634, %get3A_635] {strides = array<i32>} : memref<80x32xf32, #tpu.memory_space<vmem>>, vector<1x16xf32>,
      %get3A_637 = vector.shape_cast %get3A_636 : vector<1x16xf32> to vector<16xf32>
      %add3A_638 = arith.constant 6 : i32
      %add3A_639 = arith.addi %mul3A_322, %add3A_638 : i32
      %get3A_640 = arith.index_cast %add3A_639 : i32 to index
      %get3A_641 = arith.constant 16 : index
      %get3A_642 = tpu.vector_load %arg14[%get3A_640, %get3A_641] {strides = array<i32>} : memref<80x32xf32, #tpu.memory_space<vmem>>, vector<1x16xf32>,
      %get3A_643 = vector.shape_cast %get3A_642 : vector<1x16xf32> to vector<16xf32>
      %mul3A_644 = arith.mulf %get3A_637, %get3A_643 : vector<16xf32>
      %add3A_645 = arith.constant 1.000000e+00 : f32
      %add3A_646 = vector.broadcast %add3A_645 : f32 to vector<16xf32>
      %add3A_647 = arith.addf %add3A_646, %mul3A_644 : vector<16xf32>
      %div3A_648 = arith.divf %broadcast_in_dim3A_157, %add3A_647 : vector<16xf32>
      %add3A_649 = arith.constant 6 : i32
      %add3A_650 = arith.addi %mul3A_322, %add3A_649 : i32
      %swap3A_651 = arith.index_cast %add3A_650 : i32 to index
      %swap3A_652 = arith.constant 16 : index
      %swap3A_653 = tpu.vector_load %arg10[%swap3A_651, %swap3A_652] {strides = array<i32>} : memref<80x32xf32, #tpu.memory_space<vmem>>, vector<1x16xf32>,
      %swap3A_654 = vector.shape_cast %swap3A_653 : vector<1x16xf32> to vector<16xf32>
      %swap3A_655 = vector.shape_cast %div3A_648 : vector<16xf32> to vector<1x16xf32>
      tpu.vector_store %arg10[%swap3A_651, %swap3A_652], %swap3A_655 {strides = array<i32>} : memref<80x32xf32, #tpu.memory_space<vmem>>, vector<1x16xf32>,
      %add3A_656 = arith.constant 7 : i32
      %add3A_657 = arith.addi %mul3A_322, %add3A_656 : i32
      %get3A_658 = arith.index_cast %add3A_657 : i32 to index
      %get3A_659 = arith.constant 0 : index
      %get3A_660 = tpu.vector_load %arg10[%get3A_658, %get3A_659] {strides = array<i32>} : memref<80x32xf32, #tpu.memory_space<vmem>>, vector<1x16xf32>,
      %get3A_661 = vector.shape_cast %get3A_660 : vector<1x16xf32> to vector<16xf32>
      %add3A_662 = arith.constant 7 : i32
      %add3A_663 = arith.addi %mul3A_322, %add3A_662 : i32
      %get3A_664 = arith.index_cast %add3A_663 : i32 to index
      %get3A_665 = arith.constant 0 : index
      %get3A_666 = tpu.vector_load %arg14[%get3A_664, %get3A_665] {strides = array<i32>} : memref<80x32xf32, #tpu.memory_space<vmem>>, vector<1x16xf32>,
      %get3A_667 = vector.shape_cast %get3A_666 : vector<1x16xf32> to vector<16xf32>
      %mul3A_668 = arith.mulf %get3A_661, %get3A_667 : vector<16xf32>
      %add3A_669 = arith.constant 1.000000e+00 : f32
      %add3A_670 = vector.broadcast %add3A_669 : f32 to vector<16xf32>
      %add3A_671 = arith.addf %add3A_670, %mul3A_668 : vector<16xf32>
      %div3A_672 = arith.divf %broadcast_in_dim3A_157, %add3A_671 : vector<16xf32>
      %add3A_673 = arith.constant 7 : i32
      %add3A_674 = arith.addi %mul3A_322, %add3A_673 : i32
      %swap3A_675 = arith.index_cast %add3A_674 : i32 to index
      %swap3A_676 = arith.constant 0 : index
      %swap3A_677 = tpu.vector_load %arg10[%swap3A_675, %swap3A_676] {strides = array<i32>} : memref<80x32xf32, #tpu.memory_space<vmem>>, vector<1x16xf32>,
      %swap3A_678 = vector.shape_cast %swap3A_677 : vector<1x16xf32> to vector<16xf32>
      %swap3A_679 = vector.shape_cast %div3A_672 : vector<16xf32> to vector<1x16xf32>
      tpu.vector_store %arg10[%swap3A_675, %swap3A_676], %swap3A_679 {strides = array<i32>} : memref<80x32xf32, #tpu.memory_space<vmem>>, vector<1x16xf32>,
      %add3A_680 = arith.constant 7 : i32
      %add3A_681 = arith.addi %mul3A_322, %add3A_680 : i32
      %get3A_682 = arith.index_cast %add3A_681 : i32 to index
      %get3A_683 = arith.constant 16 : index
      %get3A_684 = tpu.vector_load %arg10[%get3A_682, %get3A_683] {strides = array<i32>} : memref<80x32xf32, #tpu.memory_space<vmem>>, vector<1x16xf32>,
      %get3A_685 = vector.shape_cast %get3A_684 : vector<1x16xf32> to vector<16xf32>
      %add3A_686 = arith.constant 7 : i32
      %add3A_687 = arith.addi %mul3A_322, %add3A_686 : i32
      %get3A_688 = arith.index_cast %add3A_687 : i32 to index
      %get3A_689 = arith.constant 16 : index
      %get3A_690 = tpu.vector_load %arg14[%get3A_688, %get3A_689] {strides = array<i32>} : memref<80x32xf32, #tpu.memory_space<vmem>>, vector<1x16xf32>,
      %get3A_691 = vector.shape_cast %get3A_690 : vector<1x16xf32> to vector<16xf32>
      %mul3A_692 = arith.mulf %get3A_685, %get3A_691 : vector<16xf32>
      %add3A_693 = arith.constant 1.000000e+00 : f32
      %add3A_694 = vector.broadcast %add3A_693 : f32 to vector<16xf32>
      %add3A_695 = arith.addf %add3A_694, %mul3A_692 : vector<16xf32>
      %div3A_696 = arith.divf %broadcast_in_dim3A_157, %add3A_695 : vector<16xf32>
      %add3A_697 = arith.constant 7 : i32
      %add3A_698 = arith.addi %mul3A_322, %add3A_697 : i32
      %swap3A_699 = arith.index_cast %add3A_698 : i32 to index
      %swap3A_700 = arith.constant 16 : index
      %swap3A_701 = tpu.vector_load %arg10[%swap3A_699, %swap3A_700] {strides = array<i32>} : memref<80x32xf32, #tpu.memory_space<vmem>>, vector<1x16xf32>,
      %swap3A_702 = vector.shape_cast %swap3A_701 : vector<1x16xf32> to vector<16xf32>
      %swap3A_703 = vector.shape_cast %div3A_696 : vector<16xf32> to vector<1x16xf32>
      tpu.vector_store %arg10[%swap3A_699, %swap3A_700], %swap3A_703 {strides = array<i32>} : memref<80x32xf32, #tpu.memory_space<vmem>>, vector<1x16xf32>,
    }
    %scan3A_163 = arith.constant 10 : i32
    %dma_start3A_164 = arith.constant 1 : i32
    %dma_start3A_165 = arith.constant 0 : i32
    %dma_start3A_166 = tpu.memref_slice %arg7[%dma_start3A_164, %dma_start3A_165] : memref<125x80xi32, #tpu.memory_space<vmem>> -> memref<1x80xi32, #tpu.memory_space<vmem>>
    %dma_start3A_167 = tpu.memref_squeeze %dma_start3A_166 : memref<1x80xi32, #tpu.memory_space<vmem>> -> memref<80xi32, #tpu.memory_space<vmem>>
    %dma_start3A_168 = arith.constant 0 : i32
    %dma_start3A_169 = arith.constant 0 : i32
    %dma_start3A_170 = tpu.memref_slice %arg20[%dma_start3A_168, %dma_start3A_169] : memref<10240x32xf32, #tpu.memory_space<vmem_shared>> -> memref<10240x32xf32, #tpu.memory_space<vmem_shared>>
    tpu.enqueue_indirect_dma source(%arg10 : memref<80x32xf32, #tpu.memory_space<vmem>>) target(%dma_start3A_170 : memref<10240x32xf32, #tpu.memory_space<vmem_shared>>) offsets(%dma_start3A_167 : memref<80xi32, #tpu.memory_space<vmem>>) semaphore(%arg30 : memref<!tpu.dma_semaphore, #tpu.memory_space<semaphore_mem>>) {add = true}
    %scan3A_171 = arith.constant 0 : i32
    %scan3A_172 = arith.constant 0 : i32
    %scan3A_173 = arith.constant 30 : i32
    %scan3A_174 = arith.addi %scan3A_172, %scan3A_173 : i32
    %scan3A_175 = arith.constant 1 : i32
    scf.for %scan3A_320 = %scan3A_172 to %scan3A_174 step %scan3A_175  : i32 {
      %mul3A_321 = arith.constant 4 : i32
      %mul3A_322 = arith.muli %mul3A_321, %scan3A_320 : i32
      %add3A_323 = arith.constant 2 : i32
      %add3A_324 = arith.addi %add3A_323, %mul3A_322 : i32
      %add3A_325 = arith.constant 0 : i32
      %add3A_326 = arith.addi %add3A_324, %add3A_325 : i32
      %sub3A_327 = arith.constant 2 : i32
      %sub3A_328 = arith.subi %add3A_326, %sub3A_327 : i32
      %dma_wait3A_329 = arith.constant 0 : i32
      %dma_wait3A_330 = tpu.memref_slice %arg7[%sub3A_328, %dma_wait3A_329] : memref<125x80xi32, #tpu.memory_space<vmem>> -> memref<1x80xi32, #tpu.memory_space<vmem>>
      %dma_wait3A_331 = tpu.memref_squeeze %dma_wait3A_330 : memref<1x80xi32, #tpu.memory_space<vmem>> -> memref<80xi32, #tpu.memory_space<vmem>>
      %dma_wait3A_332 = arith.constant 0 : i32
      %dma_wait3A_333 = arith.constant 0 : i32
      %dma_wait3A_334 = tpu.memref_slice %arg20[%dma_wait3A_332, %dma_wait3A_333] : memref<10240x32xf32, #tpu.memory_space<vmem_shared>> -> memref<10240x32xf32, #tpu.memory_space<vmem_shared>>
      tpu.wait_indirect_dma semaphore(%arg29 : memref<!tpu.dma_semaphore, #tpu.memory_space<semaphore_mem>>) src(%arg9 : memref<80x32xf32, #tpu.memory_space<vmem>>) dst(%dma_wait3A_334 : memref<10240x32xf32, #tpu.memory_space<vmem_shared>>)
      %add3A_335 = arith.constant 2 : i32
      %add3A_336 = arith.addi %add3A_326, %add3A_335 : i32
      %dma_start3A_337 = arith.constant 0 : i32
      %dma_start3A_338 = tpu.memref_slice %arg7[%add3A_336, %dma_start3A_337] : memref<125x80xi32, #tpu.memory_space<vmem>> -> memref<1x80xi32, #tpu.memory_space<vmem>>
      %dma_start3A_339 = tpu.memref_squeeze %dma_start3A_338 : memref<1x80xi32, #tpu.memory_space<vmem>> -> memref<80xi32, #tpu.memory_space<vmem>>
      %dma_start3A_340 = arith.constant 0 : i32
      %dma_start3A_341 = arith.constant 0 : i32
      %dma_start3A_342 = tpu.memref_slice %arg18[%dma_start3A_340, %dma_start3A_341] : memref<10240x32xf32, #tpu.memory_space<vmem_shared>> -> memref<10240x32xf32, #tpu.memory_space<vmem_shared>>
      tpu.enqueue_indirect_dma source(%dma_start3A_342 : memref<10240x32xf32, #tpu.memory_space<vmem_shared>>) target(%arg9 : memref<80x32xf32, #tpu.memory_space<vmem>>) offsets(%dma_start3A_339 : memref<80xi32, #tpu.memory_space<vmem>>) semaphore(%arg21 : memref<!tpu.dma_semaphore, #tpu.memory_space<semaphore_mem>>)
      %dma_start3A_343 = arith.constant 0 : i32
      %dma_start3A_344 = tpu.memref_slice %arg8[%add3A_336, %dma_start3A_343] : memref<125x80xi32, #tpu.memory_space<vmem>> -> memref<1x80xi32, #tpu.memory_space<vmem>>
      %dma_start3A_345 = tpu.memref_squeeze %dma_start3A_344 : memref<1x80xi32, #tpu.memory_space<vmem>> -> memref<80xi32, #tpu.memory_space<vmem>>
      %dma_start3A_346 = arith.constant 0 : i32
      %dma_start3A_347 = arith.constant 0 : i32
      %dma_start3A_348 = tpu.memref_slice %arg19[%dma_start3A_346, %dma_start3A_347] : memref<10240x32xf32, #tpu.memory_space<vmem_shared>> -> memref<10240x32xf32, #tpu.memory_space<vmem_shared>>
      tpu.enqueue_indirect_dma source(%dma_start3A_348 : memref<10240x32xf32, #tpu.memory_space<vmem_shared>>) target(%arg13 : memref<80x32xf32, #tpu.memory_space<vmem>>) offsets(%dma_start3A_345 : memref<80xi32, #tpu.memory_space<vmem>>) semaphore(%arg25 : memref<!tpu.dma_semaphore, #tpu.memory_space<semaphore_mem>>)
      %dma_wait3A_349 = arith.constant 0 : i32
      %dma_wait3A_350 = tpu.memref_slice %arg7[%add3A_326, %dma_wait3A_349] : memref<125x80xi32, #tpu.memory_space<vmem>> -> memref<1x80xi32, #tpu.memory_space<vmem>>
      %dma_wait3A_351 = tpu.memref_squeeze %dma_wait3A_350 : memref<1x80xi32, #tpu.memory_space<vmem>> -> memref<80xi32, #tpu.memory_space<vmem>>
      %dma_wait3A_352 = arith.constant 0 : i32
      %dma_wait3A_353 = arith.constant 0 : i32
      %dma_wait3A_354 = tpu.memref_slice %arg18[%dma_wait3A_352, %dma_wait3A_353] : memref<10240x32xf32, #tpu.memory_space<vmem_shared>> -> memref<10240x32xf32, #tpu.memory_space<vmem_shared>>
      tpu.wait_indirect_dma semaphore(%arg23 : memref<!tpu.dma_semaphore, #tpu.memory_space<semaphore_mem>>) src(%dma_wait3A_354 : memref<10240x32xf32, #tpu.memory_space<vmem_shared>>) dst(%arg11 : memref<80x32xf32, #tpu.memory_space<vmem>>)
      %dma_wait3A_355 = arith.constant 0 : i32
      %dma_wait3A_356 = tpu.memref_slice %arg8[%add3A_326, %dma_wait3A_355] : memref<125x80xi32, #tpu.memory_space<vmem>> -> memref<1x80xi32, #tpu.memory_space<vmem>>
      %dma_wait3A_357 = tpu.memref_squeeze %dma_wait3A_356 : memref<1x80xi32, #tpu.memory_space<vmem>> -> memref<80xi32, #tpu.memory_space<vmem>>
      %dma_wait3A_358 = arith.constant 0 : i32
      %dma_wait3A_359 = arith.constant 0 : i32
      %dma_wait3A_360 = tpu.memref_slice %arg19[%dma_wait3A_358, %dma_wait3A_359] : memref<10240x32xf32, #tpu.memory_space<vmem_shared>> -> memref<10240x32xf32, #tpu.memory_space<vmem_shared>>
      tpu.wait_indirect_dma semaphore(%arg27 : memref<!tpu.dma_semaphore, #tpu.memory_space<semaphore_mem>>) src(%dma_wait3A_360 : memref<10240x32xf32, #tpu.memory_space<vmem_shared>>) dst(%arg15 : memref<80x32xf32, #tpu.memory_space<vmem>>)
      %broadcast_in_dim3A_361 = arith.constant 1.000000e+00 : f32
      %broadcast_in_dim3A_362 = vector.broadcast %broadcast_in_dim3A_361 : f32 to vector<16xf32>
      %scan3A_363 = arith.constant 0 : i32
      %scan3A_364 = arith.constant 0 : i32
      %scan3A_365 = arith.constant 10 : i32
      %scan3A_366 = arith.addi %scan3A_364, %scan3A_365 : i32
      %scan3A_367 = arith.constant 1 : i32
      scf.for %scan3A_525 = %scan3A_364 to %scan3A_366 step %scan3A_367  : i32 {
        %mul3A_526 = arith.constant 8 : i32
        %mul3A_527 = arith.muli %scan3A_525, %mul3A_526 : i32
        %add3A_528 = arith.constant 0 : i32
        %add3A_529 = arith.addi %mul3A_527, %add3A_528 : i32
        %get3A = arith.index_cast %add3A_529 : i32 to index
        %get3A_530 = arith.constant 0 : index
        %get3A_531 = tpu.vector_load %arg11[%get3A, %get3A_530] {strides = array<i32>} : memref<80x32xf32, #tpu.memory_space<vmem>>, vector<1x16xf32>,
        %get3A_532 = vector.shape_cast %get3A_531 : vector<1x16xf32> to vector<16xf32>
        %add3A_533 = arith.constant 0 : i32
        %add3A_534 = arith.addi %mul3A_527, %add3A_533 : i32
        %get3A_535 = arith.index_cast %add3A_534 : i32 to index
        %get3A_536 = arith.constant 0 : index
        %get3A_537 = tpu.vector_load %arg15[%get3A_535, %get3A_536] {strides = array<i32>} : memref<80x32xf32, #tpu.memory_space<vmem>>, vector<1x16xf32>,
        %get3A_538 = vector.shape_cast %get3A_537 : vector<1x16xf32> to vector<16xf32>
        %mul3A_539 = arith.mulf %get3A_532, %get3A_538 : vector<16xf32>
        %add3A_540 = arith.constant 1.000000e+00 : f32
        %add3A_541 = vector.broadcast %add3A_540 : f32 to vector<16xf32>
        %add3A_542 = arith.addf %add3A_541, %mul3A_539 : vector<16xf32>
        %div3A = arith.divf %broadcast_in_dim3A_362, %add3A_542 : vector<16xf32>
        %add3A_543 = arith.constant 0 : i32
        %add3A_544 = arith.addi %mul3A_527, %add3A_543 : i32
        %swap3A = arith.index_cast %add3A_544 : i32 to index
        %swap3A_545 = arith.constant 0 : index
        %swap3A_546 = tpu.vector_load %arg11[%swap3A, %swap3A_545] {strides = array<i32>} : memref<80x32xf32, #tpu.memory_space<vmem>>, vector<1x16xf32>,
        %swap3A_547 = vector.shape_cast %swap3A_546 : vector<1x16xf32> to vector<16xf32>
        %swap3A_548 = vector.shape_cast %div3A : vector<16xf32> to vector<1x16xf32>
        tpu.vector_store %arg11[%swap3A, %swap3A_545], %swap3A_548 {strides = array<i32>} : memref<80x32xf32, #tpu.memory_space<vmem>>, vector<1x16xf32>,
        %add3A_549 = arith.constant 0 : i32
        %add3A_550 = arith.addi %mul3A_527, %add3A_549 : i32
        %get3A_551 = arith.index_cast %add3A_550 : i32 to index
        %get3A_552 = arith.constant 16 : index
        %get3A_553 = tpu.vector_load %arg11[%get3A_551, %get3A_552] {strides = array<i32>} : memref<80x32xf32, #tpu.memory_space<vmem>>, vector<1x16xf32>,
        %get3A_554 = vector.shape_cast %get3A_553 : vector<1x16xf32> to vector<16xf32>
        %add3A_555 = arith.constant 0 : i32
        %add3A_556 = arith.addi %mul3A_527, %add3A_555 : i32
        %get3A_557 = arith.index_cast %add3A_556 : i32 to index
        %get3A_558 = arith.constant 16 : index
        %get3A_559 = tpu.vector_load %arg15[%get3A_557, %get3A_558] {strides = array<i32>} : memref<80x32xf32, #tpu.memory_space<vmem>>, vector<1x16xf32>,
        %get3A_560 = vector.shape_cast %get3A_559 : vector<1x16xf32> to vector<16xf32>
        %mul3A_561 = arith.mulf %get3A_554, %get3A_560 : vector<16xf32>
        %add3A_562 = arith.constant 1.000000e+00 : f32
        %add3A_563 = vector.broadcast %add3A_562 : f32 to vector<16xf32>
        %add3A_564 = arith.addf %add3A_563, %mul3A_561 : vector<16xf32>
        %div3A_565 = arith.divf %broadcast_in_dim3A_362, %add3A_564 : vector<16xf32>
        %add3A_566 = arith.constant 0 : i32
        %add3A_567 = arith.addi %mul3A_527, %add3A_566 : i32
        %swap3A_568 = arith.index_cast %add3A_567 : i32 to index
        %swap3A_569 = arith.constant 16 : index
        %swap3A_570 = tpu.vector_load %arg11[%swap3A_568, %swap3A_569] {strides = array<i32>} : memref<80x32xf32, #tpu.memory_space<vmem>>, vector<1x16xf32>,
        %swap3A_571 = vector.shape_cast %swap3A_570 : vector<1x16xf32> to vector<16xf32>
        %swap3A_572 = vector.shape_cast %div3A_565 : vector<16xf32> to vector<1x16xf32>
        tpu.vector_store %arg11[%swap3A_568, %swap3A_569], %swap3A_572 {strides = array<i32>} : memref<80x32xf32, #tpu.memory_space<vmem>>, vector<1x16xf32>,
        %add3A_573 = arith.constant 1 : i32
        %add3A_574 = arith.addi %mul3A_527, %add3A_573 : i32
        %get3A_575 = arith.index_cast %add3A_574 : i32 to index
        %get3A_576 = arith.constant 0 : index
        %get3A_577 = tpu.vector_load %arg11[%get3A_575, %get3A_576] {strides = array<i32>} : memref<80x32xf32, #tpu.memory_space<vmem>>, vector<1x16xf32>,
        %get3A_578 = vector.shape_cast %get3A_577 : vector<1x16xf32> to vector<16xf32>
        %add3A_579 = arith.constant 1 : i32
        %add3A_580 = arith.addi %mul3A_527, %add3A_579 : i32
        %get3A_581 = arith.index_cast %add3A_580 : i32 to index
        %get3A_582 = arith.constant 0 : index
        %get3A_583 = tpu.vector_load %arg15[%get3A_581, %get3A_582] {strides = array<i32>} : memref<80x32xf32, #tpu.memory_space<vmem>>, vector<1x16xf32>,
        %get3A_584 = vector.shape_cast %get3A_583 : vector<1x16xf32> to vector<16xf32>
        %mul3A_585 = arith.mulf %get3A_578, %get3A_584 : vector<16xf32>
        %add3A_586 = arith.constant 1.000000e+00 : f32
        %add3A_587 = vector.broadcast %add3A_586 : f32 to vector<16xf32>
        %add3A_588 = arith.addf %add3A_587, %mul3A_585 : vector<16xf32>
        %div3A_589 = arith.divf %broadcast_in_dim3A_362, %add3A_588 : vector<16xf32>
        %add3A_590 = arith.constant 1 : i32
        %add3A_591 = arith.addi %mul3A_527, %add3A_590 : i32
        %swap3A_592 = arith.index_cast %add3A_591 : i32 to index
        %swap3A_593 = arith.constant 0 : index
        %swap3A_594 = tpu.vector_load %arg11[%swap3A_592, %swap3A_593] {strides = array<i32>} : memref<80x32xf32, #tpu.memory_space<vmem>>, vector<1x16xf32>,
        %swap3A_595 = vector.shape_cast %swap3A_594 : vector<1x16xf32> to vector<16xf32>
        %swap3A_596 = vector.shape_cast %div3A_589 : vector<16xf32> to vector<1x16xf32>
        tpu.vector_store %arg11[%swap3A_592, %swap3A_593], %swap3A_596 {strides = array<i32>} : memref<80x32xf32, #tpu.memory_space<vmem>>, vector<1x16xf32>,
        %add3A_597 = arith.constant 1 : i32
        %add3A_598 = arith.addi %mul3A_527, %add3A_597 : i32
        %get3A_599 = arith.index_cast %add3A_598 : i32 to index
        %get3A_600 = arith.constant 16 : index
        %get3A_601 = tpu.vector_load %arg11[%get3A_599, %get3A_600] {strides = array<i32>} : memref<80x32xf32, #tpu.memory_space<vmem>>, vector<1x16xf32>,
        %get3A_602 = vector.shape_cast %get3A_601 : vector<1x16xf32> to vector<16xf32>
        %add3A_603 = arith.constant 1 : i32
        %add3A_604 = arith.addi %mul3A_527, %add3A_603 : i32
        %get3A_605 = arith.index_cast %add3A_604 : i32 to index
        %get3A_606 = arith.constant 16 : index
        %get3A_607 = tpu.vector_load %arg15[%get3A_605, %get3A_606] {strides = array<i32>} : memref<80x32xf32, #tpu.memory_space<vmem>>, vector<1x16xf32>,
        %get3A_608 = vector.shape_cast %get3A_607 : vector<1x16xf32> to vector<16xf32>
        %mul3A_609 = arith.mulf %get3A_602, %get3A_608 : vector<16xf32>
        %add3A_610 = arith.constant 1.000000e+00 : f32
        %add3A_611 = vector.broadcast %add3A_610 : f32 to vector<16xf32>
        %add3A_612 = arith.addf %add3A_611, %mul3A_609 : vector<16xf32>
        %div3A_613 = arith.divf %broadcast_in_dim3A_362, %add3A_612 : vector<16xf32>
        %add3A_614 = arith.constant 1 : i32
        %add3A_615 = arith.addi %mul3A_527, %add3A_614 : i32
        %swap3A_616 = arith.index_cast %add3A_615 : i32 to index
        %swap3A_617 = arith.constant 16 : index
        %swap3A_618 = tpu.vector_load %arg11[%swap3A_616, %swap3A_617] {strides = array<i32>} : memref<80x32xf32, #tpu.memory_space<vmem>>, vector<1x16xf32>,
        %swap3A_619 = vector.shape_cast %swap3A_618 : vector<1x16xf32> to vector<16xf32>
        %swap3A_620 = vector.shape_cast %div3A_613 : vector<16xf32> to vector<1x16xf32>
        tpu.vector_store %arg11[%swap3A_616, %swap3A_617], %swap3A_620 {strides = array<i32>} : memref<80x32xf32, #tpu.memory_space<vmem>>, vector<1x16xf32>,
        %add3A_621 = arith.constant 2 : i32
        %add3A_622 = arith.addi %mul3A_527, %add3A_621 : i32
        %get3A_623 = arith.index_cast %add3A_622 : i32 to index
        %get3A_624 = arith.constant 0 : index
        %get3A_625 = tpu.vector_load %arg11[%get3A_623, %get3A_624] {strides = array<i32>} : memref<80x32xf32, #tpu.memory_space<vmem>>, vector<1x16xf32>,
        %get3A_626 = vector.shape_cast %get3A_625 : vector<1x16xf32> to vector<16xf32>
        %add3A_627 = arith.constant 2 : i32
        %add3A_628 = arith.addi %mul3A_527, %add3A_627 : i32
        %get3A_629 = arith.index_cast %add3A_628 : i32 to index
        %get3A_630 = arith.constant 0 : index
        %get3A_631 = tpu.vector_load %arg15[%get3A_629, %get3A_630] {strides = array<i32>} : memref<80x32xf32, #tpu.memory_space<vmem>>, vector<1x16xf32>,
        %get3A_632 = vector.shape_cast %get3A_631 : vector<1x16xf32> to vector<16xf32>
        %mul3A_633 = arith.mulf %get3A_626, %get3A_632 : vector<16xf32>
        %add3A_634 = arith.constant 1.000000e+00 : f32
        %add3A_635 = vector.broadcast %add3A_634 : f32 to vector<16xf32>
        %add3A_636 = arith.addf %add3A_635, %mul3A_633 : vector<16xf32>
        %div3A_637 = arith.divf %broadcast_in_dim3A_362, %add3A_636 : vector<16xf32>
        %add3A_638 = arith.constant 2 : i32
        %add3A_639 = arith.addi %mul3A_527, %add3A_638 : i32
        %swap3A_640 = arith.index_cast %add3A_639 : i32 to index
        %swap3A_641 = arith.constant 0 : index
        %swap3A_642 = tpu.vector_load %arg11[%swap3A_640, %swap3A_641] {strides = array<i32>} : memref<80x32xf32, #tpu.memory_space<vmem>>, vector<1x16xf32>,
        %swap3A_643 = vector.shape_cast %swap3A_642 : vector<1x16xf32> to vector<16xf32>
        %swap3A_644 = vector.shape_cast %div3A_637 : vector<16xf32> to vector<1x16xf32>
        tpu.vector_store %arg11[%swap3A_640, %swap3A_641], %swap3A_644 {strides = array<i32>} : memref<80x32xf32, #tpu.memory_space<vmem>>, vector<1x16xf32>,
        %add3A_645 = arith.constant 2 : i32
        %add3A_646 = arith.addi %mul3A_527, %add3A_645 : i32
        %get3A_647 = arith.index_cast %add3A_646 : i32 to index
        %get3A_648 = arith.constant 16 : index
        %get3A_649 = tpu.vector_load %arg11[%get3A_647, %get3A_648] {strides = array<i32>} : memref<80x32xf32, #tpu.memory_space<vmem>>, vector<1x16xf32>,
        %get3A_650 = vector.shape_cast %get3A_649 : vector<1x16xf32> to vector<16xf32>
        %add3A_651 = arith.constant 2 : i32
        %add3A_652 = arith.addi %mul3A_527, %add3A_651 : i32
        %get3A_653 = arith.index_cast %add3A_652 : i32 to index
        %get3A_654 = arith.constant 16 : index
        %get3A_655 = tpu.vector_load %arg15[%get3A_653, %get3A_654] {strides = array<i32>} : memref<80x32xf32, #tpu.memory_space<vmem>>, vector<1x16xf32>,
        %get3A_656 = vector.shape_cast %get3A_655 : vector<1x16xf32> to vector<16xf32>
        %mul3A_657 = arith.mulf %get3A_650, %get3A_656 : vector<16xf32>
        %add3A_658 = arith.constant 1.000000e+00 : f32
        %add3A_659 = vector.broadcast %add3A_658 : f32 to vector<16xf32>
        %add3A_660 = arith.addf %add3A_659, %mul3A_657 : vector<16xf32>
        %div3A_661 = arith.divf %broadcast_in_dim3A_362, %add3A_660 : vector<16xf32>
        %add3A_662 = arith.constant 2 : i32
        %add3A_663 = arith.addi %mul3A_527, %add3A_662 : i32
        %swap3A_664 = arith.index_cast %add3A_663 : i32 to index
        %swap3A_665 = arith.constant 16 : index
        %swap3A_666 = tpu.vector_load %arg11[%swap3A_664, %swap3A_665] {strides = array<i32>} : memref<80x32xf32, #tpu.memory_space<vmem>>, vector<1x16xf32>,
        %swap3A_667 = vector.shape_cast %swap3A_666 : vector<1x16xf32> to vector<16xf32>
        %swap3A_668 = vector.shape_cast %div3A_661 : vector<16xf32> to vector<1x16xf32>
        tpu.vector_store %arg11[%swap3A_664, %swap3A_665], %swap3A_668 {strides = array<i32>} : memref<80x32xf32, #tpu.memory_space<vmem>>, vector<1x16xf32>,
        %add3A_669 = arith.constant 3 : i32
        %add3A_670 = arith.addi %mul3A_527, %add3A_669 : i32
        %get3A_671 = arith.index_cast %add3A_670 : i32 to index
        %get3A_672 = arith.constant 0 : index
        %get3A_673 = tpu.vector_load %arg11[%get3A_671, %get3A_672] {strides = array<i32>} : memref<80x32xf32, #tpu.memory_space<vmem>>, vector<1x16xf32>,
        %get3A_674 = vector.shape_cast %get3A_673 : vector<1x16xf32> to vector<16xf32>
        %add3A_675 = arith.constant 3 : i32
        %add3A_676 = arith.addi %mul3A_527, %add3A_675 : i32
        %get3A_677 = arith.index_cast %add3A_676 : i32 to index
        %get3A_678 = arith.constant 0 : index
        %get3A_679 = tpu.vector_load %arg15[%get3A_677, %get3A_678] {strides = array<i32>} : memref<80x32xf32, #tpu.memory_space<vmem>>, vector<1x16xf32>,
        %get3A_680 = vector.shape_cast %get3A_679 : vector<1x16xf32> to vector<16xf32>
        %mul3A_681 = arith.mulf %get3A_674, %get3A_680 : vector<16xf32>
        %add3A_682 = arith.constant 1.000000e+00 : f32
        %add3A_683 = vector.broadcast %add3A_682 : f32 to vector<16xf32>
        %add3A_684 = arith.addf %add3A_683, %mul3A_681 : vector<16xf32>
        %div3A_685 = arith.divf %broadcast_in_dim3A_362, %add3A_684 : vector<16xf32>
        %add3A_686 = arith.constant 3 : i32
        %add3A_687 = arith.addi %mul3A_527, %add3A_686 : i32
        %swap3A_688 = arith.index_cast %add3A_687 : i32 to index
        %swap3A_689 = arith.constant 0 : index
        %swap3A_690 = tpu.vector_load %arg11[%swap3A_688, %swap3A_689] {strides = array<i32>} : memref<80x32xf32, #tpu.memory_space<vmem>>, vector<1x16xf32>,
        %swap3A_691 = vector.shape_cast %swap3A_690 : vector<1x16xf32> to vector<16xf32>
        %swap3A_692 = vector.shape_cast %div3A_685 : vector<16xf32> to vector<1x16xf32>
        tpu.vector_store %arg11[%swap3A_688, %swap3A_689], %swap3A_692 {strides = array<i32>} : memref<80x32xf32, #tpu.memory_space<vmem>>, vector<1x16xf32>,
        %add3A_693 = arith.constant 3 : i32
        %add3A_694 = arith.addi %mul3A_527, %add3A_693 : i32
        %get3A_695 = arith.index_cast %add3A_694 : i32 to index
        %get3A_696 = arith.constant 16 : index
        %get3A_697 = tpu.vector_load %arg11[%get3A_695, %get3A_696] {strides = array<i32>} : memref<80x32xf32, #tpu.memory_space<vmem>>, vector<1x16xf32>,
        %get3A_698 = vector.shape_cast %get3A_697 : vector<1x16xf32> to vector<16xf32>
        %add3A_699 = arith.constant 3 : i32
        %add3A_700 = arith.addi %mul3A_527, %add3A_699 : i32
        %get3A_701 = arith.index_cast %add3A_700 : i32 to index
        %get3A_702 = arith.constant 16 : index
        %get3A_703 = tpu.vector_load %arg15[%get3A_701, %get3A_702] {strides = array<i32>} : memref<80x32xf32, #tpu.memory_space<vmem>>, vector<1x16xf32>,
        %get3A_704 = vector.shape_cast %get3A_703 : vector<1x16xf32> to vector<16xf32>
        %mul3A_705 = arith.mulf %get3A_698, %get3A_704 : vector<16xf32>
        %add3A_706 = arith.constant 1.000000e+00 : f32
        %add3A_707 = vector.broadcast %add3A_706 : f32 to vector<16xf32>
        %add3A_708 = arith.addf %add3A_707, %mul3A_705 : vector<16xf32>
        %div3A_709 = arith.divf %broadcast_in_dim3A_362, %add3A_708 : vector<16xf32>
        %add3A_710 = arith.constant 3 : i32
        %add3A_711 = arith.addi %mul3A_527, %add3A_710 : i32
        %swap3A_712 = arith.index_cast %add3A_711 : i32 to index
        %swap3A_713 = arith.constant 16 : index
        %swap3A_714 = tpu.vector_load %arg11[%swap3A_712, %swap3A_713] {strides = array<i32>} : memref<80x32xf32, #tpu.memory_space<vmem>>, vector<1x16xf32>,
        %swap3A_715 = vector.shape_cast %swap3A_714 : vector<1x16xf32> to vector<16xf32>
        %swap3A_716 = vector.shape_cast %div3A_709 : vector<16xf32> to vector<1x16xf32>
        tpu.vector_store %arg11[%swap3A_712, %swap3A_713], %swap3A_716 {strides = array<i32>} : memref<80x32xf32, #tpu.memory_space<vmem>>, vector<1x16xf32>,
        %add3A_717 = arith.constant 4 : i32
        %add3A_718 = arith.addi %mul3A_527, %add3A_717 : i32
        %get3A_719 = arith.index_cast %add3A_718 : i32 to index
        %get3A_720 = arith.constant 0 : index
        %get3A_721 = tpu.vector_load %arg11[%get3A_719, %get3A_720] {strides = array<i32>} : memref<80x32xf32, #tpu.memory_space<vmem>>, vector<1x16xf32>,
        %get3A_722 = vector.shape_cast %get3A_721 : vector<1x16xf32> to vector<16xf32>
        %add3A_723 = arith.constant 4 : i32
        %add3A_724 = arith.addi %mul3A_527, %add3A_723 : i32
        %get3A_725 = arith.index_cast %add3A_724 : i32 to index
        %get3A_726 = arith.constant 0 : index
        %get3A_727 = tpu.vector_load %arg15[%get3A_725, %get3A_726] {strides = array<i32>} : memref<80x32xf32, #tpu.memory_space<vmem>>, vector<1x16xf32>,
        %get3A_728 = vector.shape_cast %get3A_727 : vector<1x16xf32> to vector<16xf32>
        %mul3A_729 = arith.mulf %get3A_722, %get3A_728 : vector<16xf32>
        %add3A_730 = arith.constant 1.000000e+00 : f32
        %add3A_731 = vector.broadcast %add3A_730 : f32 to vector<16xf32>
        %add3A_732 = arith.addf %add3A_731, %mul3A_729 : vector<16xf32>
        %div3A_733 = arith.divf %broadcast_in_dim3A_362, %add3A_732 : vector<16xf32>
        %add3A_734 = arith.constant 4 : i32
        %add3A_735 = arith.addi %mul3A_527, %add3A_734 : i32
        %swap3A_736 = arith.index_cast %add3A_735 : i32 to index
        %swap3A_737 = arith.constant 0 : index
        %swap3A_738 = tpu.vector_load %arg11[%swap3A_736, %swap3A_737] {strides = array<i32>} : memref<80x32xf32, #tpu.memory_space<vmem>>, vector<1x16xf32>,
        %swap3A_739 = vector.shape_cast %swap3A_738 : vector<1x16xf32> to vector<16xf32>
        %swap3A_740 = vector.shape_cast %div3A_733 : vector<16xf32> to vector<1x16xf32>
        tpu.vector_store %arg11[%swap3A_736, %swap3A_737], %swap3A_740 {strides = array<i32>} : memref<80x32xf32, #tpu.memory_space<vmem>>, vector<1x16xf32>,
        %add3A_741 = arith.constant 4 : i32
        %add3A_742 = arith.addi %mul3A_527, %add3A_741 : i32
        %get3A_743 = arith.index_cast %add3A_742 : i32 to index
        %get3A_744 = arith.constant 16 : index
        %get3A_745 = tpu.vector_load %arg11[%get3A_743, %get3A_744] {strides = array<i32>} : memref<80x32xf32, #tpu.memory_space<vmem>>, vector<1x16xf32>,
        %get3A_746 = vector.shape_cast %get3A_745 : vector<1x16xf32> to vector<16xf32>
        %add3A_747 = arith.constant 4 : i32
        %add3A_748 = arith.addi %mul3A_527, %add3A_747 : i32
        %get3A_749 = arith.index_cast %add3A_748 : i32 to index
        %get3A_750 = arith.constant 16 : index
        %get3A_751 = tpu.vector_load %arg15[%get3A_749, %get3A_750] {strides = array<i32>} : memref<80x32xf32, #tpu.memory_space<vmem>>, vector<1x16xf32>,
        %get3A_752 = vector.shape_cast %get3A_751 : vector<1x16xf32> to vector<16xf32>
        %mul3A_753 = arith.mulf %get3A_746, %get3A_752 : vector<16xf32>
        %add3A_754 = arith.constant 1.000000e+00 : f32
        %add3A_755 = vector.broadcast %add3A_754 : f32 to vector<16xf32>
        %add3A_756 = arith.addf %add3A_755, %mul3A_753 : vector<16xf32>
        %div3A_757 = arith.divf %broadcast_in_dim3A_362, %add3A_756 : vector<16xf32>
        %add3A_758 = arith.constant 4 : i32
        %add3A_759 = arith.addi %mul3A_527, %add3A_758 : i32
        %swap3A_760 = arith.index_cast %add3A_759 : i32 to index
        %swap3A_761 = arith.constant 16 : index
        %swap3A_762 = tpu.vector_load %arg11[%swap3A_760, %swap3A_761] {strides = array<i32>} : memref<80x32xf32, #tpu.memory_space<vmem>>, vector<1x16xf32>,
        %swap3A_763 = vector.shape_cast %swap3A_762 : vector<1x16xf32> to vector<16xf32>
        %swap3A_764 = vector.shape_cast %div3A_757 : vector<16xf32> to vector<1x16xf32>
        tpu.vector_store %arg11[%swap3A_760, %swap3A_761], %swap3A_764 {strides = array<i32>} : memref<80x32xf32, #tpu.memory_space<vmem>>, vector<1x16xf32>,
        %add3A_765 = arith.constant 5 : i32
        %add3A_766 = arith.addi %mul3A_527, %add3A_765 : i32
        %get3A_767 = arith.index_cast %add3A_766 : i32 to index
        %get3A_768 = arith.constant 0 : index
        %get3A_769 = tpu.vector_load %arg11[%get3A_767, %get3A_768] {strides = array<i32>} : memref<80x32xf32, #tpu.memory_space<vmem>>, vector<1x16xf32>,
        %get3A_770 = vector.shape_cast %get3A_769 : vector<1x16xf32> to vector<16xf32>
        %add3A_771 = arith.constant 5 : i32
        %add3A_772 = arith.addi %mul3A_527, %add3A_771 : i32
        %get3A_773 = arith.index_cast %add3A_772 : i32 to index
        %get3A_774 = arith.constant 0 : index
        %get3A_775 = tpu.vector_load %arg15[%get3A_773, %get3A_774] {strides = array<i32>} : memref<80x32xf32, #tpu.memory_space<vmem>>, vector<1x16xf32>,
        %get3A_776 = vector.shape_cast %get3A_775 : vector<1x16xf32> to vector<16xf32>
        %mul3A_777 = arith.mulf %get3A_770, %get3A_776 : vector<16xf32>
        %add3A_778 = arith.constant 1.000000e+00 : f32
        %add3A_779 = vector.broadcast %add3A_778 : f32 to vector<16xf32>
        %add3A_780 = arith.addf %add3A_779, %mul3A_777 : vector<16xf32>
        %div3A_781 = arith.divf %broadcast_in_dim3A_362, %add3A_780 : vector<16xf32>
        %add3A_782 = arith.constant 5 : i32
        %add3A_783 = arith.addi %mul3A_527, %add3A_782 : i32
        %swap3A_784 = arith.index_cast %add3A_783 : i32 to index
        %swap3A_785 = arith.constant 0 : index
        %swap3A_786 = tpu.vector_load %arg11[%swap3A_784, %swap3A_785] {strides = array<i32>} : memref<80x32xf32, #tpu.memory_space<vmem>>, vector<1x16xf32>,
        %swap3A_787 = vector.shape_cast %swap3A_786 : vector<1x16xf32> to vector<16xf32>
        %swap3A_788 = vector.shape_cast %div3A_781 : vector<16xf32> to vector<1x16xf32>
        tpu.vector_store %arg11[%swap3A_784, %swap3A_785], %swap3A_788 {strides = array<i32>} : memref<80x32xf32, #tpu.memory_space<vmem>>, vector<1x16xf32>,
        %add3A_789 = arith.constant 5 : i32
        %add3A_790 = arith.addi %mul3A_527, %add3A_789 : i32
        %get3A_791 = arith.index_cast %add3A_790 : i32 to index
        %get3A_792 = arith.constant 16 : index
        %get3A_793 = tpu.vector_load %arg11[%get3A_791, %get3A_792] {strides = array<i32>} : memref<80x32xf32, #tpu.memory_space<vmem>>, vector<1x16xf32>,
        %get3A_794 = vector.shape_cast %get3A_793 : vector<1x16xf32> to vector<16xf32>
        %add3A_795 = arith.constant 5 : i32
        %add3A_796 = arith.addi %mul3A_527, %add3A_795 : i32
        %get3A_797 = arith.index_cast %add3A_796 : i32 to index
        %get3A_798 = arith.constant 16 : index
        %get3A_799 = tpu.vector_load %arg15[%get3A_797, %get3A_798] {strides = array<i32>} : memref<80x32xf32, #tpu.memory_space<vmem>>, vector<1x16xf32>,
        %get3A_800 = vector.shape_cast %get3A_799 : vector<1x16xf32> to vector<16xf32>
        %mul3A_801 = arith.mulf %get3A_794, %get3A_800 : vector<16xf32>
        %add3A_802 = arith.constant 1.000000e+00 : f32
        %add3A_803 = vector.broadcast %add3A_802 : f32 to vector<16xf32>
        %add3A_804 = arith.addf %add3A_803, %mul3A_801 : vector<16xf32>
        %div3A_805 = arith.divf %broadcast_in_dim3A_362, %add3A_804 : vector<16xf32>
        %add3A_806 = arith.constant 5 : i32
        %add3A_807 = arith.addi %mul3A_527, %add3A_806 : i32
        %swap3A_808 = arith.index_cast %add3A_807 : i32 to index
        %swap3A_809 = arith.constant 16 : index
        %swap3A_810 = tpu.vector_load %arg11[%swap3A_808, %swap3A_809] {strides = array<i32>} : memref<80x32xf32, #tpu.memory_space<vmem>>, vector<1x16xf32>,
        %swap3A_811 = vector.shape_cast %swap3A_810 : vector<1x16xf32> to vector<16xf32>
        %swap3A_812 = vector.shape_cast %div3A_805 : vector<16xf32> to vector<1x16xf32>
        tpu.vector_store %arg11[%swap3A_808, %swap3A_809], %swap3A_812 {strides = array<i32>} : memref<80x32xf32, #tpu.memory_space<vmem>>, vector<1x16xf32>,
        %add3A_813 = arith.constant 6 : i32
        %add3A_814 = arith.addi %mul3A_527, %add3A_813 : i32
        %get3A_815 = arith.index_cast %add3A_814 : i32 to index
        %get3A_816 = arith.constant 0 : index
        %get3A_817 = tpu.vector_load %arg11[%get3A_815, %get3A_816] {strides = array<i32>} : memref<80x32xf32, #tpu.memory_space<vmem>>, vector<1x16xf32>,
        %get3A_818 = vector.shape_cast %get3A_817 : vector<1x16xf32> to vector<16xf32>
        %add3A_819 = arith.constant 6 : i32
        %add3A_820 = arith.addi %mul3A_527, %add3A_819 : i32
        %get3A_821 = arith.index_cast %add3A_820 : i32 to index
        %get3A_822 = arith.constant 0 : index
        %get3A_823 = tpu.vector_load %arg15[%get3A_821, %get3A_822] {strides = array<i32>} : memref<80x32xf32, #tpu.memory_space<vmem>>, vector<1x16xf32>,
        %get3A_824 = vector.shape_cast %get3A_823 : vector<1x16xf32> to vector<16xf32>
        %mul3A_825 = arith.mulf %get3A_818, %get3A_824 : vector<16xf32>
        %add3A_826 = arith.constant 1.000000e+00 : f32
        %add3A_827 = vector.broadcast %add3A_826 : f32 to vector<16xf32>
        %add3A_828 = arith.addf %add3A_827, %mul3A_825 : vector<16xf32>
        %div3A_829 = arith.divf %broadcast_in_dim3A_362, %add3A_828 : vector<16xf32>
        %add3A_830 = arith.constant 6 : i32
        %add3A_831 = arith.addi %mul3A_527, %add3A_830 : i32
        %swap3A_832 = arith.index_cast %add3A_831 : i32 to index
        %swap3A_833 = arith.constant 0 : index
        %swap3A_834 = tpu.vector_load %arg11[%swap3A_832, %swap3A_833] {strides = array<i32>} : memref<80x32xf32, #tpu.memory_space<vmem>>, vector<1x16xf32>,
        %swap3A_835 = vector.shape_cast %swap3A_834 : vector<1x16xf32> to vector<16xf32>
        %swap3A_836 = vector.shape_cast %div3A_829 : vector<16xf32> to vector<1x16xf32>
        tpu.vector_store %arg11[%swap3A_832, %swap3A_833], %swap3A_836 {strides = array<i32>} : memref<80x32xf32, #tpu.memory_space<vmem>>, vector<1x16xf32>,
        %add3A_837 = arith.constant 6 : i32
        %add3A_838 = arith.addi %mul3A_527, %add3A_837 : i32
        %get3A_839 = arith.index_cast %add3A_838 : i32 to index
        %get3A_840 = arith.constant 16 : index
        %get3A_841 = tpu.vector_load %arg11[%get3A_839, %get3A_840] {strides = array<i32>} : memref<80x32xf32, #tpu.memory_space<vmem>>, vector<1x16xf32>,
        %get3A_842 = vector.shape_cast %get3A_841 : vector<1x16xf32> to vector<16xf32>
        %add3A_843 = arith.constant 6 : i32
        %add3A_844 = arith.addi %mul3A_527, %add3A_843 : i32
        %get3A_845 = arith.index_cast %add3A_844 : i32 to index
        %get3A_846 = arith.constant 16 : index
        %get3A_847 = tpu.vector_load %arg15[%get3A_845, %get3A_846] {strides = array<i32>} : memref<80x32xf32, #tpu.memory_space<vmem>>, vector<1x16xf32>,
        %get3A_848 = vector.shape_cast %get3A_847 : vector<1x16xf32> to vector<16xf32>
        %mul3A_849 = arith.mulf %get3A_842, %get3A_848 : vector<16xf32>
        %add3A_850 = arith.constant 1.000000e+00 : f32
        %add3A_851 = vector.broadcast %add3A_850 : f32 to vector<16xf32>
        %add3A_852 = arith.addf %add3A_851, %mul3A_849 : vector<16xf32>
        %div3A_853 = arith.divf %broadcast_in_dim3A_362, %add3A_852 : vector<16xf32>
        %add3A_854 = arith.constant 6 : i32
        %add3A_855 = arith.addi %mul3A_527, %add3A_854 : i32
        %swap3A_856 = arith.index_cast %add3A_855 : i32 to index
        %swap3A_857 = arith.constant 16 : index
        %swap3A_858 = tpu.vector_load %arg11[%swap3A_856, %swap3A_857] {strides = array<i32>} : memref<80x32xf32, #tpu.memory_space<vmem>>, vector<1x16xf32>,
        %swap3A_859 = vector.shape_cast %swap3A_858 : vector<1x16xf32> to vector<16xf32>
        %swap3A_860 = vector.shape_cast %div3A_853 : vector<16xf32> to vector<1x16xf32>
        tpu.vector_store %arg11[%swap3A_856, %swap3A_857], %swap3A_860 {strides = array<i32>} : memref<80x32xf32, #tpu.memory_space<vmem>>, vector<1x16xf32>,
        %add3A_861 = arith.constant 7 : i32
        %add3A_862 = arith.addi %mul3A_527, %add3A_861 : i32
        %get3A_863 = arith.index_cast %add3A_862 : i32 to index
        %get3A_864 = arith.constant 0 : index
        %get3A_865 = tpu.vector_load %arg11[%get3A_863, %get3A_864] {strides = array<i32>} : memref<80x32xf32, #tpu.memory_space<vmem>>, vector<1x16xf32>,
        %get3A_866 = vector.shape_cast %get3A_865 : vector<1x16xf32> to vector<16xf32>
        %add3A_867 = arith.constant 7 : i32
        %add3A_868 = arith.addi %mul3A_527, %add3A_867 : i32
        %get3A_869 = arith.index_cast %add3A_868 : i32 to index
        %get3A_870 = arith.constant 0 : index
        %get3A_871 = tpu.vector_load %arg15[%get3A_869, %get3A_870] {strides = array<i32>} : memref<80x32xf32, #tpu.memory_space<vmem>>, vector<1x16xf32>,
        %get3A_872 = vector.shape_cast %get3A_871 : vector<1x16xf32> to vector<16xf32>
        %mul3A_873 = arith.mulf %get3A_866, %get3A_872 : vector<16xf32>
        %add3A_874 = arith.constant 1.000000e+00 : f32
        %add3A_875 = vector.broadcast %add3A_874 : f32 to vector<16xf32>
        %add3A_876 = arith.addf %add3A_875, %mul3A_873 : vector<16xf32>
        %div3A_877 = arith.divf %broadcast_in_dim3A_362, %add3A_876 : vector<16xf32>
        %add3A_878 = arith.constant 7 : i32
        %add3A_879 = arith.addi %mul3A_527, %add3A_878 : i32
        %swap3A_880 = arith.index_cast %add3A_879 : i32 to index
        %swap3A_881 = arith.constant 0 : index
        %swap3A_882 = tpu.vector_load %arg11[%swap3A_880, %swap3A_881] {strides = array<i32>} : memref<80x32xf32, #tpu.memory_space<vmem>>, vector<1x16xf32>,
        %swap3A_883 = vector.shape_cast %swap3A_882 : vector<1x16xf32> to vector<16xf32>
        %swap3A_884 = vector.shape_cast %div3A_877 : vector<16xf32> to vector<1x16xf32>
        tpu.vector_store %arg11[%swap3A_880, %swap3A_881], %swap3A_884 {strides = array<i32>} : memref<80x32xf32, #tpu.memory_space<vmem>>, vector<1x16xf32>,
        %add3A_885 = arith.constant 7 : i32
        %add3A_886 = arith.addi %mul3A_527, %add3A_885 : i32
        %get3A_887 = arith.index_cast %add3A_886 : i32 to index
        %get3A_888 = arith.constant 16 : index
        %get3A_889 = tpu.vector_load %arg11[%get3A_887, %get3A_888] {strides = array<i32>} : memref<80x32xf32, #tpu.memory_space<vmem>>, vector<1x16xf32>,
        %get3A_890 = vector.shape_cast %get3A_889 : vector<1x16xf32> to vector<16xf32>
        %add3A_891 = arith.constant 7 : i32
        %add3A_892 = arith.addi %mul3A_527, %add3A_891 : i32
        %get3A_893 = arith.index_cast %add3A_892 : i32 to index
        %get3A_894 = arith.constant 16 : index
        %get3A_895 = tpu.vector_load %arg15[%get3A_893, %get3A_894] {strides = array<i32>} : memref<80x32xf32, #tpu.memory_space<vmem>>, vector<1x16xf32>,
        %get3A_896 = vector.shape_cast %get3A_895 : vector<1x16xf32> to vector<16xf32>
        %mul3A_897 = arith.mulf %get3A_890, %get3A_896 : vector<16xf32>
        %add3A_898 = arith.constant 1.000000e+00 : f32
        %add3A_899 = vector.broadcast %add3A_898 : f32 to vector<16xf32>
        %add3A_900 = arith.addf %add3A_899, %mul3A_897 : vector<16xf32>
        %div3A_901 = arith.divf %broadcast_in_dim3A_362, %add3A_900 : vector<16xf32>
        %add3A_902 = arith.constant 7 : i32
        %add3A_903 = arith.addi %mul3A_527, %add3A_902 : i32
        %swap3A_904 = arith.index_cast %add3A_903 : i32 to index
        %swap3A_905 = arith.constant 16 : index
        %swap3A_906 = tpu.vector_load %arg11[%swap3A_904, %swap3A_905] {strides = array<i32>} : memref<80x32xf32, #tpu.memory_space<vmem>>, vector<1x16xf32>,
        %swap3A_907 = vector.shape_cast %swap3A_906 : vector<1x16xf32> to vector<16xf32>
        %swap3A_908 = vector.shape_cast %div3A_901 : vector<16xf32> to vector<1x16xf32>
        tpu.vector_store %arg11[%swap3A_904, %swap3A_905], %swap3A_908 {strides = array<i32>} : memref<80x32xf32, #tpu.memory_space<vmem>>, vector<1x16xf32>,
      }
      %scan3A_368 = arith.constant 10 : i32
      %dma_start3A_369 = arith.constant 0 : i32
      %dma_start3A_370 = tpu.memref_slice %arg7[%add3A_326, %dma_start3A_369] : memref<125x80xi32, #tpu.memory_space<vmem>> -> memref<1x80xi32, #tpu.memory_space<vmem>>
      %dma_start3A_371 = tpu.memref_squeeze %dma_start3A_370 : memref<1x80xi32, #tpu.memory_space<vmem>> -> memref<80xi32, #tpu.memory_space<vmem>>
      %dma_start3A_372 = arith.constant 0 : i32
      %dma_start3A_373 = arith.constant 0 : i32
      %dma_start3A_374 = tpu.memref_slice %arg20[%dma_start3A_372, %dma_start3A_373] : memref<10240x32xf32, #tpu.memory_space<vmem_shared>> -> memref<10240x32xf32, #tpu.memory_space<vmem_shared>>
      tpu.enqueue_indirect_dma source(%arg11 : memref<80x32xf32, #tpu.memory_space<vmem>>) target(%dma_start3A_374 : memref<10240x32xf32, #tpu.memory_space<vmem_shared>>) offsets(%dma_start3A_371 : memref<80xi32, #tpu.memory_space<vmem>>) semaphore(%arg31 : memref<!tpu.dma_semaphore, #tpu.memory_space<semaphore_mem>>) {add = true}
      %add3A_375 = arith.constant 1 : i32
      %add3A_376 = arith.addi %add3A_324, %add3A_375 : i32
      %sub3A_377 = arith.constant 2 : i32
      %sub3A_378 = arith.subi %add3A_376, %sub3A_377 : i32
      %dma_wait3A_379 = arith.constant 0 : i32
      %dma_wait3A_380 = tpu.memref_slice %arg7[%sub3A_378, %dma_wait3A_379] : memref<125x80xi32, #tpu.memory_space<vmem>> -> memref<1x80xi32, #tpu.memory_space<vmem>>
      %dma_wait3A_381 = tpu.memref_squeeze %dma_wait3A_380 : memref<1x80xi32, #tpu.memory_space<vmem>> -> memref<80xi32, #tpu.memory_space<vmem>>
      %dma_wait3A_382 = arith.constant 0 : i32
      %dma_wait3A_383 = arith.constant 0 : i32
      %dma_wait3A_384 = tpu.memref_slice %arg20[%dma_wait3A_382, %dma_wait3A_383] : memref<10240x32xf32, #tpu.memory_space<vmem_shared>> -> memref<10240x32xf32, #tpu.memory_space<vmem_shared>>
      tpu.wait_indirect_dma semaphore(%arg30 : memref<!tpu.dma_semaphore, #tpu.memory_space<semaphore_mem>>) src(%arg10 : memref<80x32xf32, #tpu.memory_space<vmem>>) dst(%dma_wait3A_384 : memref<10240x32xf32, #tpu.memory_space<vmem_shared>>)
      %add3A_385 = arith.constant 2 : i32
      %add3A_386 = arith.addi %add3A_376, %add3A_385 : i32
      %dma_start3A_387 = arith.constant 0 : i32
      %dma_start3A_388 = tpu.memref_slice %arg7[%add3A_386, %dma_start3A_387] : memref<125x80xi32, #tpu.memory_space<vmem>> -> memref<1x80xi32, #tpu.memory_space<vmem>>
      %dma_start3A_389 = tpu.memref_squeeze %dma_start3A_388 : memref<1x80xi32, #tpu.memory_space<vmem>> -> memref<80xi32, #tpu.memory_space<vmem>>
      %dma_start3A_390 = arith.constant 0 : i32
      %dma_start3A_391 = arith.constant 0 : i32
      %dma_start3A_392 = tpu.memref_slice %arg18[%dma_start3A_390, %dma_start3A_391] : memref<10240x32xf32, #tpu.memory_space<vmem_shared>> -> memref<10240x32xf32, #tpu.memory_space<vmem_shared>>
      tpu.enqueue_indirect_dma source(%dma_start3A_392 : memref<10240x32xf32, #tpu.memory_space<vmem_shared>>) target(%arg10 : memref<80x32xf32, #tpu.memory_space<vmem>>) offsets(%dma_start3A_389 : memref<80xi32, #tpu.memory_space<vmem>>) semaphore(%arg22 : memref<!tpu.dma_semaphore, #tpu.memory_space<semaphore_mem>>)
      %dma_start3A_393 = arith.constant 0 : i32
      %dma_start3A_394 = tpu.memref_slice %arg8[%add3A_386, %dma_start3A_393] : memref<125x80xi32, #tpu.memory_space<vmem>> -> memref<1x80xi32, #tpu.memory_space<vmem>>
      %dma_start3A_395 = tpu.memref_squeeze %dma_start3A_394 : memref<1x80xi32, #tpu.memory_space<vmem>> -> memref<80xi32, #tpu.memory_space<vmem>>
      %dma_start3A_396 = arith.constant 0 : i32
      %dma_start3A_397 = arith.constant 0 : i32
      %dma_start3A_398 = tpu.memref_slice %arg19[%dma_start3A_396, %dma_start3A_397] : memref<10240x32xf32, #tpu.memory_space<vmem_shared>> -> memref<10240x32xf32, #tpu.memory_space<vmem_shared>>
      tpu.enqueue_indirect_dma source(%dma_start3A_398 : memref<10240x32xf32, #tpu.memory_space<vmem_shared>>) target(%arg14 : memref<80x32xf32, #tpu.memory_space<vmem>>) offsets(%dma_start3A_395 : memref<80xi32, #tpu.memory_space<vmem>>) semaphore(%arg26 : memref<!tpu.dma_semaphore, #tpu.memory_space<semaphore_mem>>)
      %dma_wait3A_399 = arith.constant 0 : i32
      %dma_wait3A_400 = tpu.memref_slice %arg7[%add3A_376, %dma_wait3A_399] : memref<125x80xi32, #tpu.memory_space<vmem>> -> memref<1x80xi32, #tpu.memory_space<vmem>>
      %dma_wait3A_401 = tpu.memref_squeeze %dma_wait3A_400 : memref<1x80xi32, #tpu.memory_space<vmem>> -> memref<80xi32, #tpu.memory_space<vmem>>
      %dma_wait3A_402 = arith.constant 0 : i32
      %dma_wait3A_403 = arith.constant 0 : i32
      %dma_wait3A_404 = tpu.memref_slice %arg18[%dma_wait3A_402, %dma_wait3A_403] : memref<10240x32xf32, #tpu.memory_space<vmem_shared>> -> memref<10240x32xf32, #tpu.memory_space<vmem_shared>>
      tpu.wait_indirect_dma semaphore(%arg24 : memref<!tpu.dma_semaphore, #tpu.memory_space<semaphore_mem>>) src(%dma_wait3A_404 : memref<10240x32xf32, #tpu.memory_space<vmem_shared>>) dst(%arg12 : memref<80x32xf32, #tpu.memory_space<vmem>>)
      %dma_wait3A_405 = arith.constant 0 : i32
      %dma_wait3A_406 = tpu.memref_slice %arg8[%add3A_376, %dma_wait3A_405] : memref<125x80xi32, #tpu.memory_space<vmem>> -> memref<1x80xi32, #tpu.memory_space<vmem>>
      %dma_wait3A_407 = tpu.memref_squeeze %dma_wait3A_406 : memref<1x80xi32, #tpu.memory_space<vmem>> -> memref<80xi32, #tpu.memory_space<vmem>>
      %dma_wait3A_408 = arith.constant 0 : i32
      %dma_wait3A_409 = arith.constant 0 : i32
      %dma_wait3A_410 = tpu.memref_slice %arg19[%dma_wait3A_408, %dma_wait3A_409] : memref<10240x32xf32, #tpu.memory_space<vmem_shared>> -> memref<10240x32xf32, #tpu.memory_space<vmem_shared>>
      tpu.wait_indirect_dma semaphore(%arg28 : memref<!tpu.dma_semaphore, #tpu.memory_space<semaphore_mem>>) src(%dma_wait3A_410 : memref<10240x32xf32, #tpu.memory_space<vmem_shared>>) dst(%arg16 : memref<80x32xf32, #tpu.memory_space<vmem>>)
      %broadcast_in_dim3A_411 = arith.constant 1.000000e+00 : f32
      %broadcast_in_dim3A_412 = vector.broadcast %broadcast_in_dim3A_411 : f32 to vector<16xf32>
      %scan3A_413 = arith.constant 0 : i32
      %scan3A_414 = arith.constant 0 : i32
      %scan3A_415 = arith.constant 10 : i32
      %scan3A_416 = arith.addi %scan3A_414, %scan3A_415 : i32
      %scan3A_417 = arith.constant 1 : i32
      scf.for %scan3A_525 = %scan3A_414 to %scan3A_416 step %scan3A_417  : i32 {
        %mul3A_526 = arith.constant 8 : i32
        %mul3A_527 = arith.muli %scan3A_525, %mul3A_526 : i32
        %add3A_528 = arith.constant 0 : i32
        %add3A_529 = arith.addi %mul3A_527, %add3A_528 : i32
        %get3A = arith.index_cast %add3A_529 : i32 to index
        %get3A_530 = arith.constant 0 : index
        %get3A_531 = tpu.vector_load %arg12[%get3A, %get3A_530] {strides = array<i32>} : memref<80x32xf32, #tpu.memory_space<vmem>>, vector<1x16xf32>,
        %get3A_532 = vector.shape_cast %get3A_531 : vector<1x16xf32> to vector<16xf32>
        %add3A_533 = arith.constant 0 : i32
        %add3A_534 = arith.addi %mul3A_527, %add3A_533 : i32
        %get3A_535 = arith.index_cast %add3A_534 : i32 to index
        %get3A_536 = arith.constant 0 : index
        %get3A_537 = tpu.vector_load %arg16[%get3A_535, %get3A_536] {strides = array<i32>} : memref<80x32xf32, #tpu.memory_space<vmem>>, vector<1x16xf32>,
        %get3A_538 = vector.shape_cast %get3A_537 : vector<1x16xf32> to vector<16xf32>
        %mul3A_539 = arith.mulf %get3A_532, %get3A_538 : vector<16xf32>
        %add3A_540 = arith.constant 1.000000e+00 : f32
        %add3A_541 = vector.broadcast %add3A_540 : f32 to vector<16xf32>
        %add3A_542 = arith.addf %add3A_541, %mul3A_539 : vector<16xf32>
        %div3A = arith.divf %broadcast_in_dim3A_412, %add3A_542 : vector<16xf32>
        %add3A_543 = arith.constant 0 : i32
        %add3A_544 = arith.addi %mul3A_527, %add3A_543 : i32
        %swap3A = arith.index_cast %add3A_544 : i32 to index
        %swap3A_545 = arith.constant 0 : index
        %swap3A_546 = tpu.vector_load %arg12[%swap3A, %swap3A_545] {strides = array<i32>} : memref<80x32xf32, #tpu.memory_space<vmem>>, vector<1x16xf32>,
        %swap3A_547 = vector.shape_cast %swap3A_546 : vector<1x16xf32> to vector<16xf32>
        %swap3A_548 = vector.shape_cast %div3A : vector<16xf32> to vector<1x16xf32>
        tpu.vector_store %arg12[%swap3A, %swap3A_545], %swap3A_548 {strides = array<i32>} : memref<80x32xf32, #tpu.memory_space<vmem>>, vector<1x16xf32>,
        %add3A_549 = arith.constant 0 : i32
        %add3A_550 = arith.addi %mul3A_527, %add3A_549 : i32
        %get3A_551 = arith.index_cast %add3A_550 : i32 to index
        %get3A_552 = arith.constant 16 : index
        %get3A_553 = tpu.vector_load %arg12[%get3A_551, %get3A_552] {strides = array<i32>} : memref<80x32xf32, #tpu.memory_space<vmem>>, vector<1x16xf32>,
        %get3A_554 = vector.shape_cast %get3A_553 : vector<1x16xf32> to vector<16xf32>
        %add3A_555 = arith.constant 0 : i32
        %add3A_556 = arith.addi %mul3A_527, %add3A_555 : i32
        %get3A_557 = arith.index_cast %add3A_556 : i32 to index
        %get3A_558 = arith.constant 16 : index
        %get3A_559 = tpu.vector_load %arg16[%get3A_557, %get3A_558] {strides = array<i32>} : memref<80x32xf32, #tpu.memory_space<vmem>>, vector<1x16xf32>,
        %get3A_560 = vector.shape_cast %get3A_559 : vector<1x16xf32> to vector<16xf32>
        %mul3A_561 = arith.mulf %get3A_554, %get3A_560 : vector<16xf32>
        %add3A_562 = arith.constant 1.000000e+00 : f32
        %add3A_563 = vector.broadcast %add3A_562 : f32 to vector<16xf32>
        %add3A_564 = arith.addf %add3A_563, %mul3A_561 : vector<16xf32>
        %div3A_565 = arith.divf %broadcast_in_dim3A_412, %add3A_564 : vector<16xf32>
        %add3A_566 = arith.constant 0 : i32
        %add3A_567 = arith.addi %mul3A_527, %add3A_566 : i32
        %swap3A_568 = arith.index_cast %add3A_567 : i32 to index
        %swap3A_569 = arith.constant 16 : index
        %swap3A_570 = tpu.vector_load %arg12[%swap3A_568, %swap3A_569] {strides = array<i32>} : memref<80x32xf32, #tpu.memory_space<vmem>>, vector<1x16xf32>,
        %swap3A_571 = vector.shape_cast %swap3A_570 : vector<1x16xf32> to vector<16xf32>
        %swap3A_572 = vector.shape_cast %div3A_565 : vector<16xf32> to vector<1x16xf32>
        tpu.vector_store %arg12[%swap3A_568, %swap3A_569], %swap3A_572 {strides = array<i32>} : memref<80x32xf32, #tpu.memory_space<vmem>>, vector<1x16xf32>,
        %add3A_573 = arith.constant 1 : i32
        %add3A_574 = arith.addi %mul3A_527, %add3A_573 : i32
        %get3A_575 = arith.index_cast %add3A_574 : i32 to index
        %get3A_576 = arith.constant 0 : index
        %get3A_577 = tpu.vector_load %arg12[%get3A_575, %get3A_576] {strides = array<i32>} : memref<80x32xf32, #tpu.memory_space<vmem>>, vector<1x16xf32>,
        %get3A_578 = vector.shape_cast %get3A_577 : vector<1x16xf32> to vector<16xf32>
        %add3A_579 = arith.constant 1 : i32
        %add3A_580 = arith.addi %mul3A_527, %add3A_579 : i32
        %get3A_581 = arith.index_cast %add3A_580 : i32 to index
        %get3A_582 = arith.constant 0 : index
        %get3A_583 = tpu.vector_load %arg16[%get3A_581, %get3A_582] {strides = array<i32>} : memref<80x32xf32, #tpu.memory_space<vmem>>, vector<1x16xf32>,
        %get3A_584 = vector.shape_cast %get3A_583 : vector<1x16xf32> to vector<16xf32>
        %mul3A_585 = arith.mulf %get3A_578, %get3A_584 : vector<16xf32>
        %add3A_586 = arith.constant 1.000000e+00 : f32
        %add3A_587 = vector.broadcast %add3A_586 : f32 to vector<16xf32>
        %add3A_588 = arith.addf %add3A_587, %mul3A_585 : vector<16xf32>
        %div3A_589 = arith.divf %broadcast_in_dim3A_412, %add3A_588 : vector<16xf32>
        %add3A_590 = arith.constant 1 : i32
        %add3A_591 = arith.addi %mul3A_527, %add3A_590 : i32
        %swap3A_592 = arith.index_cast %add3A_591 : i32 to index
        %swap3A_593 = arith.constant 0 : index
        %swap3A_594 = tpu.vector_load %arg12[%swap3A_592, %swap3A_593] {strides = array<i32>} : memref<80x32xf32, #tpu.memory_space<vmem>>, vector<1x16xf32>,
        %swap3A_595 = vector.shape_cast %swap3A_594 : vector<1x16xf32> to vector<16xf32>
        %swap3A_596 = vector.shape_cast %div3A_589 : vector<16xf32> to vector<1x16xf32>
        tpu.vector_store %arg12[%swap3A_592, %swap3A_593], %swap3A_596 {strides = array<i32>} : memref<80x32xf32, #tpu.memory_space<vmem>>, vector<1x16xf32>,
        %add3A_597 = arith.constant 1 : i32
        %add3A_598 = arith.addi %mul3A_527, %add3A_597 : i32
        %get3A_599 = arith.index_cast %add3A_598 : i32 to index
        %get3A_600 = arith.constant 16 : index
        %get3A_601 = tpu.vector_load %arg12[%get3A_599, %get3A_600] {strides = array<i32>} : memref<80x32xf32, #tpu.memory_space<vmem>>, vector<1x16xf32>,
        %get3A_602 = vector.shape_cast %get3A_601 : vector<1x16xf32> to vector<16xf32>
        %add3A_603 = arith.constant 1 : i32
        %add3A_604 = arith.addi %mul3A_527, %add3A_603 : i32
        %get3A_605 = arith.index_cast %add3A_604 : i32 to index
        %get3A_606 = arith.constant 16 : index
        %get3A_607 = tpu.vector_load %arg16[%get3A_605, %get3A_606] {strides = array<i32>} : memref<80x32xf32, #tpu.memory_space<vmem>>, vector<1x16xf32>,
        %get3A_608 = vector.shape_cast %get3A_607 : vector<1x16xf32> to vector<16xf32>
        %mul3A_609 = arith.mulf %get3A_602, %get3A_608 : vector<16xf32>
        %add3A_610 = arith.constant 1.000000e+00 : f32
        %add3A_611 = vector.broadcast %add3A_610 : f32 to vector<16xf32>
        %add3A_612 = arith.addf %add3A_611, %mul3A_609 : vector<16xf32>
        %div3A_613 = arith.divf %broadcast_in_dim3A_412, %add3A_612 : vector<16xf32>
        %add3A_614 = arith.constant 1 : i32
        %add3A_615 = arith.addi %mul3A_527, %add3A_614 : i32
        %swap3A_616 = arith.index_cast %add3A_615 : i32 to index
        %swap3A_617 = arith.constant 16 : index
        %swap3A_618 = tpu.vector_load %arg12[%swap3A_616, %swap3A_617] {strides = array<i32>} : memref<80x32xf32, #tpu.memory_space<vmem>>, vector<1x16xf32>,
        %swap3A_619 = vector.shape_cast %swap3A_618 : vector<1x16xf32> to vector<16xf32>
        %swap3A_620 = vector.shape_cast %div3A_613 : vector<16xf32> to vector<1x16xf32>
        tpu.vector_store %arg12[%swap3A_616, %swap3A_617], %swap3A_620 {strides = array<i32>} : memref<80x32xf32, #tpu.memory_space<vmem>>, vector<1x16xf32>,
        %add3A_621 = arith.constant 2 : i32
        %add3A_622 = arith.addi %mul3A_527, %add3A_621 : i32
        %get3A_623 = arith.index_cast %add3A_622 : i32 to index
        %get3A_624 = arith.constant 0 : index
        %get3A_625 = tpu.vector_load %arg12[%get3A_623, %get3A_624] {strides = array<i32>} : memref<80x32xf32, #tpu.memory_space<vmem>>, vector<1x16xf32>,
        %get3A_626 = vector.shape_cast %get3A_625 : vector<1x16xf32> to vector<16xf32>
        %add3A_627 = arith.constant 2 : i32
        %add3A_628 = arith.addi %mul3A_527, %add3A_627 : i32
        %get3A_629 = arith.index_cast %add3A_628 : i32 to index
        %get3A_630 = arith.constant 0 : index
        %get3A_631 = tpu.vector_load %arg16[%get3A_629, %get3A_630] {strides = array<i32>} : memref<80x32xf32, #tpu.memory_space<vmem>>, vector<1x16xf32>,
        %get3A_632 = vector.shape_cast %get3A_631 : vector<1x16xf32> to vector<16xf32>
        %mul3A_633 = arith.mulf %get3A_626, %get3A_632 : vector<16xf32>
        %add3A_634 = arith.constant 1.000000e+00 : f32
        %add3A_635 = vector.broadcast %add3A_634 : f32 to vector<16xf32>
        %add3A_636 = arith.addf %add3A_635, %mul3A_633 : vector<16xf32>
        %div3A_637 = arith.divf %broadcast_in_dim3A_412, %add3A_636 : vector<16xf32>
        %add3A_638 = arith.constant 2 : i32
        %add3A_639 = arith.addi %mul3A_527, %add3A_638 : i32
        %swap3A_640 = arith.index_cast %add3A_639 : i32 to index
        %swap3A_641 = arith.constant 0 : index
        %swap3A_642 = tpu.vector_load %arg12[%swap3A_640, %swap3A_641] {strides = array<i32>} : memref<80x32xf32, #tpu.memory_space<vmem>>, vector<1x16xf32>,
        %swap3A_643 = vector.shape_cast %swap3A_642 : vector<1x16xf32> to vector<16xf32>
        %swap3A_644 = vector.shape_cast %div3A_637 : vector<16xf32> to vector<1x16xf32>
        tpu.vector_store %arg12[%swap3A_640, %swap3A_641], %swap3A_644 {strides = array<i32>} : memref<80x32xf32, #tpu.memory_space<vmem>>, vector<1x16xf32>,
        %add3A_645 = arith.constant 2 : i32
        %add3A_646 = arith.addi %mul3A_527, %add3A_645 : i32
        %get3A_647 = arith.index_cast %add3A_646 : i32 to index
        %get3A_648 = arith.constant 16 : index
        %get3A_649 = tpu.vector_load %arg12[%get3A_647, %get3A_648] {strides = array<i32>} : memref<80x32xf32, #tpu.memory_space<vmem>>, vector<1x16xf32>,
        %get3A_650 = vector.shape_cast %get3A_649 : vector<1x16xf32> to vector<16xf32>
        %add3A_651 = arith.constant 2 : i32
        %add3A_652 = arith.addi %mul3A_527, %add3A_651 : i32
        %get3A_653 = arith.index_cast %add3A_652 : i32 to index
        %get3A_654 = arith.constant 16 : index
        %get3A_655 = tpu.vector_load %arg16[%get3A_653, %get3A_654] {strides = array<i32>} : memref<80x32xf32, #tpu.memory_space<vmem>>, vector<1x16xf32>,
        %get3A_656 = vector.shape_cast %get3A_655 : vector<1x16xf32> to vector<16xf32>
        %mul3A_657 = arith.mulf %get3A_650, %get3A_656 : vector<16xf32>
        %add3A_658 = arith.constant 1.000000e+00 : f32
        %add3A_659 = vector.broadcast %add3A_658 : f32 to vector<16xf32>
        %add3A_660 = arith.addf %add3A_659, %mul3A_657 : vector<16xf32>
        %div3A_661 = arith.divf %broadcast_in_dim3A_412, %add3A_660 : vector<16xf32>
        %add3A_662 = arith.constant 2 : i32
        %add3A_663 = arith.addi %mul3A_527, %add3A_662 : i32
        %swap3A_664 = arith.index_cast %add3A_663 : i32 to index
        %swap3A_665 = arith.constant 16 : index
        %swap3A_666 = tpu.vector_load %arg12[%swap3A_664, %swap3A_665] {strides = array<i32>} : memref<80x32xf32, #tpu.memory_space<vmem>>, vector<1x16xf32>,
        %swap3A_667 = vector.shape_cast %swap3A_666 : vector<1x16xf32> to vector<16xf32>
        %swap3A_668 = vector.shape_cast %div3A_661 : vector<16xf32> to vector<1x16xf32>
        tpu.vector_store %arg12[%swap3A_664, %swap3A_665], %swap3A_668 {strides = array<i32>} : memref<80x32xf32, #tpu.memory_space<vmem>>, vector<1x16xf32>,
        %add3A_669 = arith.constant 3 : i32
        %add3A_670 = arith.addi %mul3A_527, %add3A_669 : i32
        %get3A_671 = arith.index_cast %add3A_670 : i32 to index
        %get3A_672 = arith.constant 0 : index
        %get3A_673 = tpu.vector_load %arg12[%get3A_671, %get3A_672] {strides = array<i32>} : memref<80x32xf32, #tpu.memory_space<vmem>>, vector<1x16xf32>,
        %get3A_674 = vector.shape_cast %get3A_673 : vector<1x16xf32> to vector<16xf32>
        %add3A_675 = arith.constant 3 : i32
        %add3A_676 = arith.addi %mul3A_527, %add3A_675 : i32
        %get3A_677 = arith.index_cast %add3A_676 : i32 to index
        %get3A_678 = arith.constant 0 : index
        %get3A_679 = tpu.vector_load %arg16[%get3A_677, %get3A_678] {strides = array<i32>} : memref<80x32xf32, #tpu.memory_space<vmem>>, vector<1x16xf32>,
        %get3A_680 = vector.shape_cast %get3A_679 : vector<1x16xf32> to vector<16xf32>
        %mul3A_681 = arith.mulf %get3A_674, %get3A_680 : vector<16xf32>
        %add3A_682 = arith.constant 1.000000e+00 : f32
        %add3A_683 = vector.broadcast %add3A_682 : f32 to vector<16xf32>
        %add3A_684 = arith.addf %add3A_683, %mul3A_681 : vector<16xf32>
        %div3A_685 = arith.divf %broadcast_in_dim3A_412, %add3A_684 : vector<16xf32>
        %add3A_686 = arith.constant 3 : i32
        %add3A_687 = arith.addi %mul3A_527, %add3A_686 : i32
        %swap3A_688 = arith.index_cast %add3A_687 : i32 to index
        %swap3A_689 = arith.constant 0 : index
        %swap3A_690 = tpu.vector_load %arg12[%swap3A_688, %swap3A_689] {strides = array<i32>} : memref<80x32xf32, #tpu.memory_space<vmem>>, vector<1x16xf32>,
        %swap3A_691 = vector.shape_cast %swap3A_690 : vector<1x16xf32> to vector<16xf32>
        %swap3A_692 = vector.shape_cast %div3A_685 : vector<16xf32> to vector<1x16xf32>
        tpu.vector_store %arg12[%swap3A_688, %swap3A_689], %swap3A_692 {strides = array<i32>} : memref<80x32xf32, #tpu.memory_space<vmem>>, vector<1x16xf32>,
        %add3A_693 = arith.constant 3 : i32
        %add3A_694 = arith.addi %mul3A_527, %add3A_693 : i32
        %get3A_695 = arith.index_cast %add3A_694 : i32 to index
        %get3A_696 = arith.constant 16 : index
        %get3A_697 = tpu.vector_load %arg12[%get3A_695, %get3A_696] {strides = array<i32>} : memref<80x32xf32, #tpu.memory_space<vmem>>, vector<1x16xf32>,
        %get3A_698 = vector.shape_cast %get3A_697 : vector<1x16xf32> to vector<16xf32>
        %add3A_699 = arith.constant 3 : i32
        %add3A_700 = arith.addi %mul3A_527, %add3A_699 : i32
        %get3A_701 = arith.index_cast %add3A_700 : i32 to index
        %get3A_702 = arith.constant 16 : index
        %get3A_703 = tpu.vector_load %arg16[%get3A_701, %get3A_702] {strides = array<i32>} : memref<80x32xf32, #tpu.memory_space<vmem>>, vector<1x16xf32>,
        %get3A_704 = vector.shape_cast %get3A_703 : vector<1x16xf32> to vector<16xf32>
        %mul3A_705 = arith.mulf %get3A_698, %get3A_704 : vector<16xf32>
        %add3A_706 = arith.constant 1.000000e+00 : f32
        %add3A_707 = vector.broadcast %add3A_706 : f32 to vector<16xf32>
        %add3A_708 = arith.addf %add3A_707, %mul3A_705 : vector<16xf32>
        %div3A_709 = arith.divf %broadcast_in_dim3A_412, %add3A_708 : vector<16xf32>
        %add3A_710 = arith.constant 3 : i32
        %add3A_711 = arith.addi %mul3A_527, %add3A_710 : i32
        %swap3A_712 = arith.index_cast %add3A_711 : i32 to index
        %swap3A_713 = arith.constant 16 : index
        %swap3A_714 = tpu.vector_load %arg12[%swap3A_712, %swap3A_713] {strides = array<i32>} : memref<80x32xf32, #tpu.memory_space<vmem>>, vector<1x16xf32>,
        %swap3A_715 = vector.shape_cast %swap3A_714 : vector<1x16xf32> to vector<16xf32>
        %swap3A_716 = vector.shape_cast %div3A_709 : vector<16xf32> to vector<1x16xf32>
        tpu.vector_store %arg12[%swap3A_712, %swap3A_713], %swap3A_716 {strides = array<i32>} : memref<80x32xf32, #tpu.memory_space<vmem>>, vector<1x16xf32>,
        %add3A_717 = arith.constant 4 : i32
        %add3A_718 = arith.addi %mul3A_527, %add3A_717 : i32
        %get3A_719 = arith.index_cast %add3A_718 : i32 to index
        %get3A_720 = arith.constant 0 : index
        %get3A_721 = tpu.vector_load %arg12[%get3A_719, %get3A_720] {strides = array<i32>} : memref<80x32xf32, #tpu.memory_space<vmem>>, vector<1x16xf32>,
        %get3A_722 = vector.shape_cast %get3A_721 : vector<1x16xf32> to vector<16xf32>
        %add3A_723 = arith.constant 4 : i32
        %add3A_724 = arith.addi %mul3A_527, %add3A_723 : i32
        %get3A_725 = arith.index_cast %add3A_724 : i32 to index
        %get3A_726 = arith.constant 0 : index
        %get3A_727 = tpu.vector_load %arg16[%get3A_725, %get3A_726] {strides = array<i32>} : memref<80x32xf32, #tpu.memory_space<vmem>>, vector<1x16xf32>,
        %get3A_728 = vector.shape_cast %get3A_727 : vector<1x16xf32> to vector<16xf32>
        %mul3A_729 = arith.mulf %get3A_722, %get3A_728 : vector<16xf32>
        %add3A_730 = arith.constant 1.000000e+00 : f32
        %add3A_731 = vector.broadcast %add3A_730 : f32 to vector<16xf32>
        %add3A_732 = arith.addf %add3A_731, %mul3A_729 : vector<16xf32>
        %div3A_733 = arith.divf %broadcast_in_dim3A_412, %add3A_732 : vector<16xf32>
        %add3A_734 = arith.constant 4 : i32
        %add3A_735 = arith.addi %mul3A_527, %add3A_734 : i32
        %swap3A_736 = arith.index_cast %add3A_735 : i32 to index
        %swap3A_737 = arith.constant 0 : index
        %swap3A_738 = tpu.vector_load %arg12[%swap3A_736, %swap3A_737] {strides = array<i32>} : memref<80x32xf32, #tpu.memory_space<vmem>>, vector<1x16xf32>,
        %swap3A_739 = vector.shape_cast %swap3A_738 : vector<1x16xf32> to vector<16xf32>
        %swap3A_740 = vector.shape_cast %div3A_733 : vector<16xf32> to vector<1x16xf32>
        tpu.vector_store %arg12[%swap3A_736, %swap3A_737], %swap3A_740 {strides = array<i32>} : memref<80x32xf32, #tpu.memory_space<vmem>>, vector<1x16xf32>,
        %add3A_741 = arith.constant 4 : i32
        %add3A_742 = arith.addi %mul3A_527, %add3A_741 : i32
        %get3A_743 = arith.index_cast %add3A_742 : i32 to index
        %get3A_744 = arith.constant 16 : index
        %get3A_745 = tpu.vector_load %arg12[%get3A_743, %get3A_744] {strides = array<i32>} : memref<80x32xf32, #tpu.memory_space<vmem>>, vector<1x16xf32>,
        %get3A_746 = vector.shape_cast %get3A_745 : vector<1x16xf32> to vector<16xf32>
        %add3A_747 = arith.constant 4 : i32
        %add3A_748 = arith.addi %mul3A_527, %add3A_747 : i32
        %get3A_749 = arith.index_cast %add3A_748 : i32 to index
        %get3A_750 = arith.constant 16 : index
        %get3A_751 = tpu.vector_load %arg16[%get3A_749, %get3A_750] {strides = array<i32>} : memref<80x32xf32, #tpu.memory_space<vmem>>, vector<1x16xf32>,
        %get3A_752 = vector.shape_cast %get3A_751 : vector<1x16xf32> to vector<16xf32>
        %mul3A_753 = arith.mulf %get3A_746, %get3A_752 : vector<16xf32>
        %add3A_754 = arith.constant 1.000000e+00 : f32
        %add3A_755 = vector.broadcast %add3A_754 : f32 to vector<16xf32>
        %add3A_756 = arith.addf %add3A_755, %mul3A_753 : vector<16xf32>
        %div3A_757 = arith.divf %broadcast_in_dim3A_412, %add3A_756 : vector<16xf32>
        %add3A_758 = arith.constant 4 : i32
        %add3A_759 = arith.addi %mul3A_527, %add3A_758 : i32
        %swap3A_760 = arith.index_cast %add3A_759 : i32 to index
        %swap3A_761 = arith.constant 16 : index
        %swap3A_762 = tpu.vector_load %arg12[%swap3A_760, %swap3A_761] {strides = array<i32>} : memref<80x32xf32, #tpu.memory_space<vmem>>, vector<1x16xf32>,
        %swap3A_763 = vector.shape_cast %swap3A_762 : vector<1x16xf32> to vector<16xf32>
        %swap3A_764 = vector.shape_cast %div3A_757 : vector<16xf32> to vector<1x16xf32>
        tpu.vector_store %arg12[%swap3A_760, %swap3A_761], %swap3A_764 {strides = array<i32>} : memref<80x32xf32, #tpu.memory_space<vmem>>, vector<1x16xf32>,
        %add3A_765 = arith.constant 5 : i32
        %add3A_766 = arith.addi %mul3A_527, %add3A_765 : i32
        %get3A_767 = arith.index_cast %add3A_766 : i32 to index
        %get3A_768 = arith.constant 0 : index
        %get3A_769 = tpu.vector_load %arg12[%get3A_767, %get3A_768] {strides = array<i32>} : memref<80x32xf32, #tpu.memory_space<vmem>>, vector<1x16xf32>,
        %get3A_770 = vector.shape_cast %get3A_769 : vector<1x16xf32> to vector<16xf32>
        %add3A_771 = arith.constant 5 : i32
        %add3A_772 = arith.addi %mul3A_527, %add3A_771 : i32
        %get3A_773 = arith.index_cast %add3A_772 : i32 to index
        %get3A_774 = arith.constant 0 : index
        %get3A_775 = tpu.vector_load %arg16[%get3A_773, %get3A_774] {strides = array<i32>} : memref<80x32xf32, #tpu.memory_space<vmem>>, vector<1x16xf32>,
        %get3A_776 = vector.shape_cast %get3A_775 : vector<1x16xf32> to vector<16xf32>
        %mul3A_777 = arith.mulf %get3A_770, %get3A_776 : vector<16xf32>
        %add3A_778 = arith.constant 1.000000e+00 : f32
        %add3A_779 = vector.broadcast %add3A_778 : f32 to vector<16xf32>
        %add3A_780 = arith.addf %add3A_779, %mul3A_777 : vector<16xf32>
        %div3A_781 = arith.divf %broadcast_in_dim3A_412, %add3A_780 : vector<16xf32>
        %add3A_782 = arith.constant 5 : i32
        %add3A_783 = arith.addi %mul3A_527, %add3A_782 : i32
        %swap3A_784 = arith.index_cast %add3A_783 : i32 to index
        %swap3A_785 = arith.constant 0 : index
        %swap3A_786 = tpu.vector_load %arg12[%swap3A_784, %swap3A_785] {strides = array<i32>} : memref<80x32xf32, #tpu.memory_space<vmem>>, vector<1x16xf32>,
        %swap3A_787 = vector.shape_cast %swap3A_786 : vector<1x16xf32> to vector<16xf32>
        %swap3A_788 = vector.shape_cast %div3A_781 : vector<16xf32> to vector<1x16xf32>
        tpu.vector_store %arg12[%swap3A_784, %swap3A_785], %swap3A_788 {strides = array<i32>} : memref<80x32xf32, #tpu.memory_space<vmem>>, vector<1x16xf32>,
        %add3A_789 = arith.constant 5 : i32
        %add3A_790 = arith.addi %mul3A_527, %add3A_789 : i32
        %get3A_791 = arith.index_cast %add3A_790 : i32 to index
        %get3A_792 = arith.constant 16 : index
        %get3A_793 = tpu.vector_load %arg12[%get3A_791, %get3A_792] {strides = array<i32>} : memref<80x32xf32, #tpu.memory_space<vmem>>, vector<1x16xf32>,
        %get3A_794 = vector.shape_cast %get3A_793 : vector<1x16xf32> to vector<16xf32>
        %add3A_795 = arith.constant 5 : i32
        %add3A_796 = arith.addi %mul3A_527, %add3A_795 : i32
        %get3A_797 = arith.index_cast %add3A_796 : i32 to index
        %get3A_798 = arith.constant 16 : index
        %get3A_799 = tpu.vector_load %arg16[%get3A_797, %get3A_798] {strides = array<i32>} : memref<80x32xf32, #tpu.memory_space<vmem>>, vector<1x16xf32>,
        %get3A_800 = vector.shape_cast %get3A_799 : vector<1x16xf32> to vector<16xf32>
        %mul3A_801 = arith.mulf %get3A_794, %get3A_800 : vector<16xf32>
        %add3A_802 = arith.constant 1.000000e+00 : f32
        %add3A_803 = vector.broadcast %add3A_802 : f32 to vector<16xf32>
        %add3A_804 = arith.addf %add3A_803, %mul3A_801 : vector<16xf32>
        %div3A_805 = arith.divf %broadcast_in_dim3A_412, %add3A_804 : vector<16xf32>
        %add3A_806 = arith.constant 5 : i32
        %add3A_807 = arith.addi %mul3A_527, %add3A_806 : i32
        %swap3A_808 = arith.index_cast %add3A_807 : i32 to index
        %swap3A_809 = arith.constant 16 : index
        %swap3A_810 = tpu.vector_load %arg12[%swap3A_808, %swap3A_809] {strides = array<i32>} : memref<80x32xf32, #tpu.memory_space<vmem>>, vector<1x16xf32>,
        %swap3A_811 = vector.shape_cast %swap3A_810 : vector<1x16xf32> to vector<16xf32>
        %swap3A_812 = vector.shape_cast %div3A_805 : vector<16xf32> to vector<1x16xf32>
        tpu.vector_store %arg12[%swap3A_808, %swap3A_809], %swap3A_812 {strides = array<i32>} : memref<80x32xf32, #tpu.memory_space<vmem>>, vector<1x16xf32>,
        %add3A_813 = arith.constant 6 : i32
        %add3A_814 = arith.addi %mul3A_527, %add3A_813 : i32
        %get3A_815 = arith.index_cast %add3A_814 : i32 to index
        %get3A_816 = arith.constant 0 : index
        %get3A_817 = tpu.vector_load %arg12[%get3A_815, %get3A_816] {strides = array<i32>} : memref<80x32xf32, #tpu.memory_space<vmem>>, vector<1x16xf32>,
        %get3A_818 = vector.shape_cast %get3A_817 : vector<1x16xf32> to vector<16xf32>
        %add3A_819 = arith.constant 6 : i32
        %add3A_820 = arith.addi %mul3A_527, %add3A_819 : i32
        %get3A_821 = arith.index_cast %add3A_820 : i32 to index
        %get3A_822 = arith.constant 0 : index
        %get3A_823 = tpu.vector_load %arg16[%get3A_821, %get3A_822] {strides = array<i32>} : memref<80x32xf32, #tpu.memory_space<vmem>>, vector<1x16xf32>,
        %get3A_824 = vector.shape_cast %get3A_823 : vector<1x16xf32> to vector<16xf32>
        %mul3A_825 = arith.mulf %get3A_818, %get3A_824 : vector<16xf32>
        %add3A_826 = arith.constant 1.000000e+00 : f32
        %add3A_827 = vector.broadcast %add3A_826 : f32 to vector<16xf32>
        %add3A_828 = arith.addf %add3A_827, %mul3A_825 : vector<16xf32>
        %div3A_829 = arith.divf %broadcast_in_dim3A_412, %add3A_828 : vector<16xf32>
        %add3A_830 = arith.constant 6 : i32
        %add3A_831 = arith.addi %mul3A_527, %add3A_830 : i32
        %swap3A_832 = arith.index_cast %add3A_831 : i32 to index
        %swap3A_833 = arith.constant 0 : index
        %swap3A_834 = tpu.vector_load %arg12[%swap3A_832, %swap3A_833] {strides = array<i32>} : memref<80x32xf32, #tpu.memory_space<vmem>>, vector<1x16xf32>,
        %swap3A_835 = vector.shape_cast %swap3A_834 : vector<1x16xf32> to vector<16xf32>
        %swap3A_836 = vector.shape_cast %div3A_829 : vector<16xf32> to vector<1x16xf32>
        tpu.vector_store %arg12[%swap3A_832, %swap3A_833], %swap3A_836 {strides = array<i32>} : memref<80x32xf32, #tpu.memory_space<vmem>>, vector<1x16xf32>,
        %add3A_837 = arith.constant 6 : i32
        %add3A_838 = arith.addi %mul3A_527, %add3A_837 : i32
        %get3A_839 = arith.index_cast %add3A_838 : i32 to index
        %get3A_840 = arith.constant 16 : index
        %get3A_841 = tpu.vector_load %arg12[%get3A_839, %get3A_840] {strides = array<i32>} : memref<80x32xf32, #tpu.memory_space<vmem>>, vector<1x16xf32>,
        %get3A_842 = vector.shape_cast %get3A_841 : vector<1x16xf32> to vector<16xf32>
        %add3A_843 = arith.constant 6 : i32
        %add3A_844 = arith.addi %mul3A_527, %add3A_843 : i32
        %get3A_845 = arith.index_cast %add3A_844 : i32 to index
        %get3A_846 = arith.constant 16 : index
        %get3A_847 = tpu.vector_load %arg16[%get3A_845, %get3A_846] {strides = array<i32>} : memref<80x32xf32, #tpu.memory_space<vmem>>, vector<1x16xf32>,
        %get3A_848 = vector.shape_cast %get3A_847 : vector<1x16xf32> to vector<16xf32>
        %mul3A_849 = arith.mulf %get3A_842, %get3A_848 : vector<16xf32>
        %add3A_850 = arith.constant 1.000000e+00 : f32
        %add3A_851 = vector.broadcast %add3A_850 : f32 to vector<16xf32>
        %add3A_852 = arith.addf %add3A_851, %mul3A_849 : vector<16xf32>
        %div3A_853 = arith.divf %broadcast_in_dim3A_412, %add3A_852 : vector<16xf32>
        %add3A_854 = arith.constant 6 : i32
        %add3A_855 = arith.addi %mul3A_527, %add3A_854 : i32
        %swap3A_856 = arith.index_cast %add3A_855 : i32 to index
        %swap3A_857 = arith.constant 16 : index
        %swap3A_858 = tpu.vector_load %arg12[%swap3A_856, %swap3A_857] {strides = array<i32>} : memref<80x32xf32, #tpu.memory_space<vmem>>, vector<1x16xf32>,
        %swap3A_859 = vector.shape_cast %swap3A_858 : vector<1x16xf32> to vector<16xf32>
        %swap3A_860 = vector.shape_cast %div3A_853 : vector<16xf32> to vector<1x16xf32>
        tpu.vector_store %arg12[%swap3A_856, %swap3A_857], %swap3A_860 {strides = array<i32>} : memref<80x32xf32, #tpu.memory_space<vmem>>, vector<1x16xf32>,
        %add3A_861 = arith.constant 7 : i32
        %add3A_862 = arith.addi %mul3A_527, %add3A_861 : i32
        %get3A_863 = arith.index_cast %add3A_862 : i32 to index
        %get3A_864 = arith.constant 0 : index
        %get3A_865 = tpu.vector_load %arg12[%get3A_863, %get3A_864] {strides = array<i32>} : memref<80x32xf32, #tpu.memory_space<vmem>>, vector<1x16xf32>,
        %get3A_866 = vector.shape_cast %get3A_865 : vector<1x16xf32> to vector<16xf32>
        %add3A_867 = arith.constant 7 : i32
        %add3A_868 = arith.addi %mul3A_527, %add3A_867 : i32
        %get3A_869 = arith.index_cast %add3A_868 : i32 to index
        %get3A_870 = arith.constant 0 : index
        %get3A_871 = tpu.vector_load %arg16[%get3A_869, %get3A_870] {strides = array<i32>} : memref<80x32xf32, #tpu.memory_space<vmem>>, vector<1x16xf32>,
        %get3A_872 = vector.shape_cast %get3A_871 : vector<1x16xf32> to vector<16xf32>
        %mul3A_873 = arith.mulf %get3A_866, %get3A_872 : vector<16xf32>
        %add3A_874 = arith.constant 1.000000e+00 : f32
        %add3A_875 = vector.broadcast %add3A_874 : f32 to vector<16xf32>
        %add3A_876 = arith.addf %add3A_875, %mul3A_873 : vector<16xf32>
        %div3A_877 = arith.divf %broadcast_in_dim3A_412, %add3A_876 : vector<16xf32>
        %add3A_878 = arith.constant 7 : i32
        %add3A_879 = arith.addi %mul3A_527, %add3A_878 : i32
        %swap3A_880 = arith.index_cast %add3A_879 : i32 to index
        %swap3A_881 = arith.constant 0 : index
        %swap3A_882 = tpu.vector_load %arg12[%swap3A_880, %swap3A_881] {strides = array<i32>} : memref<80x32xf32, #tpu.memory_space<vmem>>, vector<1x16xf32>,
        %swap3A_883 = vector.shape_cast %swap3A_882 : vector<1x16xf32> to vector<16xf32>
        %swap3A_884 = vector.shape_cast %div3A_877 : vector<16xf32> to vector<1x16xf32>
        tpu.vector_store %arg12[%swap3A_880, %swap3A_881], %swap3A_884 {strides = array<i32>} : memref<80x32xf32, #tpu.memory_space<vmem>>, vector<1x16xf32>,
        %add3A_885 = arith.constant 7 : i32
        %add3A_886 = arith.addi %mul3A_527, %add3A_885 : i32
        %get3A_887 = arith.index_cast %add3A_886 : i32 to index
        %get3A_888 = arith.constant 16 : index
        %get3A_889 = tpu.vector_load %arg12[%get3A_887, %get3A_888] {strides = array<i32>} : memref<80x32xf32, #tpu.memory_space<vmem>>, vector<1x16xf32>,
        %get3A_890 = vector.shape_cast %get3A_889 : vector<1x16xf32> to vector<16xf32>
        %add3A_891 = arith.constant 7 : i32
        %add3A_892 = arith.addi %mul3A_527, %add3A_891 : i32
        %get3A_893 = arith.index_cast %add3A_892 : i32 to index
        %get3A_894 = arith.constant 16 : index
        %get3A_895 = tpu.vector_load %arg16[%get3A_893, %get3A_894] {strides = array<i32>} : memref<80x32xf32, #tpu.memory_space<vmem>>, vector<1x16xf32>,
        %get3A_896 = vector.shape_cast %get3A_895 : vector<1x16xf32> to vector<16xf32>
        %mul3A_897 = arith.mulf %get3A_890, %get3A_896 : vector<16xf32>
        %add3A_898 = arith.constant 1.000000e+00 : f32
        %add3A_899 = vector.broadcast %add3A_898 : f32 to vector<16xf32>
        %add3A_900 = arith.addf %add3A_899, %mul3A_897 : vector<16xf32>
        %div3A_901 = arith.divf %broadcast_in_dim3A_412, %add3A_900 : vector<16xf32>
        %add3A_902 = arith.constant 7 : i32
        %add3A_903 = arith.addi %mul3A_527, %add3A_902 : i32
        %swap3A_904 = arith.index_cast %add3A_903 : i32 to index
        %swap3A_905 = arith.constant 16 : index
        %swap3A_906 = tpu.vector_load %arg12[%swap3A_904, %swap3A_905] {strides = array<i32>} : memref<80x32xf32, #tpu.memory_space<vmem>>, vector<1x16xf32>,
        %swap3A_907 = vector.shape_cast %swap3A_906 : vector<1x16xf32> to vector<16xf32>
        %swap3A_908 = vector.shape_cast %div3A_901 : vector<16xf32> to vector<1x16xf32>
        tpu.vector_store %arg12[%swap3A_904, %swap3A_905], %swap3A_908 {strides = array<i32>} : memref<80x32xf32, #tpu.memory_space<vmem>>, vector<1x16xf32>,
      }
      %scan3A_418 = arith.constant 10 : i32
      %dma_start3A_419 = arith.constant 0 : i32
      %dma_start3A_420 = tpu.memref_slice %arg7[%add3A_376, %dma_start3A_419] : memref<125x80xi32, #tpu.memory_space<vmem>> -> memref<1x80xi32, #tpu.memory_space<vmem>>
      %dma_start3A_421 = tpu.memref_squeeze %dma_start3A_420 : memref<1x80xi32, #tpu.memory_space<vmem>> -> memref<80xi32, #tpu.memory_space<vmem>>
      %dma_start3A_422 = arith.constant 0 : i32
      %dma_start3A_423 = arith.constant 0 : i32
      %dma_start3A_424 = tpu.memref_slice %arg20[%dma_start3A_422, %dma_start3A_423] : memref<10240x32xf32, #tpu.memory_space<vmem_shared>> -> memref<10240x32xf32, #tpu.memory_space<vmem_shared>>
      tpu.enqueue_indirect_dma source(%arg12 : memref<80x32xf32, #tpu.memory_space<vmem>>) target(%dma_start3A_424 : memref<10240x32xf32, #tpu.memory_space<vmem_shared>>) offsets(%dma_start3A_421 : memref<80xi32, #tpu.memory_space<vmem>>) semaphore(%arg32 : memref<!tpu.dma_semaphore, #tpu.memory_space<semaphore_mem>>) {add = true}
      %add3A_425 = arith.constant 2 : i32
      %add3A_426 = arith.addi %add3A_324, %add3A_425 : i32
      %sub3A_427 = arith.constant 2 : i32
      %sub3A_428 = arith.subi %add3A_426, %sub3A_427 : i32
      %dma_wait3A_429 = arith.constant 0 : i32
      %dma_wait3A_430 = tpu.memref_slice %arg7[%sub3A_428, %dma_wait3A_429] : memref<125x80xi32, #tpu.memory_space<vmem>> -> memref<1x80xi32, #tpu.memory_space<vmem>>
      %dma_wait3A_431 = tpu.memref_squeeze %dma_wait3A_430 : memref<1x80xi32, #tpu.memory_space<vmem>> -> memref<80xi32, #tpu.memory_space<vmem>>
      %dma_wait3A_432 = arith.constant 0 : i32
      %dma_wait3A_433 = arith.constant 0 : i32
      %dma_wait3A_434 = tpu.memref_slice %arg20[%dma_wait3A_432, %dma_wait3A_433] : memref<10240x32xf32, #tpu.memory_space<vmem_shared>> -> memref<10240x32xf32, #tpu.memory_space<vmem_shared>>
      tpu.wait_indirect_dma semaphore(%arg31 : memref<!tpu.dma_semaphore, #tpu.memory_space<semaphore_mem>>) src(%arg11 : memref<80x32xf32, #tpu.memory_space<vmem>>) dst(%dma_wait3A_434 : memref<10240x32xf32, #tpu.memory_space<vmem_shared>>)
      %add3A_435 = arith.constant 2 : i32
      %add3A_436 = arith.addi %add3A_426, %add3A_435 : i32
      %dma_start3A_437 = arith.constant 0 : i32
      %dma_start3A_438 = tpu.memref_slice %arg7[%add3A_436, %dma_start3A_437] : memref<125x80xi32, #tpu.memory_space<vmem>> -> memref<1x80xi32, #tpu.memory_space<vmem>>
      %dma_start3A_439 = tpu.memref_squeeze %dma_start3A_438 : memref<1x80xi32, #tpu.memory_space<vmem>> -> memref<80xi32, #tpu.memory_space<vmem>>
      %dma_start3A_440 = arith.constant 0 : i32
      %dma_start3A_441 = arith.constant 0 : i32
      %dma_start3A_442 = tpu.memref_slice %arg18[%dma_start3A_440, %dma_start3A_441] : memref<10240x32xf32, #tpu.memory_space<vmem_shared>> -> memref<10240x32xf32, #tpu.memory_space<vmem_shared>>
      tpu.enqueue_indirect_dma source(%dma_start3A_442 : memref<10240x32xf32, #tpu.memory_space<vmem_shared>>) target(%arg11 : memref<80x32xf32, #tpu.memory_space<vmem>>) offsets(%dma_start3A_439 : memref<80xi32, #tpu.memory_space<vmem>>) semaphore(%arg23 : memref<!tpu.dma_semaphore, #tpu.memory_space<semaphore_mem>>)
      %dma_start3A_443 = arith.constant 0 : i32
      %dma_start3A_444 = tpu.memref_slice %arg8[%add3A_436, %dma_start3A_443] : memref<125x80xi32, #tpu.memory_space<vmem>> -> memref<1x80xi32, #tpu.memory_space<vmem>>
      %dma_start3A_445 = tpu.memref_squeeze %dma_start3A_444 : memref<1x80xi32, #tpu.memory_space<vmem>> -> memref<80xi32, #tpu.memory_space<vmem>>
      %dma_start3A_446 = arith.constant 0 : i32
      %dma_start3A_447 = arith.constant 0 : i32
      %dma_start3A_448 = tpu.memref_slice %arg19[%dma_start3A_446, %dma_start3A_447] : memref<10240x32xf32, #tpu.memory_space<vmem_shared>> -> memref<10240x32xf32, #tpu.memory_space<vmem_shared>>
      tpu.enqueue_indirect_dma source(%dma_start3A_448 : memref<10240x32xf32, #tpu.memory_space<vmem_shared>>) target(%arg15 : memref<80x32xf32, #tpu.memory_space<vmem>>) offsets(%dma_start3A_445 : memref<80xi32, #tpu.memory_space<vmem>>) semaphore(%arg27 : memref<!tpu.dma_semaphore, #tpu.memory_space<semaphore_mem>>)
      %dma_wait3A_449 = arith.constant 0 : i32
      %dma_wait3A_450 = tpu.memref_slice %arg7[%add3A_426, %dma_wait3A_449] : memref<125x80xi32, #tpu.memory_space<vmem>> -> memref<1x80xi32, #tpu.memory_space<vmem>>
      %dma_wait3A_451 = tpu.memref_squeeze %dma_wait3A_450 : memref<1x80xi32, #tpu.memory_space<vmem>> -> memref<80xi32, #tpu.memory_space<vmem>>
      %dma_wait3A_452 = arith.constant 0 : i32
      %dma_wait3A_453 = arith.constant 0 : i32
      %dma_wait3A_454 = tpu.memref_slice %arg18[%dma_wait3A_452, %dma_wait3A_453] : memref<10240x32xf32, #tpu.memory_space<vmem_shared>> -> memref<10240x32xf32, #tpu.memory_space<vmem_shared>>
      tpu.wait_indirect_dma semaphore(%arg21 : memref<!tpu.dma_semaphore, #tpu.memory_space<semaphore_mem>>) src(%dma_wait3A_454 : memref<10240x32xf32, #tpu.memory_space<vmem_shared>>) dst(%arg9 : memref<80x32xf32, #tpu.memory_space<vmem>>)
      %dma_wait3A_455 = arith.constant 0 : i32
      %dma_wait3A_456 = tpu.memref_slice %arg8[%add3A_426, %dma_wait3A_455] : memref<125x80xi32, #tpu.memory_space<vmem>> -> memref<1x80xi32, #tpu.memory_space<vmem>>
      %dma_wait3A_457 = tpu.memref_squeeze %dma_wait3A_456 : memref<1x80xi32, #tpu.memory_space<vmem>> -> memref<80xi32, #tpu.memory_space<vmem>>
      %dma_wait3A_458 = arith.constant 0 : i32
      %dma_wait3A_459 = arith.constant 0 : i32
      %dma_wait3A_460 = tpu.memref_slice %arg19[%dma_wait3A_458, %dma_wait3A_459] : memref<10240x32xf32, #tpu.memory_space<vmem_shared>> -> memref<10240x32xf32, #tpu.memory_space<vmem_shared>>
      tpu.wait_indirect_dma semaphore(%arg25 : memref<!tpu.dma_semaphore, #tpu.memory_space<semaphore_mem>>) src(%dma_wait3A_460 : memref<10240x32xf32, #tpu.memory_space<vmem_shared>>) dst(%arg13 : memref<80x32xf32, #tpu.memory_space<vmem>>)
      %broadcast_in_dim3A_461 = arith.constant 1.000000e+00 : f32
      %broadcast_in_dim3A_462 = vector.broadcast %broadcast_in_dim3A_461 : f32 to vector<16xf32>
      %scan3A_463 = arith.constant 0 : i32
      %scan3A_464 = arith.constant 0 : i32
      %scan3A_465 = arith.constant 10 : i32
      %scan3A_466 = arith.addi %scan3A_464, %scan3A_465 : i32
      %scan3A_467 = arith.constant 1 : i32
      scf.for %scan3A_525 = %scan3A_464 to %scan3A_466 step %scan3A_467  : i32 {
        %mul3A_526 = arith.constant 8 : i32
        %mul3A_527 = arith.muli %scan3A_525, %mul3A_526 : i32
        %add3A_528 = arith.constant 0 : i32
        %add3A_529 = arith.addi %mul3A_527, %add3A_528 : i32
        %get3A = arith.index_cast %add3A_529 : i32 to index
        %get3A_530 = arith.constant 0 : index
        %get3A_531 = tpu.vector_load %arg9[%get3A, %get3A_530] {strides = array<i32>} : memref<80x32xf32, #tpu.memory_space<vmem>>, vector<1x16xf32>,
        %get3A_532 = vector.shape_cast %get3A_531 : vector<1x16xf32> to vector<16xf32>
        %add3A_533 = arith.constant 0 : i32
        %add3A_534 = arith.addi %mul3A_527, %add3A_533 : i32
        %get3A_535 = arith.index_cast %add3A_534 : i32 to index
        %get3A_536 = arith.constant 0 : index
        %get3A_537 = tpu.vector_load %arg13[%get3A_535, %get3A_536] {strides = array<i32>} : memref<80x32xf32, #tpu.memory_space<vmem>>, vector<1x16xf32>,
        %get3A_538 = vector.shape_cast %get3A_537 : vector<1x16xf32> to vector<16xf32>
        %mul3A_539 = arith.mulf %get3A_532, %get3A_538 : vector<16xf32>
        %add3A_540 = arith.constant 1.000000e+00 : f32
        %add3A_541 = vector.broadcast %add3A_540 : f32 to vector<16xf32>
        %add3A_542 = arith.addf %add3A_541, %mul3A_539 : vector<16xf32>
        %div3A = arith.divf %broadcast_in_dim3A_462, %add3A_542 : vector<16xf32>
        %add3A_543 = arith.constant 0 : i32
        %add3A_544 = arith.addi %mul3A_527, %add3A_543 : i32
        %swap3A = arith.index_cast %add3A_544 : i32 to index
        %swap3A_545 = arith.constant 0 : index
        %swap3A_546 = tpu.vector_load %arg9[%swap3A, %swap3A_545] {strides = array<i32>} : memref<80x32xf32, #tpu.memory_space<vmem>>, vector<1x16xf32>,
        %swap3A_547 = vector.shape_cast %swap3A_546 : vector<1x16xf32> to vector<16xf32>
        %swap3A_548 = vector.shape_cast %div3A : vector<16xf32> to vector<1x16xf32>
        tpu.vector_store %arg9[%swap3A, %swap3A_545], %swap3A_548 {strides = array<i32>} : memref<80x32xf32, #tpu.memory_space<vmem>>, vector<1x16xf32>,
        %add3A_549 = arith.constant 0 : i32
        %add3A_550 = arith.addi %mul3A_527, %add3A_549 : i32
        %get3A_551 = arith.index_cast %add3A_550 : i32 to index
        %get3A_552 = arith.constant 16 : index
        %get3A_553 = tpu.vector_load %arg9[%get3A_551, %get3A_552] {strides = array<i32>} : memref<80x32xf32, #tpu.memory_space<vmem>>, vector<1x16xf32>,
        %get3A_554 = vector.shape_cast %get3A_553 : vector<1x16xf32> to vector<16xf32>
        %add3A_555 = arith.constant 0 : i32
        %add3A_556 = arith.addi %mul3A_527, %add3A_555 : i32
        %get3A_557 = arith.index_cast %add3A_556 : i32 to index
        %get3A_558 = arith.constant 16 : index
        %get3A_559 = tpu.vector_load %arg13[%get3A_557, %get3A_558] {strides = array<i32>} : memref<80x32xf32, #tpu.memory_space<vmem>>, vector<1x16xf32>,
        %get3A_560 = vector.shape_cast %get3A_559 : vector<1x16xf32> to vector<16xf32>
        %mul3A_561 = arith.mulf %get3A_554, %get3A_560 : vector<16xf32>
        %add3A_562 = arith.constant 1.000000e+00 : f32
        %add3A_563 = vector.broadcast %add3A_562 : f32 to vector<16xf32>
        %add3A_564 = arith.addf %add3A_563, %mul3A_561 : vector<16xf32>
        %div3A_565 = arith.divf %broadcast_in_dim3A_462, %add3A_564 : vector<16xf32>
        %add3A_566 = arith.constant 0 : i32
        %add3A_567 = arith.addi %mul3A_527, %add3A_566 : i32
        %swap3A_568 = arith.index_cast %add3A_567 : i32 to index
        %swap3A_569 = arith.constant 16 : index
        %swap3A_570 = tpu.vector_load %arg9[%swap3A_568, %swap3A_569] {strides = array<i32>} : memref<80x32xf32, #tpu.memory_space<vmem>>, vector<1x16xf32>,
        %swap3A_571 = vector.shape_cast %swap3A_570 : vector<1x16xf32> to vector<16xf32>
        %swap3A_572 = vector.shape_cast %div3A_565 : vector<16xf32> to vector<1x16xf32>
        tpu.vector_store %arg9[%swap3A_568, %swap3A_569], %swap3A_572 {strides = array<i32>} : memref<80x32xf32, #tpu.memory_space<vmem>>, vector<1x16xf32>,
        %add3A_573 = arith.constant 1 : i32
        %add3A_574 = arith.addi %mul3A_527, %add3A_573 : i32
        %get3A_575 = arith.index_cast %add3A_574 : i32 to index
        %get3A_576 = arith.constant 0 : index
        %get3A_577 = tpu.vector_load %arg9[%get3A_575, %get3A_576] {strides = array<i32>} : memref<80x32xf32, #tpu.memory_space<vmem>>, vector<1x16xf32>,
        %get3A_578 = vector.shape_cast %get3A_577 : vector<1x16xf32> to vector<16xf32>
        %add3A_579 = arith.constant 1 : i32
        %add3A_580 = arith.addi %mul3A_527, %add3A_579 : i32
        %get3A_581 = arith.index_cast %add3A_580 : i32 to index
        %get3A_582 = arith.constant 0 : index
        %get3A_583 = tpu.vector_load %arg13[%get3A_581, %get3A_582] {strides = array<i32>} : memref<80x32xf32, #tpu.memory_space<vmem>>, vector<1x16xf32>,
        %get3A_584 = vector.shape_cast %get3A_583 : vector<1x16xf32> to vector<16xf32>
        %mul3A_585 = arith.mulf %get3A_578, %get3A_584 : vector<16xf32>
        %add3A_586 = arith.constant 1.000000e+00 : f32
        %add3A_587 = vector.broadcast %add3A_586 : f32 to vector<16xf32>
        %add3A_588 = arith.addf %add3A_587, %mul3A_585 : vector<16xf32>
        %div3A_589 = arith.divf %broadcast_in_dim3A_462, %add3A_588 : vector<16xf32>
        %add3A_590 = arith.constant 1 : i32
        %add3A_591 = arith.addi %mul3A_527, %add3A_590 : i32
        %swap3A_592 = arith.index_cast %add3A_591 : i32 to index
        %swap3A_593 = arith.constant 0 : index
        %swap3A_594 = tpu.vector_load %arg9[%swap3A_592, %swap3A_593] {strides = array<i32>} : memref<80x32xf32, #tpu.memory_space<vmem>>, vector<1x16xf32>,
        %swap3A_595 = vector.shape_cast %swap3A_594 : vector<1x16xf32> to vector<16xf32>
        %swap3A_596 = vector.shape_cast %div3A_589 : vector<16xf32> to vector<1x16xf32>
        tpu.vector_store %arg9[%swap3A_592, %swap3A_593], %swap3A_596 {strides = array<i32>} : memref<80x32xf32, #tpu.memory_space<vmem>>, vector<1x16xf32>,
        %add3A_597 = arith.constant 1 : i32
        %add3A_598 = arith.addi %mul3A_527, %add3A_597 : i32
        %get3A_599 = arith.index_cast %add3A_598 : i32 to index
        %get3A_600 = arith.constant 16 : index
        %get3A_601 = tpu.vector_load %arg9[%get3A_599, %get3A_600] {strides = array<i32>} : memref<80x32xf32, #tpu.memory_space<vmem>>, vector<1x16xf32>,
        %get3A_602 = vector.shape_cast %get3A_601 : vector<1x16xf32> to vector<16xf32>
        %add3A_603 = arith.constant 1 : i32
        %add3A_604 = arith.addi %mul3A_527, %add3A_603 : i32
        %get3A_605 = arith.index_cast %add3A_604 : i32 to index
        %get3A_606 = arith.constant 16 : index
        %get3A_607 = tpu.vector_load %arg13[%get3A_605, %get3A_606] {strides = array<i32>} : memref<80x32xf32, #tpu.memory_space<vmem>>, vector<1x16xf32>,
        %get3A_608 = vector.shape_cast %get3A_607 : vector<1x16xf32> to vector<16xf32>
        %mul3A_609 = arith.mulf %get3A_602, %get3A_608 : vector<16xf32>
        %add3A_610 = arith.constant 1.000000e+00 : f32
        %add3A_611 = vector.broadcast %add3A_610 : f32 to vector<16xf32>
        %add3A_612 = arith.addf %add3A_611, %mul3A_609 : vector<16xf32>
        %div3A_613 = arith.divf %broadcast_in_dim3A_462, %add3A_612 : vector<16xf32>
        %add3A_614 = arith.constant 1 : i32
        %add3A_615 = arith.addi %mul3A_527, %add3A_614 : i32
        %swap3A_616 = arith.index_cast %add3A_615 : i32 to index
        %swap3A_617 = arith.constant 16 : index
        %swap3A_618 = tpu.vector_load %arg9[%swap3A_616, %swap3A_617] {strides = array<i32>} : memref<80x32xf32, #tpu.memory_space<vmem>>, vector<1x16xf32>,
        %swap3A_619 = vector.shape_cast %swap3A_618 : vector<1x16xf32> to vector<16xf32>
        %swap3A_620 = vector.shape_cast %div3A_613 : vector<16xf32> to vector<1x16xf32>
        tpu.vector_store %arg9[%swap3A_616, %swap3A_617], %swap3A_620 {strides = array<i32>} : memref<80x32xf32, #tpu.memory_space<vmem>>, vector<1x16xf32>,
        %add3A_621 = arith.constant 2 : i32
        %add3A_622 = arith.addi %mul3A_527, %add3A_621 : i32
        %get3A_623 = arith.index_cast %add3A_622 : i32 to index
        %get3A_624 = arith.constant 0 : index
        %get3A_625 = tpu.vector_load %arg9[%get3A_623, %get3A_624] {strides = array<i32>} : memref<80x32xf32, #tpu.memory_space<vmem>>, vector<1x16xf32>,
        %get3A_626 = vector.shape_cast %get3A_625 : vector<1x16xf32> to vector<16xf32>
        %add3A_627 = arith.constant 2 : i32
        %add3A_628 = arith.addi %mul3A_527, %add3A_627 : i32
        %get3A_629 = arith.index_cast %add3A_628 : i32 to index
        %get3A_630 = arith.constant 0 : index
        %get3A_631 = tpu.vector_load %arg13[%get3A_629, %get3A_630] {strides = array<i32>} : memref<80x32xf32, #tpu.memory_space<vmem>>, vector<1x16xf32>,
        %get3A_632 = vector.shape_cast %get3A_631 : vector<1x16xf32> to vector<16xf32>
        %mul3A_633 = arith.mulf %get3A_626, %get3A_632 : vector<16xf32>
        %add3A_634 = arith.constant 1.000000e+00 : f32
        %add3A_635 = vector.broadcast %add3A_634 : f32 to vector<16xf32>
        %add3A_636 = arith.addf %add3A_635, %mul3A_633 : vector<16xf32>
        %div3A_637 = arith.divf %broadcast_in_dim3A_462, %add3A_636 : vector<16xf32>
        %add3A_638 = arith.constant 2 : i32
        %add3A_639 = arith.addi %mul3A_527, %add3A_638 : i32
        %swap3A_640 = arith.index_cast %add3A_639 : i32 to index
        %swap3A_641 = arith.constant 0 : index
        %swap3A_642 = tpu.vector_load %arg9[%swap3A_640, %swap3A_641] {strides = array<i32>} : memref<80x32xf32, #tpu.memory_space<vmem>>, vector<1x16xf32>,
        %swap3A_643 = vector.shape_cast %swap3A_642 : vector<1x16xf32> to vector<16xf32>
        %swap3A_644 = vector.shape_cast %div3A_637 : vector<16xf32> to vector<1x16xf32>
        tpu.vector_store %arg9[%swap3A_640, %swap3A_641], %swap3A_644 {strides = array<i32>} : memref<80x32xf32, #tpu.memory_space<vmem>>, vector<1x16xf32>,
        %add3A_645 = arith.constant 2 : i32
        %add3A_646 = arith.addi %mul3A_527, %add3A_645 : i32
        %get3A_647 = arith.index_cast %add3A_646 : i32 to index
        %get3A_648 = arith.constant 16 : index
        %get3A_649 = tpu.vector_load %arg9[%get3A_647, %get3A_648] {strides = array<i32>} : memref<80x32xf32, #tpu.memory_space<vmem>>, vector<1x16xf32>,
        %get3A_650 = vector.shape_cast %get3A_649 : vector<1x16xf32> to vector<16xf32>
        %add3A_651 = arith.constant 2 : i32
        %add3A_652 = arith.addi %mul3A_527, %add3A_651 : i32
        %get3A_653 = arith.index_cast %add3A_652 : i32 to index
        %get3A_654 = arith.constant 16 : index
        %get3A_655 = tpu.vector_load %arg13[%get3A_653, %get3A_654] {strides = array<i32>} : memref<80x32xf32, #tpu.memory_space<vmem>>, vector<1x16xf32>,
        %get3A_656 = vector.shape_cast %get3A_655 : vector<1x16xf32> to vector<16xf32>
        %mul3A_657 = arith.mulf %get3A_650, %get3A_656 : vector<16xf32>
        %add3A_658 = arith.constant 1.000000e+00 : f32
        %add3A_659 = vector.broadcast %add3A_658 : f32 to vector<16xf32>
        %add3A_660 = arith.addf %add3A_659, %mul3A_657 : vector<16xf32>
        %div3A_661 = arith.divf %broadcast_in_dim3A_462, %add3A_660 : vector<16xf32>
        %add3A_662 = arith.constant 2 : i32
        %add3A_663 = arith.addi %mul3A_527, %add3A_662 : i32
        %swap3A_664 = arith.index_cast %add3A_663 : i32 to index
        %swap3A_665 = arith.constant 16 : index
        %swap3A_666 = tpu.vector_load %arg9[%swap3A_664, %swap3A_665] {strides = array<i32>} : memref<80x32xf32, #tpu.memory_space<vmem>>, vector<1x16xf32>,
        %swap3A_667 = vector.shape_cast %swap3A_666 : vector<1x16xf32> to vector<16xf32>
        %swap3A_668 = vector.shape_cast %div3A_661 : vector<16xf32> to vector<1x16xf32>
        tpu.vector_store %arg9[%swap3A_664, %swap3A_665], %swap3A_668 {strides = array<i32>} : memref<80x32xf32, #tpu.memory_space<vmem>>, vector<1x16xf32>,
        %add3A_669 = arith.constant 3 : i32
        %add3A_670 = arith.addi %mul3A_527, %add3A_669 : i32
        %get3A_671 = arith.index_cast %add3A_670 : i32 to index
        %get3A_672 = arith.constant 0 : index
        %get3A_673 = tpu.vector_load %arg9[%get3A_671, %get3A_672] {strides = array<i32>} : memref<80x32xf32, #tpu.memory_space<vmem>>, vector<1x16xf32>,
        %get3A_674 = vector.shape_cast %get3A_673 : vector<1x16xf32> to vector<16xf32>
        %add3A_675 = arith.constant 3 : i32
        %add3A_676 = arith.addi %mul3A_527, %add3A_675 : i32
        %get3A_677 = arith.index_cast %add3A_676 : i32 to index
        %get3A_678 = arith.constant 0 : index
        %get3A_679 = tpu.vector_load %arg13[%get3A_677, %get3A_678] {strides = array<i32>} : memref<80x32xf32, #tpu.memory_space<vmem>>, vector<1x16xf32>,
        %get3A_680 = vector.shape_cast %get3A_679 : vector<1x16xf32> to vector<16xf32>
        %mul3A_681 = arith.mulf %get3A_674, %get3A_680 : vector<16xf32>
        %add3A_682 = arith.constant 1.000000e+00 : f32
        %add3A_683 = vector.broadcast %add3A_682 : f32 to vector<16xf32>
        %add3A_684 = arith.addf %add3A_683, %mul3A_681 : vector<16xf32>
        %div3A_685 = arith.divf %broadcast_in_dim3A_462, %add3A_684 : vector<16xf32>
        %add3A_686 = arith.constant 3 : i32
        %add3A_687 = arith.addi %mul3A_527, %add3A_686 : i32
        %swap3A_688 = arith.index_cast %add3A_687 : i32 to index
        %swap3A_689 = arith.constant 0 : index
        %swap3A_690 = tpu.vector_load %arg9[%swap3A_688, %swap3A_689] {strides = array<i32>} : memref<80x32xf32, #tpu.memory_space<vmem>>, vector<1x16xf32>,
        %swap3A_691 = vector.shape_cast %swap3A_690 : vector<1x16xf32> to vector<16xf32>
        %swap3A_692 = vector.shape_cast %div3A_685 : vector<16xf32> to vector<1x16xf32>
        tpu.vector_store %arg9[%swap3A_688, %swap3A_689], %swap3A_692 {strides = array<i32>} : memref<80x32xf32, #tpu.memory_space<vmem>>, vector<1x16xf32>,
        %add3A_693 = arith.constant 3 : i32
        %add3A_694 = arith.addi %mul3A_527, %add3A_693 : i32
        %get3A_695 = arith.index_cast %add3A_694 : i32 to index
        %get3A_696 = arith.constant 16 : index
        %get3A_697 = tpu.vector_load %arg9[%get3A_695, %get3A_696] {strides = array<i32>} : memref<80x32xf32, #tpu.memory_space<vmem>>, vector<1x16xf32>,
        %get3A_698 = vector.shape_cast %get3A_697 : vector<1x16xf32> to vector<16xf32>
        %add3A_699 = arith.constant 3 : i32
        %add3A_700 = arith.addi %mul3A_527, %add3A_699 : i32
        %get3A_701 = arith.index_cast %add3A_700 : i32 to index
        %get3A_702 = arith.constant 16 : index
        %get3A_703 = tpu.vector_load %arg13[%get3A_701, %get3A_702] {strides = array<i32>} : memref<80x32xf32, #tpu.memory_space<vmem>>, vector<1x16xf32>,
        %get3A_704 = vector.shape_cast %get3A_703 : vector<1x16xf32> to vector<16xf32>
        %mul3A_705 = arith.mulf %get3A_698, %get3A_704 : vector<16xf32>
        %add3A_706 = arith.constant 1.000000e+00 : f32
        %add3A_707 = vector.broadcast %add3A_706 : f32 to vector<16xf32>
        %add3A_708 = arith.addf %add3A_707, %mul3A_705 : vector<16xf32>
        %div3A_709 = arith.divf %broadcast_in_dim3A_462, %add3A_708 : vector<16xf32>
        %add3A_710 = arith.constant 3 : i32
        %add3A_711 = arith.addi %mul3A_527, %add3A_710 : i32
        %swap3A_712 = arith.index_cast %add3A_711 : i32 to index
        %swap3A_713 = arith.constant 16 : index
        %swap3A_714 = tpu.vector_load %arg9[%swap3A_712, %swap3A_713] {strides = array<i32>} : memref<80x32xf32, #tpu.memory_space<vmem>>, vector<1x16xf32>,
        %swap3A_715 = vector.shape_cast %swap3A_714 : vector<1x16xf32> to vector<16xf32>
        %swap3A_716 = vector.shape_cast %div3A_709 : vector<16xf32> to vector<1x16xf32>
        tpu.vector_store %arg9[%swap3A_712, %swap3A_713], %swap3A_716 {strides = array<i32>} : memref<80x32xf32, #tpu.memory_space<vmem>>, vector<1x16xf32>,
        %add3A_717 = arith.constant 4 : i32
        %add3A_718 = arith.addi %mul3A_527, %add3A_717 : i32
        %get3A_719 = arith.index_cast %add3A_718 : i32 to index
        %get3A_720 = arith.constant 0 : index
        %get3A_721 = tpu.vector_load %arg9[%get3A_719, %get3A_720] {strides = array<i32>} : memref<80x32xf32, #tpu.memory_space<vmem>>, vector<1x16xf32>,
        %get3A_722 = vector.shape_cast %get3A_721 : vector<1x16xf32> to vector<16xf32>
        %add3A_723 = arith.constant 4 : i32
        %add3A_724 = arith.addi %mul3A_527, %add3A_723 : i32
        %get3A_725 = arith.index_cast %add3A_724 : i32 to index
        %get3A_726 = arith.constant 0 : index
        %get3A_727 = tpu.vector_load %arg13[%get3A_725, %get3A_726] {strides = array<i32>} : memref<80x32xf32, #tpu.memory_space<vmem>>, vector<1x16xf32>,
        %get3A_728 = vector.shape_cast %get3A_727 : vector<1x16xf32> to vector<16xf32>
        %mul3A_729 = arith.mulf %get3A_722, %get3A_728 : vector<16xf32>
        %add3A_730 = arith.constant 1.000000e+00 : f32
        %add3A_731 = vector.broadcast %add3A_730 : f32 to vector<16xf32>
        %add3A_732 = arith.addf %add3A_731, %mul3A_729 : vector<16xf32>
        %div3A_733 = arith.divf %broadcast_in_dim3A_462, %add3A_732 : vector<16xf32>
        %add3A_734 = arith.constant 4 : i32
        %add3A_735 = arith.addi %mul3A_527, %add3A_734 : i32
        %swap3A_736 = arith.index_cast %add3A_735 : i32 to index
        %swap3A_737 = arith.constant 0 : index
        %swap3A_738 = tpu.vector_load %arg9[%swap3A_736, %swap3A_737] {strides = array<i32>} : memref<80x32xf32, #tpu.memory_space<vmem>>, vector<1x16xf32>,
        %swap3A_739 = vector.shape_cast %swap3A_738 : vector<1x16xf32> to vector<16xf32>
        %swap3A_740 = vector.shape_cast %div3A_733 : vector<16xf32> to vector<1x16xf32>
        tpu.vector_store %arg9[%swap3A_736, %swap3A_737], %swap3A_740 {strides = array<i32>} : memref<80x32xf32, #tpu.memory_space<vmem>>, vector<1x16xf32>,
        %add3A_741 = arith.constant 4 : i32
        %add3A_742 = arith.addi %mul3A_527, %add3A_741 : i32
        %get3A_743 = arith.index_cast %add3A_742 : i32 to index
        %get3A_744 = arith.constant 16 : index
        %get3A_745 = tpu.vector_load %arg9[%get3A_743, %get3A_744] {strides = array<i32>} : memref<80x32xf32, #tpu.memory_space<vmem>>, vector<1x16xf32>,
        %get3A_746 = vector.shape_cast %get3A_745 : vector<1x16xf32> to vector<16xf32>
        %add3A_747 = arith.constant 4 : i32
        %add3A_748 = arith.addi %mul3A_527, %add3A_747 : i32
        %get3A_749 = arith.index_cast %add3A_748 : i32 to index
        %get3A_750 = arith.constant 16 : index
        %get3A_751 = tpu.vector_load %arg13[%get3A_749, %get3A_750] {strides = array<i32>} : memref<80x32xf32, #tpu.memory_space<vmem>>, vector<1x16xf32>,
        %get3A_752 = vector.shape_cast %get3A_751 : vector<1x16xf32> to vector<16xf32>
        %mul3A_753 = arith.mulf %get3A_746, %get3A_752 : vector<16xf32>
        %add3A_754 = arith.constant 1.000000e+00 : f32
        %add3A_755 = vector.broadcast %add3A_754 : f32 to vector<16xf32>
        %add3A_756 = arith.addf %add3A_755, %mul3A_753 : vector<16xf32>
        %div3A_757 = arith.divf %broadcast_in_dim3A_462, %add3A_756 : vector<16xf32>
        %add3A_758 = arith.constant 4 : i32
        %add3A_759 = arith.addi %mul3A_527, %add3A_758 : i32
        %swap3A_760 = arith.index_cast %add3A_759 : i32 to index
        %swap3A_761 = arith.constant 16 : index
        %swap3A_762 = tpu.vector_load %arg9[%swap3A_760, %swap3A_761] {strides = array<i32>} : memref<80x32xf32, #tpu.memory_space<vmem>>, vector<1x16xf32>,
        %swap3A_763 = vector.shape_cast %swap3A_762 : vector<1x16xf32> to vector<16xf32>
        %swap3A_764 = vector.shape_cast %div3A_757 : vector<16xf32> to vector<1x16xf32>
        tpu.vector_store %arg9[%swap3A_760, %swap3A_761], %swap3A_764 {strides = array<i32>} : memref<80x32xf32, #tpu.memory_space<vmem>>, vector<1x16xf32>,
        %add3A_765 = arith.constant 5 : i32
        %add3A_766 = arith.addi %mul3A_527, %add3A_765 : i32
        %get3A_767 = arith.index_cast %add3A_766 : i32 to index
        %get3A_768 = arith.constant 0 : index
        %get3A_769 = tpu.vector_load %arg9[%get3A_767, %get3A_768] {strides = array<i32>} : memref<80x32xf32, #tpu.memory_space<vmem>>, vector<1x16xf32>,
        %get3A_770 = vector.shape_cast %get3A_769 : vector<1x16xf32> to vector<16xf32>
        %add3A_771 = arith.constant 5 : i32
        %add3A_772 = arith.addi %mul3A_527, %add3A_771 : i32
        %get3A_773 = arith.index_cast %add3A_772 : i32 to index
        %get3A_774 = arith.constant 0 : index
        %get3A_775 = tpu.vector_load %arg13[%get3A_773, %get3A_774] {strides = array<i32>} : memref<80x32xf32, #tpu.memory_space<vmem>>, vector<1x16xf32>,
        %get3A_776 = vector.shape_cast %get3A_775 : vector<1x16xf32> to vector<16xf32>
        %mul3A_777 = arith.mulf %get3A_770, %get3A_776 : vector<16xf32>
        %add3A_778 = arith.constant 1.000000e+00 : f32
        %add3A_779 = vector.broadcast %add3A_778 : f32 to vector<16xf32>
        %add3A_780 = arith.addf %add3A_779, %mul3A_777 : vector<16xf32>
        %div3A_781 = arith.divf %broadcast_in_dim3A_462, %add3A_780 : vector<16xf32>
        %add3A_782 = arith.constant 5 : i32
        %add3A_783 = arith.addi %mul3A_527, %add3A_782 : i32
        %swap3A_784 = arith.index_cast %add3A_783 : i32 to index
        %swap3A_785 = arith.constant 0 : index
        %swap3A_786 = tpu.vector_load %arg9[%swap3A_784, %swap3A_785] {strides = array<i32>} : memref<80x32xf32, #tpu.memory_space<vmem>>, vector<1x16xf32>,
        %swap3A_787 = vector.shape_cast %swap3A_786 : vector<1x16xf32> to vector<16xf32>
        %swap3A_788 = vector.shape_cast %div3A_781 : vector<16xf32> to vector<1x16xf32>
        tpu.vector_store %arg9[%swap3A_784, %swap3A_785], %swap3A_788 {strides = array<i32>} : memref<80x32xf32, #tpu.memory_space<vmem>>, vector<1x16xf32>,
        %add3A_789 = arith.constant 5 : i32
        %add3A_790 = arith.addi %mul3A_527, %add3A_789 : i32
        %get3A_791 = arith.index_cast %add3A_790 : i32 to index
        %get3A_792 = arith.constant 16 : index
        %get3A_793 = tpu.vector_load %arg9[%get3A_791, %get3A_792] {strides = array<i32>} : memref<80x32xf32, #tpu.memory_space<vmem>>, vector<1x16xf32>,
        %get3A_794 = vector.shape_cast %get3A_793 : vector<1x16xf32> to vector<16xf32>
        %add3A_795 = arith.constant 5 : i32
        %add3A_796 = arith.addi %mul3A_527, %add3A_795 : i32
        %get3A_797 = arith.index_cast %add3A_796 : i32 to index
        %get3A_798 = arith.constant 16 : index
        %get3A_799 = tpu.vector_load %arg13[%get3A_797, %get3A_798] {strides = array<i32>} : memref<80x32xf32, #tpu.memory_space<vmem>>, vector<1x16xf32>,
        %get3A_800 = vector.shape_cast %get3A_799 : vector<1x16xf32> to vector<16xf32>
        %mul3A_801 = arith.mulf %get3A_794, %get3A_800 : vector<16xf32>
        %add3A_802 = arith.constant 1.000000e+00 : f32
        %add3A_803 = vector.broadcast %add3A_802 : f32 to vector<16xf32>
        %add3A_804 = arith.addf %add3A_803, %mul3A_801 : vector<16xf32>
        %div3A_805 = arith.divf %broadcast_in_dim3A_462, %add3A_804 : vector<16xf32>
        %add3A_806 = arith.constant 5 : i32
        %add3A_807 = arith.addi %mul3A_527, %add3A_806 : i32
        %swap3A_808 = arith.index_cast %add3A_807 : i32 to index
        %swap3A_809 = arith.constant 16 : index
        %swap3A_810 = tpu.vector_load %arg9[%swap3A_808, %swap3A_809] {strides = array<i32>} : memref<80x32xf32, #tpu.memory_space<vmem>>, vector<1x16xf32>,
        %swap3A_811 = vector.shape_cast %swap3A_810 : vector<1x16xf32> to vector<16xf32>
        %swap3A_812 = vector.shape_cast %div3A_805 : vector<16xf32> to vector<1x16xf32>
        tpu.vector_store %arg9[%swap3A_808, %swap3A_809], %swap3A_812 {strides = array<i32>} : memref<80x32xf32, #tpu.memory_space<vmem>>, vector<1x16xf32>,
        %add3A_813 = arith.constant 6 : i32
        %add3A_814 = arith.addi %mul3A_527, %add3A_813 : i32
        %get3A_815 = arith.index_cast %add3A_814 : i32 to index
        %get3A_816 = arith.constant 0 : index
        %get3A_817 = tpu.vector_load %arg9[%get3A_815, %get3A_816] {strides = array<i32>} : memref<80x32xf32, #tpu.memory_space<vmem>>, vector<1x16xf32>,
        %get3A_818 = vector.shape_cast %get3A_817 : vector<1x16xf32> to vector<16xf32>
        %add3A_819 = arith.constant 6 : i32
        %add3A_820 = arith.addi %mul3A_527, %add3A_819 : i32
        %get3A_821 = arith.index_cast %add3A_820 : i32 to index
        %get3A_822 = arith.constant 0 : index
        %get3A_823 = tpu.vector_load %arg13[%get3A_821, %get3A_822] {strides = array<i32>} : memref<80x32xf32, #tpu.memory_space<vmem>>, vector<1x16xf32>,
        %get3A_824 = vector.shape_cast %get3A_823 : vector<1x16xf32> to vector<16xf32>
        %mul3A_825 = arith.mulf %get3A_818, %get3A_824 : vector<16xf32>
        %add3A_826 = arith.constant 1.000000e+00 : f32
        %add3A_827 = vector.broadcast %add3A_826 : f32 to vector<16xf32>
        %add3A_828 = arith.addf %add3A_827, %mul3A_825 : vector<16xf32>
        %div3A_829 = arith.divf %broadcast_in_dim3A_462, %add3A_828 : vector<16xf32>
        %add3A_830 = arith.constant 6 : i32
        %add3A_831 = arith.addi %mul3A_527, %add3A_830 : i32
        %swap3A_832 = arith.index_cast %add3A_831 : i32 to index
        %swap3A_833 = arith.constant 0 : index
        %swap3A_834 = tpu.vector_load %arg9[%swap3A_832, %swap3A_833] {strides = array<i32>} : memref<80x32xf32, #tpu.memory_space<vmem>>, vector<1x16xf32>,
        %swap3A_835 = vector.shape_cast %swap3A_834 : vector<1x16xf32> to vector<16xf32>
        %swap3A_836 = vector.shape_cast %div3A_829 : vector<16xf32> to vector<1x16xf32>
        tpu.vector_store %arg9[%swap3A_832, %swap3A_833], %swap3A_836 {strides = array<i32>} : memref<80x32xf32, #tpu.memory_space<vmem>>, vector<1x16xf32>,
        %add3A_837 = arith.constant 6 : i32
        %add3A_838 = arith.addi %mul3A_527, %add3A_837 : i32
        %get3A_839 = arith.index_cast %add3A_838 : i32 to index
        %get3A_840 = arith.constant 16 : index
        %get3A_841 = tpu.vector_load %arg9[%get3A_839, %get3A_840] {strides = array<i32>} : memref<80x32xf32, #tpu.memory_space<vmem>>, vector<1x16xf32>,
        %get3A_842 = vector.shape_cast %get3A_841 : vector<1x16xf32> to vector<16xf32>
        %add3A_843 = arith.constant 6 : i32
        %add3A_844 = arith.addi %mul3A_527, %add3A_843 : i32
        %get3A_845 = arith.index_cast %add3A_844 : i32 to index
        %get3A_846 = arith.constant 16 : index
        %get3A_847 = tpu.vector_load %arg13[%get3A_845, %get3A_846] {strides = array<i32>} : memref<80x32xf32, #tpu.memory_space<vmem>>, vector<1x16xf32>,
        %get3A_848 = vector.shape_cast %get3A_847 : vector<1x16xf32> to vector<16xf32>
        %mul3A_849 = arith.mulf %get3A_842, %get3A_848 : vector<16xf32>
        %add3A_850 = arith.constant 1.000000e+00 : f32
        %add3A_851 = vector.broadcast %add3A_850 : f32 to vector<16xf32>
        %add3A_852 = arith.addf %add3A_851, %mul3A_849 : vector<16xf32>
        %div3A_853 = arith.divf %broadcast_in_dim3A_462, %add3A_852 : vector<16xf32>
        %add3A_854 = arith.constant 6 : i32
        %add3A_855 = arith.addi %mul3A_527, %add3A_854 : i32
        %swap3A_856 = arith.index_cast %add3A_855 : i32 to index
        %swap3A_857 = arith.constant 16 : index
        %swap3A_858 = tpu.vector_load %arg9[%swap3A_856, %swap3A_857] {strides = array<i32>} : memref<80x32xf32, #tpu.memory_space<vmem>>, vector<1x16xf32>,
        %swap3A_859 = vector.shape_cast %swap3A_858 : vector<1x16xf32> to vector<16xf32>
        %swap3A_860 = vector.shape_cast %div3A_853 : vector<16xf32> to vector<1x16xf32>
        tpu.vector_store %arg9[%swap3A_856, %swap3A_857], %swap3A_860 {strides = array<i32>} : memref<80x32xf32, #tpu.memory_space<vmem>>, vector<1x16xf32>,
        %add3A_861 = arith.constant 7 : i32
        %add3A_862 = arith.addi %mul3A_527, %add3A_861 : i32
        %get3A_863 = arith.index_cast %add3A_862 : i32 to index
        %get3A_864 = arith.constant 0 : index
        %get3A_865 = tpu.vector_load %arg9[%get3A_863, %get3A_864] {strides = array<i32>} : memref<80x32xf32, #tpu.memory_space<vmem>>, vector<1x16xf32>,
        %get3A_866 = vector.shape_cast %get3A_865 : vector<1x16xf32> to vector<16xf32>
        %add3A_867 = arith.constant 7 : i32
        %add3A_868 = arith.addi %mul3A_527, %add3A_867 : i32
        %get3A_869 = arith.index_cast %add3A_868 : i32 to index
        %get3A_870 = arith.constant 0 : index
        %get3A_871 = tpu.vector_load %arg13[%get3A_869, %get3A_870] {strides = array<i32>} : memref<80x32xf32, #tpu.memory_space<vmem>>, vector<1x16xf32>,
        %get3A_872 = vector.shape_cast %get3A_871 : vector<1x16xf32> to vector<16xf32>
        %mul3A_873 = arith.mulf %get3A_866, %get3A_872 : vector<16xf32>
        %add3A_874 = arith.constant 1.000000e+00 : f32
        %add3A_875 = vector.broadcast %add3A_874 : f32 to vector<16xf32>
        %add3A_876 = arith.addf %add3A_875, %mul3A_873 : vector<16xf32>
        %div3A_877 = arith.divf %broadcast_in_dim3A_462, %add3A_876 : vector<16xf32>
        %add3A_878 = arith.constant 7 : i32
        %add3A_879 = arith.addi %mul3A_527, %add3A_878 : i32
        %swap3A_880 = arith.index_cast %add3A_879 : i32 to index
        %swap3A_881 = arith.constant 0 : index
        %swap3A_882 = tpu.vector_load %arg9[%swap3A_880, %swap3A_881] {strides = array<i32>} : memref<80x32xf32, #tpu.memory_space<vmem>>, vector<1x16xf32>,
        %swap3A_883 = vector.shape_cast %swap3A_882 : vector<1x16xf32> to vector<16xf32>
        %swap3A_884 = vector.shape_cast %div3A_877 : vector<16xf32> to vector<1x16xf32>
        tpu.vector_store %arg9[%swap3A_880, %swap3A_881], %swap3A_884 {strides = array<i32>} : memref<80x32xf32, #tpu.memory_space<vmem>>, vector<1x16xf32>,
        %add3A_885 = arith.constant 7 : i32
        %add3A_886 = arith.addi %mul3A_527, %add3A_885 : i32
        %get3A_887 = arith.index_cast %add3A_886 : i32 to index
        %get3A_888 = arith.constant 16 : index
        %get3A_889 = tpu.vector_load %arg9[%get3A_887, %get3A_888] {strides = array<i32>} : memref<80x32xf32, #tpu.memory_space<vmem>>, vector<1x16xf32>,
        %get3A_890 = vector.shape_cast %get3A_889 : vector<1x16xf32> to vector<16xf32>
        %add3A_891 = arith.constant 7 : i32
        %add3A_892 = arith.addi %mul3A_527, %add3A_891 : i32
        %get3A_893 = arith.index_cast %add3A_892 : i32 to index
        %get3A_894 = arith.constant 16 : index
        %get3A_895 = tpu.vector_load %arg13[%get3A_893, %get3A_894] {strides = array<i32>} : memref<80x32xf32, #tpu.memory_space<vmem>>, vector<1x16xf32>,
        %get3A_896 = vector.shape_cast %get3A_895 : vector<1x16xf32> to vector<16xf32>
        %mul3A_897 = arith.mulf %get3A_890, %get3A_896 : vector<16xf32>
        %add3A_898 = arith.constant 1.000000e+00 : f32
        %add3A_899 = vector.broadcast %add3A_898 : f32 to vector<16xf32>
        %add3A_900 = arith.addf %add3A_899, %mul3A_897 : vector<16xf32>
        %div3A_901 = arith.divf %broadcast_in_dim3A_462, %add3A_900 : vector<16xf32>
        %add3A_902 = arith.constant 7 : i32
        %add3A_903 = arith.addi %mul3A_527, %add3A_902 : i32
        %swap3A_904 = arith.index_cast %add3A_903 : i32 to index
        %swap3A_905 = arith.constant 16 : index
        %swap3A_906 = tpu.vector_load %arg9[%swap3A_904, %swap3A_905] {strides = array<i32>} : memref<80x32xf32, #tpu.memory_space<vmem>>, vector<1x16xf32>,
        %swap3A_907 = vector.shape_cast %swap3A_906 : vector<1x16xf32> to vector<16xf32>
        %swap3A_908 = vector.shape_cast %div3A_901 : vector<16xf32> to vector<1x16xf32>
        tpu.vector_store %arg9[%swap3A_904, %swap3A_905], %swap3A_908 {strides = array<i32>} : memref<80x32xf32, #tpu.memory_space<vmem>>, vector<1x16xf32>,
      }
      %scan3A_468 = arith.constant 10 : i32
      %dma_start3A_469 = arith.constant 0 : i32
      %dma_start3A_470 = tpu.memref_slice %arg7[%add3A_426, %dma_start3A_469] : memref<125x80xi32, #tpu.memory_space<vmem>> -> memref<1x80xi32, #tpu.memory_space<vmem>>
      %dma_start3A_471 = tpu.memref_squeeze %dma_start3A_470 : memref<1x80xi32, #tpu.memory_space<vmem>> -> memref<80xi32, #tpu.memory_space<vmem>>
      %dma_start3A_472 = arith.constant 0 : i32
      %dma_start3A_473 = arith.constant 0 : i32
      %dma_start3A_474 = tpu.memref_slice %arg20[%dma_start3A_472, %dma_start3A_473] : memref<10240x32xf32, #tpu.memory_space<vmem_shared>> -> memref<10240x32xf32, #tpu.memory_space<vmem_shared>>
      tpu.enqueue_indirect_dma source(%arg9 : memref<80x32xf32, #tpu.memory_space<vmem>>) target(%dma_start3A_474 : memref<10240x32xf32, #tpu.memory_space<vmem_shared>>) offsets(%dma_start3A_471 : memref<80xi32, #tpu.memory_space<vmem>>) semaphore(%arg29 : memref<!tpu.dma_semaphore, #tpu.memory_space<semaphore_mem>>) {add = true}
      %add3A_475 = arith.constant 3 : i32
      %add3A_476 = arith.addi %add3A_324, %add3A_475 : i32
      %sub3A_477 = arith.constant 2 : i32
      %sub3A_478 = arith.subi %add3A_476, %sub3A_477 : i32
      %dma_wait3A_479 = arith.constant 0 : i32
      %dma_wait3A_480 = tpu.memref_slice %arg7[%sub3A_478, %dma_wait3A_479] : memref<125x80xi32, #tpu.memory_space<vmem>> -> memref<1x80xi32, #tpu.memory_space<vmem>>
      %dma_wait3A_481 = tpu.memref_squeeze %dma_wait3A_480 : memref<1x80xi32, #tpu.memory_space<vmem>> -> memref<80xi32, #tpu.memory_space<vmem>>
      %dma_wait3A_482 = arith.constant 0 : i32
      %dma_wait3A_483 = arith.constant 0 : i32
      %dma_wait3A_484 = tpu.memref_slice %arg20[%dma_wait3A_482, %dma_wait3A_483] : memref<10240x32xf32, #tpu.memory_space<vmem_shared>> -> memref<10240x32xf32, #tpu.memory_space<vmem_shared>>
      tpu.wait_indirect_dma semaphore(%arg32 : memref<!tpu.dma_semaphore, #tpu.memory_space<semaphore_mem>>) src(%arg12 : memref<80x32xf32, #tpu.memory_space<vmem>>) dst(%dma_wait3A_484 : memref<10240x32xf32, #tpu.memory_space<vmem_shared>>)
      %add3A_485 = arith.constant 2 : i32
      %add3A_486 = arith.addi %add3A_476, %add3A_485 : i32
      %dma_start3A_487 = arith.constant 0 : i32
      %dma_start3A_488 = tpu.memref_slice %arg7[%add3A_486, %dma_start3A_487] : memref<125x80xi32, #tpu.memory_space<vmem>> -> memref<1x80xi32, #tpu.memory_space<vmem>>
      %dma_start3A_489 = tpu.memref_squeeze %dma_start3A_488 : memref<1x80xi32, #tpu.memory_space<vmem>> -> memref<80xi32, #tpu.memory_space<vmem>>
      %dma_start3A_490 = arith.constant 0 : i32
      %dma_start3A_491 = arith.constant 0 : i32
      %dma_start3A_492 = tpu.memref_slice %arg18[%dma_start3A_490, %dma_start3A_491] : memref<10240x32xf32, #tpu.memory_space<vmem_shared>> -> memref<10240x32xf32, #tpu.memory_space<vmem_shared>>
      tpu.enqueue_indirect_dma source(%dma_start3A_492 : memref<10240x32xf32, #tpu.memory_space<vmem_shared>>) target(%arg12 : memref<80x32xf32, #tpu.memory_space<vmem>>) offsets(%dma_start3A_489 : memref<80xi32, #tpu.memory_space<vmem>>) semaphore(%arg24 : memref<!tpu.dma_semaphore, #tpu.memory_space<semaphore_mem>>)
      %dma_start3A_493 = arith.constant 0 : i32
      %dma_start3A_494 = tpu.memref_slice %arg8[%add3A_486, %dma_start3A_493] : memref<125x80xi32, #tpu.memory_space<vmem>> -> memref<1x80xi32, #tpu.memory_space<vmem>>
      %dma_start3A_495 = tpu.memref_squeeze %dma_start3A_494 : memref<1x80xi32, #tpu.memory_space<vmem>> -> memref<80xi32, #tpu.memory_space<vmem>>
      %dma_start3A_496 = arith.constant 0 : i32
      %dma_start3A_497 = arith.constant 0 : i32
      %dma_start3A_498 = tpu.memref_slice %arg19[%dma_start3A_496, %dma_start3A_497] : memref<10240x32xf32, #tpu.memory_space<vmem_shared>> -> memref<10240x32xf32, #tpu.memory_space<vmem_shared>>
      tpu.enqueue_indirect_dma source(%dma_start3A_498 : memref<10240x32xf32, #tpu.memory_space<vmem_shared>>) target(%arg16 : memref<80x32xf32, #tpu.memory_space<vmem>>) offsets(%dma_start3A_495 : memref<80xi32, #tpu.memory_space<vmem>>) semaphore(%arg28 : memref<!tpu.dma_semaphore, #tpu.memory_space<semaphore_mem>>)
      %dma_wait3A_499 = arith.constant 0 : i32
      %dma_wait3A_500 = tpu.memref_slice %arg7[%add3A_476, %dma_wait3A_499] : memref<125x80xi32, #tpu.memory_space<vmem>> -> memref<1x80xi32, #tpu.memory_space<vmem>>
      %dma_wait3A_501 = tpu.memref_squeeze %dma_wait3A_500 : memref<1x80xi32, #tpu.memory_space<vmem>> -> memref<80xi32, #tpu.memory_space<vmem>>
      %dma_wait3A_502 = arith.constant 0 : i32
      %dma_wait3A_503 = arith.constant 0 : i32
      %dma_wait3A_504 = tpu.memref_slice %arg18[%dma_wait3A_502, %dma_wait3A_503] : memref<10240x32xf32, #tpu.memory_space<vmem_shared>> -> memref<10240x32xf32, #tpu.memory_space<vmem_shared>>
      tpu.wait_indirect_dma semaphore(%arg22 : memref<!tpu.dma_semaphore, #tpu.memory_space<semaphore_mem>>) src(%dma_wait3A_504 : memref<10240x32xf32, #tpu.memory_space<vmem_shared>>) dst(%arg10 : memref<80x32xf32, #tpu.memory_space<vmem>>)
      %dma_wait3A_505 = arith.constant 0 : i32
      %dma_wait3A_506 = tpu.memref_slice %arg8[%add3A_476, %dma_wait3A_505] : memref<125x80xi32, #tpu.memory_space<vmem>> -> memref<1x80xi32, #tpu.memory_space<vmem>>
      %dma_wait3A_507 = tpu.memref_squeeze %dma_wait3A_506 : memref<1x80xi32, #tpu.memory_space<vmem>> -> memref<80xi32, #tpu.memory_space<vmem>>
      %dma_wait3A_508 = arith.constant 0 : i32
      %dma_wait3A_509 = arith.constant 0 : i32
      %dma_wait3A_510 = tpu.memref_slice %arg19[%dma_wait3A_508, %dma_wait3A_509] : memref<10240x32xf32, #tpu.memory_space<vmem_shared>> -> memref<10240x32xf32, #tpu.memory_space<vmem_shared>>
      tpu.wait_indirect_dma semaphore(%arg26 : memref<!tpu.dma_semaphore, #tpu.memory_space<semaphore_mem>>) src(%dma_wait3A_510 : memref<10240x32xf32, #tpu.memory_space<vmem_shared>>) dst(%arg14 : memref<80x32xf32, #tpu.memory_space<vmem>>)
      %broadcast_in_dim3A_511 = arith.constant 1.000000e+00 : f32
      %broadcast_in_dim3A_512 = vector.broadcast %broadcast_in_dim3A_511 : f32 to vector<16xf32>
      %scan3A_513 = arith.constant 0 : i32
      %scan3A_514 = arith.constant 0 : i32
      %scan3A_515 = arith.constant 10 : i32
      %scan3A_516 = arith.addi %scan3A_514, %scan3A_515 : i32
      %scan3A_517 = arith.constant 1 : i32
      scf.for %scan3A_525 = %scan3A_514 to %scan3A_516 step %scan3A_517  : i32 {
        %mul3A_526 = arith.constant 8 : i32
        %mul3A_527 = arith.muli %scan3A_525, %mul3A_526 : i32
        %add3A_528 = arith.constant 0 : i32
        %add3A_529 = arith.addi %mul3A_527, %add3A_528 : i32
        %get3A = arith.index_cast %add3A_529 : i32 to index
        %get3A_530 = arith.constant 0 : index
        %get3A_531 = tpu.vector_load %arg10[%get3A, %get3A_530] {strides = array<i32>} : memref<80x32xf32, #tpu.memory_space<vmem>>, vector<1x16xf32>,
        %get3A_532 = vector.shape_cast %get3A_531 : vector<1x16xf32> to vector<16xf32>
        %add3A_533 = arith.constant 0 : i32
        %add3A_534 = arith.addi %mul3A_527, %add3A_533 : i32
        %get3A_535 = arith.index_cast %add3A_534 : i32 to index
        %get3A_536 = arith.constant 0 : index
        %get3A_537 = tpu.vector_load %arg14[%get3A_535, %get3A_536] {strides = array<i32>} : memref<80x32xf32, #tpu.memory_space<vmem>>, vector<1x16xf32>,
        %get3A_538 = vector.shape_cast %get3A_537 : vector<1x16xf32> to vector<16xf32>
        %mul3A_539 = arith.mulf %get3A_532, %get3A_538 : vector<16xf32>
        %add3A_540 = arith.constant 1.000000e+00 : f32
        %add3A_541 = vector.broadcast %add3A_540 : f32 to vector<16xf32>
        %add3A_542 = arith.addf %add3A_541, %mul3A_539 : vector<16xf32>
        %div3A = arith.divf %broadcast_in_dim3A_512, %add3A_542 : vector<16xf32>
        %add3A_543 = arith.constant 0 : i32
        %add3A_544 = arith.addi %mul3A_527, %add3A_543 : i32
        %swap3A = arith.index_cast %add3A_544 : i32 to index
        %swap3A_545 = arith.constant 0 : index
        %swap3A_546 = tpu.vector_load %arg10[%swap3A, %swap3A_545] {strides = array<i32>} : memref<80x32xf32, #tpu.memory_space<vmem>>, vector<1x16xf32>,
        %swap3A_547 = vector.shape_cast %swap3A_546 : vector<1x16xf32> to vector<16xf32>
        %swap3A_548 = vector.shape_cast %div3A : vector<16xf32> to vector<1x16xf32>
        tpu.vector_store %arg10[%swap3A, %swap3A_545], %swap3A_548 {strides = array<i32>} : memref<80x32xf32, #tpu.memory_space<vmem>>, vector<1x16xf32>,
        %add3A_549 = arith.constant 0 : i32
        %add3A_550 = arith.addi %mul3A_527, %add3A_549 : i32
        %get3A_551 = arith.index_cast %add3A_550 : i32 to index
        %get3A_552 = arith.constant 16 : index
        %get3A_553 = tpu.vector_load %arg10[%get3A_551, %get3A_552] {strides = array<i32>} : memref<80x32xf32, #tpu.memory_space<vmem>>, vector<1x16xf32>,
        %get3A_554 = vector.shape_cast %get3A_553 : vector<1x16xf32> to vector<16xf32>
        %add3A_555 = arith.constant 0 : i32
        %add3A_556 = arith.addi %mul3A_527, %add3A_555 : i32
        %get3A_557 = arith.index_cast %add3A_556 : i32 to index
        %get3A_558 = arith.constant 16 : index
        %get3A_559 = tpu.vector_load %arg14[%get3A_557, %get3A_558] {strides = array<i32>} : memref<80x32xf32, #tpu.memory_space<vmem>>, vector<1x16xf32>,
        %get3A_560 = vector.shape_cast %get3A_559 : vector<1x16xf32> to vector<16xf32>
        %mul3A_561 = arith.mulf %get3A_554, %get3A_560 : vector<16xf32>
        %add3A_562 = arith.constant 1.000000e+00 : f32
        %add3A_563 = vector.broadcast %add3A_562 : f32 to vector<16xf32>
        %add3A_564 = arith.addf %add3A_563, %mul3A_561 : vector<16xf32>
        %div3A_565 = arith.divf %broadcast_in_dim3A_512, %add3A_564 : vector<16xf32>
        %add3A_566 = arith.constant 0 : i32
        %add3A_567 = arith.addi %mul3A_527, %add3A_566 : i32
        %swap3A_568 = arith.index_cast %add3A_567 : i32 to index
        %swap3A_569 = arith.constant 16 : index
        %swap3A_570 = tpu.vector_load %arg10[%swap3A_568, %swap3A_569] {strides = array<i32>} : memref<80x32xf32, #tpu.memory_space<vmem>>, vector<1x16xf32>,
        %swap3A_571 = vector.shape_cast %swap3A_570 : vector<1x16xf32> to vector<16xf32>
        %swap3A_572 = vector.shape_cast %div3A_565 : vector<16xf32> to vector<1x16xf32>
        tpu.vector_store %arg10[%swap3A_568, %swap3A_569], %swap3A_572 {strides = array<i32>} : memref<80x32xf32, #tpu.memory_space<vmem>>, vector<1x16xf32>,
        %add3A_573 = arith.constant 1 : i32
        %add3A_574 = arith.addi %mul3A_527, %add3A_573 : i32
        %get3A_575 = arith.index_cast %add3A_574 : i32 to index
        %get3A_576 = arith.constant 0 : index
        %get3A_577 = tpu.vector_load %arg10[%get3A_575, %get3A_576] {strides = array<i32>} : memref<80x32xf32, #tpu.memory_space<vmem>>, vector<1x16xf32>,
        %get3A_578 = vector.shape_cast %get3A_577 : vector<1x16xf32> to vector<16xf32>
        %add3A_579 = arith.constant 1 : i32
        %add3A_580 = arith.addi %mul3A_527, %add3A_579 : i32
        %get3A_581 = arith.index_cast %add3A_580 : i32 to index
        %get3A_582 = arith.constant 0 : index
        %get3A_583 = tpu.vector_load %arg14[%get3A_581, %get3A_582] {strides = array<i32>} : memref<80x32xf32, #tpu.memory_space<vmem>>, vector<1x16xf32>,
        %get3A_584 = vector.shape_cast %get3A_583 : vector<1x16xf32> to vector<16xf32>
        %mul3A_585 = arith.mulf %get3A_578, %get3A_584 : vector<16xf32>
        %add3A_586 = arith.constant 1.000000e+00 : f32
        %add3A_587 = vector.broadcast %add3A_586 : f32 to vector<16xf32>
        %add3A_588 = arith.addf %add3A_587, %mul3A_585 : vector<16xf32>
        %div3A_589 = arith.divf %broadcast_in_dim3A_512, %add3A_588 : vector<16xf32>
        %add3A_590 = arith.constant 1 : i32
        %add3A_591 = arith.addi %mul3A_527, %add3A_590 : i32
        %swap3A_592 = arith.index_cast %add3A_591 : i32 to index
        %swap3A_593 = arith.constant 0 : index
        %swap3A_594 = tpu.vector_load %arg10[%swap3A_592, %swap3A_593] {strides = array<i32>} : memref<80x32xf32, #tpu.memory_space<vmem>>, vector<1x16xf32>,
        %swap3A_595 = vector.shape_cast %swap3A_594 : vector<1x16xf32> to vector<16xf32>
        %swap3A_596 = vector.shape_cast %div3A_589 : vector<16xf32> to vector<1x16xf32>
        tpu.vector_store %arg10[%swap3A_592, %swap3A_593], %swap3A_596 {strides = array<i32>} : memref<80x32xf32, #tpu.memory_space<vmem>>, vector<1x16xf32>,
        %add3A_597 = arith.constant 1 : i32
        %add3A_598 = arith.addi %mul3A_527, %add3A_597 : i32
        %get3A_599 = arith.index_cast %add3A_598 : i32 to index
        %get3A_600 = arith.constant 16 : index
        %get3A_601 = tpu.vector_load %arg10[%get3A_599, %get3A_600] {strides = array<i32>} : memref<80x32xf32, #tpu.memory_space<vmem>>, vector<1x16xf32>,
        %get3A_602 = vector.shape_cast %get3A_601 : vector<1x16xf32> to vector<16xf32>
        %add3A_603 = arith.constant 1 : i32
        %add3A_604 = arith.addi %mul3A_527, %add3A_603 : i32
        %get3A_605 = arith.index_cast %add3A_604 : i32 to index
        %get3A_606 = arith.constant 16 : index
        %get3A_607 = tpu.vector_load %arg14[%get3A_605, %get3A_606] {strides = array<i32>} : memref<80x32xf32, #tpu.memory_space<vmem>>, vector<1x16xf32>,
        %get3A_608 = vector.shape_cast %get3A_607 : vector<1x16xf32> to vector<16xf32>
        %mul3A_609 = arith.mulf %get3A_602, %get3A_608 : vector<16xf32>
        %add3A_610 = arith.constant 1.000000e+00 : f32
        %add3A_611 = vector.broadcast %add3A_610 : f32 to vector<16xf32>
        %add3A_612 = arith.addf %add3A_611, %mul3A_609 : vector<16xf32>
        %div3A_613 = arith.divf %broadcast_in_dim3A_512, %add3A_612 : vector<16xf32>
        %add3A_614 = arith.constant 1 : i32
        %add3A_615 = arith.addi %mul3A_527, %add3A_614 : i32
        %swap3A_616 = arith.index_cast %add3A_615 : i32 to index
        %swap3A_617 = arith.constant 16 : index
        %swap3A_618 = tpu.vector_load %arg10[%swap3A_616, %swap3A_617] {strides = array<i32>} : memref<80x32xf32, #tpu.memory_space<vmem>>, vector<1x16xf32>,
        %swap3A_619 = vector.shape_cast %swap3A_618 : vector<1x16xf32> to vector<16xf32>
        %swap3A_620 = vector.shape_cast %div3A_613 : vector<16xf32> to vector<1x16xf32>
        tpu.vector_store %arg10[%swap3A_616, %swap3A_617], %swap3A_620 {strides = array<i32>} : memref<80x32xf32, #tpu.memory_space<vmem>>, vector<1x16xf32>,
        %add3A_621 = arith.constant 2 : i32
        %add3A_622 = arith.addi %mul3A_527, %add3A_621 : i32
        %get3A_623 = arith.index_cast %add3A_622 : i32 to index
        %get3A_624 = arith.constant 0 : index
        %get3A_625 = tpu.vector_load %arg10[%get3A_623, %get3A_624] {strides = array<i32>} : memref<80x32xf32, #tpu.memory_space<vmem>>, vector<1x16xf32>,
        %get3A_626 = vector.shape_cast %get3A_625 : vector<1x16xf32> to vector<16xf32>
        %add3A_627 = arith.constant 2 : i32
        %add3A_628 = arith.addi %mul3A_527, %add3A_627 : i32
        %get3A_629 = arith.index_cast %add3A_628 : i32 to index
        %get3A_630 = arith.constant 0 : index
        %get3A_631 = tpu.vector_load %arg14[%get3A_629, %get3A_630] {strides = array<i32>} : memref<80x32xf32, #tpu.memory_space<vmem>>, vector<1x16xf32>,
        %get3A_632 = vector.shape_cast %get3A_631 : vector<1x16xf32> to vector<16xf32>
        %mul3A_633 = arith.mulf %get3A_626, %get3A_632 : vector<16xf32>
        %add3A_634 = arith.constant 1.000000e+00 : f32
        %add3A_635 = vector.broadcast %add3A_634 : f32 to vector<16xf32>
        %add3A_636 = arith.addf %add3A_635, %mul3A_633 : vector<16xf32>
        %div3A_637 = arith.divf %broadcast_in_dim3A_512, %add3A_636 : vector<16xf32>
        %add3A_638 = arith.constant 2 : i32
        %add3A_639 = arith.addi %mul3A_527, %add3A_638 : i32
        %swap3A_640 = arith.index_cast %add3A_639 : i32 to index
        %swap3A_641 = arith.constant 0 : index
        %swap3A_642 = tpu.vector_load %arg10[%swap3A_640, %swap3A_641] {strides = array<i32>} : memref<80x32xf32, #tpu.memory_space<vmem>>, vector<1x16xf32>,
        %swap3A_643 = vector.shape_cast %swap3A_642 : vector<1x16xf32> to vector<16xf32>
        %swap3A_644 = vector.shape_cast %div3A_637 : vector<16xf32> to vector<1x16xf32>
        tpu.vector_store %arg10[%swap3A_640, %swap3A_641], %swap3A_644 {strides = array<i32>} : memref<80x32xf32, #tpu.memory_space<vmem>>, vector<1x16xf32>,
        %add3A_645 = arith.constant 2 : i32
        %add3A_646 = arith.addi %mul3A_527, %add3A_645 : i32
        %get3A_647 = arith.index_cast %add3A_646 : i32 to index
        %get3A_648 = arith.constant 16 : index
        %get3A_649 = tpu.vector_load %arg10[%get3A_647, %get3A_648] {strides = array<i32>} : memref<80x32xf32, #tpu.memory_space<vmem>>, vector<1x16xf32>,
        %get3A_650 = vector.shape_cast %get3A_649 : vector<1x16xf32> to vector<16xf32>
        %add3A_651 = arith.constant 2 : i32
        %add3A_652 = arith.addi %mul3A_527, %add3A_651 : i32
        %get3A_653 = arith.index_cast %add3A_652 : i32 to index
        %get3A_654 = arith.constant 16 : index
        %get3A_655 = tpu.vector_load %arg14[%get3A_653, %get3A_654] {strides = array<i32>} : memref<80x32xf32, #tpu.memory_space<vmem>>, vector<1x16xf32>,
        %get3A_656 = vector.shape_cast %get3A_655 : vector<1x16xf32> to vector<16xf32>
        %mul3A_657 = arith.mulf %get3A_650, %get3A_656 : vector<16xf32>
        %add3A_658 = arith.constant 1.000000e+00 : f32
        %add3A_659 = vector.broadcast %add3A_658 : f32 to vector<16xf32>
        %add3A_660 = arith.addf %add3A_659, %mul3A_657 : vector<16xf32>
        %div3A_661 = arith.divf %broadcast_in_dim3A_512, %add3A_660 : vector<16xf32>
        %add3A_662 = arith.constant 2 : i32
        %add3A_663 = arith.addi %mul3A_527, %add3A_662 : i32
        %swap3A_664 = arith.index_cast %add3A_663 : i32 to index
        %swap3A_665 = arith.constant 16 : index
        %swap3A_666 = tpu.vector_load %arg10[%swap3A_664, %swap3A_665] {strides = array<i32>} : memref<80x32xf32, #tpu.memory_space<vmem>>, vector<1x16xf32>,
        %swap3A_667 = vector.shape_cast %swap3A_666 : vector<1x16xf32> to vector<16xf32>
        %swap3A_668 = vector.shape_cast %div3A_661 : vector<16xf32> to vector<1x16xf32>
        tpu.vector_store %arg10[%swap3A_664, %swap3A_665], %swap3A_668 {strides = array<i32>} : memref<80x32xf32, #tpu.memory_space<vmem>>, vector<1x16xf32>,
        %add3A_669 = arith.constant 3 : i32
        %add3A_670 = arith.addi %mul3A_527, %add3A_669 : i32
        %get3A_671 = arith.index_cast %add3A_670 : i32 to index
        %get3A_672 = arith.constant 0 : index
        %get3A_673 = tpu.vector_load %arg10[%get3A_671, %get3A_672] {strides = array<i32>} : memref<80x32xf32, #tpu.memory_space<vmem>>, vector<1x16xf32>,
        %get3A_674 = vector.shape_cast %get3A_673 : vector<1x16xf32> to vector<16xf32>
        %add3A_675 = arith.constant 3 : i32
        %add3A_676 = arith.addi %mul3A_527, %add3A_675 : i32
        %get3A_677 = arith.index_cast %add3A_676 : i32 to index
        %get3A_678 = arith.constant 0 : index
        %get3A_679 = tpu.vector_load %arg14[%get3A_677, %get3A_678] {strides = array<i32>} : memref<80x32xf32, #tpu.memory_space<vmem>>, vector<1x16xf32>,
        %get3A_680 = vector.shape_cast %get3A_679 : vector<1x16xf32> to vector<16xf32>
        %mul3A_681 = arith.mulf %get3A_674, %get3A_680 : vector<16xf32>
        %add3A_682 = arith.constant 1.000000e+00 : f32
        %add3A_683 = vector.broadcast %add3A_682 : f32 to vector<16xf32>
        %add3A_684 = arith.addf %add3A_683, %mul3A_681 : vector<16xf32>
        %div3A_685 = arith.divf %broadcast_in_dim3A_512, %add3A_684 : vector<16xf32>
        %add3A_686 = arith.constant 3 : i32
        %add3A_687 = arith.addi %mul3A_527, %add3A_686 : i32
        %swap3A_688 = arith.index_cast %add3A_687 : i32 to index
        %swap3A_689 = arith.constant 0 : index
        %swap3A_690 = tpu.vector_load %arg10[%swap3A_688, %swap3A_689] {strides = array<i32>} : memref<80x32xf32, #tpu.memory_space<vmem>>, vector<1x16xf32>,
        %swap3A_691 = vector.shape_cast %swap3A_690 : vector<1x16xf32> to vector<16xf32>
        %swap3A_692 = vector.shape_cast %div3A_685 : vector<16xf32> to vector<1x16xf32>
        tpu.vector_store %arg10[%swap3A_688, %swap3A_689], %swap3A_692 {strides = array<i32>} : memref<80x32xf32, #tpu.memory_space<vmem>>, vector<1x16xf32>,
        %add3A_693 = arith.constant 3 : i32
        %add3A_694 = arith.addi %mul3A_527, %add3A_693 : i32
        %get3A_695 = arith.index_cast %add3A_694 : i32 to index
        %get3A_696 = arith.constant 16 : index
        %get3A_697 = tpu.vector_load %arg10[%get3A_695, %get3A_696] {strides = array<i32>} : memref<80x32xf32, #tpu.memory_space<vmem>>, vector<1x16xf32>,
        %get3A_698 = vector.shape_cast %get3A_697 : vector<1x16xf32> to vector<16xf32>
        %add3A_699 = arith.constant 3 : i32
        %add3A_700 = arith.addi %mul3A_527, %add3A_699 : i32
        %get3A_701 = arith.index_cast %add3A_700 : i32 to index
        %get3A_702 = arith.constant 16 : index
        %get3A_703 = tpu.vector_load %arg14[%get3A_701, %get3A_702] {strides = array<i32>} : memref<80x32xf32, #tpu.memory_space<vmem>>, vector<1x16xf32>,
        %get3A_704 = vector.shape_cast %get3A_703 : vector<1x16xf32> to vector<16xf32>
        %mul3A_705 = arith.mulf %get3A_698, %get3A_704 : vector<16xf32>
        %add3A_706 = arith.constant 1.000000e+00 : f32
        %add3A_707 = vector.broadcast %add3A_706 : f32 to vector<16xf32>
        %add3A_708 = arith.addf %add3A_707, %mul3A_705 : vector<16xf32>
        %div3A_709 = arith.divf %broadcast_in_dim3A_512, %add3A_708 : vector<16xf32>
        %add3A_710 = arith.constant 3 : i32
        %add3A_711 = arith.addi %mul3A_527, %add3A_710 : i32
        %swap3A_712 = arith.index_cast %add3A_711 : i32 to index
        %swap3A_713 = arith.constant 16 : index
        %swap3A_714 = tpu.vector_load %arg10[%swap3A_712, %swap3A_713] {strides = array<i32>} : memref<80x32xf32, #tpu.memory_space<vmem>>, vector<1x16xf32>,
        %swap3A_715 = vector.shape_cast %swap3A_714 : vector<1x16xf32> to vector<16xf32>
        %swap3A_716 = vector.shape_cast %div3A_709 : vector<16xf32> to vector<1x16xf32>
        tpu.vector_store %arg10[%swap3A_712, %swap3A_713], %swap3A_716 {strides = array<i32>} : memref<80x32xf32, #tpu.memory_space<vmem>>, vector<1x16xf32>,
        %add3A_717 = arith.constant 4 : i32
        %add3A_718 = arith.addi %mul3A_527, %add3A_717 : i32
        %get3A_719 = arith.index_cast %add3A_718 : i32 to index
        %get3A_720 = arith.constant 0 : index
        %get3A_721 = tpu.vector_load %arg10[%get3A_719, %get3A_720] {strides = array<i32>} : memref<80x32xf32, #tpu.memory_space<vmem>>, vector<1x16xf32>,
        %get3A_722 = vector.shape_cast %get3A_721 : vector<1x16xf32> to vector<16xf32>
        %add3A_723 = arith.constant 4 : i32
        %add3A_724 = arith.addi %mul3A_527, %add3A_723 : i32
        %get3A_725 = arith.index_cast %add3A_724 : i32 to index
        %get3A_726 = arith.constant 0 : index
        %get3A_727 = tpu.vector_load %arg14[%get3A_725, %get3A_726] {strides = array<i32>} : memref<80x32xf32, #tpu.memory_space<vmem>>, vector<1x16xf32>,
        %get3A_728 = vector.shape_cast %get3A_727 : vector<1x16xf32> to vector<16xf32>
        %mul3A_729 = arith.mulf %get3A_722, %get3A_728 : vector<16xf32>
        %add3A_730 = arith.constant 1.000000e+00 : f32
        %add3A_731 = vector.broadcast %add3A_730 : f32 to vector<16xf32>
        %add3A_732 = arith.addf %add3A_731, %mul3A_729 : vector<16xf32>
        %div3A_733 = arith.divf %broadcast_in_dim3A_512, %add3A_732 : vector<16xf32>
        %add3A_734 = arith.constant 4 : i32
        %add3A_735 = arith.addi %mul3A_527, %add3A_734 : i32
        %swap3A_736 = arith.index_cast %add3A_735 : i32 to index
        %swap3A_737 = arith.constant 0 : index
        %swap3A_738 = tpu.vector_load %arg10[%swap3A_736, %swap3A_737] {strides = array<i32>} : memref<80x32xf32, #tpu.memory_space<vmem>>, vector<1x16xf32>,
        %swap3A_739 = vector.shape_cast %swap3A_738 : vector<1x16xf32> to vector<16xf32>
        %swap3A_740 = vector.shape_cast %div3A_733 : vector<16xf32> to vector<1x16xf32>
        tpu.vector_store %arg10[%swap3A_736, %swap3A_737], %swap3A_740 {strides = array<i32>} : memref<80x32xf32, #tpu.memory_space<vmem>>, vector<1x16xf32>,
        %add3A_741 = arith.constant 4 : i32
        %add3A_742 = arith.addi %mul3A_527, %add3A_741 : i32
        %get3A_743 = arith.index_cast %add3A_742 : i32 to index
        %get3A_744 = arith.constant 16 : index
        %get3A_745 = tpu.vector_load %arg10[%get3A_743, %get3A_744] {strides = array<i32>} : memref<80x32xf32, #tpu.memory_space<vmem>>, vector<1x16xf32>,
        %get3A_746 = vector.shape_cast %get3A_745 : vector<1x16xf32> to vector<16xf32>
        %add3A_747 = arith.constant 4 : i32
        %add3A_748 = arith.addi %mul3A_527, %add3A_747 : i32
        %get3A_749 = arith.index_cast %add3A_748 : i32 to index
        %get3A_750 = arith.constant 16 : index
        %get3A_751 = tpu.vector_load %arg14[%get3A_749, %get3A_750] {strides = array<i32>} : memref<80x32xf32, #tpu.memory_space<vmem>>, vector<1x16xf32>,
        %get3A_752 = vector.shape_cast %get3A_751 : vector<1x16xf32> to vector<16xf32>
        %mul3A_753 = arith.mulf %get3A_746, %get3A_752 : vector<16xf32>
        %add3A_754 = arith.constant 1.000000e+00 : f32
        %add3A_755 = vector.broadcast %add3A_754 : f32 to vector<16xf32>
        %add3A_756 = arith.addf %add3A_755, %mul3A_753 : vector<16xf32>
        %div3A_757 = arith.divf %broadcast_in_dim3A_512, %add3A_756 : vector<16xf32>
        %add3A_758 = arith.constant 4 : i32
        %add3A_759 = arith.addi %mul3A_527, %add3A_758 : i32
        %swap3A_760 = arith.index_cast %add3A_759 : i32 to index
        %swap3A_761 = arith.constant 16 : index
        %swap3A_762 = tpu.vector_load %arg10[%swap3A_760, %swap3A_761] {strides = array<i32>} : memref<80x32xf32, #tpu.memory_space<vmem>>, vector<1x16xf32>,
        %swap3A_763 = vector.shape_cast %swap3A_762 : vector<1x16xf32> to vector<16xf32>
        %swap3A_764 = vector.shape_cast %div3A_757 : vector<16xf32> to vector<1x16xf32>
        tpu.vector_store %arg10[%swap3A_760, %swap3A_761], %swap3A_764 {strides = array<i32>} : memref<80x32xf32, #tpu.memory_space<vmem>>, vector<1x16xf32>,
        %add3A_765 = arith.constant 5 : i32
        %add3A_766 = arith.addi %mul3A_527, %add3A_765 : i32
        %get3A_767 = arith.index_cast %add3A_766 : i32 to index
        %get3A_768 = arith.constant 0 : index
        %get3A_769 = tpu.vector_load %arg10[%get3A_767, %get3A_768] {strides = array<i32>} : memref<80x32xf32, #tpu.memory_space<vmem>>, vector<1x16xf32>,
        %get3A_770 = vector.shape_cast %get3A_769 : vector<1x16xf32> to vector<16xf32>
        %add3A_771 = arith.constant 5 : i32
        %add3A_772 = arith.addi %mul3A_527, %add3A_771 : i32
        %get3A_773 = arith.index_cast %add3A_772 : i32 to index
        %get3A_774 = arith.constant 0 : index
        %get3A_775 = tpu.vector_load %arg14[%get3A_773, %get3A_774] {strides = array<i32>} : memref<80x32xf32, #tpu.memory_space<vmem>>, vector<1x16xf32>,
        %get3A_776 = vector.shape_cast %get3A_775 : vector<1x16xf32> to vector<16xf32>
        %mul3A_777 = arith.mulf %get3A_770, %get3A_776 : vector<16xf32>
        %add3A_778 = arith.constant 1.000000e+00 : f32
        %add3A_779 = vector.broadcast %add3A_778 : f32 to vector<16xf32>
        %add3A_780 = arith.addf %add3A_779, %mul3A_777 : vector<16xf32>
        %div3A_781 = arith.divf %broadcast_in_dim3A_512, %add3A_780 : vector<16xf32>
        %add3A_782 = arith.constant 5 : i32
        %add3A_783 = arith.addi %mul3A_527, %add3A_782 : i32
        %swap3A_784 = arith.index_cast %add3A_783 : i32 to index
        %swap3A_785 = arith.constant 0 : index
        %swap3A_786 = tpu.vector_load %arg10[%swap3A_784, %swap3A_785] {strides = array<i32>} : memref<80x32xf32, #tpu.memory_space<vmem>>, vector<1x16xf32>,
        %swap3A_787 = vector.shape_cast %swap3A_786 : vector<1x16xf32> to vector<16xf32>
        %swap3A_788 = vector.shape_cast %div3A_781 : vector<16xf32> to vector<1x16xf32>
        tpu.vector_store %arg10[%swap3A_784, %swap3A_785], %swap3A_788 {strides = array<i32>} : memref<80x32xf32, #tpu.memory_space<vmem>>, vector<1x16xf32>,
        %add3A_789 = arith.constant 5 : i32
        %add3A_790 = arith.addi %mul3A_527, %add3A_789 : i32
        %get3A_791 = arith.index_cast %add3A_790 : i32 to index
        %get3A_792 = arith.constant 16 : index
        %get3A_793 = tpu.vector_load %arg10[%get3A_791, %get3A_792] {strides = array<i32>} : memref<80x32xf32, #tpu.memory_space<vmem>>, vector<1x16xf32>,
        %get3A_794 = vector.shape_cast %get3A_793 : vector<1x16xf32> to vector<16xf32>
        %add3A_795 = arith.constant 5 : i32
        %add3A_796 = arith.addi %mul3A_527, %add3A_795 : i32
        %get3A_797 = arith.index_cast %add3A_796 : i32 to index
        %get3A_798 = arith.constant 16 : index
        %get3A_799 = tpu.vector_load %arg14[%get3A_797, %get3A_798] {strides = array<i32>} : memref<80x32xf32, #tpu.memory_space<vmem>>, vector<1x16xf32>,
        %get3A_800 = vector.shape_cast %get3A_799 : vector<1x16xf32> to vector<16xf32>
        %mul3A_801 = arith.mulf %get3A_794, %get3A_800 : vector<16xf32>
        %add3A_802 = arith.constant 1.000000e+00 : f32
        %add3A_803 = vector.broadcast %add3A_802 : f32 to vector<16xf32>
        %add3A_804 = arith.addf %add3A_803, %mul3A_801 : vector<16xf32>
        %div3A_805 = arith.divf %broadcast_in_dim3A_512, %add3A_804 : vector<16xf32>
        %add3A_806 = arith.constant 5 : i32
        %add3A_807 = arith.addi %mul3A_527, %add3A_806 : i32
        %swap3A_808 = arith.index_cast %add3A_807 : i32 to index
        %swap3A_809 = arith.constant 16 : index
        %swap3A_810 = tpu.vector_load %arg10[%swap3A_808, %swap3A_809] {strides = array<i32>} : memref<80x32xf32, #tpu.memory_space<vmem>>, vector<1x16xf32>,
        %swap3A_811 = vector.shape_cast %swap3A_810 : vector<1x16xf32> to vector<16xf32>
        %swap3A_812 = vector.shape_cast %div3A_805 : vector<16xf32> to vector<1x16xf32>
        tpu.vector_store %arg10[%swap3A_808, %swap3A_809], %swap3A_812 {strides = array<i32>} : memref<80x32xf32, #tpu.memory_space<vmem>>, vector<1x16xf32>,
        %add3A_813 = arith.constant 6 : i32
        %add3A_814 = arith.addi %mul3A_527, %add3A_813 : i32
        %get3A_815 = arith.index_cast %add3A_814 : i32 to index
        %get3A_816 = arith.constant 0 : index
        %get3A_817 = tpu.vector_load %arg10[%get3A_815, %get3A_816] {strides = array<i32>} : memref<80x32xf32, #tpu.memory_space<vmem>>, vector<1x16xf32>,
        %get3A_818 = vector.shape_cast %get3A_817 : vector<1x16xf32> to vector<16xf32>
        %add3A_819 = arith.constant 6 : i32
        %add3A_820 = arith.addi %mul3A_527, %add3A_819 : i32
        %get3A_821 = arith.index_cast %add3A_820 : i32 to index
        %get3A_822 = arith.constant 0 : index
        %get3A_823 = tpu.vector_load %arg14[%get3A_821, %get3A_822] {strides = array<i32>} : memref<80x32xf32, #tpu.memory_space<vmem>>, vector<1x16xf32>,
        %get3A_824 = vector.shape_cast %get3A_823 : vector<1x16xf32> to vector<16xf32>
        %mul3A_825 = arith.mulf %get3A_818, %get3A_824 : vector<16xf32>
        %add3A_826 = arith.constant 1.000000e+00 : f32
        %add3A_827 = vector.broadcast %add3A_826 : f32 to vector<16xf32>
        %add3A_828 = arith.addf %add3A_827, %mul3A_825 : vector<16xf32>
        %div3A_829 = arith.divf %broadcast_in_dim3A_512, %add3A_828 : vector<16xf32>
        %add3A_830 = arith.constant 6 : i32
        %add3A_831 = arith.addi %mul3A_527, %add3A_830 : i32
        %swap3A_832 = arith.index_cast %add3A_831 : i32 to index
        %swap3A_833 = arith.constant 0 : index
        %swap3A_834 = tpu.vector_load %arg10[%swap3A_832, %swap3A_833] {strides = array<i32>} : memref<80x32xf32, #tpu.memory_space<vmem>>, vector<1x16xf32>,
        %swap3A_835 = vector.shape_cast %swap3A_834 : vector<1x16xf32> to vector<16xf32>
        %swap3A_836 = vector.shape_cast %div3A_829 : vector<16xf32> to vector<1x16xf32>
        tpu.vector_store %arg10[%swap3A_832, %swap3A_833], %swap3A_836 {strides = array<i32>} : memref<80x32xf32, #tpu.memory_space<vmem>>, vector<1x16xf32>,
        %add3A_837 = arith.constant 6 : i32
        %add3A_838 = arith.addi %mul3A_527, %add3A_837 : i32
        %get3A_839 = arith.index_cast %add3A_838 : i32 to index
        %get3A_840 = arith.constant 16 : index
        %get3A_841 = tpu.vector_load %arg10[%get3A_839, %get3A_840] {strides = array<i32>} : memref<80x32xf32, #tpu.memory_space<vmem>>, vector<1x16xf32>,
        %get3A_842 = vector.shape_cast %get3A_841 : vector<1x16xf32> to vector<16xf32>
        %add3A_843 = arith.constant 6 : i32
        %add3A_844 = arith.addi %mul3A_527, %add3A_843 : i32
        %get3A_845 = arith.index_cast %add3A_844 : i32 to index
        %get3A_846 = arith.constant 16 : index
        %get3A_847 = tpu.vector_load %arg14[%get3A_845, %get3A_846] {strides = array<i32>} : memref<80x32xf32, #tpu.memory_space<vmem>>, vector<1x16xf32>,
        %get3A_848 = vector.shape_cast %get3A_847 : vector<1x16xf32> to vector<16xf32>
        %mul3A_849 = arith.mulf %get3A_842, %get3A_848 : vector<16xf32>
        %add3A_850 = arith.constant 1.000000e+00 : f32
        %add3A_851 = vector.broadcast %add3A_850 : f32 to vector<16xf32>
        %add3A_852 = arith.addf %add3A_851, %mul3A_849 : vector<16xf32>
        %div3A_853 = arith.divf %broadcast_in_dim3A_512, %add3A_852 : vector<16xf32>
        %add3A_854 = arith.constant 6 : i32
        %add3A_855 = arith.addi %mul3A_527, %add3A_854 : i32
        %swap3A_856 = arith.index_cast %add3A_855 : i32 to index
        %swap3A_857 = arith.constant 16 : index
        %swap3A_858 = tpu.vector_load %arg10[%swap3A_856, %swap3A_857] {strides = array<i32>} : memref<80x32xf32, #tpu.memory_space<vmem>>, vector<1x16xf32>,
        %swap3A_859 = vector.shape_cast %swap3A_858 : vector<1x16xf32> to vector<16xf32>
        %swap3A_860 = vector.shape_cast %div3A_853 : vector<16xf32> to vector<1x16xf32>
        tpu.vector_store %arg10[%swap3A_856, %swap3A_857], %swap3A_860 {strides = array<i32>} : memref<80x32xf32, #tpu.memory_space<vmem>>, vector<1x16xf32>,
        %add3A_861 = arith.constant 7 : i32
        %add3A_862 = arith.addi %mul3A_527, %add3A_861 : i32
        %get3A_863 = arith.index_cast %add3A_862 : i32 to index
        %get3A_864 = arith.constant 0 : index
        %get3A_865 = tpu.vector_load %arg10[%get3A_863, %get3A_864] {strides = array<i32>} : memref<80x32xf32, #tpu.memory_space<vmem>>, vector<1x16xf32>,
        %get3A_866 = vector.shape_cast %get3A_865 : vector<1x16xf32> to vector<16xf32>
        %add3A_867 = arith.constant 7 : i32
        %add3A_868 = arith.addi %mul3A_527, %add3A_867 : i32
        %get3A_869 = arith.index_cast %add3A_868 : i32 to index
        %get3A_870 = arith.constant 0 : index
        %get3A_871 = tpu.vector_load %arg14[%get3A_869, %get3A_870] {strides = array<i32>} : memref<80x32xf32, #tpu.memory_space<vmem>>, vector<1x16xf32>,
        %get3A_872 = vector.shape_cast %get3A_871 : vector<1x16xf32> to vector<16xf32>
        %mul3A_873 = arith.mulf %get3A_866, %get3A_872 : vector<16xf32>
        %add3A_874 = arith.constant 1.000000e+00 : f32
        %add3A_875 = vector.broadcast %add3A_874 : f32 to vector<16xf32>
        %add3A_876 = arith.addf %add3A_875, %mul3A_873 : vector<16xf32>
        %div3A_877 = arith.divf %broadcast_in_dim3A_512, %add3A_876 : vector<16xf32>
        %add3A_878 = arith.constant 7 : i32
        %add3A_879 = arith.addi %mul3A_527, %add3A_878 : i32
        %swap3A_880 = arith.index_cast %add3A_879 : i32 to index
        %swap3A_881 = arith.constant 0 : index
        %swap3A_882 = tpu.vector_load %arg10[%swap3A_880, %swap3A_881] {strides = array<i32>} : memref<80x32xf32, #tpu.memory_space<vmem>>, vector<1x16xf32>,
        %swap3A_883 = vector.shape_cast %swap3A_882 : vector<1x16xf32> to vector<16xf32>
        %swap3A_884 = vector.shape_cast %div3A_877 : vector<16xf32> to vector<1x16xf32>
        tpu.vector_store %arg10[%swap3A_880, %swap3A_881], %swap3A_884 {strides = array<i32>} : memref<80x32xf32, #tpu.memory_space<vmem>>, vector<1x16xf32>,
        %add3A_885 = arith.constant 7 : i32
        %add3A_886 = arith.addi %mul3A_527, %add3A_885 : i32
        %get3A_887 = arith.index_cast %add3A_886 : i32 to index
        %get3A_888 = arith.constant 16 : index
        %get3A_889 = tpu.vector_load %arg10[%get3A_887, %get3A_888] {strides = array<i32>} : memref<80x32xf32, #tpu.memory_space<vmem>>, vector<1x16xf32>,
        %get3A_890 = vector.shape_cast %get3A_889 : vector<1x16xf32> to vector<16xf32>
        %add3A_891 = arith.constant 7 : i32
        %add3A_892 = arith.addi %mul3A_527, %add3A_891 : i32
        %get3A_893 = arith.index_cast %add3A_892 : i32 to index
        %get3A_894 = arith.constant 16 : index
        %get3A_895 = tpu.vector_load %arg14[%get3A_893, %get3A_894] {strides = array<i32>} : memref<80x32xf32, #tpu.memory_space<vmem>>, vector<1x16xf32>,
        %get3A_896 = vector.shape_cast %get3A_895 : vector<1x16xf32> to vector<16xf32>
        %mul3A_897 = arith.mulf %get3A_890, %get3A_896 : vector<16xf32>
        %add3A_898 = arith.constant 1.000000e+00 : f32
        %add3A_899 = vector.broadcast %add3A_898 : f32 to vector<16xf32>
        %add3A_900 = arith.addf %add3A_899, %mul3A_897 : vector<16xf32>
        %div3A_901 = arith.divf %broadcast_in_dim3A_512, %add3A_900 : vector<16xf32>
        %add3A_902 = arith.constant 7 : i32
        %add3A_903 = arith.addi %mul3A_527, %add3A_902 : i32
        %swap3A_904 = arith.index_cast %add3A_903 : i32 to index
        %swap3A_905 = arith.constant 16 : index
        %swap3A_906 = tpu.vector_load %arg10[%swap3A_904, %swap3A_905] {strides = array<i32>} : memref<80x32xf32, #tpu.memory_space<vmem>>, vector<1x16xf32>,
        %swap3A_907 = vector.shape_cast %swap3A_906 : vector<1x16xf32> to vector<16xf32>
        %swap3A_908 = vector.shape_cast %div3A_901 : vector<16xf32> to vector<1x16xf32>
        tpu.vector_store %arg10[%swap3A_904, %swap3A_905], %swap3A_908 {strides = array<i32>} : memref<80x32xf32, #tpu.memory_space<vmem>>, vector<1x16xf32>,
      }
      %scan3A_518 = arith.constant 10 : i32
      %dma_start3A_519 = arith.constant 0 : i32
      %dma_start3A_520 = tpu.memref_slice %arg7[%add3A_476, %dma_start3A_519] : memref<125x80xi32, #tpu.memory_space<vmem>> -> memref<1x80xi32, #tpu.memory_space<vmem>>
      %dma_start3A_521 = tpu.memref_squeeze %dma_start3A_520 : memref<1x80xi32, #tpu.memory_space<vmem>> -> memref<80xi32, #tpu.memory_space<vmem>>
      %dma_start3A_522 = arith.constant 0 : i32
      %dma_start3A_523 = arith.constant 0 : i32
      %dma_start3A_524 = tpu.memref_slice %arg20[%dma_start3A_522, %dma_start3A_523] : memref<10240x32xf32, #tpu.memory_space<vmem_shared>> -> memref<10240x32xf32, #tpu.memory_space<vmem_shared>>
      tpu.enqueue_indirect_dma source(%arg10 : memref<80x32xf32, #tpu.memory_space<vmem>>) target(%dma_start3A_524 : memref<10240x32xf32, #tpu.memory_space<vmem_shared>>) offsets(%dma_start3A_521 : memref<80xi32, #tpu.memory_space<vmem>>) semaphore(%arg30 : memref<!tpu.dma_semaphore, #tpu.memory_space<semaphore_mem>>) {add = true}
    }
    %scan3A_176 = arith.constant 30 : i32
    %sub3A = arith.constant 122 : i32
    %sub3A_177 = arith.constant 2 : i32
    %sub3A_178 = arith.subi %sub3A, %sub3A_177 : i32
    %dma_wait3A_179 = arith.constant 0 : i32
    %dma_wait3A_180 = tpu.memref_slice %arg7[%sub3A_178, %dma_wait3A_179] : memref<125x80xi32, #tpu.memory_space<vmem>> -> memref<1x80xi32, #tpu.memory_space<vmem>>
    %dma_wait3A_181 = tpu.memref_squeeze %dma_wait3A_180 : memref<1x80xi32, #tpu.memory_space<vmem>> -> memref<80xi32, #tpu.memory_space<vmem>>
    %dma_wait3A_182 = arith.constant 0 : i32
    %dma_wait3A_183 = arith.constant 0 : i32
    %dma_wait3A_184 = tpu.memref_slice %arg20[%dma_wait3A_182, %dma_wait3A_183] : memref<10240x32xf32, #tpu.memory_space<vmem_shared>> -> memref<10240x32xf32, #tpu.memory_space<vmem_shared>>
    tpu.wait_indirect_dma semaphore(%arg29 : memref<!tpu.dma_semaphore, #tpu.memory_space<semaphore_mem>>) src(%arg9 : memref<80x32xf32, #tpu.memory_space<vmem>>) dst(%dma_wait3A_184 : memref<10240x32xf32, #tpu.memory_space<vmem_shared>>)
    %add3A_185 = arith.constant 122 : i32
    %add3A_186 = arith.constant 2 : i32
    %add3A_187 = arith.addi %add3A_185, %add3A_186 : i32
    %dma_start3A_188 = arith.constant 0 : i32
    %dma_start3A_189 = tpu.memref_slice %arg7[%add3A_187, %dma_start3A_188] : memref<125x80xi32, #tpu.memory_space<vmem>> -> memref<1x80xi32, #tpu.memory_space<vmem>>
    %dma_start3A_190 = tpu.memref_squeeze %dma_start3A_189 : memref<1x80xi32, #tpu.memory_space<vmem>> -> memref<80xi32, #tpu.memory_space<vmem>>
    %dma_start3A_191 = arith.constant 0 : i32
    %dma_start3A_192 = arith.constant 0 : i32
    %dma_start3A_193 = tpu.memref_slice %arg18[%dma_start3A_191, %dma_start3A_192] : memref<10240x32xf32, #tpu.memory_space<vmem_shared>> -> memref<10240x32xf32, #tpu.memory_space<vmem_shared>>
    tpu.enqueue_indirect_dma source(%dma_start3A_193 : memref<10240x32xf32, #tpu.memory_space<vmem_shared>>) target(%arg9 : memref<80x32xf32, #tpu.memory_space<vmem>>) offsets(%dma_start3A_190 : memref<80xi32, #tpu.memory_space<vmem>>) semaphore(%arg21 : memref<!tpu.dma_semaphore, #tpu.memory_space<semaphore_mem>>)
    %dma_start3A_194 = arith.constant 0 : i32
    %dma_start3A_195 = tpu.memref_slice %arg8[%add3A_187, %dma_start3A_194] : memref<125x80xi32, #tpu.memory_space<vmem>> -> memref<1x80xi32, #tpu.memory_space<vmem>>
    %dma_start3A_196 = tpu.memref_squeeze %dma_start3A_195 : memref<1x80xi32, #tpu.memory_space<vmem>> -> memref<80xi32, #tpu.memory_space<vmem>>
    %dma_start3A_197 = arith.constant 0 : i32
    %dma_start3A_198 = arith.constant 0 : i32
    %dma_start3A_199 = tpu.memref_slice %arg19[%dma_start3A_197, %dma_start3A_198] : memref<10240x32xf32, #tpu.memory_space<vmem_shared>> -> memref<10240x32xf32, #tpu.memory_space<vmem_shared>>
    tpu.enqueue_indirect_dma source(%dma_start3A_199 : memref<10240x32xf32, #tpu.memory_space<vmem_shared>>) target(%arg13 : memref<80x32xf32, #tpu.memory_space<vmem>>) offsets(%dma_start3A_196 : memref<80xi32, #tpu.memory_space<vmem>>) semaphore(%arg25 : memref<!tpu.dma_semaphore, #tpu.memory_space<semaphore_mem>>)
    %dma_wait3A_200 = arith.constant 122 : i32
    %dma_wait3A_201 = arith.constant 0 : i32
    %dma_wait3A_202 = tpu.memref_slice %arg7[%dma_wait3A_200, %dma_wait3A_201] : memref<125x80xi32, #tpu.memory_space<vmem>> -> memref<1x80xi32, #tpu.memory_space<vmem>>
    %dma_wait3A_203 = tpu.memref_squeeze %dma_wait3A_202 : memref<1x80xi32, #tpu.memory_space<vmem>> -> memref<80xi32, #tpu.memory_space<vmem>>
    %dma_wait3A_204 = arith.constant 0 : i32
    %dma_wait3A_205 = arith.constant 0 : i32
    %dma_wait3A_206 = tpu.memref_slice %arg18[%dma_wait3A_204, %dma_wait3A_205] : memref<10240x32xf32, #tpu.memory_space<vmem_shared>> -> memref<10240x32xf32, #tpu.memory_space<vmem_shared>>
    tpu.wait_indirect_dma semaphore(%arg23 : memref<!tpu.dma_semaphore, #tpu.memory_space<semaphore_mem>>) src(%dma_wait3A_206 : memref<10240x32xf32, #tpu.memory_space<vmem_shared>>) dst(%arg11 : memref<80x32xf32, #tpu.memory_space<vmem>>)
    %dma_wait3A_207 = arith.constant 122 : i32
    %dma_wait3A_208 = arith.constant 0 : i32
    %dma_wait3A_209 = tpu.memref_slice %arg8[%dma_wait3A_207, %dma_wait3A_208] : memref<125x80xi32, #tpu.memory_space<vmem>> -> memref<1x80xi32, #tpu.memory_space<vmem>>
    %dma_wait3A_210 = tpu.memref_squeeze %dma_wait3A_209 : memref<1x80xi32, #tpu.memory_space<vmem>> -> memref<80xi32, #tpu.memory_space<vmem>>
    %dma_wait3A_211 = arith.constant 0 : i32
    %dma_wait3A_212 = arith.constant 0 : i32
    %dma_wait3A_213 = tpu.memref_slice %arg19[%dma_wait3A_211, %dma_wait3A_212] : memref<10240x32xf32, #tpu.memory_space<vmem_shared>> -> memref<10240x32xf32, #tpu.memory_space<vmem_shared>>
    tpu.wait_indirect_dma semaphore(%arg27 : memref<!tpu.dma_semaphore, #tpu.memory_space<semaphore_mem>>) src(%dma_wait3A_213 : memref<10240x32xf32, #tpu.memory_space<vmem_shared>>) dst(%arg15 : memref<80x32xf32, #tpu.memory_space<vmem>>)
    %broadcast_in_dim3A_214 = arith.constant 1.000000e+00 : f32
    %broadcast_in_dim3A_215 = vector.broadcast %broadcast_in_dim3A_214 : f32 to vector<16xf32>
    %scan3A_216 = arith.constant 0 : i32
    %scan3A_217 = arith.constant 0 : i32
    %scan3A_218 = arith.constant 10 : i32
    %scan3A_219 = arith.addi %scan3A_217, %scan3A_218 : i32
    %scan3A_220 = arith.constant 1 : i32
    scf.for %scan3A_320 = %scan3A_217 to %scan3A_219 step %scan3A_220  : i32 {
      %mul3A_321 = arith.constant 8 : i32
      %mul3A_322 = arith.muli %scan3A_320, %mul3A_321 : i32
      %add3A_323 = arith.constant 0 : i32
      %add3A_324 = arith.addi %mul3A_322, %add3A_323 : i32
      %get3A = arith.index_cast %add3A_324 : i32 to index
      %get3A_325 = arith.constant 0 : index
      %get3A_326 = tpu.vector_load %arg11[%get3A, %get3A_325] {strides = array<i32>} : memref<80x32xf32, #tpu.memory_space<vmem>>, vector<1x16xf32>,
      %get3A_327 = vector.shape_cast %get3A_326 : vector<1x16xf32> to vector<16xf32>
      %add3A_328 = arith.constant 0 : i32
      %add3A_329 = arith.addi %mul3A_322, %add3A_328 : i32
      %get3A_330 = arith.index_cast %add3A_329 : i32 to index
      %get3A_331 = arith.constant 0 : index
      %get3A_332 = tpu.vector_load %arg15[%get3A_330, %get3A_331] {strides = array<i32>} : memref<80x32xf32, #tpu.memory_space<vmem>>, vector<1x16xf32>,
      %get3A_333 = vector.shape_cast %get3A_332 : vector<1x16xf32> to vector<16xf32>
      %mul3A_334 = arith.mulf %get3A_327, %get3A_333 : vector<16xf32>
      %add3A_335 = arith.constant 1.000000e+00 : f32
      %add3A_336 = vector.broadcast %add3A_335 : f32 to vector<16xf32>
      %add3A_337 = arith.addf %add3A_336, %mul3A_334 : vector<16xf32>
      %div3A = arith.divf %broadcast_in_dim3A_215, %add3A_337 : vector<16xf32>
      %add3A_338 = arith.constant 0 : i32
      %add3A_339 = arith.addi %mul3A_322, %add3A_338 : i32
      %swap3A = arith.index_cast %add3A_339 : i32 to index
      %swap3A_340 = arith.constant 0 : index
      %swap3A_341 = tpu.vector_load %arg11[%swap3A, %swap3A_340] {strides = array<i32>} : memref<80x32xf32, #tpu.memory_space<vmem>>, vector<1x16xf32>,
      %swap3A_342 = vector.shape_cast %swap3A_341 : vector<1x16xf32> to vector<16xf32>
      %swap3A_343 = vector.shape_cast %div3A : vector<16xf32> to vector<1x16xf32>
      tpu.vector_store %arg11[%swap3A, %swap3A_340], %swap3A_343 {strides = array<i32>} : memref<80x32xf32, #tpu.memory_space<vmem>>, vector<1x16xf32>,
      %add3A_344 = arith.constant 0 : i32
      %add3A_345 = arith.addi %mul3A_322, %add3A_344 : i32
      %get3A_346 = arith.index_cast %add3A_345 : i32 to index
      %get3A_347 = arith.constant 16 : index
      %get3A_348 = tpu.vector_load %arg11[%get3A_346, %get3A_347] {strides = array<i32>} : memref<80x32xf32, #tpu.memory_space<vmem>>, vector<1x16xf32>,
      %get3A_349 = vector.shape_cast %get3A_348 : vector<1x16xf32> to vector<16xf32>
      %add3A_350 = arith.constant 0 : i32
      %add3A_351 = arith.addi %mul3A_322, %add3A_350 : i32
      %get3A_352 = arith.index_cast %add3A_351 : i32 to index
      %get3A_353 = arith.constant 16 : index
      %get3A_354 = tpu.vector_load %arg15[%get3A_352, %get3A_353] {strides = array<i32>} : memref<80x32xf32, #tpu.memory_space<vmem>>, vector<1x16xf32>,
      %get3A_355 = vector.shape_cast %get3A_354 : vector<1x16xf32> to vector<16xf32>
      %mul3A_356 = arith.mulf %get3A_349, %get3A_355 : vector<16xf32>
      %add3A_357 = arith.constant 1.000000e+00 : f32
      %add3A_358 = vector.broadcast %add3A_357 : f32 to vector<16xf32>
      %add3A_359 = arith.addf %add3A_358, %mul3A_356 : vector<16xf32>
      %div3A_360 = arith.divf %broadcast_in_dim3A_215, %add3A_359 : vector<16xf32>
      %add3A_361 = arith.constant 0 : i32
      %add3A_362 = arith.addi %mul3A_322, %add3A_361 : i32
      %swap3A_363 = arith.index_cast %add3A_362 : i32 to index
      %swap3A_364 = arith.constant 16 : index
      %swap3A_365 = tpu.vector_load %arg11[%swap3A_363, %swap3A_364] {strides = array<i32>} : memref<80x32xf32, #tpu.memory_space<vmem>>, vector<1x16xf32>,
      %swap3A_366 = vector.shape_cast %swap3A_365 : vector<1x16xf32> to vector<16xf32>
      %swap3A_367 = vector.shape_cast %div3A_360 : vector<16xf32> to vector<1x16xf32>
      tpu.vector_store %arg11[%swap3A_363, %swap3A_364], %swap3A_367 {strides = array<i32>} : memref<80x32xf32, #tpu.memory_space<vmem>>, vector<1x16xf32>,
      %add3A_368 = arith.constant 1 : i32
      %add3A_369 = arith.addi %mul3A_322, %add3A_368 : i32
      %get3A_370 = arith.index_cast %add3A_369 : i32 to index
      %get3A_371 = arith.constant 0 : index
      %get3A_372 = tpu.vector_load %arg11[%get3A_370, %get3A_371] {strides = array<i32>} : memref<80x32xf32, #tpu.memory_space<vmem>>, vector<1x16xf32>,
      %get3A_373 = vector.shape_cast %get3A_372 : vector<1x16xf32> to vector<16xf32>
      %add3A_374 = arith.constant 1 : i32
      %add3A_375 = arith.addi %mul3A_322, %add3A_374 : i32
      %get3A_376 = arith.index_cast %add3A_375 : i32 to index
      %get3A_377 = arith.constant 0 : index
      %get3A_378 = tpu.vector_load %arg15[%get3A_376, %get3A_377] {strides = array<i32>} : memref<80x32xf32, #tpu.memory_space<vmem>>, vector<1x16xf32>,
      %get3A_379 = vector.shape_cast %get3A_378 : vector<1x16xf32> to vector<16xf32>
      %mul3A_380 = arith.mulf %get3A_373, %get3A_379 : vector<16xf32>
      %add3A_381 = arith.constant 1.000000e+00 : f32
      %add3A_382 = vector.broadcast %add3A_381 : f32 to vector<16xf32>
      %add3A_383 = arith.addf %add3A_382, %mul3A_380 : vector<16xf32>
      %div3A_384 = arith.divf %broadcast_in_dim3A_215, %add3A_383 : vector<16xf32>
      %add3A_385 = arith.constant 1 : i32
      %add3A_386 = arith.addi %mul3A_322, %add3A_385 : i32
      %swap3A_387 = arith.index_cast %add3A_386 : i32 to index
      %swap3A_388 = arith.constant 0 : index
      %swap3A_389 = tpu.vector_load %arg11[%swap3A_387, %swap3A_388] {strides = array<i32>} : memref<80x32xf32, #tpu.memory_space<vmem>>, vector<1x16xf32>,
      %swap3A_390 = vector.shape_cast %swap3A_389 : vector<1x16xf32> to vector<16xf32>
      %swap3A_391 = vector.shape_cast %div3A_384 : vector<16xf32> to vector<1x16xf32>
      tpu.vector_store %arg11[%swap3A_387, %swap3A_388], %swap3A_391 {strides = array<i32>} : memref<80x32xf32, #tpu.memory_space<vmem>>, vector<1x16xf32>,
      %add3A_392 = arith.constant 1 : i32
      %add3A_393 = arith.addi %mul3A_322, %add3A_392 : i32
      %get3A_394 = arith.index_cast %add3A_393 : i32 to index
      %get3A_395 = arith.constant 16 : index
      %get3A_396 = tpu.vector_load %arg11[%get3A_394, %get3A_395] {strides = array<i32>} : memref<80x32xf32, #tpu.memory_space<vmem>>, vector<1x16xf32>,
      %get3A_397 = vector.shape_cast %get3A_396 : vector<1x16xf32> to vector<16xf32>
      %add3A_398 = arith.constant 1 : i32
      %add3A_399 = arith.addi %mul3A_322, %add3A_398 : i32
      %get3A_400 = arith.index_cast %add3A_399 : i32 to index
      %get3A_401 = arith.constant 16 : index
      %get3A_402 = tpu.vector_load %arg15[%get3A_400, %get3A_401] {strides = array<i32>} : memref<80x32xf32, #tpu.memory_space<vmem>>, vector<1x16xf32>,
      %get3A_403 = vector.shape_cast %get3A_402 : vector<1x16xf32> to vector<16xf32>
      %mul3A_404 = arith.mulf %get3A_397, %get3A_403 : vector<16xf32>
      %add3A_405 = arith.constant 1.000000e+00 : f32
      %add3A_406 = vector.broadcast %add3A_405 : f32 to vector<16xf32>
      %add3A_407 = arith.addf %add3A_406, %mul3A_404 : vector<16xf32>
      %div3A_408 = arith.divf %broadcast_in_dim3A_215, %add3A_407 : vector<16xf32>
      %add3A_409 = arith.constant 1 : i32
      %add3A_410 = arith.addi %mul3A_322, %add3A_409 : i32
      %swap3A_411 = arith.index_cast %add3A_410 : i32 to index
      %swap3A_412 = arith.constant 16 : index
      %swap3A_413 = tpu.vector_load %arg11[%swap3A_411, %swap3A_412] {strides = array<i32>} : memref<80x32xf32, #tpu.memory_space<vmem>>, vector<1x16xf32>,
      %swap3A_414 = vector.shape_cast %swap3A_413 : vector<1x16xf32> to vector<16xf32>
      %swap3A_415 = vector.shape_cast %div3A_408 : vector<16xf32> to vector<1x16xf32>
      tpu.vector_store %arg11[%swap3A_411, %swap3A_412], %swap3A_415 {strides = array<i32>} : memref<80x32xf32, #tpu.memory_space<vmem>>, vector<1x16xf32>,
      %add3A_416 = arith.constant 2 : i32
      %add3A_417 = arith.addi %mul3A_322, %add3A_416 : i32
      %get3A_418 = arith.index_cast %add3A_417 : i32 to index
      %get3A_419 = arith.constant 0 : index
      %get3A_420 = tpu.vector_load %arg11[%get3A_418, %get3A_419] {strides = array<i32>} : memref<80x32xf32, #tpu.memory_space<vmem>>, vector<1x16xf32>,
      %get3A_421 = vector.shape_cast %get3A_420 : vector<1x16xf32> to vector<16xf32>
      %add3A_422 = arith.constant 2 : i32
      %add3A_423 = arith.addi %mul3A_322, %add3A_422 : i32
      %get3A_424 = arith.index_cast %add3A_423 : i32 to index
      %get3A_425 = arith.constant 0 : index
      %get3A_426 = tpu.vector_load %arg15[%get3A_424, %get3A_425] {strides = array<i32>} : memref<80x32xf32, #tpu.memory_space<vmem>>, vector<1x16xf32>,
      %get3A_427 = vector.shape_cast %get3A_426 : vector<1x16xf32> to vector<16xf32>
      %mul3A_428 = arith.mulf %get3A_421, %get3A_427 : vector<16xf32>
      %add3A_429 = arith.constant 1.000000e+00 : f32
      %add3A_430 = vector.broadcast %add3A_429 : f32 to vector<16xf32>
      %add3A_431 = arith.addf %add3A_430, %mul3A_428 : vector<16xf32>
      %div3A_432 = arith.divf %broadcast_in_dim3A_215, %add3A_431 : vector<16xf32>
      %add3A_433 = arith.constant 2 : i32
      %add3A_434 = arith.addi %mul3A_322, %add3A_433 : i32
      %swap3A_435 = arith.index_cast %add3A_434 : i32 to index
      %swap3A_436 = arith.constant 0 : index
      %swap3A_437 = tpu.vector_load %arg11[%swap3A_435, %swap3A_436] {strides = array<i32>} : memref<80x32xf32, #tpu.memory_space<vmem>>, vector<1x16xf32>,
      %swap3A_438 = vector.shape_cast %swap3A_437 : vector<1x16xf32> to vector<16xf32>
      %swap3A_439 = vector.shape_cast %div3A_432 : vector<16xf32> to vector<1x16xf32>
      tpu.vector_store %arg11[%swap3A_435, %swap3A_436], %swap3A_439 {strides = array<i32>} : memref<80x32xf32, #tpu.memory_space<vmem>>, vector<1x16xf32>,
      %add3A_440 = arith.constant 2 : i32
      %add3A_441 = arith.addi %mul3A_322, %add3A_440 : i32
      %get3A_442 = arith.index_cast %add3A_441 : i32 to index
      %get3A_443 = arith.constant 16 : index
      %get3A_444 = tpu.vector_load %arg11[%get3A_442, %get3A_443] {strides = array<i32>} : memref<80x32xf32, #tpu.memory_space<vmem>>, vector<1x16xf32>,
      %get3A_445 = vector.shape_cast %get3A_444 : vector<1x16xf32> to vector<16xf32>
      %add3A_446 = arith.constant 2 : i32
      %add3A_447 = arith.addi %mul3A_322, %add3A_446 : i32
      %get3A_448 = arith.index_cast %add3A_447 : i32 to index
      %get3A_449 = arith.constant 16 : index
      %get3A_450 = tpu.vector_load %arg15[%get3A_448, %get3A_449] {strides = array<i32>} : memref<80x32xf32, #tpu.memory_space<vmem>>, vector<1x16xf32>,
      %get3A_451 = vector.shape_cast %get3A_450 : vector<1x16xf32> to vector<16xf32>
      %mul3A_452 = arith.mulf %get3A_445, %get3A_451 : vector<16xf32>
      %add3A_453 = arith.constant 1.000000e+00 : f32
      %add3A_454 = vector.broadcast %add3A_453 : f32 to vector<16xf32>
      %add3A_455 = arith.addf %add3A_454, %mul3A_452 : vector<16xf32>
      %div3A_456 = arith.divf %broadcast_in_dim3A_215, %add3A_455 : vector<16xf32>
      %add3A_457 = arith.constant 2 : i32
      %add3A_458 = arith.addi %mul3A_322, %add3A_457 : i32
      %swap3A_459 = arith.index_cast %add3A_458 : i32 to index
      %swap3A_460 = arith.constant 16 : index
      %swap3A_461 = tpu.vector_load %arg11[%swap3A_459, %swap3A_460] {strides = array<i32>} : memref<80x32xf32, #tpu.memory_space<vmem>>, vector<1x16xf32>,
      %swap3A_462 = vector.shape_cast %swap3A_461 : vector<1x16xf32> to vector<16xf32>
      %swap3A_463 = vector.shape_cast %div3A_456 : vector<16xf32> to vector<1x16xf32>
      tpu.vector_store %arg11[%swap3A_459, %swap3A_460], %swap3A_463 {strides = array<i32>} : memref<80x32xf32, #tpu.memory_space<vmem>>, vector<1x16xf32>,
      %add3A_464 = arith.constant 3 : i32
      %add3A_465 = arith.addi %mul3A_322, %add3A_464 : i32
      %get3A_466 = arith.index_cast %add3A_465 : i32 to index
      %get3A_467 = arith.constant 0 : index
      %get3A_468 = tpu.vector_load %arg11[%get3A_466, %get3A_467] {strides = array<i32>} : memref<80x32xf32, #tpu.memory_space<vmem>>, vector<1x16xf32>,
      %get3A_469 = vector.shape_cast %get3A_468 : vector<1x16xf32> to vector<16xf32>
      %add3A_470 = arith.constant 3 : i32
      %add3A_471 = arith.addi %mul3A_322, %add3A_470 : i32
      %get3A_472 = arith.index_cast %add3A_471 : i32 to index
      %get3A_473 = arith.constant 0 : index
      %get3A_474 = tpu.vector_load %arg15[%get3A_472, %get3A_473] {strides = array<i32>} : memref<80x32xf32, #tpu.memory_space<vmem>>, vector<1x16xf32>,
      %get3A_475 = vector.shape_cast %get3A_474 : vector<1x16xf32> to vector<16xf32>
      %mul3A_476 = arith.mulf %get3A_469, %get3A_475 : vector<16xf32>
      %add3A_477 = arith.constant 1.000000e+00 : f32
      %add3A_478 = vector.broadcast %add3A_477 : f32 to vector<16xf32>
      %add3A_479 = arith.addf %add3A_478, %mul3A_476 : vector<16xf32>
      %div3A_480 = arith.divf %broadcast_in_dim3A_215, %add3A_479 : vector<16xf32>
      %add3A_481 = arith.constant 3 : i32
      %add3A_482 = arith.addi %mul3A_322, %add3A_481 : i32
      %swap3A_483 = arith.index_cast %add3A_482 : i32 to index
      %swap3A_484 = arith.constant 0 : index
      %swap3A_485 = tpu.vector_load %arg11[%swap3A_483, %swap3A_484] {strides = array<i32>} : memref<80x32xf32, #tpu.memory_space<vmem>>, vector<1x16xf32>,
      %swap3A_486 = vector.shape_cast %swap3A_485 : vector<1x16xf32> to vector<16xf32>
      %swap3A_487 = vector.shape_cast %div3A_480 : vector<16xf32> to vector<1x16xf32>
      tpu.vector_store %arg11[%swap3A_483, %swap3A_484], %swap3A_487 {strides = array<i32>} : memref<80x32xf32, #tpu.memory_space<vmem>>, vector<1x16xf32>,
      %add3A_488 = arith.constant 3 : i32
      %add3A_489 = arith.addi %mul3A_322, %add3A_488 : i32
      %get3A_490 = arith.index_cast %add3A_489 : i32 to index
      %get3A_491 = arith.constant 16 : index
      %get3A_492 = tpu.vector_load %arg11[%get3A_490, %get3A_491] {strides = array<i32>} : memref<80x32xf32, #tpu.memory_space<vmem>>, vector<1x16xf32>,
      %get3A_493 = vector.shape_cast %get3A_492 : vector<1x16xf32> to vector<16xf32>
      %add3A_494 = arith.constant 3 : i32
      %add3A_495 = arith.addi %mul3A_322, %add3A_494 : i32
      %get3A_496 = arith.index_cast %add3A_495 : i32 to index
      %get3A_497 = arith.constant 16 : index
      %get3A_498 = tpu.vector_load %arg15[%get3A_496, %get3A_497] {strides = array<i32>} : memref<80x32xf32, #tpu.memory_space<vmem>>, vector<1x16xf32>,
      %get3A_499 = vector.shape_cast %get3A_498 : vector<1x16xf32> to vector<16xf32>
      %mul3A_500 = arith.mulf %get3A_493, %get3A_499 : vector<16xf32>
      %add3A_501 = arith.constant 1.000000e+00 : f32
      %add3A_502 = vector.broadcast %add3A_501 : f32 to vector<16xf32>
      %add3A_503 = arith.addf %add3A_502, %mul3A_500 : vector<16xf32>
      %div3A_504 = arith.divf %broadcast_in_dim3A_215, %add3A_503 : vector<16xf32>
      %add3A_505 = arith.constant 3 : i32
      %add3A_506 = arith.addi %mul3A_322, %add3A_505 : i32
      %swap3A_507 = arith.index_cast %add3A_506 : i32 to index
      %swap3A_508 = arith.constant 16 : index
      %swap3A_509 = tpu.vector_load %arg11[%swap3A_507, %swap3A_508] {strides = array<i32>} : memref<80x32xf32, #tpu.memory_space<vmem>>, vector<1x16xf32>,
      %swap3A_510 = vector.shape_cast %swap3A_509 : vector<1x16xf32> to vector<16xf32>
      %swap3A_511 = vector.shape_cast %div3A_504 : vector<16xf32> to vector<1x16xf32>
      tpu.vector_store %arg11[%swap3A_507, %swap3A_508], %swap3A_511 {strides = array<i32>} : memref<80x32xf32, #tpu.memory_space<vmem>>, vector<1x16xf32>,
      %add3A_512 = arith.constant 4 : i32
      %add3A_513 = arith.addi %mul3A_322, %add3A_512 : i32
      %get3A_514 = arith.index_cast %add3A_513 : i32 to index
      %get3A_515 = arith.constant 0 : index
      %get3A_516 = tpu.vector_load %arg11[%get3A_514, %get3A_515] {strides = array<i32>} : memref<80x32xf32, #tpu.memory_space<vmem>>, vector<1x16xf32>,
      %get3A_517 = vector.shape_cast %get3A_516 : vector<1x16xf32> to vector<16xf32>
      %add3A_518 = arith.constant 4 : i32
      %add3A_519 = arith.addi %mul3A_322, %add3A_518 : i32
      %get3A_520 = arith.index_cast %add3A_519 : i32 to index
      %get3A_521 = arith.constant 0 : index
      %get3A_522 = tpu.vector_load %arg15[%get3A_520, %get3A_521] {strides = array<i32>} : memref<80x32xf32, #tpu.memory_space<vmem>>, vector<1x16xf32>,
      %get3A_523 = vector.shape_cast %get3A_522 : vector<1x16xf32> to vector<16xf32>
      %mul3A_524 = arith.mulf %get3A_517, %get3A_523 : vector<16xf32>
      %add3A_525 = arith.constant 1.000000e+00 : f32
      %add3A_526 = vector.broadcast %add3A_525 : f32 to vector<16xf32>
      %add3A_527 = arith.addf %add3A_526, %mul3A_524 : vector<16xf32>
      %div3A_528 = arith.divf %broadcast_in_dim3A_215, %add3A_527 : vector<16xf32>
      %add3A_529 = arith.constant 4 : i32
      %add3A_530 = arith.addi %mul3A_322, %add3A_529 : i32
      %swap3A_531 = arith.index_cast %add3A_530 : i32 to index
      %swap3A_532 = arith.constant 0 : index
      %swap3A_533 = tpu.vector_load %arg11[%swap3A_531, %swap3A_532] {strides = array<i32>} : memref<80x32xf32, #tpu.memory_space<vmem>>, vector<1x16xf32>,
      %swap3A_534 = vector.shape_cast %swap3A_533 : vector<1x16xf32> to vector<16xf32>
      %swap3A_535 = vector.shape_cast %div3A_528 : vector<16xf32> to vector<1x16xf32>
      tpu.vector_store %arg11[%swap3A_531, %swap3A_532], %swap3A_535 {strides = array<i32>} : memref<80x32xf32, #tpu.memory_space<vmem>>, vector<1x16xf32>,
      %add3A_536 = arith.constant 4 : i32
      %add3A_537 = arith.addi %mul3A_322, %add3A_536 : i32
      %get3A_538 = arith.index_cast %add3A_537 : i32 to index
      %get3A_539 = arith.constant 16 : index
      %get3A_540 = tpu.vector_load %arg11[%get3A_538, %get3A_539] {strides = array<i32>} : memref<80x32xf32, #tpu.memory_space<vmem>>, vector<1x16xf32>,
      %get3A_541 = vector.shape_cast %get3A_540 : vector<1x16xf32> to vector<16xf32>
      %add3A_542 = arith.constant 4 : i32
      %add3A_543 = arith.addi %mul3A_322, %add3A_542 : i32
      %get3A_544 = arith.index_cast %add3A_543 : i32 to index
      %get3A_545 = arith.constant 16 : index
      %get3A_546 = tpu.vector_load %arg15[%get3A_544, %get3A_545] {strides = array<i32>} : memref<80x32xf32, #tpu.memory_space<vmem>>, vector<1x16xf32>,
      %get3A_547 = vector.shape_cast %get3A_546 : vector<1x16xf32> to vector<16xf32>
      %mul3A_548 = arith.mulf %get3A_541, %get3A_547 : vector<16xf32>
      %add3A_549 = arith.constant 1.000000e+00 : f32
      %add3A_550 = vector.broadcast %add3A_549 : f32 to vector<16xf32>
      %add3A_551 = arith.addf %add3A_550, %mul3A_548 : vector<16xf32>
      %div3A_552 = arith.divf %broadcast_in_dim3A_215, %add3A_551 : vector<16xf32>
      %add3A_553 = arith.constant 4 : i32
      %add3A_554 = arith.addi %mul3A_322, %add3A_553 : i32
      %swap3A_555 = arith.index_cast %add3A_554 : i32 to index
      %swap3A_556 = arith.constant 16 : index
      %swap3A_557 = tpu.vector_load %arg11[%swap3A_555, %swap3A_556] {strides = array<i32>} : memref<80x32xf32, #tpu.memory_space<vmem>>, vector<1x16xf32>,
      %swap3A_558 = vector.shape_cast %swap3A_557 : vector<1x16xf32> to vector<16xf32>
      %swap3A_559 = vector.shape_cast %div3A_552 : vector<16xf32> to vector<1x16xf32>
      tpu.vector_store %arg11[%swap3A_555, %swap3A_556], %swap3A_559 {strides = array<i32>} : memref<80x32xf32, #tpu.memory_space<vmem>>, vector<1x16xf32>,
      %add3A_560 = arith.constant 5 : i32
      %add3A_561 = arith.addi %mul3A_322, %add3A_560 : i32
      %get3A_562 = arith.index_cast %add3A_561 : i32 to index
      %get3A_563 = arith.constant 0 : index
      %get3A_564 = tpu.vector_load %arg11[%get3A_562, %get3A_563] {strides = array<i32>} : memref<80x32xf32, #tpu.memory_space<vmem>>, vector<1x16xf32>,
      %get3A_565 = vector.shape_cast %get3A_564 : vector<1x16xf32> to vector<16xf32>
      %add3A_566 = arith.constant 5 : i32
      %add3A_567 = arith.addi %mul3A_322, %add3A_566 : i32
      %get3A_568 = arith.index_cast %add3A_567 : i32 to index
      %get3A_569 = arith.constant 0 : index
      %get3A_570 = tpu.vector_load %arg15[%get3A_568, %get3A_569] {strides = array<i32>} : memref<80x32xf32, #tpu.memory_space<vmem>>, vector<1x16xf32>,
      %get3A_571 = vector.shape_cast %get3A_570 : vector<1x16xf32> to vector<16xf32>
      %mul3A_572 = arith.mulf %get3A_565, %get3A_571 : vector<16xf32>
      %add3A_573 = arith.constant 1.000000e+00 : f32
      %add3A_574 = vector.broadcast %add3A_573 : f32 to vector<16xf32>
      %add3A_575 = arith.addf %add3A_574, %mul3A_572 : vector<16xf32>
      %div3A_576 = arith.divf %broadcast_in_dim3A_215, %add3A_575 : vector<16xf32>
      %add3A_577 = arith.constant 5 : i32
      %add3A_578 = arith.addi %mul3A_322, %add3A_577 : i32
      %swap3A_579 = arith.index_cast %add3A_578 : i32 to index
      %swap3A_580 = arith.constant 0 : index
      %swap3A_581 = tpu.vector_load %arg11[%swap3A_579, %swap3A_580] {strides = array<i32>} : memref<80x32xf32, #tpu.memory_space<vmem>>, vector<1x16xf32>,
      %swap3A_582 = vector.shape_cast %swap3A_581 : vector<1x16xf32> to vector<16xf32>
      %swap3A_583 = vector.shape_cast %div3A_576 : vector<16xf32> to vector<1x16xf32>
      tpu.vector_store %arg11[%swap3A_579, %swap3A_580], %swap3A_583 {strides = array<i32>} : memref<80x32xf32, #tpu.memory_space<vmem>>, vector<1x16xf32>,
      %add3A_584 = arith.constant 5 : i32
      %add3A_585 = arith.addi %mul3A_322, %add3A_584 : i32
      %get3A_586 = arith.index_cast %add3A_585 : i32 to index
      %get3A_587 = arith.constant 16 : index
      %get3A_588 = tpu.vector_load %arg11[%get3A_586, %get3A_587] {strides = array<i32>} : memref<80x32xf32, #tpu.memory_space<vmem>>, vector<1x16xf32>,
      %get3A_589 = vector.shape_cast %get3A_588 : vector<1x16xf32> to vector<16xf32>
      %add3A_590 = arith.constant 5 : i32
      %add3A_591 = arith.addi %mul3A_322, %add3A_590 : i32
      %get3A_592 = arith.index_cast %add3A_591 : i32 to index
      %get3A_593 = arith.constant 16 : index
      %get3A_594 = tpu.vector_load %arg15[%get3A_592, %get3A_593] {strides = array<i32>} : memref<80x32xf32, #tpu.memory_space<vmem>>, vector<1x16xf32>,
      %get3A_595 = vector.shape_cast %get3A_594 : vector<1x16xf32> to vector<16xf32>
      %mul3A_596 = arith.mulf %get3A_589, %get3A_595 : vector<16xf32>
      %add3A_597 = arith.constant 1.000000e+00 : f32
      %add3A_598 = vector.broadcast %add3A_597 : f32 to vector<16xf32>
      %add3A_599 = arith.addf %add3A_598, %mul3A_596 : vector<16xf32>
      %div3A_600 = arith.divf %broadcast_in_dim3A_215, %add3A_599 : vector<16xf32>
      %add3A_601 = arith.constant 5 : i32
      %add3A_602 = arith.addi %mul3A_322, %add3A_601 : i32
      %swap3A_603 = arith.index_cast %add3A_602 : i32 to index
      %swap3A_604 = arith.constant 16 : index
      %swap3A_605 = tpu.vector_load %arg11[%swap3A_603, %swap3A_604] {strides = array<i32>} : memref<80x32xf32, #tpu.memory_space<vmem>>, vector<1x16xf32>,
      %swap3A_606 = vector.shape_cast %swap3A_605 : vector<1x16xf32> to vector<16xf32>
      %swap3A_607 = vector.shape_cast %div3A_600 : vector<16xf32> to vector<1x16xf32>
      tpu.vector_store %arg11[%swap3A_603, %swap3A_604], %swap3A_607 {strides = array<i32>} : memref<80x32xf32, #tpu.memory_space<vmem>>, vector<1x16xf32>,
      %add3A_608 = arith.constant 6 : i32
      %add3A_609 = arith.addi %mul3A_322, %add3A_608 : i32
      %get3A_610 = arith.index_cast %add3A_609 : i32 to index
      %get3A_611 = arith.constant 0 : index
      %get3A_612 = tpu.vector_load %arg11[%get3A_610, %get3A_611] {strides = array<i32>} : memref<80x32xf32, #tpu.memory_space<vmem>>, vector<1x16xf32>,
      %get3A_613 = vector.shape_cast %get3A_612 : vector<1x16xf32> to vector<16xf32>
      %add3A_614 = arith.constant 6 : i32
      %add3A_615 = arith.addi %mul3A_322, %add3A_614 : i32
      %get3A_616 = arith.index_cast %add3A_615 : i32 to index
      %get3A_617 = arith.constant 0 : index
      %get3A_618 = tpu.vector_load %arg15[%get3A_616, %get3A_617] {strides = array<i32>} : memref<80x32xf32, #tpu.memory_space<vmem>>, vector<1x16xf32>,
      %get3A_619 = vector.shape_cast %get3A_618 : vector<1x16xf32> to vector<16xf32>
      %mul3A_620 = arith.mulf %get3A_613, %get3A_619 : vector<16xf32>
      %add3A_621 = arith.constant 1.000000e+00 : f32
      %add3A_622 = vector.broadcast %add3A_621 : f32 to vector<16xf32>
      %add3A_623 = arith.addf %add3A_622, %mul3A_620 : vector<16xf32>
      %div3A_624 = arith.divf %broadcast_in_dim3A_215, %add3A_623 : vector<16xf32>
      %add3A_625 = arith.constant 6 : i32
      %add3A_626 = arith.addi %mul3A_322, %add3A_625 : i32
      %swap3A_627 = arith.index_cast %add3A_626 : i32 to index
      %swap3A_628 = arith.constant 0 : index
      %swap3A_629 = tpu.vector_load %arg11[%swap3A_627, %swap3A_628] {strides = array<i32>} : memref<80x32xf32, #tpu.memory_space<vmem>>, vector<1x16xf32>,
      %swap3A_630 = vector.shape_cast %swap3A_629 : vector<1x16xf32> to vector<16xf32>
      %swap3A_631 = vector.shape_cast %div3A_624 : vector<16xf32> to vector<1x16xf32>
      tpu.vector_store %arg11[%swap3A_627, %swap3A_628], %swap3A_631 {strides = array<i32>} : memref<80x32xf32, #tpu.memory_space<vmem>>, vector<1x16xf32>,
      %add3A_632 = arith.constant 6 : i32
      %add3A_633 = arith.addi %mul3A_322, %add3A_632 : i32
      %get3A_634 = arith.index_cast %add3A_633 : i32 to index
      %get3A_635 = arith.constant 16 : index
      %get3A_636 = tpu.vector_load %arg11[%get3A_634, %get3A_635] {strides = array<i32>} : memref<80x32xf32, #tpu.memory_space<vmem>>, vector<1x16xf32>,
      %get3A_637 = vector.shape_cast %get3A_636 : vector<1x16xf32> to vector<16xf32>
      %add3A_638 = arith.constant 6 : i32
      %add3A_639 = arith.addi %mul3A_322, %add3A_638 : i32
      %get3A_640 = arith.index_cast %add3A_639 : i32 to index
      %get3A_641 = arith.constant 16 : index
      %get3A_642 = tpu.vector_load %arg15[%get3A_640, %get3A_641] {strides = array<i32>} : memref<80x32xf32, #tpu.memory_space<vmem>>, vector<1x16xf32>,
      %get3A_643 = vector.shape_cast %get3A_642 : vector<1x16xf32> to vector<16xf32>
      %mul3A_644 = arith.mulf %get3A_637, %get3A_643 : vector<16xf32>
      %add3A_645 = arith.constant 1.000000e+00 : f32
      %add3A_646 = vector.broadcast %add3A_645 : f32 to vector<16xf32>
      %add3A_647 = arith.addf %add3A_646, %mul3A_644 : vector<16xf32>
      %div3A_648 = arith.divf %broadcast_in_dim3A_215, %add3A_647 : vector<16xf32>
      %add3A_649 = arith.constant 6 : i32
      %add3A_650 = arith.addi %mul3A_322, %add3A_649 : i32
      %swap3A_651 = arith.index_cast %add3A_650 : i32 to index
      %swap3A_652 = arith.constant 16 : index
      %swap3A_653 = tpu.vector_load %arg11[%swap3A_651, %swap3A_652] {strides = array<i32>} : memref<80x32xf32, #tpu.memory_space<vmem>>, vector<1x16xf32>,
      %swap3A_654 = vector.shape_cast %swap3A_653 : vector<1x16xf32> to vector<16xf32>
      %swap3A_655 = vector.shape_cast %div3A_648 : vector<16xf32> to vector<1x16xf32>
      tpu.vector_store %arg11[%swap3A_651, %swap3A_652], %swap3A_655 {strides = array<i32>} : memref<80x32xf32, #tpu.memory_space<vmem>>, vector<1x16xf32>,
      %add3A_656 = arith.constant 7 : i32
      %add3A_657 = arith.addi %mul3A_322, %add3A_656 : i32
      %get3A_658 = arith.index_cast %add3A_657 : i32 to index
      %get3A_659 = arith.constant 0 : index
      %get3A_660 = tpu.vector_load %arg11[%get3A_658, %get3A_659] {strides = array<i32>} : memref<80x32xf32, #tpu.memory_space<vmem>>, vector<1x16xf32>,
      %get3A_661 = vector.shape_cast %get3A_660 : vector<1x16xf32> to vector<16xf32>
      %add3A_662 = arith.constant 7 : i32
      %add3A_663 = arith.addi %mul3A_322, %add3A_662 : i32
      %get3A_664 = arith.index_cast %add3A_663 : i32 to index
      %get3A_665 = arith.constant 0 : index
      %get3A_666 = tpu.vector_load %arg15[%get3A_664, %get3A_665] {strides = array<i32>} : memref<80x32xf32, #tpu.memory_space<vmem>>, vector<1x16xf32>,
      %get3A_667 = vector.shape_cast %get3A_666 : vector<1x16xf32> to vector<16xf32>
      %mul3A_668 = arith.mulf %get3A_661, %get3A_667 : vector<16xf32>
      %add3A_669 = arith.constant 1.000000e+00 : f32
      %add3A_670 = vector.broadcast %add3A_669 : f32 to vector<16xf32>
      %add3A_671 = arith.addf %add3A_670, %mul3A_668 : vector<16xf32>
      %div3A_672 = arith.divf %broadcast_in_dim3A_215, %add3A_671 : vector<16xf32>
      %add3A_673 = arith.constant 7 : i32
      %add3A_674 = arith.addi %mul3A_322, %add3A_673 : i32
      %swap3A_675 = arith.index_cast %add3A_674 : i32 to index
      %swap3A_676 = arith.constant 0 : index
      %swap3A_677 = tpu.vector_load %arg11[%swap3A_675, %swap3A_676] {strides = array<i32>} : memref<80x32xf32, #tpu.memory_space<vmem>>, vector<1x16xf32>,
      %swap3A_678 = vector.shape_cast %swap3A_677 : vector<1x16xf32> to vector<16xf32>
      %swap3A_679 = vector.shape_cast %div3A_672 : vector<16xf32> to vector<1x16xf32>
      tpu.vector_store %arg11[%swap3A_675, %swap3A_676], %swap3A_679 {strides = array<i32>} : memref<80x32xf32, #tpu.memory_space<vmem>>, vector<1x16xf32>,
      %add3A_680 = arith.constant 7 : i32
      %add3A_681 = arith.addi %mul3A_322, %add3A_680 : i32
      %get3A_682 = arith.index_cast %add3A_681 : i32 to index
      %get3A_683 = arith.constant 16 : index
      %get3A_684 = tpu.vector_load %arg11[%get3A_682, %get3A_683] {strides = array<i32>} : memref<80x32xf32, #tpu.memory_space<vmem>>, vector<1x16xf32>,
      %get3A_685 = vector.shape_cast %get3A_684 : vector<1x16xf32> to vector<16xf32>
      %add3A_686 = arith.constant 7 : i32
      %add3A_687 = arith.addi %mul3A_322, %add3A_686 : i32
      %get3A_688 = arith.index_cast %add3A_687 : i32 to index
      %get3A_689 = arith.constant 16 : index
      %get3A_690 = tpu.vector_load %arg15[%get3A_688, %get3A_689] {strides = array<i32>} : memref<80x32xf32, #tpu.memory_space<vmem>>, vector<1x16xf32>,
      %get3A_691 = vector.shape_cast %get3A_690 : vector<1x16xf32> to vector<16xf32>
      %mul3A_692 = arith.mulf %get3A_685, %get3A_691 : vector<16xf32>
      %add3A_693 = arith.constant 1.000000e+00 : f32
      %add3A_694 = vector.broadcast %add3A_693 : f32 to vector<16xf32>
      %add3A_695 = arith.addf %add3A_694, %mul3A_692 : vector<16xf32>
      %div3A_696 = arith.divf %broadcast_in_dim3A_215, %add3A_695 : vector<16xf32>
      %add3A_697 = arith.constant 7 : i32
      %add3A_698 = arith.addi %mul3A_322, %add3A_697 : i32
      %swap3A_699 = arith.index_cast %add3A_698 : i32 to index
      %swap3A_700 = arith.constant 16 : index
      %swap3A_701 = tpu.vector_load %arg11[%swap3A_699, %swap3A_700] {strides = array<i32>} : memref<80x32xf32, #tpu.memory_space<vmem>>, vector<1x16xf32>,
      %swap3A_702 = vector.shape_cast %swap3A_701 : vector<1x16xf32> to vector<16xf32>
      %swap3A_703 = vector.shape_cast %div3A_696 : vector<16xf32> to vector<1x16xf32>
      tpu.vector_store %arg11[%swap3A_699, %swap3A_700], %swap3A_703 {strides = array<i32>} : memref<80x32xf32, #tpu.memory_space<vmem>>, vector<1x16xf32>,
    }
    %scan3A_221 = arith.constant 10 : i32
    %dma_start3A_222 = arith.constant 122 : i32
    %dma_start3A_223 = arith.constant 0 : i32
    %dma_start3A_224 = tpu.memref_slice %arg7[%dma_start3A_222, %dma_start3A_223] : memref<125x80xi32, #tpu.memory_space<vmem>> -> memref<1x80xi32, #tpu.memory_space<vmem>>
    %dma_start3A_225 = tpu.memref_squeeze %dma_start3A_224 : memref<1x80xi32, #tpu.memory_space<vmem>> -> memref<80xi32, #tpu.memory_space<vmem>>
    %dma_start3A_226 = arith.constant 0 : i32
    %dma_start3A_227 = arith.constant 0 : i32
    %dma_start3A_228 = tpu.memref_slice %arg20[%dma_start3A_226, %dma_start3A_227] : memref<10240x32xf32, #tpu.memory_space<vmem_shared>> -> memref<10240x32xf32, #tpu.memory_space<vmem_shared>>
    tpu.enqueue_indirect_dma source(%arg11 : memref<80x32xf32, #tpu.memory_space<vmem>>) target(%dma_start3A_228 : memref<10240x32xf32, #tpu.memory_space<vmem_shared>>) offsets(%dma_start3A_225 : memref<80xi32, #tpu.memory_space<vmem>>) semaphore(%arg31 : memref<!tpu.dma_semaphore, #tpu.memory_space<semaphore_mem>>) {add = true}
    %sub3A_229 = arith.constant 123 : i32
    %sub3A_230 = arith.constant 2 : i32
    %sub3A_231 = arith.subi %sub3A_229, %sub3A_230 : i32
    %dma_wait3A_232 = arith.constant 0 : i32
    %dma_wait3A_233 = tpu.memref_slice %arg7[%sub3A_231, %dma_wait3A_232] : memref<125x80xi32, #tpu.memory_space<vmem>> -> memref<1x80xi32, #tpu.memory_space<vmem>>
    %dma_wait3A_234 = tpu.memref_squeeze %dma_wait3A_233 : memref<1x80xi32, #tpu.memory_space<vmem>> -> memref<80xi32, #tpu.memory_space<vmem>>
    %dma_wait3A_235 = arith.constant 0 : i32
    %dma_wait3A_236 = arith.constant 0 : i32
    %dma_wait3A_237 = tpu.memref_slice %arg20[%dma_wait3A_235, %dma_wait3A_236] : memref<10240x32xf32, #tpu.memory_space<vmem_shared>> -> memref<10240x32xf32, #tpu.memory_space<vmem_shared>>
    tpu.wait_indirect_dma semaphore(%arg30 : memref<!tpu.dma_semaphore, #tpu.memory_space<semaphore_mem>>) src(%arg10 : memref<80x32xf32, #tpu.memory_space<vmem>>) dst(%dma_wait3A_237 : memref<10240x32xf32, #tpu.memory_space<vmem_shared>>)
    %dma_wait3A_238 = arith.constant 123 : i32
    %dma_wait3A_239 = arith.constant 0 : i32
    %dma_wait3A_240 = tpu.memref_slice %arg7[%dma_wait3A_238, %dma_wait3A_239] : memref<125x80xi32, #tpu.memory_space<vmem>> -> memref<1x80xi32, #tpu.memory_space<vmem>>
    %dma_wait3A_241 = tpu.memref_squeeze %dma_wait3A_240 : memref<1x80xi32, #tpu.memory_space<vmem>> -> memref<80xi32, #tpu.memory_space<vmem>>
    %dma_wait3A_242 = arith.constant 0 : i32
    %dma_wait3A_243 = arith.constant 0 : i32
    %dma_wait3A_244 = tpu.memref_slice %arg18[%dma_wait3A_242, %dma_wait3A_243] : memref<10240x32xf32, #tpu.memory_space<vmem_shared>> -> memref<10240x32xf32, #tpu.memory_space<vmem_shared>>
    tpu.wait_indirect_dma semaphore(%arg24 : memref<!tpu.dma_semaphore, #tpu.memory_space<semaphore_mem>>) src(%dma_wait3A_244 : memref<10240x32xf32, #tpu.memory_space<vmem_shared>>) dst(%arg12 : memref<80x32xf32, #tpu.memory_space<vmem>>)
    %dma_wait3A_245 = arith.constant 123 : i32
    %dma_wait3A_246 = arith.constant 0 : i32
    %dma_wait3A_247 = tpu.memref_slice %arg8[%dma_wait3A_245, %dma_wait3A_246] : memref<125x80xi32, #tpu.memory_space<vmem>> -> memref<1x80xi32, #tpu.memory_space<vmem>>
    %dma_wait3A_248 = tpu.memref_squeeze %dma_wait3A_247 : memref<1x80xi32, #tpu.memory_space<vmem>> -> memref<80xi32, #tpu.memory_space<vmem>>
    %dma_wait3A_249 = arith.constant 0 : i32
    %dma_wait3A_250 = arith.constant 0 : i32
    %dma_wait3A_251 = tpu.memref_slice %arg19[%dma_wait3A_249, %dma_wait3A_250] : memref<10240x32xf32, #tpu.memory_space<vmem_shared>> -> memref<10240x32xf32, #tpu.memory_space<vmem_shared>>
    tpu.wait_indirect_dma semaphore(%arg28 : memref<!tpu.dma_semaphore, #tpu.memory_space<semaphore_mem>>) src(%dma_wait3A_251 : memref<10240x32xf32, #tpu.memory_space<vmem_shared>>) dst(%arg16 : memref<80x32xf32, #tpu.memory_space<vmem>>)
    %broadcast_in_dim3A_252 = arith.constant 1.000000e+00 : f32
    %broadcast_in_dim3A_253 = vector.broadcast %broadcast_in_dim3A_252 : f32 to vector<16xf32>
    %scan3A_254 = arith.constant 0 : i32
    %scan3A_255 = arith.constant 0 : i32
    %scan3A_256 = arith.constant 10 : i32
    %scan3A_257 = arith.addi %scan3A_255, %scan3A_256 : i32
    %scan3A_258 = arith.constant 1 : i32
    scf.for %scan3A_320 = %scan3A_255 to %scan3A_257 step %scan3A_258  : i32 {
      %mul3A_321 = arith.constant 8 : i32
      %mul3A_322 = arith.muli %scan3A_320, %mul3A_321 : i32
      %add3A_323 = arith.constant 0 : i32
      %add3A_324 = arith.addi %mul3A_322, %add3A_323 : i32
      %get3A = arith.index_cast %add3A_324 : i32 to index
      %get3A_325 = arith.constant 0 : index
      %get3A_326 = tpu.vector_load %arg12[%get3A, %get3A_325] {strides = array<i32>} : memref<80x32xf32, #tpu.memory_space<vmem>>, vector<1x16xf32>,
      %get3A_327 = vector.shape_cast %get3A_326 : vector<1x16xf32> to vector<16xf32>
      %add3A_328 = arith.constant 0 : i32
      %add3A_329 = arith.addi %mul3A_322, %add3A_328 : i32
      %get3A_330 = arith.index_cast %add3A_329 : i32 to index
      %get3A_331 = arith.constant 0 : index
      %get3A_332 = tpu.vector_load %arg16[%get3A_330, %get3A_331] {strides = array<i32>} : memref<80x32xf32, #tpu.memory_space<vmem>>, vector<1x16xf32>,
      %get3A_333 = vector.shape_cast %get3A_332 : vector<1x16xf32> to vector<16xf32>
      %mul3A_334 = arith.mulf %get3A_327, %get3A_333 : vector<16xf32>
      %add3A_335 = arith.constant 1.000000e+00 : f32
      %add3A_336 = vector.broadcast %add3A_335 : f32 to vector<16xf32>
      %add3A_337 = arith.addf %add3A_336, %mul3A_334 : vector<16xf32>
      %div3A = arith.divf %broadcast_in_dim3A_253, %add3A_337 : vector<16xf32>
      %add3A_338 = arith.constant 0 : i32
      %add3A_339 = arith.addi %mul3A_322, %add3A_338 : i32
      %swap3A = arith.index_cast %add3A_339 : i32 to index
      %swap3A_340 = arith.constant 0 : index
      %swap3A_341 = tpu.vector_load %arg12[%swap3A, %swap3A_340] {strides = array<i32>} : memref<80x32xf32, #tpu.memory_space<vmem>>, vector<1x16xf32>,
      %swap3A_342 = vector.shape_cast %swap3A_341 : vector<1x16xf32> to vector<16xf32>
      %swap3A_343 = vector.shape_cast %div3A : vector<16xf32> to vector<1x16xf32>
      tpu.vector_store %arg12[%swap3A, %swap3A_340], %swap3A_343 {strides = array<i32>} : memref<80x32xf32, #tpu.memory_space<vmem>>, vector<1x16xf32>,
      %add3A_344 = arith.constant 0 : i32
      %add3A_345 = arith.addi %mul3A_322, %add3A_344 : i32
      %get3A_346 = arith.index_cast %add3A_345 : i32 to index
      %get3A_347 = arith.constant 16 : index
      %get3A_348 = tpu.vector_load %arg12[%get3A_346, %get3A_347] {strides = array<i32>} : memref<80x32xf32, #tpu.memory_space<vmem>>, vector<1x16xf32>,
      %get3A_349 = vector.shape_cast %get3A_348 : vector<1x16xf32> to vector<16xf32>
      %add3A_350 = arith.constant 0 : i32
      %add3A_351 = arith.addi %mul3A_322, %add3A_350 : i32
      %get3A_352 = arith.index_cast %add3A_351 : i32 to index
      %get3A_353 = arith.constant 16 : index
      %get3A_354 = tpu.vector_load %arg16[%get3A_352, %get3A_353] {strides = array<i32>} : memref<80x32xf32, #tpu.memory_space<vmem>>, vector<1x16xf32>,
      %get3A_355 = vector.shape_cast %get3A_354 : vector<1x16xf32> to vector<16xf32>
      %mul3A_356 = arith.mulf %get3A_349, %get3A_355 : vector<16xf32>
      %add3A_357 = arith.constant 1.000000e+00 : f32
      %add3A_358 = vector.broadcast %add3A_357 : f32 to vector<16xf32>
      %add3A_359 = arith.addf %add3A_358, %mul3A_356 : vector<16xf32>
      %div3A_360 = arith.divf %broadcast_in_dim3A_253, %add3A_359 : vector<16xf32>
      %add3A_361 = arith.constant 0 : i32
      %add3A_362 = arith.addi %mul3A_322, %add3A_361 : i32
      %swap3A_363 = arith.index_cast %add3A_362 : i32 to index
      %swap3A_364 = arith.constant 16 : index
      %swap3A_365 = tpu.vector_load %arg12[%swap3A_363, %swap3A_364] {strides = array<i32>} : memref<80x32xf32, #tpu.memory_space<vmem>>, vector<1x16xf32>,
      %swap3A_366 = vector.shape_cast %swap3A_365 : vector<1x16xf32> to vector<16xf32>
      %swap3A_367 = vector.shape_cast %div3A_360 : vector<16xf32> to vector<1x16xf32>
      tpu.vector_store %arg12[%swap3A_363, %swap3A_364], %swap3A_367 {strides = array<i32>} : memref<80x32xf32, #tpu.memory_space<vmem>>, vector<1x16xf32>,
      %add3A_368 = arith.constant 1 : i32
      %add3A_369 = arith.addi %mul3A_322, %add3A_368 : i32
      %get3A_370 = arith.index_cast %add3A_369 : i32 to index
      %get3A_371 = arith.constant 0 : index
      %get3A_372 = tpu.vector_load %arg12[%get3A_370, %get3A_371] {strides = array<i32>} : memref<80x32xf32, #tpu.memory_space<vmem>>, vector<1x16xf32>,
      %get3A_373 = vector.shape_cast %get3A_372 : vector<1x16xf32> to vector<16xf32>
      %add3A_374 = arith.constant 1 : i32
      %add3A_375 = arith.addi %mul3A_322, %add3A_374 : i32
      %get3A_376 = arith.index_cast %add3A_375 : i32 to index
      %get3A_377 = arith.constant 0 : index
      %get3A_378 = tpu.vector_load %arg16[%get3A_376, %get3A_377] {strides = array<i32>} : memref<80x32xf32, #tpu.memory_space<vmem>>, vector<1x16xf32>,
      %get3A_379 = vector.shape_cast %get3A_378 : vector<1x16xf32> to vector<16xf32>
      %mul3A_380 = arith.mulf %get3A_373, %get3A_379 : vector<16xf32>
      %add3A_381 = arith.constant 1.000000e+00 : f32
      %add3A_382 = vector.broadcast %add3A_381 : f32 to vector<16xf32>
      %add3A_383 = arith.addf %add3A_382, %mul3A_380 : vector<16xf32>
      %div3A_384 = arith.divf %broadcast_in_dim3A_253, %add3A_383 : vector<16xf32>
      %add3A_385 = arith.constant 1 : i32
      %add3A_386 = arith.addi %mul3A_322, %add3A_385 : i32
      %swap3A_387 = arith.index_cast %add3A_386 : i32 to index
      %swap3A_388 = arith.constant 0 : index
      %swap3A_389 = tpu.vector_load %arg12[%swap3A_387, %swap3A_388] {strides = array<i32>} : memref<80x32xf32, #tpu.memory_space<vmem>>, vector<1x16xf32>,
      %swap3A_390 = vector.shape_cast %swap3A_389 : vector<1x16xf32> to vector<16xf32>
      %swap3A_391 = vector.shape_cast %div3A_384 : vector<16xf32> to vector<1x16xf32>
      tpu.vector_store %arg12[%swap3A_387, %swap3A_388], %swap3A_391 {strides = array<i32>} : memref<80x32xf32, #tpu.memory_space<vmem>>, vector<1x16xf32>,
      %add3A_392 = arith.constant 1 : i32
      %add3A_393 = arith.addi %mul3A_322, %add3A_392 : i32
      %get3A_394 = arith.index_cast %add3A_393 : i32 to index
      %get3A_395 = arith.constant 16 : index
      %get3A_396 = tpu.vector_load %arg12[%get3A_394, %get3A_395] {strides = array<i32>} : memref<80x32xf32, #tpu.memory_space<vmem>>, vector<1x16xf32>,
      %get3A_397 = vector.shape_cast %get3A_396 : vector<1x16xf32> to vector<16xf32>
      %add3A_398 = arith.constant 1 : i32
      %add3A_399 = arith.addi %mul3A_322, %add3A_398 : i32
      %get3A_400 = arith.index_cast %add3A_399 : i32 to index
      %get3A_401 = arith.constant 16 : index
      %get3A_402 = tpu.vector_load %arg16[%get3A_400, %get3A_401] {strides = array<i32>} : memref<80x32xf32, #tpu.memory_space<vmem>>, vector<1x16xf32>,
      %get3A_403 = vector.shape_cast %get3A_402 : vector<1x16xf32> to vector<16xf32>
      %mul3A_404 = arith.mulf %get3A_397, %get3A_403 : vector<16xf32>
      %add3A_405 = arith.constant 1.000000e+00 : f32
      %add3A_406 = vector.broadcast %add3A_405 : f32 to vector<16xf32>
      %add3A_407 = arith.addf %add3A_406, %mul3A_404 : vector<16xf32>
      %div3A_408 = arith.divf %broadcast_in_dim3A_253, %add3A_407 : vector<16xf32>
      %add3A_409 = arith.constant 1 : i32
      %add3A_410 = arith.addi %mul3A_322, %add3A_409 : i32
      %swap3A_411 = arith.index_cast %add3A_410 : i32 to index
      %swap3A_412 = arith.constant 16 : index
      %swap3A_413 = tpu.vector_load %arg12[%swap3A_411, %swap3A_412] {strides = array<i32>} : memref<80x32xf32, #tpu.memory_space<vmem>>, vector<1x16xf32>,
      %swap3A_414 = vector.shape_cast %swap3A_413 : vector<1x16xf32> to vector<16xf32>
      %swap3A_415 = vector.shape_cast %div3A_408 : vector<16xf32> to vector<1x16xf32>
      tpu.vector_store %arg12[%swap3A_411, %swap3A_412], %swap3A_415 {strides = array<i32>} : memref<80x32xf32, #tpu.memory_space<vmem>>, vector<1x16xf32>,
      %add3A_416 = arith.constant 2 : i32
      %add3A_417 = arith.addi %mul3A_322, %add3A_416 : i32
      %get3A_418 = arith.index_cast %add3A_417 : i32 to index
      %get3A_419 = arith.constant 0 : index
      %get3A_420 = tpu.vector_load %arg12[%get3A_418, %get3A_419] {strides = array<i32>} : memref<80x32xf32, #tpu.memory_space<vmem>>, vector<1x16xf32>,
      %get3A_421 = vector.shape_cast %get3A_420 : vector<1x16xf32> to vector<16xf32>
      %add3A_422 = arith.constant 2 : i32
      %add3A_423 = arith.addi %mul3A_322, %add3A_422 : i32
      %get3A_424 = arith.index_cast %add3A_423 : i32 to index
      %get3A_425 = arith.constant 0 : index
      %get3A_426 = tpu.vector_load %arg16[%get3A_424, %get3A_425] {strides = array<i32>} : memref<80x32xf32, #tpu.memory_space<vmem>>, vector<1x16xf32>,
      %get3A_427 = vector.shape_cast %get3A_426 : vector<1x16xf32> to vector<16xf32>
      %mul3A_428 = arith.mulf %get3A_421, %get3A_427 : vector<16xf32>
      %add3A_429 = arith.constant 1.000000e+00 : f32
      %add3A_430 = vector.broadcast %add3A_429 : f32 to vector<16xf32>
      %add3A_431 = arith.addf %add3A_430, %mul3A_428 : vector<16xf32>
      %div3A_432 = arith.divf %broadcast_in_dim3A_253, %add3A_431 : vector<16xf32>
      %add3A_433 = arith.constant 2 : i32
      %add3A_434 = arith.addi %mul3A_322, %add3A_433 : i32
      %swap3A_435 = arith.index_cast %add3A_434 : i32 to index
      %swap3A_436 = arith.constant 0 : index
      %swap3A_437 = tpu.vector_load %arg12[%swap3A_435, %swap3A_436] {strides = array<i32>} : memref<80x32xf32, #tpu.memory_space<vmem>>, vector<1x16xf32>,
      %swap3A_438 = vector.shape_cast %swap3A_437 : vector<1x16xf32> to vector<16xf32>
      %swap3A_439 = vector.shape_cast %div3A_432 : vector<16xf32> to vector<1x16xf32>
      tpu.vector_store %arg12[%swap3A_435, %swap3A_436], %swap3A_439 {strides = array<i32>} : memref<80x32xf32, #tpu.memory_space<vmem>>, vector<1x16xf32>,
      %add3A_440 = arith.constant 2 : i32
      %add3A_441 = arith.addi %mul3A_322, %add3A_440 : i32
      %get3A_442 = arith.index_cast %add3A_441 : i32 to index
      %get3A_443 = arith.constant 16 : index
      %get3A_444 = tpu.vector_load %arg12[%get3A_442, %get3A_443] {strides = array<i32>} : memref<80x32xf32, #tpu.memory_space<vmem>>, vector<1x16xf32>,
      %get3A_445 = vector.shape_cast %get3A_444 : vector<1x16xf32> to vector<16xf32>
      %add3A_446 = arith.constant 2 : i32
      %add3A_447 = arith.addi %mul3A_322, %add3A_446 : i32
      %get3A_448 = arith.index_cast %add3A_447 : i32 to index
      %get3A_449 = arith.constant 16 : index
      %get3A_450 = tpu.vector_load %arg16[%get3A_448, %get3A_449] {strides = array<i32>} : memref<80x32xf32, #tpu.memory_space<vmem>>, vector<1x16xf32>,
      %get3A_451 = vector.shape_cast %get3A_450 : vector<1x16xf32> to vector<16xf32>
      %mul3A_452 = arith.mulf %get3A_445, %get3A_451 : vector<16xf32>
      %add3A_453 = arith.constant 1.000000e+00 : f32
      %add3A_454 = vector.broadcast %add3A_453 : f32 to vector<16xf32>
      %add3A_455 = arith.addf %add3A_454, %mul3A_452 : vector<16xf32>
      %div3A_456 = arith.divf %broadcast_in_dim3A_253, %add3A_455 : vector<16xf32>
      %add3A_457 = arith.constant 2 : i32
      %add3A_458 = arith.addi %mul3A_322, %add3A_457 : i32
      %swap3A_459 = arith.index_cast %add3A_458 : i32 to index
      %swap3A_460 = arith.constant 16 : index
      %swap3A_461 = tpu.vector_load %arg12[%swap3A_459, %swap3A_460] {strides = array<i32>} : memref<80x32xf32, #tpu.memory_space<vmem>>, vector<1x16xf32>,
      %swap3A_462 = vector.shape_cast %swap3A_461 : vector<1x16xf32> to vector<16xf32>
      %swap3A_463 = vector.shape_cast %div3A_456 : vector<16xf32> to vector<1x16xf32>
      tpu.vector_store %arg12[%swap3A_459, %swap3A_460], %swap3A_463 {strides = array<i32>} : memref<80x32xf32, #tpu.memory_space<vmem>>, vector<1x16xf32>,
      %add3A_464 = arith.constant 3 : i32
      %add3A_465 = arith.addi %mul3A_322, %add3A_464 : i32
      %get3A_466 = arith.index_cast %add3A_465 : i32 to index
      %get3A_467 = arith.constant 0 : index
      %get3A_468 = tpu.vector_load %arg12[%get3A_466, %get3A_467] {strides = array<i32>} : memref<80x32xf32, #tpu.memory_space<vmem>>, vector<1x16xf32>,
      %get3A_469 = vector.shape_cast %get3A_468 : vector<1x16xf32> to vector<16xf32>
      %add3A_470 = arith.constant 3 : i32
      %add3A_471 = arith.addi %mul3A_322, %add3A_470 : i32
      %get3A_472 = arith.index_cast %add3A_471 : i32 to index
      %get3A_473 = arith.constant 0 : index
      %get3A_474 = tpu.vector_load %arg16[%get3A_472, %get3A_473] {strides = array<i32>} : memref<80x32xf32, #tpu.memory_space<vmem>>, vector<1x16xf32>,
      %get3A_475 = vector.shape_cast %get3A_474 : vector<1x16xf32> to vector<16xf32>
      %mul3A_476 = arith.mulf %get3A_469, %get3A_475 : vector<16xf32>
      %add3A_477 = arith.constant 1.000000e+00 : f32
      %add3A_478 = vector.broadcast %add3A_477 : f32 to vector<16xf32>
      %add3A_479 = arith.addf %add3A_478, %mul3A_476 : vector<16xf32>
      %div3A_480 = arith.divf %broadcast_in_dim3A_253, %add3A_479 : vector<16xf32>
      %add3A_481 = arith.constant 3 : i32
      %add3A_482 = arith.addi %mul3A_322, %add3A_481 : i32
      %swap3A_483 = arith.index_cast %add3A_482 : i32 to index
      %swap3A_484 = arith.constant 0 : index
      %swap3A_485 = tpu.vector_load %arg12[%swap3A_483, %swap3A_484] {strides = array<i32>} : memref<80x32xf32, #tpu.memory_space<vmem>>, vector<1x16xf32>,
      %swap3A_486 = vector.shape_cast %swap3A_485 : vector<1x16xf32> to vector<16xf32>
      %swap3A_487 = vector.shape_cast %div3A_480 : vector<16xf32> to vector<1x16xf32>
      tpu.vector_store %arg12[%swap3A_483, %swap3A_484], %swap3A_487 {strides = array<i32>} : memref<80x32xf32, #tpu.memory_space<vmem>>, vector<1x16xf32>,
      %add3A_488 = arith.constant 3 : i32
      %add3A_489 = arith.addi %mul3A_322, %add3A_488 : i32
      %get3A_490 = arith.index_cast %add3A_489 : i32 to index
      %get3A_491 = arith.constant 16 : index
      %get3A_492 = tpu.vector_load %arg12[%get3A_490, %get3A_491] {strides = array<i32>} : memref<80x32xf32, #tpu.memory_space<vmem>>, vector<1x16xf32>,
      %get3A_493 = vector.shape_cast %get3A_492 : vector<1x16xf32> to vector<16xf32>
      %add3A_494 = arith.constant 3 : i32
      %add3A_495 = arith.addi %mul3A_322, %add3A_494 : i32
      %get3A_496 = arith.index_cast %add3A_495 : i32 to index
      %get3A_497 = arith.constant 16 : index
      %get3A_498 = tpu.vector_load %arg16[%get3A_496, %get3A_497] {strides = array<i32>} : memref<80x32xf32, #tpu.memory_space<vmem>>, vector<1x16xf32>,
      %get3A_499 = vector.shape_cast %get3A_498 : vector<1x16xf32> to vector<16xf32>
      %mul3A_500 = arith.mulf %get3A_493, %get3A_499 : vector<16xf32>
      %add3A_501 = arith.constant 1.000000e+00 : f32
      %add3A_502 = vector.broadcast %add3A_501 : f32 to vector<16xf32>
      %add3A_503 = arith.addf %add3A_502, %mul3A_500 : vector<16xf32>
      %div3A_504 = arith.divf %broadcast_in_dim3A_253, %add3A_503 : vector<16xf32>
      %add3A_505 = arith.constant 3 : i32
      %add3A_506 = arith.addi %mul3A_322, %add3A_505 : i32
      %swap3A_507 = arith.index_cast %add3A_506 : i32 to index
      %swap3A_508 = arith.constant 16 : index
      %swap3A_509 = tpu.vector_load %arg12[%swap3A_507, %swap3A_508] {strides = array<i32>} : memref<80x32xf32, #tpu.memory_space<vmem>>, vector<1x16xf32>,
      %swap3A_510 = vector.shape_cast %swap3A_509 : vector<1x16xf32> to vector<16xf32>
      %swap3A_511 = vector.shape_cast %div3A_504 : vector<16xf32> to vector<1x16xf32>
      tpu.vector_store %arg12[%swap3A_507, %swap3A_508], %swap3A_511 {strides = array<i32>} : memref<80x32xf32, #tpu.memory_space<vmem>>, vector<1x16xf32>,
      %add3A_512 = arith.constant 4 : i32
      %add3A_513 = arith.addi %mul3A_322, %add3A_512 : i32
      %get3A_514 = arith.index_cast %add3A_513 : i32 to index
      %get3A_515 = arith.constant 0 : index
      %get3A_516 = tpu.vector_load %arg12[%get3A_514, %get3A_515] {strides = array<i32>} : memref<80x32xf32, #tpu.memory_space<vmem>>, vector<1x16xf32>,
      %get3A_517 = vector.shape_cast %get3A_516 : vector<1x16xf32> to vector<16xf32>
      %add3A_518 = arith.constant 4 : i32
      %add3A_519 = arith.addi %mul3A_322, %add3A_518 : i32
      %get3A_520 = arith.index_cast %add3A_519 : i32 to index
      %get3A_521 = arith.constant 0 : index
      %get3A_522 = tpu.vector_load %arg16[%get3A_520, %get3A_521] {strides = array<i32>} : memref<80x32xf32, #tpu.memory_space<vmem>>, vector<1x16xf32>,
      %get3A_523 = vector.shape_cast %get3A_522 : vector<1x16xf32> to vector<16xf32>
      %mul3A_524 = arith.mulf %get3A_517, %get3A_523 : vector<16xf32>
      %add3A_525 = arith.constant 1.000000e+00 : f32
      %add3A_526 = vector.broadcast %add3A_525 : f32 to vector<16xf32>
      %add3A_527 = arith.addf %add3A_526, %mul3A_524 : vector<16xf32>
      %div3A_528 = arith.divf %broadcast_in_dim3A_253, %add3A_527 : vector<16xf32>
      %add3A_529 = arith.constant 4 : i32
      %add3A_530 = arith.addi %mul3A_322, %add3A_529 : i32
      %swap3A_531 = arith.index_cast %add3A_530 : i32 to index
      %swap3A_532 = arith.constant 0 : index
      %swap3A_533 = tpu.vector_load %arg12[%swap3A_531, %swap3A_532] {strides = array<i32>} : memref<80x32xf32, #tpu.memory_space<vmem>>, vector<1x16xf32>,
      %swap3A_534 = vector.shape_cast %swap3A_533 : vector<1x16xf32> to vector<16xf32>
      %swap3A_535 = vector.shape_cast %div3A_528 : vector<16xf32> to vector<1x16xf32>
      tpu.vector_store %arg12[%swap3A_531, %swap3A_532], %swap3A_535 {strides = array<i32>} : memref<80x32xf32, #tpu.memory_space<vmem>>, vector<1x16xf32>,
      %add3A_536 = arith.constant 4 : i32
      %add3A_537 = arith.addi %mul3A_322, %add3A_536 : i32
      %get3A_538 = arith.index_cast %add3A_537 : i32 to index
      %get3A_539 = arith.constant 16 : index
      %get3A_540 = tpu.vector_load %arg12[%get3A_538, %get3A_539] {strides = array<i32>} : memref<80x32xf32, #tpu.memory_space<vmem>>, vector<1x16xf32>,
      %get3A_541 = vector.shape_cast %get3A_540 : vector<1x16xf32> to vector<16xf32>
      %add3A_542 = arith.constant 4 : i32
      %add3A_543 = arith.addi %mul3A_322, %add3A_542 : i32
      %get3A_544 = arith.index_cast %add3A_543 : i32 to index
      %get3A_545 = arith.constant 16 : index
      %get3A_546 = tpu.vector_load %arg16[%get3A_544, %get3A_545] {strides = array<i32>} : memref<80x32xf32, #tpu.memory_space<vmem>>, vector<1x16xf32>,
      %get3A_547 = vector.shape_cast %get3A_546 : vector<1x16xf32> to vector<16xf32>
      %mul3A_548 = arith.mulf %get3A_541, %get3A_547 : vector<16xf32>
      %add3A_549 = arith.constant 1.000000e+00 : f32
      %add3A_550 = vector.broadcast %add3A_549 : f32 to vector<16xf32>
      %add3A_551 = arith.addf %add3A_550, %mul3A_548 : vector<16xf32>
      %div3A_552 = arith.divf %broadcast_in_dim3A_253, %add3A_551 : vector<16xf32>
      %add3A_553 = arith.constant 4 : i32
      %add3A_554 = arith.addi %mul3A_322, %add3A_553 : i32
      %swap3A_555 = arith.index_cast %add3A_554 : i32 to index
      %swap3A_556 = arith.constant 16 : index
      %swap3A_557 = tpu.vector_load %arg12[%swap3A_555, %swap3A_556] {strides = array<i32>} : memref<80x32xf32, #tpu.memory_space<vmem>>, vector<1x16xf32>,
      %swap3A_558 = vector.shape_cast %swap3A_557 : vector<1x16xf32> to vector<16xf32>
      %swap3A_559 = vector.shape_cast %div3A_552 : vector<16xf32> to vector<1x16xf32>
      tpu.vector_store %arg12[%swap3A_555, %swap3A_556], %swap3A_559 {strides = array<i32>} : memref<80x32xf32, #tpu.memory_space<vmem>>, vector<1x16xf32>,
      %add3A_560 = arith.constant 5 : i32
      %add3A_561 = arith.addi %mul3A_322, %add3A_560 : i32
      %get3A_562 = arith.index_cast %add3A_561 : i32 to index
      %get3A_563 = arith.constant 0 : index
      %get3A_564 = tpu.vector_load %arg12[%get3A_562, %get3A_563] {strides = array<i32>} : memref<80x32xf32, #tpu.memory_space<vmem>>, vector<1x16xf32>,
      %get3A_565 = vector.shape_cast %get3A_564 : vector<1x16xf32> to vector<16xf32>
      %add3A_566 = arith.constant 5 : i32
      %add3A_567 = arith.addi %mul3A_322, %add3A_566 : i32
      %get3A_568 = arith.index_cast %add3A_567 : i32 to index
      %get3A_569 = arith.constant 0 : index
      %get3A_570 = tpu.vector_load %arg16[%get3A_568, %get3A_569] {strides = array<i32>} : memref<80x32xf32, #tpu.memory_space<vmem>>, vector<1x16xf32>,
      %get3A_571 = vector.shape_cast %get3A_570 : vector<1x16xf32> to vector<16xf32>
      %mul3A_572 = arith.mulf %get3A_565, %get3A_571 : vector<16xf32>
      %add3A_573 = arith.constant 1.000000e+00 : f32
      %add3A_574 = vector.broadcast %add3A_573 : f32 to vector<16xf32>
      %add3A_575 = arith.addf %add3A_574, %mul3A_572 : vector<16xf32>
      %div3A_576 = arith.divf %broadcast_in_dim3A_253, %add3A_575 : vector<16xf32>
      %add3A_577 = arith.constant 5 : i32
      %add3A_578 = arith.addi %mul3A_322, %add3A_577 : i32
      %swap3A_579 = arith.index_cast %add3A_578 : i32 to index
      %swap3A_580 = arith.constant 0 : index
      %swap3A_581 = tpu.vector_load %arg12[%swap3A_579, %swap3A_580] {strides = array<i32>} : memref<80x32xf32, #tpu.memory_space<vmem>>, vector<1x16xf32>,
      %swap3A_582 = vector.shape_cast %swap3A_581 : vector<1x16xf32> to vector<16xf32>
      %swap3A_583 = vector.shape_cast %div3A_576 : vector<16xf32> to vector<1x16xf32>
      tpu.vector_store %arg12[%swap3A_579, %swap3A_580], %swap3A_583 {strides = array<i32>} : memref<80x32xf32, #tpu.memory_space<vmem>>, vector<1x16xf32>,
      %add3A_584 = arith.constant 5 : i32
      %add3A_585 = arith.addi %mul3A_322, %add3A_584 : i32
      %get3A_586 = arith.index_cast %add3A_585 : i32 to index
      %get3A_587 = arith.constant 16 : index
      %get3A_588 = tpu.vector_load %arg12[%get3A_586, %get3A_587] {strides = array<i32>} : memref<80x32xf32, #tpu.memory_space<vmem>>, vector<1x16xf32>,
      %get3A_589 = vector.shape_cast %get3A_588 : vector<1x16xf32> to vector<16xf32>
      %add3A_590 = arith.constant 5 : i32
      %add3A_591 = arith.addi %mul3A_322, %add3A_590 : i32
      %get3A_592 = arith.index_cast %add3A_591 : i32 to index
      %get3A_593 = arith.constant 16 : index
      %get3A_594 = tpu.vector_load %arg16[%get3A_592, %get3A_593] {strides = array<i32>} : memref<80x32xf32, #tpu.memory_space<vmem>>, vector<1x16xf32>,
      %get3A_595 = vector.shape_cast %get3A_594 : vector<1x16xf32> to vector<16xf32>
      %mul3A_596 = arith.mulf %get3A_589, %get3A_595 : vector<16xf32>
      %add3A_597 = arith.constant 1.000000e+00 : f32
      %add3A_598 = vector.broadcast %add3A_597 : f32 to vector<16xf32>
      %add3A_599 = arith.addf %add3A_598, %mul3A_596 : vector<16xf32>
      %div3A_600 = arith.divf %broadcast_in_dim3A_253, %add3A_599 : vector<16xf32>
      %add3A_601 = arith.constant 5 : i32
      %add3A_602 = arith.addi %mul3A_322, %add3A_601 : i32
      %swap3A_603 = arith.index_cast %add3A_602 : i32 to index
      %swap3A_604 = arith.constant 16 : index
      %swap3A_605 = tpu.vector_load %arg12[%swap3A_603, %swap3A_604] {strides = array<i32>} : memref<80x32xf32, #tpu.memory_space<vmem>>, vector<1x16xf32>,
      %swap3A_606 = vector.shape_cast %swap3A_605 : vector<1x16xf32> to vector<16xf32>
      %swap3A_607 = vector.shape_cast %div3A_600 : vector<16xf32> to vector<1x16xf32>
      tpu.vector_store %arg12[%swap3A_603, %swap3A_604], %swap3A_607 {strides = array<i32>} : memref<80x32xf32, #tpu.memory_space<vmem>>, vector<1x16xf32>,
      %add3A_608 = arith.constant 6 : i32
      %add3A_609 = arith.addi %mul3A_322, %add3A_608 : i32
      %get3A_610 = arith.index_cast %add3A_609 : i32 to index
      %get3A_611 = arith.constant 0 : index
      %get3A_612 = tpu.vector_load %arg12[%get3A_610, %get3A_611] {strides = array<i32>} : memref<80x32xf32, #tpu.memory_space<vmem>>, vector<1x16xf32>,
      %get3A_613 = vector.shape_cast %get3A_612 : vector<1x16xf32> to vector<16xf32>
      %add3A_614 = arith.constant 6 : i32
      %add3A_615 = arith.addi %mul3A_322, %add3A_614 : i32
      %get3A_616 = arith.index_cast %add3A_615 : i32 to index
      %get3A_617 = arith.constant 0 : index
      %get3A_618 = tpu.vector_load %arg16[%get3A_616, %get3A_617] {strides = array<i32>} : memref<80x32xf32, #tpu.memory_space<vmem>>, vector<1x16xf32>,
      %get3A_619 = vector.shape_cast %get3A_618 : vector<1x16xf32> to vector<16xf32>
      %mul3A_620 = arith.mulf %get3A_613, %get3A_619 : vector<16xf32>
      %add3A_621 = arith.constant 1.000000e+00 : f32
      %add3A_622 = vector.broadcast %add3A_621 : f32 to vector<16xf32>
      %add3A_623 = arith.addf %add3A_622, %mul3A_620 : vector<16xf32>
      %div3A_624 = arith.divf %broadcast_in_dim3A_253, %add3A_623 : vector<16xf32>
      %add3A_625 = arith.constant 6 : i32
      %add3A_626 = arith.addi %mul3A_322, %add3A_625 : i32
      %swap3A_627 = arith.index_cast %add3A_626 : i32 to index
      %swap3A_628 = arith.constant 0 : index
      %swap3A_629 = tpu.vector_load %arg12[%swap3A_627, %swap3A_628] {strides = array<i32>} : memref<80x32xf32, #tpu.memory_space<vmem>>, vector<1x16xf32>,
      %swap3A_630 = vector.shape_cast %swap3A_629 : vector<1x16xf32> to vector<16xf32>
      %swap3A_631 = vector.shape_cast %div3A_624 : vector<16xf32> to vector<1x16xf32>
      tpu.vector_store %arg12[%swap3A_627, %swap3A_628], %swap3A_631 {strides = array<i32>} : memref<80x32xf32, #tpu.memory_space<vmem>>, vector<1x16xf32>,
      %add3A_632 = arith.constant 6 : i32
      %add3A_633 = arith.addi %mul3A_322, %add3A_632 : i32
      %get3A_634 = arith.index_cast %add3A_633 : i32 to index
      %get3A_635 = arith.constant 16 : index
      %get3A_636 = tpu.vector_load %arg12[%get3A_634, %get3A_635] {strides = array<i32>} : memref<80x32xf32, #tpu.memory_space<vmem>>, vector<1x16xf32>,
      %get3A_637 = vector.shape_cast %get3A_636 : vector<1x16xf32> to vector<16xf32>
      %add3A_638 = arith.constant 6 : i32
      %add3A_639 = arith.addi %mul3A_322, %add3A_638 : i32
      %get3A_640 = arith.index_cast %add3A_639 : i32 to index
      %get3A_641 = arith.constant 16 : index
      %get3A_642 = tpu.vector_load %arg16[%get3A_640, %get3A_641] {strides = array<i32>} : memref<80x32xf32, #tpu.memory_space<vmem>>, vector<1x16xf32>,
      %get3A_643 = vector.shape_cast %get3A_642 : vector<1x16xf32> to vector<16xf32>
      %mul3A_644 = arith.mulf %get3A_637, %get3A_643 : vector<16xf32>
      %add3A_645 = arith.constant 1.000000e+00 : f32
      %add3A_646 = vector.broadcast %add3A_645 : f32 to vector<16xf32>
      %add3A_647 = arith.addf %add3A_646, %mul3A_644 : vector<16xf32>
      %div3A_648 = arith.divf %broadcast_in_dim3A_253, %add3A_647 : vector<16xf32>
      %add3A_649 = arith.constant 6 : i32
      %add3A_650 = arith.addi %mul3A_322, %add3A_649 : i32
      %swap3A_651 = arith.index_cast %add3A_650 : i32 to index
      %swap3A_652 = arith.constant 16 : index
      %swap3A_653 = tpu.vector_load %arg12[%swap3A_651, %swap3A_652] {strides = array<i32>} : memref<80x32xf32, #tpu.memory_space<vmem>>, vector<1x16xf32>,
      %swap3A_654 = vector.shape_cast %swap3A_653 : vector<1x16xf32> to vector<16xf32>
      %swap3A_655 = vector.shape_cast %div3A_648 : vector<16xf32> to vector<1x16xf32>
      tpu.vector_store %arg12[%swap3A_651, %swap3A_652], %swap3A_655 {strides = array<i32>} : memref<80x32xf32, #tpu.memory_space<vmem>>, vector<1x16xf32>,
      %add3A_656 = arith.constant 7 : i32
      %add3A_657 = arith.addi %mul3A_322, %add3A_656 : i32
      %get3A_658 = arith.index_cast %add3A_657 : i32 to index
      %get3A_659 = arith.constant 0 : index
      %get3A_660 = tpu.vector_load %arg12[%get3A_658, %get3A_659] {strides = array<i32>} : memref<80x32xf32, #tpu.memory_space<vmem>>, vector<1x16xf32>,
      %get3A_661 = vector.shape_cast %get3A_660 : vector<1x16xf32> to vector<16xf32>
      %add3A_662 = arith.constant 7 : i32
      %add3A_663 = arith.addi %mul3A_322, %add3A_662 : i32
      %get3A_664 = arith.index_cast %add3A_663 : i32 to index
      %get3A_665 = arith.constant 0 : index
      %get3A_666 = tpu.vector_load %arg16[%get3A_664, %get3A_665] {strides = array<i32>} : memref<80x32xf32, #tpu.memory_space<vmem>>, vector<1x16xf32>,
      %get3A_667 = vector.shape_cast %get3A_666 : vector<1x16xf32> to vector<16xf32>
      %mul3A_668 = arith.mulf %get3A_661, %get3A_667 : vector<16xf32>
      %add3A_669 = arith.constant 1.000000e+00 : f32
      %add3A_670 = vector.broadcast %add3A_669 : f32 to vector<16xf32>
      %add3A_671 = arith.addf %add3A_670, %mul3A_668 : vector<16xf32>
      %div3A_672 = arith.divf %broadcast_in_dim3A_253, %add3A_671 : vector<16xf32>
      %add3A_673 = arith.constant 7 : i32
      %add3A_674 = arith.addi %mul3A_322, %add3A_673 : i32
      %swap3A_675 = arith.index_cast %add3A_674 : i32 to index
      %swap3A_676 = arith.constant 0 : index
      %swap3A_677 = tpu.vector_load %arg12[%swap3A_675, %swap3A_676] {strides = array<i32>} : memref<80x32xf32, #tpu.memory_space<vmem>>, vector<1x16xf32>,
      %swap3A_678 = vector.shape_cast %swap3A_677 : vector<1x16xf32> to vector<16xf32>
      %swap3A_679 = vector.shape_cast %div3A_672 : vector<16xf32> to vector<1x16xf32>
      tpu.vector_store %arg12[%swap3A_675, %swap3A_676], %swap3A_679 {strides = array<i32>} : memref<80x32xf32, #tpu.memory_space<vmem>>, vector<1x16xf32>,
      %add3A_680 = arith.constant 7 : i32
      %add3A_681 = arith.addi %mul3A_322, %add3A_680 : i32
      %get3A_682 = arith.index_cast %add3A_681 : i32 to index
      %get3A_683 = arith.constant 16 : index
      %get3A_684 = tpu.vector_load %arg12[%get3A_682, %get3A_683] {strides = array<i32>} : memref<80x32xf32, #tpu.memory_space<vmem>>, vector<1x16xf32>,
      %get3A_685 = vector.shape_cast %get3A_684 : vector<1x16xf32> to vector<16xf32>
      %add3A_686 = arith.constant 7 : i32
      %add3A_687 = arith.addi %mul3A_322, %add3A_686 : i32
      %get3A_688 = arith.index_cast %add3A_687 : i32 to index
      %get3A_689 = arith.constant 16 : index
      %get3A_690 = tpu.vector_load %arg16[%get3A_688, %get3A_689] {strides = array<i32>} : memref<80x32xf32, #tpu.memory_space<vmem>>, vector<1x16xf32>,
      %get3A_691 = vector.shape_cast %get3A_690 : vector<1x16xf32> to vector<16xf32>
      %mul3A_692 = arith.mulf %get3A_685, %get3A_691 : vector<16xf32>
      %add3A_693 = arith.constant 1.000000e+00 : f32
      %add3A_694 = vector.broadcast %add3A_693 : f32 to vector<16xf32>
      %add3A_695 = arith.addf %add3A_694, %mul3A_692 : vector<16xf32>
      %div3A_696 = arith.divf %broadcast_in_dim3A_253, %add3A_695 : vector<16xf32>
      %add3A_697 = arith.constant 7 : i32
      %add3A_698 = arith.addi %mul3A_322, %add3A_697 : i32
      %swap3A_699 = arith.index_cast %add3A_698 : i32 to index
      %swap3A_700 = arith.constant 16 : index
      %swap3A_701 = tpu.vector_load %arg12[%swap3A_699, %swap3A_700] {strides = array<i32>} : memref<80x32xf32, #tpu.memory_space<vmem>>, vector<1x16xf32>,
      %swap3A_702 = vector.shape_cast %swap3A_701 : vector<1x16xf32> to vector<16xf32>
      %swap3A_703 = vector.shape_cast %div3A_696 : vector<16xf32> to vector<1x16xf32>
      tpu.vector_store %arg12[%swap3A_699, %swap3A_700], %swap3A_703 {strides = array<i32>} : memref<80x32xf32, #tpu.memory_space<vmem>>, vector<1x16xf32>,
    }
    %scan3A_259 = arith.constant 10 : i32
    %dma_start3A_260 = arith.constant 123 : i32
    %dma_start3A_261 = arith.constant 0 : i32
    %dma_start3A_262 = tpu.memref_slice %arg7[%dma_start3A_260, %dma_start3A_261] : memref<125x80xi32, #tpu.memory_space<vmem>> -> memref<1x80xi32, #tpu.memory_space<vmem>>
    %dma_start3A_263 = tpu.memref_squeeze %dma_start3A_262 : memref<1x80xi32, #tpu.memory_space<vmem>> -> memref<80xi32, #tpu.memory_space<vmem>>
    %dma_start3A_264 = arith.constant 0 : i32
    %dma_start3A_265 = arith.constant 0 : i32
    %dma_start3A_266 = tpu.memref_slice %arg20[%dma_start3A_264, %dma_start3A_265] : memref<10240x32xf32, #tpu.memory_space<vmem_shared>> -> memref<10240x32xf32, #tpu.memory_space<vmem_shared>>
    tpu.enqueue_indirect_dma source(%arg12 : memref<80x32xf32, #tpu.memory_space<vmem>>) target(%dma_start3A_266 : memref<10240x32xf32, #tpu.memory_space<vmem_shared>>) offsets(%dma_start3A_263 : memref<80xi32, #tpu.memory_space<vmem>>) semaphore(%arg32 : memref<!tpu.dma_semaphore, #tpu.memory_space<semaphore_mem>>) {add = true}
    %sub3A_267 = arith.constant 124 : i32
    %sub3A_268 = arith.constant 2 : i32
    %sub3A_269 = arith.subi %sub3A_267, %sub3A_268 : i32
    %dma_wait3A_270 = arith.constant 0 : i32
    %dma_wait3A_271 = tpu.memref_slice %arg7[%sub3A_269, %dma_wait3A_270] : memref<125x80xi32, #tpu.memory_space<vmem>> -> memref<1x80xi32, #tpu.memory_space<vmem>>
    %dma_wait3A_272 = tpu.memref_squeeze %dma_wait3A_271 : memref<1x80xi32, #tpu.memory_space<vmem>> -> memref<80xi32, #tpu.memory_space<vmem>>
    %dma_wait3A_273 = arith.constant 0 : i32
    %dma_wait3A_274 = arith.constant 0 : i32
    %dma_wait3A_275 = tpu.memref_slice %arg20[%dma_wait3A_273, %dma_wait3A_274] : memref<10240x32xf32, #tpu.memory_space<vmem_shared>> -> memref<10240x32xf32, #tpu.memory_space<vmem_shared>>
    tpu.wait_indirect_dma semaphore(%arg31 : memref<!tpu.dma_semaphore, #tpu.memory_space<semaphore_mem>>) src(%arg11 : memref<80x32xf32, #tpu.memory_space<vmem>>) dst(%dma_wait3A_275 : memref<10240x32xf32, #tpu.memory_space<vmem_shared>>)
    %dma_wait3A_276 = arith.constant 124 : i32
    %dma_wait3A_277 = arith.constant 0 : i32
    %dma_wait3A_278 = tpu.memref_slice %arg7[%dma_wait3A_276, %dma_wait3A_277] : memref<125x80xi32, #tpu.memory_space<vmem>> -> memref<1x80xi32, #tpu.memory_space<vmem>>
    %dma_wait3A_279 = tpu.memref_squeeze %dma_wait3A_278 : memref<1x80xi32, #tpu.memory_space<vmem>> -> memref<80xi32, #tpu.memory_space<vmem>>
    %dma_wait3A_280 = arith.constant 0 : i32
    %dma_wait3A_281 = arith.constant 0 : i32
    %dma_wait3A_282 = tpu.memref_slice %arg18[%dma_wait3A_280, %dma_wait3A_281] : memref<10240x32xf32, #tpu.memory_space<vmem_shared>> -> memref<10240x32xf32, #tpu.memory_space<vmem_shared>>
    tpu.wait_indirect_dma semaphore(%arg21 : memref<!tpu.dma_semaphore, #tpu.memory_space<semaphore_mem>>) src(%dma_wait3A_282 : memref<10240x32xf32, #tpu.memory_space<vmem_shared>>) dst(%arg9 : memref<80x32xf32, #tpu.memory_space<vmem>>)
    %dma_wait3A_283 = arith.constant 124 : i32
    %dma_wait3A_284 = arith.constant 0 : i32
    %dma_wait3A_285 = tpu.memref_slice %arg8[%dma_wait3A_283, %dma_wait3A_284] : memref<125x80xi32, #tpu.memory_space<vmem>> -> memref<1x80xi32, #tpu.memory_space<vmem>>
    %dma_wait3A_286 = tpu.memref_squeeze %dma_wait3A_285 : memref<1x80xi32, #tpu.memory_space<vmem>> -> memref<80xi32, #tpu.memory_space<vmem>>
    %dma_wait3A_287 = arith.constant 0 : i32
    %dma_wait3A_288 = arith.constant 0 : i32
    %dma_wait3A_289 = tpu.memref_slice %arg19[%dma_wait3A_287, %dma_wait3A_288] : memref<10240x32xf32, #tpu.memory_space<vmem_shared>> -> memref<10240x32xf32, #tpu.memory_space<vmem_shared>>
    tpu.wait_indirect_dma semaphore(%arg25 : memref<!tpu.dma_semaphore, #tpu.memory_space<semaphore_mem>>) src(%dma_wait3A_289 : memref<10240x32xf32, #tpu.memory_space<vmem_shared>>) dst(%arg13 : memref<80x32xf32, #tpu.memory_space<vmem>>)
    %broadcast_in_dim3A_290 = arith.constant 1.000000e+00 : f32
    %broadcast_in_dim3A_291 = vector.broadcast %broadcast_in_dim3A_290 : f32 to vector<16xf32>
    %scan3A_292 = arith.constant 0 : i32
    %scan3A_293 = arith.constant 0 : i32
    %scan3A_294 = arith.constant 10 : i32
    %scan3A_295 = arith.addi %scan3A_293, %scan3A_294 : i32
    %scan3A_296 = arith.constant 1 : i32
    scf.for %scan3A_320 = %scan3A_293 to %scan3A_295 step %scan3A_296  : i32 {
      %mul3A_321 = arith.constant 8 : i32
      %mul3A_322 = arith.muli %scan3A_320, %mul3A_321 : i32
      %add3A_323 = arith.constant 0 : i32
      %add3A_324 = arith.addi %mul3A_322, %add3A_323 : i32
      %get3A = arith.index_cast %add3A_324 : i32 to index
      %get3A_325 = arith.constant 0 : index
      %get3A_326 = tpu.vector_load %arg9[%get3A, %get3A_325] {strides = array<i32>} : memref<80x32xf32, #tpu.memory_space<vmem>>, vector<1x16xf32>,
      %get3A_327 = vector.shape_cast %get3A_326 : vector<1x16xf32> to vector<16xf32>
      %add3A_328 = arith.constant 0 : i32
      %add3A_329 = arith.addi %mul3A_322, %add3A_328 : i32
      %get3A_330 = arith.index_cast %add3A_329 : i32 to index
      %get3A_331 = arith.constant 0 : index
      %get3A_332 = tpu.vector_load %arg13[%get3A_330, %get3A_331] {strides = array<i32>} : memref<80x32xf32, #tpu.memory_space<vmem>>, vector<1x16xf32>,
      %get3A_333 = vector.shape_cast %get3A_332 : vector<1x16xf32> to vector<16xf32>
      %mul3A_334 = arith.mulf %get3A_327, %get3A_333 : vector<16xf32>
      %add3A_335 = arith.constant 1.000000e+00 : f32
      %add3A_336 = vector.broadcast %add3A_335 : f32 to vector<16xf32>
      %add3A_337 = arith.addf %add3A_336, %mul3A_334 : vector<16xf32>
      %div3A = arith.divf %broadcast_in_dim3A_291, %add3A_337 : vector<16xf32>
      %add3A_338 = arith.constant 0 : i32
      %add3A_339 = arith.addi %mul3A_322, %add3A_338 : i32
      %swap3A = arith.index_cast %add3A_339 : i32 to index
      %swap3A_340 = arith.constant 0 : index
      %swap3A_341 = tpu.vector_load %arg9[%swap3A, %swap3A_340] {strides = array<i32>} : memref<80x32xf32, #tpu.memory_space<vmem>>, vector<1x16xf32>,
      %swap3A_342 = vector.shape_cast %swap3A_341 : vector<1x16xf32> to vector<16xf32>
      %swap3A_343 = vector.shape_cast %div3A : vector<16xf32> to vector<1x16xf32>
      tpu.vector_store %arg9[%swap3A, %swap3A_340], %swap3A_343 {strides = array<i32>} : memref<80x32xf32, #tpu.memory_space<vmem>>, vector<1x16xf32>,
      %add3A_344 = arith.constant 0 : i32
      %add3A_345 = arith.addi %mul3A_322, %add3A_344 : i32
      %get3A_346 = arith.index_cast %add3A_345 : i32 to index
      %get3A_347 = arith.constant 16 : index
      %get3A_348 = tpu.vector_load %arg9[%get3A_346, %get3A_347] {strides = array<i32>} : memref<80x32xf32, #tpu.memory_space<vmem>>, vector<1x16xf32>,
      %get3A_349 = vector.shape_cast %get3A_348 : vector<1x16xf32> to vector<16xf32>
      %add3A_350 = arith.constant 0 : i32
      %add3A_351 = arith.addi %mul3A_322, %add3A_350 : i32
      %get3A_352 = arith.index_cast %add3A_351 : i32 to index
      %get3A_353 = arith.constant 16 : index
      %get3A_354 = tpu.vector_load %arg13[%get3A_352, %get3A_353] {strides = array<i32>} : memref<80x32xf32, #tpu.memory_space<vmem>>, vector<1x16xf32>,
      %get3A_355 = vector.shape_cast %get3A_354 : vector<1x16xf32> to vector<16xf32>
      %mul3A_356 = arith.mulf %get3A_349, %get3A_355 : vector<16xf32>
      %add3A_357 = arith.constant 1.000000e+00 : f32
      %add3A_358 = vector.broadcast %add3A_357 : f32 to vector<16xf32>
      %add3A_359 = arith.addf %add3A_358, %mul3A_356 : vector<16xf32>
      %div3A_360 = arith.divf %broadcast_in_dim3A_291, %add3A_359 : vector<16xf32>
      %add3A_361 = arith.constant 0 : i32
      %add3A_362 = arith.addi %mul3A_322, %add3A_361 : i32
      %swap3A_363 = arith.index_cast %add3A_362 : i32 to index
      %swap3A_364 = arith.constant 16 : index
      %swap3A_365 = tpu.vector_load %arg9[%swap3A_363, %swap3A_364] {strides = array<i32>} : memref<80x32xf32, #tpu.memory_space<vmem>>, vector<1x16xf32>,
      %swap3A_366 = vector.shape_cast %swap3A_365 : vector<1x16xf32> to vector<16xf32>
      %swap3A_367 = vector.shape_cast %div3A_360 : vector<16xf32> to vector<1x16xf32>
      tpu.vector_store %arg9[%swap3A_363, %swap3A_364], %swap3A_367 {strides = array<i32>} : memref<80x32xf32, #tpu.memory_space<vmem>>, vector<1x16xf32>,
      %add3A_368 = arith.constant 1 : i32
      %add3A_369 = arith.addi %mul3A_322, %add3A_368 : i32
      %get3A_370 = arith.index_cast %add3A_369 : i32 to index
      %get3A_371 = arith.constant 0 : index
      %get3A_372 = tpu.vector_load %arg9[%get3A_370, %get3A_371] {strides = array<i32>} : memref<80x32xf32, #tpu.memory_space<vmem>>, vector<1x16xf32>,
      %get3A_373 = vector.shape_cast %get3A_372 : vector<1x16xf32> to vector<16xf32>
      %add3A_374 = arith.constant 1 : i32
      %add3A_375 = arith.addi %mul3A_322, %add3A_374 : i32
      %get3A_376 = arith.index_cast %add3A_375 : i32 to index
      %get3A_377 = arith.constant 0 : index
      %get3A_378 = tpu.vector_load %arg13[%get3A_376, %get3A_377] {strides = array<i32>} : memref<80x32xf32, #tpu.memory_space<vmem>>, vector<1x16xf32>,
      %get3A_379 = vector.shape_cast %get3A_378 : vector<1x16xf32> to vector<16xf32>
      %mul3A_380 = arith.mulf %get3A_373, %get3A_379 : vector<16xf32>
      %add3A_381 = arith.constant 1.000000e+00 : f32
      %add3A_382 = vector.broadcast %add3A_381 : f32 to vector<16xf32>
      %add3A_383 = arith.addf %add3A_382, %mul3A_380 : vector<16xf32>
      %div3A_384 = arith.divf %broadcast_in_dim3A_291, %add3A_383 : vector<16xf32>
      %add3A_385 = arith.constant 1 : i32
      %add3A_386 = arith.addi %mul3A_322, %add3A_385 : i32
      %swap3A_387 = arith.index_cast %add3A_386 : i32 to index
      %swap3A_388 = arith.constant 0 : index
      %swap3A_389 = tpu.vector_load %arg9[%swap3A_387, %swap3A_388] {strides = array<i32>} : memref<80x32xf32, #tpu.memory_space<vmem>>, vector<1x16xf32>,
      %swap3A_390 = vector.shape_cast %swap3A_389 : vector<1x16xf32> to vector<16xf32>
      %swap3A_391 = vector.shape_cast %div3A_384 : vector<16xf32> to vector<1x16xf32>
      tpu.vector_store %arg9[%swap3A_387, %swap3A_388], %swap3A_391 {strides = array<i32>} : memref<80x32xf32, #tpu.memory_space<vmem>>, vector<1x16xf32>,
      %add3A_392 = arith.constant 1 : i32
      %add3A_393 = arith.addi %mul3A_322, %add3A_392 : i32
      %get3A_394 = arith.index_cast %add3A_393 : i32 to index
      %get3A_395 = arith.constant 16 : index
      %get3A_396 = tpu.vector_load %arg9[%get3A_394, %get3A_395] {strides = array<i32>} : memref<80x32xf32, #tpu.memory_space<vmem>>, vector<1x16xf32>,
      %get3A_397 = vector.shape_cast %get3A_396 : vector<1x16xf32> to vector<16xf32>
      %add3A_398 = arith.constant 1 : i32
      %add3A_399 = arith.addi %mul3A_322, %add3A_398 : i32
      %get3A_400 = arith.index_cast %add3A_399 : i32 to index
      %get3A_401 = arith.constant 16 : index
      %get3A_402 = tpu.vector_load %arg13[%get3A_400, %get3A_401] {strides = array<i32>} : memref<80x32xf32, #tpu.memory_space<vmem>>, vector<1x16xf32>,
      %get3A_403 = vector.shape_cast %get3A_402 : vector<1x16xf32> to vector<16xf32>
      %mul3A_404 = arith.mulf %get3A_397, %get3A_403 : vector<16xf32>
      %add3A_405 = arith.constant 1.000000e+00 : f32
      %add3A_406 = vector.broadcast %add3A_405 : f32 to vector<16xf32>
      %add3A_407 = arith.addf %add3A_406, %mul3A_404 : vector<16xf32>
      %div3A_408 = arith.divf %broadcast_in_dim3A_291, %add3A_407 : vector<16xf32>
      %add3A_409 = arith.constant 1 : i32
      %add3A_410 = arith.addi %mul3A_322, %add3A_409 : i32
      %swap3A_411 = arith.index_cast %add3A_410 : i32 to index
      %swap3A_412 = arith.constant 16 : index
      %swap3A_413 = tpu.vector_load %arg9[%swap3A_411, %swap3A_412] {strides = array<i32>} : memref<80x32xf32, #tpu.memory_space<vmem>>, vector<1x16xf32>,
      %swap3A_414 = vector.shape_cast %swap3A_413 : vector<1x16xf32> to vector<16xf32>
      %swap3A_415 = vector.shape_cast %div3A_408 : vector<16xf32> to vector<1x16xf32>
      tpu.vector_store %arg9[%swap3A_411, %swap3A_412], %swap3A_415 {strides = array<i32>} : memref<80x32xf32, #tpu.memory_space<vmem>>, vector<1x16xf32>,
      %add3A_416 = arith.constant 2 : i32
      %add3A_417 = arith.addi %mul3A_322, %add3A_416 : i32
      %get3A_418 = arith.index_cast %add3A_417 : i32 to index
      %get3A_419 = arith.constant 0 : index
      %get3A_420 = tpu.vector_load %arg9[%get3A_418, %get3A_419] {strides = array<i32>} : memref<80x32xf32, #tpu.memory_space<vmem>>, vector<1x16xf32>,
      %get3A_421 = vector.shape_cast %get3A_420 : vector<1x16xf32> to vector<16xf32>
      %add3A_422 = arith.constant 2 : i32
      %add3A_423 = arith.addi %mul3A_322, %add3A_422 : i32
      %get3A_424 = arith.index_cast %add3A_423 : i32 to index
      %get3A_425 = arith.constant 0 : index
      %get3A_426 = tpu.vector_load %arg13[%get3A_424, %get3A_425] {strides = array<i32>} : memref<80x32xf32, #tpu.memory_space<vmem>>, vector<1x16xf32>,
      %get3A_427 = vector.shape_cast %get3A_426 : vector<1x16xf32> to vector<16xf32>
      %mul3A_428 = arith.mulf %get3A_421, %get3A_427 : vector<16xf32>
      %add3A_429 = arith.constant 1.000000e+00 : f32
      %add3A_430 = vector.broadcast %add3A_429 : f32 to vector<16xf32>
      %add3A_431 = arith.addf %add3A_430, %mul3A_428 : vector<16xf32>
      %div3A_432 = arith.divf %broadcast_in_dim3A_291, %add3A_431 : vector<16xf32>
      %add3A_433 = arith.constant 2 : i32
      %add3A_434 = arith.addi %mul3A_322, %add3A_433 : i32
      %swap3A_435 = arith.index_cast %add3A_434 : i32 to index
      %swap3A_436 = arith.constant 0 : index
      %swap3A_437 = tpu.vector_load %arg9[%swap3A_435, %swap3A_436] {strides = array<i32>} : memref<80x32xf32, #tpu.memory_space<vmem>>, vector<1x16xf32>,
      %swap3A_438 = vector.shape_cast %swap3A_437 : vector<1x16xf32> to vector<16xf32>
      %swap3A_439 = vector.shape_cast %div3A_432 : vector<16xf32> to vector<1x16xf32>
      tpu.vector_store %arg9[%swap3A_435, %swap3A_436], %swap3A_439 {strides = array<i32>} : memref<80x32xf32, #tpu.memory_space<vmem>>, vector<1x16xf32>,
      %add3A_440 = arith.constant 2 : i32
      %add3A_441 = arith.addi %mul3A_322, %add3A_440 : i32
      %get3A_442 = arith.index_cast %add3A_441 : i32 to index
      %get3A_443 = arith.constant 16 : index
      %get3A_444 = tpu.vector_load %arg9[%get3A_442, %get3A_443] {strides = array<i32>} : memref<80x32xf32, #tpu.memory_space<vmem>>, vector<1x16xf32>,
      %get3A_445 = vector.shape_cast %get3A_444 : vector<1x16xf32> to vector<16xf32>
      %add3A_446 = arith.constant 2 : i32
      %add3A_447 = arith.addi %mul3A_322, %add3A_446 : i32
      %get3A_448 = arith.index_cast %add3A_447 : i32 to index
      %get3A_449 = arith.constant 16 : index
      %get3A_450 = tpu.vector_load %arg13[%get3A_448, %get3A_449] {strides = array<i32>} : memref<80x32xf32, #tpu.memory_space<vmem>>, vector<1x16xf32>,
      %get3A_451 = vector.shape_cast %get3A_450 : vector<1x16xf32> to vector<16xf32>
      %mul3A_452 = arith.mulf %get3A_445, %get3A_451 : vector<16xf32>
      %add3A_453 = arith.constant 1.000000e+00 : f32
      %add3A_454 = vector.broadcast %add3A_453 : f32 to vector<16xf32>
      %add3A_455 = arith.addf %add3A_454, %mul3A_452 : vector<16xf32>
      %div3A_456 = arith.divf %broadcast_in_dim3A_291, %add3A_455 : vector<16xf32>
      %add3A_457 = arith.constant 2 : i32
      %add3A_458 = arith.addi %mul3A_322, %add3A_457 : i32
      %swap3A_459 = arith.index_cast %add3A_458 : i32 to index
      %swap3A_460 = arith.constant 16 : index
      %swap3A_461 = tpu.vector_load %arg9[%swap3A_459, %swap3A_460] {strides = array<i32>} : memref<80x32xf32, #tpu.memory_space<vmem>>, vector<1x16xf32>,
      %swap3A_462 = vector.shape_cast %swap3A_461 : vector<1x16xf32> to vector<16xf32>
      %swap3A_463 = vector.shape_cast %div3A_456 : vector<16xf32> to vector<1x16xf32>
      tpu.vector_store %arg9[%swap3A_459, %swap3A_460], %swap3A_463 {strides = array<i32>} : memref<80x32xf32, #tpu.memory_space<vmem>>, vector<1x16xf32>,
      %add3A_464 = arith.constant 3 : i32
      %add3A_465 = arith.addi %mul3A_322, %add3A_464 : i32
      %get3A_466 = arith.index_cast %add3A_465 : i32 to index
      %get3A_467 = arith.constant 0 : index
      %get3A_468 = tpu.vector_load %arg9[%get3A_466, %get3A_467] {strides = array<i32>} : memref<80x32xf32, #tpu.memory_space<vmem>>, vector<1x16xf32>,
      %get3A_469 = vector.shape_cast %get3A_468 : vector<1x16xf32> to vector<16xf32>
      %add3A_470 = arith.constant 3 : i32
      %add3A_471 = arith.addi %mul3A_322, %add3A_470 : i32
      %get3A_472 = arith.index_cast %add3A_471 : i32 to index
      %get3A_473 = arith.constant 0 : index
      %get3A_474 = tpu.vector_load %arg13[%get3A_472, %get3A_473] {strides = array<i32>} : memref<80x32xf32, #tpu.memory_space<vmem>>, vector<1x16xf32>,
      %get3A_475 = vector.shape_cast %get3A_474 : vector<1x16xf32> to vector<16xf32>
      %mul3A_476 = arith.mulf %get3A_469, %get3A_475 : vector<16xf32>
      %add3A_477 = arith.constant 1.000000e+00 : f32
      %add3A_478 = vector.broadcast %add3A_477 : f32 to vector<16xf32>
      %add3A_479 = arith.addf %add3A_478, %mul3A_476 : vector<16xf32>
      %div3A_480 = arith.divf %broadcast_in_dim3A_291, %add3A_479 : vector<16xf32>
      %add3A_481 = arith.constant 3 : i32
      %add3A_482 = arith.addi %mul3A_322, %add3A_481 : i32
      %swap3A_483 = arith.index_cast %add3A_482 : i32 to index
      %swap3A_484 = arith.constant 0 : index
      %swap3A_485 = tpu.vector_load %arg9[%swap3A_483, %swap3A_484] {strides = array<i32>} : memref<80x32xf32, #tpu.memory_space<vmem>>, vector<1x16xf32>,
      %swap3A_486 = vector.shape_cast %swap3A_485 : vector<1x16xf32> to vector<16xf32>
      %swap3A_487 = vector.shape_cast %div3A_480 : vector<16xf32> to vector<1x16xf32>
      tpu.vector_store %arg9[%swap3A_483, %swap3A_484], %swap3A_487 {strides = array<i32>} : memref<80x32xf32, #tpu.memory_space<vmem>>, vector<1x16xf32>,
      %add3A_488 = arith.constant 3 : i32
      %add3A_489 = arith.addi %mul3A_322, %add3A_488 : i32
      %get3A_490 = arith.index_cast %add3A_489 : i32 to index
      %get3A_491 = arith.constant 16 : index
      %get3A_492 = tpu.vector_load %arg9[%get3A_490, %get3A_491] {strides = array<i32>} : memref<80x32xf32, #tpu.memory_space<vmem>>, vector<1x16xf32>,
      %get3A_493 = vector.shape_cast %get3A_492 : vector<1x16xf32> to vector<16xf32>
      %add3A_494 = arith.constant 3 : i32
      %add3A_495 = arith.addi %mul3A_322, %add3A_494 : i32
      %get3A_496 = arith.index_cast %add3A_495 : i32 to index
      %get3A_497 = arith.constant 16 : index
      %get3A_498 = tpu.vector_load %arg13[%get3A_496, %get3A_497] {strides = array<i32>} : memref<80x32xf32, #tpu.memory_space<vmem>>, vector<1x16xf32>,
      %get3A_499 = vector.shape_cast %get3A_498 : vector<1x16xf32> to vector<16xf32>
      %mul3A_500 = arith.mulf %get3A_493, %get3A_499 : vector<16xf32>
      %add3A_501 = arith.constant 1.000000e+00 : f32
      %add3A_502 = vector.broadcast %add3A_501 : f32 to vector<16xf32>
      %add3A_503 = arith.addf %add3A_502, %mul3A_500 : vector<16xf32>
      %div3A_504 = arith.divf %broadcast_in_dim3A_291, %add3A_503 : vector<16xf32>
      %add3A_505 = arith.constant 3 : i32
      %add3A_506 = arith.addi %mul3A_322, %add3A_505 : i32
      %swap3A_507 = arith.index_cast %add3A_506 : i32 to index
      %swap3A_508 = arith.constant 16 : index
      %swap3A_509 = tpu.vector_load %arg9[%swap3A_507, %swap3A_508] {strides = array<i32>} : memref<80x32xf32, #tpu.memory_space<vmem>>, vector<1x16xf32>,
      %swap3A_510 = vector.shape_cast %swap3A_509 : vector<1x16xf32> to vector<16xf32>
      %swap3A_511 = vector.shape_cast %div3A_504 : vector<16xf32> to vector<1x16xf32>
      tpu.vector_store %arg9[%swap3A_507, %swap3A_508], %swap3A_511 {strides = array<i32>} : memref<80x32xf32, #tpu.memory_space<vmem>>, vector<1x16xf32>,
      %add3A_512 = arith.constant 4 : i32
      %add3A_513 = arith.addi %mul3A_322, %add3A_512 : i32
      %get3A_514 = arith.index_cast %add3A_513 : i32 to index
      %get3A_515 = arith.constant 0 : index
      %get3A_516 = tpu.vector_load %arg9[%get3A_514, %get3A_515] {strides = array<i32>} : memref<80x32xf32, #tpu.memory_space<vmem>>, vector<1x16xf32>,
      %get3A_517 = vector.shape_cast %get3A_516 : vector<1x16xf32> to vector<16xf32>
      %add3A_518 = arith.constant 4 : i32
      %add3A_519 = arith.addi %mul3A_322, %add3A_518 : i32
      %get3A_520 = arith.index_cast %add3A_519 : i32 to index
      %get3A_521 = arith.constant 0 : index
      %get3A_522 = tpu.vector_load %arg13[%get3A_520, %get3A_521] {strides = array<i32>} : memref<80x32xf32, #tpu.memory_space<vmem>>, vector<1x16xf32>,
      %get3A_523 = vector.shape_cast %get3A_522 : vector<1x16xf32> to vector<16xf32>
      %mul3A_524 = arith.mulf %get3A_517, %get3A_523 : vector<16xf32>
      %add3A_525 = arith.constant 1.000000e+00 : f32
      %add3A_526 = vector.broadcast %add3A_525 : f32 to vector<16xf32>
      %add3A_527 = arith.addf %add3A_526, %mul3A_524 : vector<16xf32>
      %div3A_528 = arith.divf %broadcast_in_dim3A_291, %add3A_527 : vector<16xf32>
      %add3A_529 = arith.constant 4 : i32
      %add3A_530 = arith.addi %mul3A_322, %add3A_529 : i32
      %swap3A_531 = arith.index_cast %add3A_530 : i32 to index
      %swap3A_532 = arith.constant 0 : index
      %swap3A_533 = tpu.vector_load %arg9[%swap3A_531, %swap3A_532] {strides = array<i32>} : memref<80x32xf32, #tpu.memory_space<vmem>>, vector<1x16xf32>,
      %swap3A_534 = vector.shape_cast %swap3A_533 : vector<1x16xf32> to vector<16xf32>
      %swap3A_535 = vector.shape_cast %div3A_528 : vector<16xf32> to vector<1x16xf32>
      tpu.vector_store %arg9[%swap3A_531, %swap3A_532], %swap3A_535 {strides = array<i32>} : memref<80x32xf32, #tpu.memory_space<vmem>>, vector<1x16xf32>,
      %add3A_536 = arith.constant 4 : i32
      %add3A_537 = arith.addi %mul3A_322, %add3A_536 : i32
      %get3A_538 = arith.index_cast %add3A_537 : i32 to index
      %get3A_539 = arith.constant 16 : index
      %get3A_540 = tpu.vector_load %arg9[%get3A_538, %get3A_539] {strides = array<i32>} : memref<80x32xf32, #tpu.memory_space<vmem>>, vector<1x16xf32>,
      %get3A_541 = vector.shape_cast %get3A_540 : vector<1x16xf32> to vector<16xf32>
      %add3A_542 = arith.constant 4 : i32
      %add3A_543 = arith.addi %mul3A_322, %add3A_542 : i32
      %get3A_544 = arith.index_cast %add3A_543 : i32 to index
      %get3A_545 = arith.constant 16 : index
      %get3A_546 = tpu.vector_load %arg13[%get3A_544, %get3A_545] {strides = array<i32>} : memref<80x32xf32, #tpu.memory_space<vmem>>, vector<1x16xf32>,
      %get3A_547 = vector.shape_cast %get3A_546 : vector<1x16xf32> to vector<16xf32>
      %mul3A_548 = arith.mulf %get3A_541, %get3A_547 : vector<16xf32>
      %add3A_549 = arith.constant 1.000000e+00 : f32
      %add3A_550 = vector.broadcast %add3A_549 : f32 to vector<16xf32>
      %add3A_551 = arith.addf %add3A_550, %mul3A_548 : vector<16xf32>
      %div3A_552 = arith.divf %broadcast_in_dim3A_291, %add3A_551 : vector<16xf32>
      %add3A_553 = arith.constant 4 : i32
      %add3A_554 = arith.addi %mul3A_322, %add3A_553 : i32
      %swap3A_555 = arith.index_cast %add3A_554 : i32 to index
      %swap3A_556 = arith.constant 16 : index
      %swap3A_557 = tpu.vector_load %arg9[%swap3A_555, %swap3A_556] {strides = array<i32>} : memref<80x32xf32, #tpu.memory_space<vmem>>, vector<1x16xf32>,
      %swap3A_558 = vector.shape_cast %swap3A_557 : vector<1x16xf32> to vector<16xf32>
      %swap3A_559 = vector.shape_cast %div3A_552 : vector<16xf32> to vector<1x16xf32>
      tpu.vector_store %arg9[%swap3A_555, %swap3A_556], %swap3A_559 {strides = array<i32>} : memref<80x32xf32, #tpu.memory_space<vmem>>, vector<1x16xf32>,
      %add3A_560 = arith.constant 5 : i32
      %add3A_561 = arith.addi %mul3A_322, %add3A_560 : i32
      %get3A_562 = arith.index_cast %add3A_561 : i32 to index
      %get3A_563 = arith.constant 0 : index
      %get3A_564 = tpu.vector_load %arg9[%get3A_562, %get3A_563] {strides = array<i32>} : memref<80x32xf32, #tpu.memory_space<vmem>>, vector<1x16xf32>,
      %get3A_565 = vector.shape_cast %get3A_564 : vector<1x16xf32> to vector<16xf32>
      %add3A_566 = arith.constant 5 : i32
      %add3A_567 = arith.addi %mul3A_322, %add3A_566 : i32
      %get3A_568 = arith.index_cast %add3A_567 : i32 to index
      %get3A_569 = arith.constant 0 : index
      %get3A_570 = tpu.vector_load %arg13[%get3A_568, %get3A_569] {strides = array<i32>} : memref<80x32xf32, #tpu.memory_space<vmem>>, vector<1x16xf32>,
      %get3A_571 = vector.shape_cast %get3A_570 : vector<1x16xf32> to vector<16xf32>
      %mul3A_572 = arith.mulf %get3A_565, %get3A_571 : vector<16xf32>
      %add3A_573 = arith.constant 1.000000e+00 : f32
      %add3A_574 = vector.broadcast %add3A_573 : f32 to vector<16xf32>
      %add3A_575 = arith.addf %add3A_574, %mul3A_572 : vector<16xf32>
      %div3A_576 = arith.divf %broadcast_in_dim3A_291, %add3A_575 : vector<16xf32>
      %add3A_577 = arith.constant 5 : i32
      %add3A_578 = arith.addi %mul3A_322, %add3A_577 : i32
      %swap3A_579 = arith.index_cast %add3A_578 : i32 to index
      %swap3A_580 = arith.constant 0 : index
      %swap3A_581 = tpu.vector_load %arg9[%swap3A_579, %swap3A_580] {strides = array<i32>} : memref<80x32xf32, #tpu.memory_space<vmem>>, vector<1x16xf32>,
      %swap3A_582 = vector.shape_cast %swap3A_581 : vector<1x16xf32> to vector<16xf32>
      %swap3A_583 = vector.shape_cast %div3A_576 : vector<16xf32> to vector<1x16xf32>
      tpu.vector_store %arg9[%swap3A_579, %swap3A_580], %swap3A_583 {strides = array<i32>} : memref<80x32xf32, #tpu.memory_space<vmem>>, vector<1x16xf32>,
      %add3A_584 = arith.constant 5 : i32
      %add3A_585 = arith.addi %mul3A_322, %add3A_584 : i32
      %get3A_586 = arith.index_cast %add3A_585 : i32 to index
      %get3A_587 = arith.constant 16 : index
      %get3A_588 = tpu.vector_load %arg9[%get3A_586, %get3A_587] {strides = array<i32>} : memref<80x32xf32, #tpu.memory_space<vmem>>, vector<1x16xf32>,
      %get3A_589 = vector.shape_cast %get3A_588 : vector<1x16xf32> to vector<16xf32>
      %add3A_590 = arith.constant 5 : i32
      %add3A_591 = arith.addi %mul3A_322, %add3A_590 : i32
      %get3A_592 = arith.index_cast %add3A_591 : i32 to index
      %get3A_593 = arith.constant 16 : index
      %get3A_594 = tpu.vector_load %arg13[%get3A_592, %get3A_593] {strides = array<i32>} : memref<80x32xf32, #tpu.memory_space<vmem>>, vector<1x16xf32>,
      %get3A_595 = vector.shape_cast %get3A_594 : vector<1x16xf32> to vector<16xf32>
      %mul3A_596 = arith.mulf %get3A_589, %get3A_595 : vector<16xf32>
      %add3A_597 = arith.constant 1.000000e+00 : f32
      %add3A_598 = vector.broadcast %add3A_597 : f32 to vector<16xf32>
      %add3A_599 = arith.addf %add3A_598, %mul3A_596 : vector<16xf32>
      %div3A_600 = arith.divf %broadcast_in_dim3A_291, %add3A_599 : vector<16xf32>
      %add3A_601 = arith.constant 5 : i32
      %add3A_602 = arith.addi %mul3A_322, %add3A_601 : i32
      %swap3A_603 = arith.index_cast %add3A_602 : i32 to index
      %swap3A_604 = arith.constant 16 : index
      %swap3A_605 = tpu.vector_load %arg9[%swap3A_603, %swap3A_604] {strides = array<i32>} : memref<80x32xf32, #tpu.memory_space<vmem>>, vector<1x16xf32>,
      %swap3A_606 = vector.shape_cast %swap3A_605 : vector<1x16xf32> to vector<16xf32>
      %swap3A_607 = vector.shape_cast %div3A_600 : vector<16xf32> to vector<1x16xf32>
      tpu.vector_store %arg9[%swap3A_603, %swap3A_604], %swap3A_607 {strides = array<i32>} : memref<80x32xf32, #tpu.memory_space<vmem>>, vector<1x16xf32>,
      %add3A_608 = arith.constant 6 : i32
      %add3A_609 = arith.addi %mul3A_322, %add3A_608 : i32
      %get3A_610 = arith.index_cast %add3A_609 : i32 to index
      %get3A_611 = arith.constant 0 : index
      %get3A_612 = tpu.vector_load %arg9[%get3A_610, %get3A_611] {strides = array<i32>} : memref<80x32xf32, #tpu.memory_space<vmem>>, vector<1x16xf32>,
      %get3A_613 = vector.shape_cast %get3A_612 : vector<1x16xf32> to vector<16xf32>
      %add3A_614 = arith.constant 6 : i32
      %add3A_615 = arith.addi %mul3A_322, %add3A_614 : i32
      %get3A_616 = arith.index_cast %add3A_615 : i32 to index
      %get3A_617 = arith.constant 0 : index
      %get3A_618 = tpu.vector_load %arg13[%get3A_616, %get3A_617] {strides = array<i32>} : memref<80x32xf32, #tpu.memory_space<vmem>>, vector<1x16xf32>,
      %get3A_619 = vector.shape_cast %get3A_618 : vector<1x16xf32> to vector<16xf32>
      %mul3A_620 = arith.mulf %get3A_613, %get3A_619 : vector<16xf32>
      %add3A_621 = arith.constant 1.000000e+00 : f32
      %add3A_622 = vector.broadcast %add3A_621 : f32 to vector<16xf32>
      %add3A_623 = arith.addf %add3A_622, %mul3A_620 : vector<16xf32>
      %div3A_624 = arith.divf %broadcast_in_dim3A_291, %add3A_623 : vector<16xf32>
      %add3A_625 = arith.constant 6 : i32
      %add3A_626 = arith.addi %mul3A_322, %add3A_625 : i32
      %swap3A_627 = arith.index_cast %add3A_626 : i32 to index
      %swap3A_628 = arith.constant 0 : index
      %swap3A_629 = tpu.vector_load %arg9[%swap3A_627, %swap3A_628] {strides = array<i32>} : memref<80x32xf32, #tpu.memory_space<vmem>>, vector<1x16xf32>,
      %swap3A_630 = vector.shape_cast %swap3A_629 : vector<1x16xf32> to vector<16xf32>
      %swap3A_631 = vector.shape_cast %div3A_624 : vector<16xf32> to vector<1x16xf32>
      tpu.vector_store %arg9[%swap3A_627, %swap3A_628], %swap3A_631 {strides = array<i32>} : memref<80x32xf32, #tpu.memory_space<vmem>>, vector<1x16xf32>,
      %add3A_632 = arith.constant 6 : i32
      %add3A_633 = arith.addi %mul3A_322, %add3A_632 : i32
      %get3A_634 = arith.index_cast %add3A_633 : i32 to index
      %get3A_635 = arith.constant 16 : index
      %get3A_636 = tpu.vector_load %arg9[%get3A_634, %get3A_635] {strides = array<i32>} : memref<80x32xf32, #tpu.memory_space<vmem>>, vector<1x16xf32>,
      %get3A_637 = vector.shape_cast %get3A_636 : vector<1x16xf32> to vector<16xf32>
      %add3A_638 = arith.constant 6 : i32
      %add3A_639 = arith.addi %mul3A_322, %add3A_638 : i32
      %get3A_640 = arith.index_cast %add3A_639 : i32 to index
      %get3A_641 = arith.constant 16 : index
      %get3A_642 = tpu.vector_load %arg13[%get3A_640, %get3A_641] {strides = array<i32>} : memref<80x32xf32, #tpu.memory_space<vmem>>, vector<1x16xf32>,
      %get3A_643 = vector.shape_cast %get3A_642 : vector<1x16xf32> to vector<16xf32>
      %mul3A_644 = arith.mulf %get3A_637, %get3A_643 : vector<16xf32>
      %add3A_645 = arith.constant 1.000000e+00 : f32
      %add3A_646 = vector.broadcast %add3A_645 : f32 to vector<16xf32>
      %add3A_647 = arith.addf %add3A_646, %mul3A_644 : vector<16xf32>
      %div3A_648 = arith.divf %broadcast_in_dim3A_291, %add3A_647 : vector<16xf32>
      %add3A_649 = arith.constant 6 : i32
      %add3A_650 = arith.addi %mul3A_322, %add3A_649 : i32
      %swap3A_651 = arith.index_cast %add3A_650 : i32 to index
      %swap3A_652 = arith.constant 16 : index
      %swap3A_653 = tpu.vector_load %arg9[%swap3A_651, %swap3A_652] {strides = array<i32>} : memref<80x32xf32, #tpu.memory_space<vmem>>, vector<1x16xf32>,
      %swap3A_654 = vector.shape_cast %swap3A_653 : vector<1x16xf32> to vector<16xf32>
      %swap3A_655 = vector.shape_cast %div3A_648 : vector<16xf32> to vector<1x16xf32>
      tpu.vector_store %arg9[%swap3A_651, %swap3A_652], %swap3A_655 {strides = array<i32>} : memref<80x32xf32, #tpu.memory_space<vmem>>, vector<1x16xf32>,
      %add3A_656 = arith.constant 7 : i32
      %add3A_657 = arith.addi %mul3A_322, %add3A_656 : i32
      %get3A_658 = arith.index_cast %add3A_657 : i32 to index
      %get3A_659 = arith.constant 0 : index
      %get3A_660 = tpu.vector_load %arg9[%get3A_658, %get3A_659] {strides = array<i32>} : memref<80x32xf32, #tpu.memory_space<vmem>>, vector<1x16xf32>,
      %get3A_661 = vector.shape_cast %get3A_660 : vector<1x16xf32> to vector<16xf32>
      %add3A_662 = arith.constant 7 : i32
      %add3A_663 = arith.addi %mul3A_322, %add3A_662 : i32
      %get3A_664 = arith.index_cast %add3A_663 : i32 to index
      %get3A_665 = arith.constant 0 : index
      %get3A_666 = tpu.vector_load %arg13[%get3A_664, %get3A_665] {strides = array<i32>} : memref<80x32xf32, #tpu.memory_space<vmem>>, vector<1x16xf32>,
      %get3A_667 = vector.shape_cast %get3A_666 : vector<1x16xf32> to vector<16xf32>
      %mul3A_668 = arith.mulf %get3A_661, %get3A_667 : vector<16xf32>
      %add3A_669 = arith.constant 1.000000e+00 : f32
      %add3A_670 = vector.broadcast %add3A_669 : f32 to vector<16xf32>
      %add3A_671 = arith.addf %add3A_670, %mul3A_668 : vector<16xf32>
      %div3A_672 = arith.divf %broadcast_in_dim3A_291, %add3A_671 : vector<16xf32>
      %add3A_673 = arith.constant 7 : i32
      %add3A_674 = arith.addi %mul3A_322, %add3A_673 : i32
      %swap3A_675 = arith.index_cast %add3A_674 : i32 to index
      %swap3A_676 = arith.constant 0 : index
      %swap3A_677 = tpu.vector_load %arg9[%swap3A_675, %swap3A_676] {strides = array<i32>} : memref<80x32xf32, #tpu.memory_space<vmem>>, vector<1x16xf32>,
      %swap3A_678 = vector.shape_cast %swap3A_677 : vector<1x16xf32> to vector<16xf32>
      %swap3A_679 = vector.shape_cast %div3A_672 : vector<16xf32> to vector<1x16xf32>
      tpu.vector_store %arg9[%swap3A_675, %swap3A_676], %swap3A_679 {strides = array<i32>} : memref<80x32xf32, #tpu.memory_space<vmem>>, vector<1x16xf32>,
      %add3A_680 = arith.constant 7 : i32
      %add3A_681 = arith.addi %mul3A_322, %add3A_680 : i32
      %get3A_682 = arith.index_cast %add3A_681 : i32 to index
      %get3A_683 = arith.constant 16 : index
      %get3A_684 = tpu.vector_load %arg9[%get3A_682, %get3A_683] {strides = array<i32>} : memref<80x32xf32, #tpu.memory_space<vmem>>, vector<1x16xf32>,
      %get3A_685 = vector.shape_cast %get3A_684 : vector<1x16xf32> to vector<16xf32>
      %add3A_686 = arith.constant 7 : i32
      %add3A_687 = arith.addi %mul3A_322, %add3A_686 : i32
      %get3A_688 = arith.index_cast %add3A_687 : i32 to index
      %get3A_689 = arith.constant 16 : index
      %get3A_690 = tpu.vector_load %arg13[%get3A_688, %get3A_689] {strides = array<i32>} : memref<80x32xf32, #tpu.memory_space<vmem>>, vector<1x16xf32>,
      %get3A_691 = vector.shape_cast %get3A_690 : vector<1x16xf32> to vector<16xf32>
      %mul3A_692 = arith.mulf %get3A_685, %get3A_691 : vector<16xf32>
      %add3A_693 = arith.constant 1.000000e+00 : f32
      %add3A_694 = vector.broadcast %add3A_693 : f32 to vector<16xf32>
      %add3A_695 = arith.addf %add3A_694, %mul3A_692 : vector<16xf32>
      %div3A_696 = arith.divf %broadcast_in_dim3A_291, %add3A_695 : vector<16xf32>
      %add3A_697 = arith.constant 7 : i32
      %add3A_698 = arith.addi %mul3A_322, %add3A_697 : i32
      %swap3A_699 = arith.index_cast %add3A_698 : i32 to index
      %swap3A_700 = arith.constant 16 : index
      %swap3A_701 = tpu.vector_load %arg9[%swap3A_699, %swap3A_700] {strides = array<i32>} : memref<80x32xf32, #tpu.memory_space<vmem>>, vector<1x16xf32>,
      %swap3A_702 = vector.shape_cast %swap3A_701 : vector<1x16xf32> to vector<16xf32>
      %swap3A_703 = vector.shape_cast %div3A_696 : vector<16xf32> to vector<1x16xf32>
      tpu.vector_store %arg9[%swap3A_699, %swap3A_700], %swap3A_703 {strides = array<i32>} : memref<80x32xf32, #tpu.memory_space<vmem>>, vector<1x16xf32>,
    }
    %scan3A_297 = arith.constant 10 : i32
    %dma_start3A_298 = arith.constant 124 : i32
    %dma_start3A_299 = arith.constant 0 : i32
    %dma_start3A_300 = tpu.memref_slice %arg7[%dma_start3A_298, %dma_start3A_299] : memref<125x80xi32, #tpu.memory_space<vmem>> -> memref<1x80xi32, #tpu.memory_space<vmem>>
    %dma_start3A_301 = tpu.memref_squeeze %dma_start3A_300 : memref<1x80xi32, #tpu.memory_space<vmem>> -> memref<80xi32, #tpu.memory_space<vmem>>
    %dma_start3A_302 = arith.constant 0 : i32
    %dma_start3A_303 = arith.constant 0 : i32
    %dma_start3A_304 = tpu.memref_slice %arg20[%dma_start3A_302, %dma_start3A_303] : memref<10240x32xf32, #tpu.memory_space<vmem_shared>> -> memref<10240x32xf32, #tpu.memory_space<vmem_shared>>
    tpu.enqueue_indirect_dma source(%arg9 : memref<80x32xf32, #tpu.memory_space<vmem>>) target(%dma_start3A_304 : memref<10240x32xf32, #tpu.memory_space<vmem_shared>>) offsets(%dma_start3A_301 : memref<80xi32, #tpu.memory_space<vmem>>) semaphore(%arg29 : memref<!tpu.dma_semaphore, #tpu.memory_space<semaphore_mem>>) {add = true}
    %dma_wait3A_305 = arith.constant 123 : i32
    %dma_wait3A_306 = arith.constant 0 : i32
    %dma_wait3A_307 = tpu.memref_slice %arg7[%dma_wait3A_305, %dma_wait3A_306] : memref<125x80xi32, #tpu.memory_space<vmem>> -> memref<1x80xi32, #tpu.memory_space<vmem>>
    %dma_wait3A_308 = tpu.memref_squeeze %dma_wait3A_307 : memref<1x80xi32, #tpu.memory_space<vmem>> -> memref<80xi32, #tpu.memory_space<vmem>>
    %dma_wait3A_309 = arith.constant 0 : i32
    %dma_wait3A_310 = arith.constant 0 : i32
    %dma_wait3A_311 = tpu.memref_slice %arg20[%dma_wait3A_309, %dma_wait3A_310] : memref<10240x32xf32, #tpu.memory_space<vmem_shared>> -> memref<10240x32xf32, #tpu.memory_space<vmem_shared>>
    tpu.wait_indirect_dma semaphore(%arg32 : memref<!tpu.dma_semaphore, #tpu.memory_space<semaphore_mem>>) src(%arg12 : memref<80x32xf32, #tpu.memory_space<vmem>>) dst(%dma_wait3A_311 : memref<10240x32xf32, #tpu.memory_space<vmem_shared>>)
    %dma_wait3A_312 = arith.constant 124 : i32
    %dma_wait3A_313 = arith.constant 0 : i32
    %dma_wait3A_314 = tpu.memref_slice %arg7[%dma_wait3A_312, %dma_wait3A_313] : memref<125x80xi32, #tpu.memory_space<vmem>> -> memref<1x80xi32, #tpu.memory_space<vmem>>
    %dma_wait3A_315 = tpu.memref_squeeze %dma_wait3A_314 : memref<1x80xi32, #tpu.memory_space<vmem>> -> memref<80xi32, #tpu.memory_space<vmem>>
    %dma_wait3A_316 = arith.constant 0 : i32
    %dma_wait3A_317 = arith.constant 0 : i32
    %dma_wait3A_318 = tpu.memref_slice %arg20[%dma_wait3A_316, %dma_wait3A_317] : memref<10240x32xf32, #tpu.memory_space<vmem_shared>> -> memref<10240x32xf32, #tpu.memory_space<vmem_shared>>
    tpu.wait_indirect_dma semaphore(%arg29 : memref<!tpu.dma_semaphore, #tpu.memory_space<semaphore_mem>>) src(%arg9 : memref<80x32xf32, #tpu.memory_space<vmem>>) dst(%dma_wait3A_318 : memref<10240x32xf32, #tpu.memory_space<vmem_shared>>)
    %barrier3A_319 = arith.constant 0 : index
    tpu.barrier barrier_id(%barrier3A_319)
    "tpu.region"() ({
      %run_scoped3A = tpu.sem_alloc : memref<!tpu.dma_semaphore, #tpu.memory_space<semaphore_mem>>
      %dma_start3A_320 = arith.constant 0 : i32
      %dma_start3A_321 = tpu.memref_slice %arg6[%arg0, %mul3A_2, %dma_start3A_320] : memref<2x10240x32xf32, #tpu.memory_space<hbm>> -> memref<1x640x32xf32, #tpu.memory_space<hbm>>
      %dma_start3A_322 = tpu.memref_squeeze %dma_start3A_321 : memref<1x640x32xf32, #tpu.memory_space<hbm>> -> memref<640x32xf32, #tpu.memory_space<hbm>>
      %dma_start3A_323 = arith.constant 0 : i32
      %dma_start3A_324 = tpu.memref_slice %arg20[%mul3A_2, %dma_start3A_323] : memref<10240x32xf32, #tpu.memory_space<vmem_shared>> -> memref<640x32xf32, #tpu.memory_space<vmem_shared>>
      tpu.enqueue_dma source(%dma_start3A_324 : memref<640x32xf32, #tpu.memory_space<vmem_shared>>) target(%dma_start3A_322 : memref<640x32xf32, #tpu.memory_space<hbm>>) target_semaphore(%run_scoped3A : memref<!tpu.dma_semaphore, #tpu.memory_space<semaphore_mem>>)
      %dma_wait3A_325 = arith.constant 0 : i32
      %dma_wait3A_326 = tpu.memref_slice %arg6[%arg0, %mul3A_2, %dma_wait3A_325] : memref<2x10240x32xf32, #tpu.memory_space<hbm>> -> memref<1x640x32xf32, #tpu.memory_space<hbm>>
      %dma_wait3A_327 = tpu.memref_squeeze %dma_wait3A_326 : memref<1x640x32xf32, #tpu.memory_space<hbm>> -> memref<640x32xf32, #tpu.memory_space<hbm>>
      %dma_wait3A_328 = arith.constant 0 : i32
      %dma_wait3A_329 = tpu.memref_slice %arg20[%mul3A_2, %dma_wait3A_328] : memref<10240x32xf32, #tpu.memory_space<vmem_shared>> -> memref<640x32xf32, #tpu.memory_space<vmem_shared>>
      tpu.wait_dma2 semaphore(%run_scoped3A : memref<!tpu.dma_semaphore, #tpu.memory_space<semaphore_mem>>) src(%dma_wait3A_329 : memref<640x32xf32, #tpu.memory_space<vmem_shared>>) dst(%dma_wait3A_327 : memref<640x32xf32, #tpu.memory_space<hbm>>)
      tpu.yield
    }) : () -> ()
    return
  }
}

module attributes {stable_mosaic.version = 14 : i64} {
  func.func @_proj_body(%arg0: i32, %arg1: memref<1000x128xf32, #tpu.memory_space<vmem>>, %arg2: memref<128x32xf32, #tpu.memory_space<vmem>>, %arg3: memref<128x32xf32, #tpu.memory_space<vmem>>, %arg4: memref<1x32xf32, #tpu.memory_space<vmem>>, %arg5: memref<1000x32xf32, #tpu.memory_space<vmem>>, %arg6: memref<1000x32xf32, #tpu.memory_space<vmem>>) attributes {dimension_semantics = [#tpu.dimension_semantics<arbitrary>], iteration_bounds = array<i64: 10>, scalar_prefetch = 0 : i64, scratch_operands = 0 : i64, tpu.core_type = #tpu.core_type<tc>, window_params = [{transform_indices = @transform_0, window_bounds = array<i64: 1000, 128>}, {pipeline_mode = #tpu.pipeline_mode<synchronous>, transform_indices = @transform_1, window_bounds = array<i64: 128, 32>}, {pipeline_mode = #tpu.pipeline_mode<synchronous>, transform_indices = @transform_2, window_bounds = array<i64: 128, 32>}, {pipeline_mode = #tpu.pipeline_mode<synchronous>, transform_indices = @transform_3, window_bounds = array<i64: 1, 32>}, {transform_indices = @transform_4, window_bounds = array<i64: 1000, 32>}, {transform_indices = @transform_5, window_bounds = array<i64: 1000, 32>}]} {
    %get3A = arith.constant 0 : index
    %get3A_0 = arith.constant 0 : index
    %get3A_1 = vector.load %arg1[%get3A, %get3A_0] : memref<1000x128xf32, #tpu.memory_space<vmem>>, vector<1000x128xf32>
    %get3A_2 = arith.constant 0 : index
    %get3A_3 = arith.constant 0 : index
    %get3A_4 = vector.load %arg2[%get3A_2, %get3A_3] : memref<128x32xf32, #tpu.memory_space<vmem>>, vector<128x32xf32>
    %dot_general3A = arith.constant dense<0.000000e+00> : vector<1000x32xf32>
    %dot_general3A_5 = tpu.matmul %get3A_1, %get3A_4, %dot_general3A {dimension_numbers = #tpu.dot_dimension_numbers<[1], [0], [0], [1], [0, 0, 1, 1], [], []>, transpose_lhs_hint = false} : vector<1000x128xf32>, vector<128x32xf32>, vector<1000x32xf32> -> vector<1000x32xf32>
    %get3A_6 = arith.constant 0 : index
    %get3A_7 = arith.constant 0 : index
    %get3A_8 = vector.load %arg4[%get3A_6, %get3A_7] : memref<1x32xf32, #tpu.memory_space<vmem>>, vector<1x32xf32>
    %add3A = vector.broadcast %get3A_8 : vector<1x32xf32> to vector<1000x32xf32>
    %add3A_9 = arith.addf %dot_general3A_5, %add3A : vector<1000x32xf32>
    %neg3A = arith.constant 0.000000e+00 : f32
    %neg3A_10 = vector.broadcast %neg3A : f32 to vector<1000x32xf32>
    %neg3A_11 = arith.subf %neg3A_10, %add3A_9 : vector<1000x32xf32>
    %exp3A = math.exp %neg3A_11 : vector<1000x32xf32>
    %swap3A = arith.constant 0 : index
    %swap3A_12 = arith.constant 0 : index
    %swap3A_13 = vector.load %arg5[%swap3A, %swap3A_12] : memref<1000x32xf32, #tpu.memory_space<vmem>>, vector<1000x32xf32>
    tpu.vector_store %arg5[%swap3A, %swap3A_12], %exp3A {strides = array<i32>} : memref<1000x32xf32, #tpu.memory_space<vmem>>, vector<1000x32xf32>,
    %get3A_14 = arith.constant 0 : index
    %get3A_15 = arith.constant 0 : index
    %get3A_16 = vector.load %arg3[%get3A_14, %get3A_15] : memref<128x32xf32, #tpu.memory_space<vmem>>, vector<128x32xf32>
    %dot_general3A_17 = arith.constant dense<0.000000e+00> : vector<1000x32xf32>
    %dot_general3A_18 = tpu.matmul %get3A_1, %get3A_16, %dot_general3A_17 {dimension_numbers = #tpu.dot_dimension_numbers<[1], [0], [0], [1], [0, 0, 1, 1], [], []>, transpose_lhs_hint = false} : vector<1000x128xf32>, vector<128x32xf32>, vector<1000x32xf32> -> vector<1000x32xf32>
    %neg3A_19 = arith.constant 0.000000e+00 : f32
    %neg3A_20 = vector.broadcast %neg3A_19 : f32 to vector<1000x32xf32>
    %neg3A_21 = arith.subf %neg3A_20, %dot_general3A_18 : vector<1000x32xf32>
    %exp3A_22 = math.exp %neg3A_21 : vector<1000x32xf32>
    %swap3A_23 = arith.constant 0 : index
    %swap3A_24 = arith.constant 0 : index
    %swap3A_25 = vector.load %arg6[%swap3A_23, %swap3A_24] : memref<1000x32xf32, #tpu.memory_space<vmem>>, vector<1000x32xf32>
    tpu.vector_store %arg6[%swap3A_23, %swap3A_24], %exp3A_22 {strides = array<i32>} : memref<1000x32xf32, #tpu.memory_space<vmem>>, vector<1000x32xf32>,
    return
  }
  func.func @transform_0(%arg0: i32) -> (i32, i32) {
    %c0_i32 = arith.constant 0 : i32
    %c0_i32_0 = arith.constant 0 : i32
    return %arg0, %c0_i32 : i32, i32
  }
  func.func @transform_1(%arg0: i32) -> (i32, i32) {
    %c0_i32 = arith.constant 0 : i32
    %c0_i32_0 = arith.constant 0 : i32
    %c0_i32_1 = arith.constant 0 : i32
    return %c0_i32, %c0_i32_0 : i32, i32
  }
  func.func @transform_2(%arg0: i32) -> (i32, i32) {
    %c0_i32 = arith.constant 0 : i32
    %c0_i32_0 = arith.constant 0 : i32
    %c0_i32_1 = arith.constant 0 : i32
    return %c0_i32, %c0_i32_0 : i32, i32
  }
  func.func @transform_3(%arg0: i32) -> (i32, i32) {
    %c0_i32 = arith.constant 0 : i32
    %c0_i32_0 = arith.constant 0 : i32
    %c0_i32_1 = arith.constant 0 : i32
    return %c0_i32, %c0_i32_0 : i32, i32
  }
  func.func @transform_4(%arg0: i32) -> (i32, i32) {
    %c0_i32 = arith.constant 0 : i32
    %c0_i32_0 = arith.constant 0 : i32
    return %arg0, %c0_i32 : i32, i32
  }
  func.func @transform_5(%arg0: i32) -> (i32, i32) {
    %c0_i32 = arith.constant 0 : i32
    %c0_i32_0 = arith.constant 0 : i32
    return %arg0, %c0_i32 : i32, i32
  }
}

module attributes {stable_mosaic.version = 14 : i64} {
  func.func @_final_body(%arg0: i32, %arg1: memref<1000x128xf32, #tpu.memory_space<vmem>>, %arg2: memref<1x1000x32xf32, #tpu.memory_space<vmem>>, %arg3: memref<1x1000x32xf32, #tpu.memory_space<vmem>>, %arg4: memref<128x32xf32, #tpu.memory_space<vmem>>, %arg5: memref<1x32xf32, #tpu.memory_space<vmem>>, %arg6: memref<32x128xf32, #tpu.memory_space<vmem>>, %arg7: memref<32x128xf32, #tpu.memory_space<vmem>>, %arg8: memref<1x128xf32, #tpu.memory_space<vmem>>, %arg9: memref<1000x128xf32, #tpu.memory_space<vmem>>) attributes {dimension_semantics = [#tpu.dimension_semantics<arbitrary>], iteration_bounds = array<i64: 10>, scalar_prefetch = 0 : i64, scratch_operands = 0 : i64, tpu.core_type = #tpu.core_type<tc>, window_params = [{transform_indices = @transform_0, window_bounds = array<i64: 1000, 128>}, {transform_indices = @transform_1, window_bounds = array<i64: 1, 1000, 32>}, {transform_indices = @transform_2, window_bounds = array<i64: 1, 1000, 32>}, {pipeline_mode = #tpu.pipeline_mode<synchronous>, transform_indices = @transform_3, window_bounds = array<i64: 128, 32>}, {pipeline_mode = #tpu.pipeline_mode<synchronous>, transform_indices = @transform_4, window_bounds = array<i64: 1, 32>}, {pipeline_mode = #tpu.pipeline_mode<synchronous>, transform_indices = @transform_5, window_bounds = array<i64: 32, 128>}, {pipeline_mode = #tpu.pipeline_mode<synchronous>, transform_indices = @transform_6, window_bounds = array<i64: 32, 128>}, {pipeline_mode = #tpu.pipeline_mode<synchronous>, transform_indices = @transform_7, window_bounds = array<i64: 1, 128>}, {transform_indices = @transform_8, window_bounds = array<i64: 1000, 128>}]} {
    %get3A = arith.constant 0 : index
    %get3A_0 = arith.constant 0 : index
    %get3A_1 = vector.load %arg1[%get3A, %get3A_0] : memref<1000x128xf32, #tpu.memory_space<vmem>>, vector<1000x128xf32>
    %get3A_2 = arith.constant 0 : index
    %get3A_3 = arith.constant 0 : index
    %get3A_4 = vector.load %arg4[%get3A_2, %get3A_3] : memref<128x32xf32, #tpu.memory_space<vmem>>, vector<128x32xf32>
    %dot_general3A = arith.constant dense<0.000000e+00> : vector<1000x32xf32>
    %dot_general3A_5 = tpu.matmul %get3A_1, %get3A_4, %dot_general3A {dimension_numbers = #tpu.dot_dimension_numbers<[1], [0], [0], [1], [0, 0, 1, 1], [], []>, transpose_lhs_hint = false} : vector<1000x128xf32>, vector<128x32xf32>, vector<1000x32xf32> -> vector<1000x32xf32>
    %get3A_6 = arith.constant 0 : index
    %get3A_7 = arith.constant 0 : index
    %get3A_8 = vector.load %arg5[%get3A_6, %get3A_7] : memref<1x32xf32, #tpu.memory_space<vmem>>, vector<1x32xf32>
    %add3A = vector.broadcast %get3A_8 : vector<1x32xf32> to vector<1000x32xf32>
    %add3A_9 = arith.addf %dot_general3A_5, %add3A : vector<1000x32xf32>
    %logistic3A = arith.negf %add3A_9 : vector<1000x32xf32>
    %logistic3A_10 = math.exp %logistic3A : vector<1000x32xf32>
    %logistic3A_11 = arith.constant 1.000000e+00 : f32
    %logistic3A_12 = vector.broadcast %logistic3A_11 : f32 to vector<1000x32xf32>
    %logistic3A_13 = arith.addf %logistic3A_12, %logistic3A_10 : vector<1000x32xf32>
    %logistic3A_14 = arith.divf %logistic3A_12, %logistic3A_13 : vector<1000x32xf32>
    %get3A_15 = arith.constant 0 : index
    %get3A_16 = arith.constant 0 : index
    %get3A_17 = arith.constant 0 : index
    %get3A_18 = vector.load %arg2[%get3A_15, %get3A_16, %get3A_17] : memref<1x1000x32xf32, #tpu.memory_space<vmem>>, vector<1x1000x32xf32>
    %get3A_19 = vector.shape_cast %get3A_18 : vector<1x1000x32xf32> to vector<1000x32xf32>
    %get3A_20 = arith.constant 0 : index
    %get3A_21 = arith.constant 0 : index
    %get3A_22 = arith.constant 0 : index
    %get3A_23 = vector.load %arg3[%get3A_20, %get3A_21, %get3A_22] : memref<1x1000x32xf32, #tpu.memory_space<vmem>>, vector<1x1000x32xf32>
    %get3A_24 = vector.shape_cast %get3A_23 : vector<1x1000x32xf32> to vector<1000x32xf32>
    %add3A_25 = arith.addf %get3A_19, %get3A_24 : vector<1000x32xf32>
    %get3A_26 = arith.constant 0 : index
    %get3A_27 = arith.constant 0 : index
    %get3A_28 = vector.load %arg6[%get3A_26, %get3A_27] : memref<32x128xf32, #tpu.memory_space<vmem>>, vector<32x128xf32>
    %dot_general3A_29 = arith.constant dense<0.000000e+00> : vector<1000x128xf32>
    %dot_general3A_30 = tpu.matmul %logistic3A_14, %get3A_28, %dot_general3A_29 {dimension_numbers = #tpu.dot_dimension_numbers<[1], [0], [0], [1], [0, 0, 1, 1], [], []>, transpose_lhs_hint = false} : vector<1000x32xf32>, vector<32x128xf32>, vector<1000x128xf32> -> vector<1000x128xf32>
    %get3A_31 = arith.constant 0 : index
    %get3A_32 = arith.constant 0 : index
    %get3A_33 = vector.load %arg7[%get3A_31, %get3A_32] : memref<32x128xf32, #tpu.memory_space<vmem>>, vector<32x128xf32>
    %dot_general3A_34 = arith.constant dense<0.000000e+00> : vector<1000x128xf32>
    %dot_general3A_35 = tpu.matmul %add3A_25, %get3A_33, %dot_general3A_34 {dimension_numbers = #tpu.dot_dimension_numbers<[1], [0], [0], [1], [0, 0, 1, 1], [], []>, transpose_lhs_hint = false} : vector<1000x32xf32>, vector<32x128xf32>, vector<1000x128xf32> -> vector<1000x128xf32>
    %add3A_36 = arith.addf %dot_general3A_30, %dot_general3A_35 : vector<1000x128xf32>
    %get3A_37 = arith.constant 0 : index
    %get3A_38 = arith.constant 0 : index
    %get3A_39 = vector.load %arg8[%get3A_37, %get3A_38] : memref<1x128xf32, #tpu.memory_space<vmem>>, vector<1x128xf32>
    %add3A_40 = vector.broadcast %get3A_39 : vector<1x128xf32> to vector<1000x128xf32>
    %add3A_41 = arith.addf %add3A_36, %add3A_40 : vector<1000x128xf32>
    %tanh3A = math.tanh %add3A_41 : vector<1000x128xf32>
    %swap3A = arith.constant 0 : index
    %swap3A_42 = arith.constant 0 : index
    %swap3A_43 = vector.load %arg9[%swap3A, %swap3A_42] : memref<1000x128xf32, #tpu.memory_space<vmem>>, vector<1000x128xf32>
    tpu.vector_store %arg9[%swap3A, %swap3A_42], %tanh3A {strides = array<i32>} : memref<1000x128xf32, #tpu.memory_space<vmem>>, vector<1000x128xf32>,
    return
  }
  func.func @transform_0(%arg0: i32) -> (i32, i32) {
    %c0_i32 = arith.constant 0 : i32
    %c0_i32_0 = arith.constant 0 : i32
    return %arg0, %c0_i32 : i32, i32
  }
  func.func @transform_1(%arg0: i32) -> (i32, i32, i32) {
    %c0_i32 = arith.constant 0 : i32
    %c0_i32_0 = arith.constant 0 : i32
    %c0_i32_1 = arith.constant 0 : i32
    return %c0_i32, %arg0, %c0_i32_0 : i32, i32, i32
  }
  func.func @transform_2(%arg0: i32) -> (i32, i32, i32) {
    %c1_i32 = arith.constant 1 : i32
    %c0_i32 = arith.constant 0 : i32
    %c0_i32_0 = arith.constant 0 : i32
    return %c1_i32, %arg0, %c0_i32 : i32, i32, i32
  }
  func.func @transform_3(%arg0: i32) -> (i32, i32) {
    %c0_i32 = arith.constant 0 : i32
    %c0_i32_0 = arith.constant 0 : i32
    %c0_i32_1 = arith.constant 0 : i32
    return %c0_i32, %c0_i32_0 : i32, i32
  }
  func.func @transform_4(%arg0: i32) -> (i32, i32) {
    %c0_i32 = arith.constant 0 : i32
    %c0_i32_0 = arith.constant 0 : i32
    %c0_i32_1 = arith.constant 0 : i32
    return %c0_i32, %c0_i32_0 : i32, i32
  }
  func.func @transform_5(%arg0: i32) -> (i32, i32) {
    %c0_i32 = arith.constant 0 : i32
    %c0_i32_0 = arith.constant 0 : i32
    %c0_i32_1 = arith.constant 0 : i32
    return %c0_i32, %c0_i32_0 : i32, i32
  }
  func.func @transform_6(%arg0: i32) -> (i32, i32) {
    %c0_i32 = arith.constant 0 : i32
    %c0_i32_0 = arith.constant 0 : i32
    %c0_i32_1 = arith.constant 0 : i32
    return %c0_i32, %c0_i32_0 : i32, i32
  }
  func.func @transform_7(%arg0: i32) -> (i32, i32) {
    %c0_i32 = arith.constant 0 : i32
    %c0_i32_0 = arith.constant 0 : i32
    %c0_i32_1 = arith.constant 0 : i32
    return %c0_i32, %c0_i32_0 : i32, i32
  }
  func.func @transform_8(%arg0: i32) -> (i32, i32) {
    %c0_i32 = arith.constant 0 : i32
    %c0_i32_0 = arith.constant 0 : i32
    return %arg0, %c0_i32 : i32, i32
  }
}

</mosaic_0001>

<sc_bundles>
// kernel: kernel.5.cloned.1.call-start
scs
__scs_entry_jumppad:
0x0: {  	(pc) =	sbr.rel $0x88, $3  }
0x1: {  	(tag) =	ssettag $0x0;
	lr =	simm.s32 $0x1  }
0x2: {  	[smem:$0x3F99] =	sst lr;
	_ =	strace $0xD0000000  }
0x3: {  	_ = 	snop  }
0x4: {  	_ = 	snop  }
0x5: {  	_ = 	snop  }
0x6: {  	_ = 	snop  }
0x7: {  	_ = 	snop  }
__scs_overlays_trampoline_lowered:
0x8: {  	[smem:$0x3FA8] =	sst s0  }
0x9: {  	[smem:$0x3FA9] =	sst s1  }
0xa: {  	[smem:$0x3FAA] =	sst s2  }
0xb: {  	[smem:$0x3FAB] =	sst s3  }
0xc: {  	[smem:$0x3FAC] =	sst s4  }
0xd: {  	[smem:$0x3FAD] =	sst s5  }
0xe: {  	[smem:$0x3FAE] =	sst s6  }
0xf: {  	[smem:$0x3FAF] =	sst s7  }
0x10: {  	[smem:$0x3FB0] =	sst s8  }
0x11: {  	[smem:$0x3FB1] =	sst s9;
	s0 =	simm.s32 @!p0 $0x0  }
0x12: {  	s1 =	sld [smem:$0x3F97];
	s0 =	simm.s32 @p0 $0x1  }
0x13: {  	[smem:$0x3FB2] =	sst s0;
	s0 =	simm.s32 @!p1 $0x0  }
0x14: {  	s2 =	sld [smem:$0x3F96];
	s0 =	simm.s32 @p1 $0x1  }
0x15: {  	[smem:$0x3FB3] =	sst s0;
	s0 =	simm.s32 @!p2 $0x0  }
0x16: {  	s3 =	sld [smem:$0x3FDB];
	s0 =	simm.s32 @p2 $0x1  }
0x17: {  	s4 =	simm.s32 $0x1BF5;
	[smem:$0x3FB5] =	sst s0  }
0x18: {  	s0 =	sld [smem:$0x3F98];
	_ =	swait.ge [sflag:s4], $0x0  }
0x19: {  	s7 =	sld [smem:$0x3F99]  }
0x1a: {  	s8 =	sadd.s32 $0xFFFFE003, lr  }
0x1b: {  	s9 =	sadd.s32 $0xFFFFFEF7, lr;
	s5 =	simm.s32 $0xFFFFFFFF;
	p2 =	slt.u32 s8, $0xFFFFF086  }
0x1c: {  	p1 =	slt.u32 s9, $0xF7A;
	s5 =	simm.s32 @!p2 $0x0  }
0x1d: {  	s5 =	simm.s32 @p1 $0x1;
	p0 =	seq.s32 s7, s2  }
0x1e: {  	s7 =	smul.u32 @!p0 $0xF7A, s2;
	p2 =	seq.s32 @!p0 s5, $0x0  }
0x1f: {  	s9 =	smul.u32 $0xF7A, s1;
	s8 =	simm.s32 @!p0 $0x1BF5;
	p2 =	por !p2, p0  }
0x20: {  	[sflag:s8] =	ssyncset.s32 @!p0 $0xFFFFF086;
	s6 =	sadd.s32 @!p0 s3, s7;
	s7 =	simm.s32 @!p0 $0x108  }
0x21: {  	s3 =	sadd.s32 s3, s9;
	s6 =	sadd.s32 @!p0 $0x88, s6;
	s7 =	simm.s32 @p2 $0x1082  }
0x22: {  	[simem:s7], [sflag:s8] =	dma.local @!p0 [hbm:s6], $0xF7A  }
0x23: {  	s9 =	sor.u32 $0xD0000000, s2;
	s6 =	simm.s32 $0x108;
	_ =	swait.ge @!p0 [sflag:s8], $0x0  }
0x24: {  	s3 =	sadd.s32 $0x88, s3;
	s6 =	simm.s32 @!p1 $0x1082;
	[sflag:s4] =	ssyncset.s32 $0xFFFFF086  }
0x25: {  	[simem:s6], [sflag:s4] =	dma.local [hbm:s3], $0xF7A  }
0x26: {  	[smem:$0x3F99] =	sst s1;
	(tag) =	ssettag s2;
	_ =	strace s9  }
0x27: {  	s1 =	sld [smem:$0x3FA9]  }
0x28: {  	s2 =	sld [smem:$0x3FAA]  }
0x29: {  	s4 =	sld [smem:$0x3FAC]  }
0x2a: {  	p0 =	seq.s32 s5, $0x0;
	s5 =	sld [smem:$0x3FAD]  }
0x2b: {  	s6 =	sld [smem:$0x3FAE]  }
0x2c: {  	s7 =	sld [smem:$0x3FAF]  }
0x2d: {  	s3 =	simm.s32 $0x108;
	s8 =	sld [smem:$0x3FB0]  }
0x2e: {  	s3 =	simm.s32 @!p0 $0x1082;
	s9 =	sld [smem:$0x3FB1]  }
0x2f: {  	lr =	sadd.s32 s0, s3;
	s0 =	sld [smem:$0x3FA8]  }
0x30: {  	s3 =	sld [smem:$0x3FAB]  }
0x31: {  	[smem:$0x3FB4] =	sst s10  }
0x32: {  	s10 =	sld [smem:$0x3FB2];
	_ =	sdelay $0x3  }
0x33: {  	p0 =	seq.s32 s10, $0x1;
	s10 =	sld [smem:$0x3FB4];
	_ =	sdelay $0x3  }
0x34: {  	[smem:$0x3FB4] =	sst s10  }
0x35: {  	s10 =	sld [smem:$0x3FB3];
	_ =	sdelay $0x3  }
0x36: {  	p1 =	seq.s32 s10, $0x1;
	s10 =	sld [smem:$0x3FB4];
	_ =	sdelay $0x3  }
0x37: {  	[smem:$0x3FB4] =	sst s10  }
0x38: {  	s10 =	sld [smem:$0x3FB5]  }
0x39: {  	_ = 	snop;
	(pc) =	sbr.ind lr, $3  }
0x3a: {  	_ = 	snop  }
0x3b: {  	_ = 	snop  }
0x3c: {  	p2 =	seq.s32 s10, $0x1;
	s10 =	sld [smem:$0x3FB4]  }
0x3d: {  	_ =	shalt  }
0x3e: {  	_ =	shalt  }
0x3f: {  	_ =	shalt  }
0x40: {  	_ =	shalt  }
0x41: {  	_ =	shalt  }
0x42: {  	_ =	shalt  }
0x43: {  	_ =	shalt  }
0x44: {  	_ =	shalt  }
0x45: {  	_ =	shalt  }
0x46: {  	_ =	shalt  }
0x47: {  	_ =	shalt  }
0x48: {  	_ =	shalt  }
0x49: {  	_ =	shalt  }
0x4a: {  	_ =	shalt  }
0x4b: {  	_ =	shalt  }
0x4c: {  	_ =	shalt  }
0x4d: {  	_ =	shalt  }
0x4e: {  	_ =	shalt  }
0x4f: {  	_ =	shalt  }
0x50: {  	_ =	shalt  }
0x51: {  	_ =	shalt  }
0x52: {  	_ =	shalt  }
0x53: {  	_ =	shalt  }
0x54: {  	_ =	shalt  }
0x55: {  	_ =	shalt  }
0x56: {  	_ =	shalt  }
0x57: {  	_ =	shalt  }
0x58: {  	_ =	shalt  }
0x59: {  	_ =	shalt  }
0x5a: {  	_ =	shalt  }
0x5b: {  	_ =	shalt  }
0x5c: {  	_ =	shalt  }
0x5d: {  	_ =	shalt  }
0x5e: {  	_ =	shalt  }
0x5f: {  	_ =	shalt  }
0x60: {  	_ =	shalt  }
0x61: {  	_ =	shalt  }
0x62: {  	_ =	shalt  }
0x63: {  	_ =	shalt  }
0x64: {  	_ =	shalt  }
0x65: {  	_ =	shalt  }
0x66: {  	_ =	shalt  }
0x67: {  	_ =	shalt  }
0x68: {  	_ =	shalt  }
0x69: {  	_ =	shalt  }
0x6a: {  	_ =	shalt  }
0x6b: {  	_ =	shalt  }
0x6c: {  	_ =	shalt  }
0x6d: {  	_ =	shalt  }
0x6e: {  	_ =	shalt  }
0x6f: {  	_ =	shalt  }
0x70: {  	_ =	shalt  }
0x71: {  	_ =	shalt  }
0x72: {  	_ =	shalt  }
0x73: {  	_ =	shalt  }
0x74: {  	_ =	shalt  }
0x75: {  	_ =	shalt  }
0x76: {  	_ =	shalt  }
0x77: {  	_ =	shalt  }
0x78: {  	_ =	shalt  }
0x79: {  	_ =	shalt  }
0x7a: {  	_ =	shalt  }
0x7b: {  	_ =	shalt  }
0x7c: {  	_ =	shalt  }
0x7d: {  	_ =	shalt  }
0x7e: {  	_ =	shalt  }
0x7f: {  	_ =	shalt  }
0x80: {  	_ =	shalt  }
0x81: {  	_ =	shalt  }
0x82: {  	_ =	shalt  }
0x83: {  	_ =	shalt  }
0x84: {  	_ =	shalt  }
0x85: {  	_ =	shalt  }
0x86: {  	_ =	shalt  }
0x87: {  	_ =	shalt  }
.Lfunc_end0:
.L_simem_size_0:
called_computation_lowered:
.L_overlay_start_0:
0x88: {  	s2 =	sld [smem:$0x3FD9]  }
0x89: {  	s3 =	sld [smem:$0x3FFE];
	_ =	sdelay $0x1  }
0x8a: {  	s1 =	srdreg.scid  }
0x8b: {  	s0 =	sand.u32 $0x1, s1  }
0x8c: {  	s17 =	sshll.u32 s0, $0xA;
	s2 =	sadd.s32 s3, s2  }
0x8d: {  	s2 =	sadd.s32 s2, s17  }
0x8e: {  	[smem:$0x3FC0] =	sst s2  }
0x8f: {  	_ = 	snop  }
0x90: {  	s2 =	sld [smem:$0x3FD0];
	(tm) =	ssettm $0x1  }
0x91: {  	s18 =	sld [smem:$0x3FFB];
	_ =	sdelay $0x3  }
0x92: {  	_ =	strace s18  }
0x93: {  	s3 =	sld [smem:$0x3FFC];
	_ =	sdelay $0x3  }
0x94: {  	_ =	strace s3  }
0x95: {  	s3 =	sld [smem:$0x3FFD];
	_ =	sdelay $0x3  }
0x96: {  	_ =	strace s3  }
0x97: {  	_ =	strace $0x8FFFFFFF  }
0x98: {  	s19 =	sld [smem:$0x3FDB];
	_ =	sdelay $0x1  }
0x99: {  	s4 =	simm.s32 $_scs_section_size  }
0x9a: {  	s5 =	simm.s32 $_size__tile_overlayer_lowered;
	s6 =	simm.s32 $_tile_overlayer_lowered  }
0x9b: {  	s22 =	simm.s32 $0x1BFF;
	s21 =	sshll.u32 s6, $0x1;
	s3 =	sadd.s32 s4, s19  }
0x9c: {  	s7 =	simm.s32 $0x0;
	s20 =	sshll.u32 s5, $0x1;
	s5 =	sadd.s32 s21, s3  }
0x9d: {  	[timem:s7], [sflag:s22] =	dma.local [hbm:s5], s20  }
0x9e: {  	_ =	swait.ge [sflag:s22], s20  }
0x9f: {  	s4 =	ssub.s32 $0x0, s20;
	[sflag:s22] =	ssyncset.done $0x0  }
0xa0: {  	[sflag:s22] =	ssyncadd.s32 s4;
	_ =	sdelay $0x1  }
0xa1: {  	s23 =	simm.s32 $0x1B8B  }
0xa2: {  	_ =	swait.ge [sflag:s23], $0x1  }
0xa3: {  	[sflag:s23] =	ssyncset.done $0x0  }
0xa4: {  	s25 =	simm.s32 $0x1B8E;
	s24 =	sld [smem:$0x3FFE];
	[sflag:s23] =	ssyncadd.s32 $0xFFFFFFFF  }
0xa5: {  	s26 =	simm.s32 $execute0_lowered;
	[smem:$0x3FD2] =	sst s25  }
0xa6: {  	s5 =	sshll.u32 s26, $0x1;
	_ =	strace $0x80000046;
	[dreg:$0x1] =	wrdreg $0xFFFFFFFF  }
0xa7: {  	s28 =	simm.s32 $_size_execute0_lowered;
	s3 =	sadd.s32 s3, s5;
	[dreg:$0x0] =	wrdreg $0x0  }
0xa8: {  	s5 =	sshll.u32 s28, $0x1;
	[dreg:$0x2] =	wrdreg s3  }
0xa9: {  	[dreg:$0x3] =	wrdreg s5  }
0xaa: {  	[dreg:$0x4] =	wrdreg $0xC0  }
0xab: {  	_ =	task [dreg:s7], $0x5FFFF  }
0xac: {  	[dreg:$0x1] =	wrdreg $0xFFFFFFFF  }
0xad: {  	[dreg:$0x0] =	wrdreg $0x60  }
0xae: {  	[dreg:$0x2] =	wrdreg s24  }
0xaf: {  	[dreg:$0x3] =	wrdreg s2  }
0xb0: {  	[dreg:$0x4] =	wrdreg $0xEE200  }
0xb1: {  	[dreg:$0x5] =	wrdreg $0x13E200  }
0xb2: {  	[dreg:$0x6] =	wrdreg $0x18E200  }
0xb3: {  	[dreg:$0x7] =	wrdreg $0x9  }
0xb4: {  	_ =	task.clear_ibuf [dreg:s7], $0x8FFFF;
	_ =	strace $0x90000046  }
0xb5: {  	s29 =	simm.s32 $0x9;
	_ =	strace $0x80000048  }
0xb6: {  	_ =	swait.ge [sflag:s29], $0x1  }
0xb7: {  	[sflag:s29] =	ssyncadd.s32 $0xFFFFFFFF  }
0xb8: {  	_ =	strace $0x90000048  }
0xb9: {  	_ =	sfence  }
0xba: {  	s30 =	sld [smem:$0x0];
	_ =	sdelay $0x2  }
0xbb: {  	s31 =	sshll.u32 s1, $0xD;
	s1 =	sshrl.u32 s1, $0x2  }
0xbc: {  	s3 =	sand.u32 $0x4000, s31;
	s1 =	sadd.s32 s1, s30  }
0xbd: {  	s0 =	sor.u32 s3, s0;
	s1 =	sshll.u32 s1, $0x11  }
0xbe: {  	s0 =	sor.u32 s1, s0  }
0xbf: {  	s0 =	sadd.s32 $0x8F2B, s0  }
0xc0: {  	[sflag:s0] =	ssyncadd.remote.s32 $0x1  }
0xc1: {  	_ =	sfence.sel $0xFFFF  }
0xc2: {  	[dreg:$0x0] =	wrdreg $0xFFFFFFFF;
	(pc) =	sbr.abs _section_cstart, $3  }
0xc3: {  	[dreg:$0x1] =	wrdreg $0xFFFFFFFF  }
0xc4: {  	_ =	task.clear_ibuf [dreg:s7], $0x2FFFF;
	_ =	strace $0x9FFFFFFF  }
0xc5: {  	(tm) =	ssettm $0x7FFFFFFF  }
tec
execute0_lowered:
.L_overlay_start_1:
0x0: {  	(tag) =	ssettag $0x1  }
0x1: {  	s0 =	rddreg [dreg:$0x0]  }
0x2: {  	s3 =	rddreg [dreg:$0x1]  }
0x3: {  	s1 =	rddreg [dreg:$0x2]  }
0x4: {  	s2 =	rddreg [dreg:$0x3];
	s5 =	srdreg.scid  }
0x5: {  	s4 =	rddreg [dreg:$0x4];
	s11 =	stileid.u32  }
0x6: {  	s8 =	simm.s32 $0x0;
	s28 =	simm.s32 $0x7620;
	s29 =	simm.s32 $0x5820  }
0x7: {  	s30 =	simm.s32 $0x8A20;
	s13 =	simm.s32 $0xC;
	s12 =	simm.s32 $0x0  }
0x8: {  	s5 =	sand.u32 $0x1, s5;
	s7 =	smul.u32 $0x5000, s11;
	[smem:$0x7FF] =	sst s8  }
0x9: {  	s21 =	sshll.u32 s11, $0x6;
	s8 =	simm.s32 $0xA;
	s6 =	sshll.u32 s5, $0x4  }
0xa: {  	s15 =	ssub.s32 $0x2, s5;
	_ =	strace $0x80000047;
	s18 =	smul.u32 $0x50000, s5  }
0xb: {  	s22 =	sor.u32 $0x1C03, s21;
	[dreg:$0x9] =	wrdreg s21;
	s26 =	sor.u32 $0x1C04, s21  }
0xc: {  	s21 =	simm.s32 $0x3;
	s5 =	simm.s32 $0x6;
	s6 =	sor.u32 s11, s6  }
0xd: {  	s9 =	sshrl.u32 s7, $0x3;
	s10 =	sshrl.u32 s15, $0x1;
	s19 =	sadd.s32 s7, s1  }
0xe: {  	[dreg:$0xa] =	wrdreg s22;
	s23 =	sadd.s32 s7, s2;
	s14 =	sadd.s32 s7, s4  }
0xf: {  	[dreg:$0x10] =	wrdreg s26;
	s22 =	simm.s32 $0x4;
	s26 =	simm.s32 $0x4E20  }
0x10: {  	s11 =	simm.s32 $0xB;
	s6 =	smul.u32 $0x4E2, s6;
	s9 =	sadd.s32 s9, s0  }
0x11: {  	s16 =	ssub.s32 s15, s10;
	s25 =	sshrl.u32 s19, $0x3;
	s31 =	sshrl.u32 s23, $0x3  }
0x12: {  	s19 =	simm.s32 $0x1;
	s23 =	simm.s32 $0x6C20;
	[dreg:$0xc] =	wrdreg s14  }
0x13: {  	s15 =	simm.s32 $0x9420;
	s10 =	simm.s32 $0x8;
	[dreg:$0xf] =	wrdreg s25  }
0x14: {  	s20 =	sadd.s32 $0x14A00, s9;
	s9 =	sadd.s32 $0x1EA00, s9;
	[dreg:$0x11] =	wrdreg s31  }
0x15: {  	s24 =	smax.u32 s16, $0x1;
	s16 =	simm.s32 $0x2710;
	[dreg:$0x8] =	wrdreg s20  }
0x16: {  	s25 =	simm.s32 $0x50;
	s0 =	sadd.s32 s6, s0;
	[dreg:$0xb] =	wrdreg s9  }
0x17: {  	[dreg:$0xe] =	wrdreg s24;
	s17 =	sadd.s32 $0xAC00, s0;
	s0 =	sadd.s32 $0xE00, s0  }
0x18: {  	s20 =	simm.s32 $0x2;
	[dreg:$0x7] =	wrdreg s0;
	s0 =	sadd.s32 s7, s18  }
0x19: {  	s6 =	simm.s32 $0x9;
	[dreg:$0x6] =	wrdreg s17;
	s0 =	sshrl.u32 s0, $0x3  }
0x1a: {  	s18 =	simm.s32 $0xD;
	s7 =	simm.s32 $0x7;
	s0 =	sadd.s32 s3, s0  }
0x1b: {  	v0 =	vimm.f32 $0.0e+00;
	s3 =	simm.s32 $0x6220;
	[dreg:$0xd] =	wrdreg s0;
	s0 =	simm.s32 $0x5  }
.LBB2_1:
0x1c: {  	[dreg:$0x12] =	wrdreg s12  }
0x1d: {  	s31 =	rddreg [dreg:$0x6]  }
0x1e: {  	s17 =	rddreg [dreg:$0x7]  }
0x1f: {  	s9 =	simm.s32 $0x0;
	s24 =	rddreg [dreg:$0x8]  }
0x20: {  	[tilespmem:s9], [sflag:$0x1] =	stream.linear.gather [hbm4b:s31+s9], $0x2710, $0x38;
	[tilespmem:$0x1DE20] =	vst v63  }
0x21: {  	s31 =	rddreg [dreg:$0xa]  }
0x22: {  	[tilespmem:s16], [sflag:$0x2] =	stream.linear.gather [hbm4b:s17+s9], $0x2710, $0x38;
	[tilespmem:$0x1DE20] =	vst v63  }
0x23: {  	s17 =	rddreg [dreg:$0xf]  }
0x24: {  	[spmem:s17], [sflag:s31] =	dma.local [hbm:s24], $0xA00  }
0x25: {  	s9 =	rddreg [dreg:$0xb]  }
0x26: {  	s12 =	rddreg [dreg:$0x10]  }
0x27: {  	s17 =	rddreg [dreg:$0x11]  }
0x28: {  	[spmem:s17], [sflag:s12] =	dma.local [hbm:s9], $0xA00  }
0x29: {  	s9 =	simm.s32 $0x0;
	s12 =	simm.s32 $0x400  }
.LBB2_2:
0x2a: {  	p0 =	sne.s32 s12, $0x13C00;
	[tilespmem:s9+$0x9F10] =	vst v0  }
0x2b: {  	[tilespmem:s9+$0x9E20] =	vst v0  }
0x2c: {  	[tilespmem:s9+$0x9E30] =	vst v0  }
0x2d: {  	[tilespmem:s9+$0x9E40] =	vst v0  }
0x2e: {  	[tilespmem:s9+$0x9E50] =	vst v0  }
0x2f: {  	[tilespmem:s9+$0x9E60] =	vst v0  }
0x30: {  	[tilespmem:s9+$0x9E70] =	vst v0  }
0x31: {  	[tilespmem:s9+$0x9E80] =	vst v0  }
0x32: {  	[tilespmem:s9+$0x9E90] =	vst v0  }
0x33: {  	[tilespmem:s9+$0x9EA0] =	vst v0  }
0x34: {  	[tilespmem:s9+$0x9EB0] =	vst v0  }
.Ltmp0:
0x35: {  	[tilespmem:s9+$0x9EC0] =	vst v0;
	(pc) =	sbr.rel @p0 .LBB2_2-.Ltmp0, $4  }
0x36: {  	[tilespmem:s9+$0x9ED0] =	vst v0  }
0x37: {  	[tilespmem:s9+$0x9EE0] =	vst v0  }
0x38: {  	[tilespmem:s9+$0x9EF0] =	vst v0  }
0x39: {  	[tilespmem:s9+$0x9F00] =	vst v0;
	s9 =	sshra.s32 s12, $0x2;
	s12 =	sadd.s32 $0x400, s12  }
0x3a: {  	[tilespmem:s9+$0x9F10] =	vst v0  }
0x3b: {  	[tilespmem:s9+$0x9E20] =	vst v0  }
0x3c: {  	[tilespmem:s9+$0x9E30] =	vst v0  }
0x3d: {  	[tilespmem:s9+$0x9E40] =	vst v0  }
0x3e: {  	[tilespmem:s9+$0x9E50] =	vst v0  }
0x3f: {  	[tilespmem:s9+$0x9E60] =	vst v0  }
0x40: {  	[tilespmem:s9+$0x9E70] =	vst v0  }
0x41: {  	[tilespmem:s9+$0x9E80] =	vst v0  }
0x42: {  	[tilespmem:s9+$0x9E90] =	vst v0  }
0x43: {  	[tilespmem:s9+$0x9EA0] =	vst v0  }
0x44: {  	[tilespmem:s9+$0x9EB0] =	vst v0  }
0x45: {  	[tilespmem:s9+$0x9EC0] =	vst v0  }
0x46: {  	[tilespmem:s9+$0x9ED0] =	vst v0  }
0x47: {  	[tilespmem:s9+$0x9EE0] =	vst v0  }
0x48: {  	[tilespmem:s9+$0x9EF0] =	vst v0  }
0x49: {  	[tilespmem:s9+$0x9F00] =	vst v0  }
0x4a: {  	_ =	swait.ge [sflag:s19], $0x2710  }
0x4b: {  	[sflag:s19] =	ssyncset.done $0x0  }
0x4c: {  	[sflag:s19] =	ssyncadd.s32 $0xFFFFD8F0  }
0x4d: {  	_ =	swait.ge [sflag:s20], $0x2710  }
0x4e: {  	[sflag:s20] =	ssyncset.done $0x0  }
0x4f: {  	[sflag:s20] =	ssyncadd.s32 $0xFFFFD8F0  }
0x50: {  	_ =	swait.ge [sflag:s21], $0xA00  }
0x51: {  	[sflag:s21] =	ssyncset.done $0x0  }
0x52: {  	[sflag:s21] =	ssyncadd.s32 $0xFFFFF600  }
0x53: {  	_ =	swait.ge [sflag:s22], $0xA00  }
0x54: {  	[sflag:s22] =	ssyncset.done $0x0  }
0x55: {  	s12 =	simm.s32 $0x9E20;
	[sflag:s22] =	ssyncadd.s32 $0xFFFFF600  }
0x56: {  	[spmem:s14] =	stream.linear.scatter [tilespmem:s12], [sflag:$0xD], $0x5000, $0x38;
	[tilespmem:$0x1DE20] =	vst v63  }
0x57: {  	_ =	swait.ge [sflag:s18], $0x5000  }
0x58: {  	[sflag:s18] =	ssyncset.done $0x0  }
0x59: {  	[sflag:s18] =	ssyncadd.s32 $0xFFFFB000  }
0x5a: {  	s17 =	simm.s32 $0x0;
	[bflag:$0x0] =	sbarrier.arrive $0xFFFF  }
0x5b: {  	[tilespmem:s26], [sflag:$0x1] =	stream.indirect.gather [spmem:s1], $0x20, s17, s25, $0xb8;
	[tilespmem:$0x1DE20] =	vst v63  }
0x5c: {  	_ = 	snop  }
0x5d: {  	[tilespmem:s28], [sflag:$0x5] =	stream.indirect.gather [spmem:s2], $0x20, s16, s25, $0xb8;
	[tilespmem:$0x1DE20] =	vst v63  }
0x5e: {  	_ = 	snop  }
0x5f: {  	[tilespmem:s29], [sflag:$0x2] =	stream.indirect.gather [spmem:s1], $0x20, s25, s25, $0xb8;
	[tilespmem:$0x1DE20] =	vst v63  }
0x60: {  	s12 =	simm.s32 $0x8020;
	s18 =	simm.s32 $0x2760  }
0x61: {  	[tilespmem:s12], [sflag:$0x6] =	stream.indirect.gather [spmem:s2], $0x20, s18, s25, $0xb8;
	[tilespmem:$0x1DE20] =	vst v63  }
0x62: {  	s24 =	simm.s32 $0xA0  }
0x63: {  	[tilespmem:s3], [sflag:$0x3] =	stream.indirect.gather [spmem:s1], $0x20, s24, s25, $0xb8;
	[tilespmem:$0x1DE20] =	vst v63  }
0x64: {  	s31 =	simm.s32 $0x27B0  }
0x65: {  	[tilespmem:s30], [sflag:$0x7] =	stream.indirect.gather [spmem:s2], $0x20, s31, s25, $0xb8;
	[tilespmem:$0x1DE20] =	vst v63  }
0x66: {  	_ =	swait.ge [sflag:s19], $0xA00  }
0x67: {  	[sflag:s19] =	ssyncset.done $0x0  }
0x68: {  	[sflag:s19] =	ssyncadd.s32 $0xFFFFF600  }
0x69: {  	_ =	swait.ge [sflag:s0], $0xA00  }
0x6a: {  	[sflag:s0] =	ssyncset.done $0x0  }
0x6b: {  	s9 =	simm.s32 $0x0;
	[sflag:s0] =	ssyncadd.s32 $0xFFFFF600  }
0x6c: {  	v7 =	vld [tilespmem:s9+$0x7620]  }
0x6d: {  	v8 =	vld [tilespmem:s9+$0x7630]  }
0x6e: {  	v9 =	vld [tilespmem:s9+$0x7640]  }
0x6f: {  	v10 =	vld [tilespmem:s9+$0x7650]  }
0x70: {  	v11 =	vld [tilespmem:s9+$0x7660]  }
0x71: {  	v12 =	vld [tilespmem:s9+$0x7670]  }
0x72: {  	v13 =	vld [tilespmem:s9+$0x7680]  }
0x73: {  	v14 =	vld [tilespmem:s9+$0x7690]  }
0x74: {  	v15 =	vld [tilespmem:s9+$0x76A0]  }
0x75: {  	v16 =	vld [tilespmem:s9+$0x76B0]  }
0x76: {  	v6 =	vld [tilespmem:s9+$0x76C0]  }
0x77: {  	v5 =	vld [tilespmem:s9+$0x76D0]  }
0x78: {  	v4 =	vld [tilespmem:s9+$0x76E0]  }
0x79: {  	v3 =	vld [tilespmem:s9+$0x76F0]  }
0x7a: {  	v2 =	vld [tilespmem:s9+$0x7700]  }
0x7b: {  	v1 =	vld [tilespmem:s9+$0x7710]  }
0x7c: {  	v17 =	vld [tilespmem:s9+$0x4E20]  }
0x7d: {  	v18 =	vld [tilespmem:s9+$0x4E30]  }
0x7e: {  	v19 =	vld [tilespmem:s9+$0x4E40]  }
0x7f: {  	v20 =	vld [tilespmem:s9+$0x4E50]  }
0x80: {  	v21 =	vld [tilespmem:s9+$0x4E60]  }
0x81: {  	v7 =	vmul.f32 v7, v17;
	v17 =	vld [tilespmem:s9+$0x4E70]  }
0x82: {  	v59 =	vld [tilespmem:s9+$0x4E80];
	v8 =	vmul.f32 v8, v18  }
0x83: {  	v60 =	vld [tilespmem:s9+$0x4E90];
	v9 =	vmul.f32 v9, v19;
	v7 =	vadd.f32 $1.000000000e+00, v7  }
0x84: {  	v61 =	vld [tilespmem:s9+$0x4EA0];
	v10 =	vmul.f32 v10, v20;
	v8 =	vadd.f32 $1.000000000e+00, v8  }
0x85: {  	v62 =	vld [tilespmem:s9+$0x4EB0];
	v11 =	vmul.f32 v11, v21;
	v22 =	vadd.f32 $1.000000000e+00, v9;
	(erf) = vrcp.f32 v7  }
0x86: {  	v9 =	vld [tilespmem:s9+$0x4EC0];
	v7 =	vadd.f32 $1.000000000e+00, v10;
	v10 =	vmul.f32 v12, v17;
	(erf) = vrcp.f32 v8  }
0x87: {  	v17 =	vadd.f32 $1.000000000e+00, v11;
	v11 =	vmul.f32 v13, v59;
	v8 =	vld [tilespmem:s9+$0x4ED0];
	(erf) = vrcp.f32 v22  }
0x88: {  	v13 =	vmul.f32 v14, v60;
	v63 =	vadd.f32 $1.000000000e+00, v10;
	v10 =	vld [tilespmem:s9+$0x4EE0];
	(erf) = vrcp.f32 v7  }
0x89: {  	v15 =	vmul.f32 v15, v61;
	v12 =	vadd.f32 $1.000000000e+00, v11;
	v11 =	vld [tilespmem:s9+$0x4EF0];
	(erf) = vrcp.f32 v17  }
0x8a: {  	s12 =	simm.s32 $0x400;
	v14 =	vmul.f32 v16, v62;
	v13 =	vadd.f32 $1.000000000e+00, v13;
	v7 =	vld [tilespmem:s9+$0x4F00];
	(erf) = vrcp.f32 v63  }
.LBB2_4:
0x8b: {  	s14 =	sshra.s32 s12, $0x2;
	p0 =	sne.s32 s12, $0x2400;
	v15 =	vadd.f32 $1.000000000e+00, v15;
	v6 =	vmul.f32 v6, v9;
	v9 =	vld [tilespmem:s9+$0x4F10];
	(erf) = vrcp.f32 v12  }
0x8c: {  	v12 =	vld [tilespmem:s14+$0x7620];
	v14 =	vadd.f32 $1.000000000e+00, v14;
	v5 =	vmul.f32 v5, v8;
	(erf) = vrcp.f32 v13  }
0x8d: {  	v8 =	vld [tilespmem:s14+$0x7630];
	v16 =	vadd.f32 $1.000000000e+00, v6;
	v4 =	vmul.f32 v4, v10;
	(erf) = vrcp.f32 v15  }
0x8e: {  	v10 =	vld [tilespmem:s14+$0x7640];
	v15 =	vadd.f32 $1.000000000e+00, v5;
	v3 =	vmul.f32 v3, v11;
	v11 =	vpop (erf);
	(erf) = vrcp.f32 v14  }
0x8f: {  	v13 =	vld [tilespmem:s14+$0x7650];
	[tilespmem:s9+$0x4E20] =	vst v11;
	v17 =	vadd.f32 $1.000000000e+00, v4;
	v2 =	vmul.f32 v2, v7;
	v7 =	vpop (erf);
	(erf) = vrcp.f32 v16  }
0x90: {  	v11 =	vld [tilespmem:s14+$0x7660];
	[tilespmem:s9+$0x4E30] =	vst v7;
	v16 =	vadd.f32 $1.000000000e+00, v3;
	v1 =	vmul.f32 v1, v9;
	v6 =	vpop (erf);
	(erf) = vrcp.f32 v15  }
0x91: {  	v7 =	vld [tilespmem:s14+$0x7670];
	[tilespmem:s9+$0x4E40] =	vst v6;
	v6 =	vadd.f32 $1.000000000e+00, v2;
	v5 =	vpop (erf);
	(erf) = vrcp.f32 v17  }
0x92: {  	v14 =	vld [tilespmem:s14+$0x7680];
	[tilespmem:s9+$0x4E50] =	vst v5;
	v5 =	vadd.f32 $1.000000000e+00, v1;
	v4 =	vpop (erf);
	(erf) = vrcp.f32 v16  }
0x93: {  	v15 =	vld [tilespmem:s14+$0x7690];
	[tilespmem:s9+$0x4E60] =	vst v4;
	v3 =	vpop (erf);
	(erf) = vrcp.f32 v6  }
0x94: {  	v16 =	vld [tilespmem:s14+$0x76A0];
	[tilespmem:s9+$0x4E70] =	vst v3;
	v2 =	vpop (erf);
	(erf) = vrcp.f32 v5  }
0x95: {  	v17 =	vld [tilespmem:s14+$0x76B0];
	[tilespmem:s9+$0x4E80] =	vst v2;
	v1 =	vpop (erf)  }
0x96: {  	v6 =	vld [tilespmem:s14+$0x76C0];
	[tilespmem:s9+$0x4E90] =	vst v1;
	v1 =	vpop (erf)  }
0x97: {  	v5 =	vld [tilespmem:s14+$0x76D0];
	[tilespmem:s9+$0x4EA0] =	vst v1;
	v1 =	vpop (erf)  }
0x98: {  	v4 =	vld [tilespmem:s14+$0x76E0];
	[tilespmem:s9+$0x4EB0] =	vst v1;
	v1 =	vpop (erf)  }
0x99: {  	v3 =	vld [tilespmem:s14+$0x76F0];
	[tilespmem:s9+$0x4EC0] =	vst v1;
	v1 =	vpop (erf)  }
0x9a: {  	v2 =	vld [tilespmem:s14+$0x7700];
	[tilespmem:s9+$0x4ED0] =	vst v1;
	v9 =	vpop (erf)  }
0x9b: {  	v1 =	vld [tilespmem:s14+$0x7710];
	[tilespmem:s9+$0x4EE0] =	vst v9;
	v9 =	vpop (erf)  }
0x9c: {  	v18 =	vld [tilespmem:s14+$0x4E20];
	[tilespmem:s9+$0x4EF0] =	vst v9;
	v9 =	vpop (erf)  }
0x9d: {  	v19 =	vld [tilespmem:s14+$0x4E30];
	[tilespmem:s9+$0x4F00] =	vst v9;
	v9 =	vpop (erf)  }
0x9e: {  	v20 =	vld [tilespmem:s14+$0x4E40];
	[tilespmem:s9+$0x4F10] =	vst v9;
	s9 =	smov.u32 s14  }
0x9f: {  	v9 =	vld [tilespmem:s9+$0x4E50]  }
0xa0: {  	v21 =	vld [tilespmem:s9+$0x4E60]  }
0xa1: {  	v12 =	vmul.f32 v12, v18;
	v18 =	vld [tilespmem:s9+$0x4E70]  }
0xa2: {  	v8 =	vmul.f32 v8, v19;
	v19 =	vld [tilespmem:s9+$0x4E80]  }
0xa3: {  	v12 =	vadd.f32 $1.000000000e+00, v12;
	v10 =	vmul.f32 v10, v20;
	v20 =	vld [tilespmem:s9+$0x4E90]  }
0xa4: {  	v8 =	vadd.f32 $1.000000000e+00, v8;
	v9 =	vmul.f32 v13, v9;
	v13 =	vld [tilespmem:s9+$0x4EA0]  }
0xa5: {  	v10 =	vadd.f32 $1.000000000e+00, v10;
	v11 =	vmul.f32 v11, v21;
	v21 =	vld [tilespmem:s9+$0x4EB0];
	(erf) = vrcp.f32 v12  }
.Ltmp1:
0xa6: {  	v12 =	vadd.f32 $1.000000000e+00, v9;
	v7 =	vmul.f32 v7, v18;
	v9 =	vld [tilespmem:s9+$0x4EC0];
	(erf) = vrcp.f32 v8;
	(pc) =	sbr.rel @p0 .LBB2_4-.Ltmp1, $4  }
0xa7: {  	v18 =	vadd.f32 $1.000000000e+00, v11;
	v11 =	vmul.f32 v14, v19;
	v8 =	vld [tilespmem:s9+$0x4ED0];
	(erf) = vrcp.f32 v10  }
0xa8: {  	v19 =	vadd.f32 $1.000000000e+00, v7;
	v7 =	vmul.f32 v15, v20;
	v10 =	vld [tilespmem:s9+$0x4EE0];
	(erf) = vrcp.f32 v12  }
0xa9: {  	v12 =	vadd.f32 $1.000000000e+00, v11;
	v15 =	vmul.f32 v16, v13;
	v11 =	vld [tilespmem:s9+$0x4EF0];
	(erf) = vrcp.f32 v18  }
0xaa: {  	s12 =	sadd.s32 $0x400, s12;
	v13 =	vadd.f32 $1.000000000e+00, v7;
	v14 =	vmul.f32 v17, v21;
	v7 =	vld [tilespmem:s9+$0x4F00];
	(erf) = vrcp.f32 v19  }
0xab: {  	v15 =	vadd.f32 $1.000000000e+00, v15;
	v6 =	vmul.f32 v6, v9;
	v9 =	vld [tilespmem:s9+$0x4F10]  }
0xac: {  	(erf) = vrcp.f32 v12;
	v12 =	vadd.f32 $1.000000000e+00, v14;
	v5 =	vmul.f32 v5, v8  }
0xad: {  	(erf) = vrcp.f32 v13;
	v6 =	vadd.f32 $1.000000000e+00, v6;
	v4 =	vmul.f32 v4, v10  }
0xae: {  	(erf) = vrcp.f32 v15;
	v5 =	vadd.f32 $1.000000000e+00, v5;
	v3 =	vmul.f32 v3, v11  }
0xaf: {  	v8 =	vpop (erf);
	(erf) = vrcp.f32 v12;
	v4 =	vadd.f32 $1.000000000e+00, v4;
	v2 =	vmul.f32 v2, v7  }
0xb0: {  	[tilespmem:s9+$0x4E20] =	vst v8;
	v7 =	vpop (erf);
	(erf) = vrcp.f32 v6;
	v3 =	vadd.f32 $1.000000000e+00, v3;
	v1 =	vmul.f32 v1, v9  }
0xb1: {  	[tilespmem:s9+$0x4E30] =	vst v7;
	v6 =	vpop (erf);
	(erf) = vrcp.f32 v5;
	v2 =	vadd.f32 $1.000000000e+00, v2  }
0xb2: {  	[tilespmem:s9+$0x4E40] =	vst v6;
	v5 =	vpop (erf);
	(erf) = vrcp.f32 v4;
	v1 =	vadd.f32 $1.000000000e+00, v1  }
0xb3: {  	[tilespmem:s9+$0x4E50] =	vst v5;
	v4 =	vpop (erf);
	(erf) = vrcp.f32 v3  }
0xb4: {  	[tilespmem:s9+$0x4E60] =	vst v4;
	v3 =	vpop (erf);
	(erf) = vrcp.f32 v2  }
0xb5: {  	[tilespmem:s9+$0x4E70] =	vst v3;
	v2 =	vpop (erf);
	(erf) = vrcp.f32 v1  }
0xb6: {  	[tilespmem:s9+$0x4E80] =	vst v2;
	v1 =	vpop (erf)  }
0xb7: {  	[tilespmem:s9+$0x4E90] =	vst v1;
	v1 =	vpop (erf)  }
0xb8: {  	[tilespmem:s9+$0x4EA0] =	vst v1;
	v1 =	vpop (erf)  }
0xb9: {  	[tilespmem:s9+$0x4EB0] =	vst v1;
	v1 =	vpop (erf)  }
0xba: {  	[tilespmem:s9+$0x4EC0] =	vst v1;
	v1 =	vpop (erf)  }
0xbb: {  	[tilespmem:s9+$0x4ED0] =	vst v1;
	v1 =	vpop (erf)  }
0xbc: {  	[tilespmem:s9+$0x4EE0] =	vst v1;
	v1 =	vpop (erf)  }
0xbd: {  	[tilespmem:s9+$0x4EF0] =	vst v1;
	v1 =	vpop (erf)  }
0xbe: {  	[tilespmem:s9+$0x4F00] =	vst v1;
	v1 =	vpop (erf)  }
0xbf: {  	s18 =	simm.s32 $0x0;
	[tilespmem:s9+$0x4F10] =	vst v1  }
0xc0: {  	[spmem:s4] =	stream.indirect.scatter.add.f32 [tilespmem:s26], [sflag:$0x9], $0x20, s18, s25, $0xb8;
	[tilespmem:$0x1DE20] =	vst v63  }
0xc1: {  	s24 =	simm.s32 $0xF0  }
0xc2: {  	[tilespmem:s23], [sflag:$0x4] =	stream.indirect.gather [spmem:s1], $0x20, s24, s25, $0xb8;
	[tilespmem:$0x1DE20] =	vst v63  }
0xc3: {  	s31 =	simm.s32 $0x2800  }
0xc4: {  	[tilespmem:s15], [sflag:$0x8] =	stream.indirect.gather [spmem:s2], $0x20, s31, s25, $0xb8;
	[tilespmem:$0x1DE20] =	vst v63  }
0xc5: {  	_ =	swait.ge [sflag:s20], $0xA00  }
0xc6: {  	[sflag:s20] =	ssyncset.done $0x0  }
0xc7: {  	[sflag:s20] =	ssyncadd.s32 $0xFFFFF600  }
0xc8: {  	_ =	swait.ge [sflag:s5], $0xA00  }
0xc9: {  	[sflag:s5] =	ssyncset.done $0x0  }
0xca: {  	s9 =	simm.s32 $0x0;
	[sflag:s5] =	ssyncadd.s32 $0xFFFFF600  }
0xcb: {  	v7 =	vld [tilespmem:s9+$0x8020]  }
0xcc: {  	v8 =	vld [tilespmem:s9+$0x8030]  }
0xcd: {  	v9 =	vld [tilespmem:s9+$0x8040]  }
0xce: {  	v10 =	vld [tilespmem:s9+$0x8050]  }
0xcf: {  	v11 =	vld [tilespmem:s9+$0x8060]  }
0xd0: {  	v12 =	vld [tilespmem:s9+$0x8070]  }
0xd1: {  	v13 =	vld [tilespmem:s9+$0x8080]  }
0xd2: {  	v14 =	vld [tilespmem:s9+$0x8090]  }
0xd3: {  	v15 =	vld [tilespmem:s9+$0x80A0]  }
0xd4: {  	v16 =	vld [tilespmem:s9+$0x80B0]  }
0xd5: {  	v6 =	vld [tilespmem:s9+$0x80C0]  }
0xd6: {  	v5 =	vld [tilespmem:s9+$0x80D0]  }
0xd7: {  	v4 =	vld [tilespmem:s9+$0x80E0]  }
0xd8: {  	v3 =	vld [tilespmem:s9+$0x80F0]  }
0xd9: {  	v2 =	vld [tilespmem:s9+$0x8100]  }
0xda: {  	v1 =	vld [tilespmem:s9+$0x8110]  }
0xdb: {  	v17 =	vld [tilespmem:s9+$0x5820]  }
0xdc: {  	v18 =	vld [tilespmem:s9+$0x5830]  }
0xdd: {  	v19 =	vld [tilespmem:s9+$0x5840]  }
0xde: {  	v20 =	vld [tilespmem:s9+$0x5850]  }
0xdf: {  	v21 =	vld [tilespmem:s9+$0x5860]  }
0xe0: {  	v7 =	vmul.f32 v7, v17;
	v17 =	vld [tilespmem:s9+$0x5870]  }
0xe1: {  	v59 =	vld [tilespmem:s9+$0x5880];
	v8 =	vmul.f32 v8, v18  }
0xe2: {  	v60 =	vld [tilespmem:s9+$0x5890];
	v9 =	vmul.f32 v9, v19;
	v7 =	vadd.f32 $1.000000000e+00, v7  }
0xe3: {  	v61 =	vld [tilespmem:s9+$0x58A0];
	v10 =	vmul.f32 v10, v20;
	v8 =	vadd.f32 $1.000000000e+00, v8  }
0xe4: {  	v62 =	vld [tilespmem:s9+$0x58B0];
	v11 =	vmul.f32 v11, v21;
	v22 =	vadd.f32 $1.000000000e+00, v9;
	(erf) = vrcp.f32 v7  }
0xe5: {  	v9 =	vld [tilespmem:s9+$0x58C0];
	v7 =	vadd.f32 $1.000000000e+00, v10;
	v10 =	vmul.f32 v12, v17;
	(erf) = vrcp.f32 v8  }
0xe6: {  	v17 =	vadd.f32 $1.000000000e+00, v11;
	v11 =	vmul.f32 v13, v59;
	v8 =	vld [tilespmem:s9+$0x58D0];
	(erf) = vrcp.f32 v22  }
0xe7: {  	v13 =	vmul.f32 v14, v60;
	v63 =	vadd.f32 $1.000000000e+00, v10;
	v10 =	vld [tilespmem:s9+$0x58E0];
	(erf) = vrcp.f32 v7  }
0xe8: {  	v15 =	vmul.f32 v15, v61;
	v12 =	vadd.f32 $1.000000000e+00, v11;
	v11 =	vld [tilespmem:s9+$0x58F0];
	(erf) = vrcp.f32 v17  }
0xe9: {  	s12 =	simm.s32 $0x400;
	v14 =	vmul.f32 v16, v62;
	v13 =	vadd.f32 $1.000000000e+00, v13;
	v7 =	vld [tilespmem:s9+$0x5900];
	(erf) = vrcp.f32 v63  }
.LBB2_6:
0xea: {  	s14 =	sshra.s32 s12, $0x2;
	p0 =	sne.s32 s12, $0x2400;
	v15 =	vadd.f32 $1.000000000e+00, v15;
	v6 =	vmul.f32 v6, v9;
	v9 =	vld [tilespmem:s9+$0x5910];
	(erf) = vrcp.f32 v12  }
0xeb: {  	v12 =	vld [tilespmem:s14+$0x8020];
	v14 =	vadd.f32 $1.000000000e+00, v14;
	v5 =	vmul.f32 v5, v8;
	(erf) = vrcp.f32 v13  }
0xec: {  	v8 =	vld [tilespmem:s14+$0x8030];
	v16 =	vadd.f32 $1.000000000e+00, v6;
	v4 =	vmul.f32 v4, v10;
	(erf) = vrcp.f32 v15  }
0xed: {  	v10 =	vld [tilespmem:s14+$0x8040];
	v15 =	vadd.f32 $1.000000000e+00, v5;
	v3 =	vmul.f32 v3, v11;
	v11 =	vpop (erf);
	(erf) = vrcp.f32 v14  }
0xee: {  	v13 =	vld [tilespmem:s14+$0x8050];
	[tilespmem:s9+$0x5820] =	vst v11;
	v17 =	vadd.f32 $1.000000000e+00, v4;
	v2 =	vmul.f32 v2, v7;
	v7 =	vpop (erf);
	(erf) = vrcp.f32 v16  }
0xef: {  	v11 =	vld [tilespmem:s14+$0x8060];
	[tilespmem:s9+$0x5830] =	vst v7;
	v16 =	vadd.f32 $1.000000000e+00, v3;
	v1 =	vmul.f32 v1, v9;
	v6 =	vpop (erf);
	(erf) = vrcp.f32 v15  }
0xf0: {  	v7 =	vld [tilespmem:s14+$0x8070];
	[tilespmem:s9+$0x5840] =	vst v6;
	v6 =	vadd.f32 $1.000000000e+00, v2;
	v5 =	vpop (erf);
	(erf) = vrcp.f32 v17  }
0xf1: {  	v14 =	vld [tilespmem:s14+$0x8080];
	[tilespmem:s9+$0x5850] =	vst v5;
	v5 =	vadd.f32 $1.000000000e+00, v1;
	v4 =	vpop (erf);
	(erf) = vrcp.f32 v16  }
0xf2: {  	v15 =	vld [tilespmem:s14+$0x8090];
	[tilespmem:s9+$0x5860] =	vst v4;
	v3 =	vpop (erf);
	(erf) = vrcp.f32 v6  }
0xf3: {  	v16 =	vld [tilespmem:s14+$0x80A0];
	[tilespmem:s9+$0x5870] =	vst v3;
	v2 =	vpop (erf);
	(erf) = vrcp.f32 v5  }
0xf4: {  	v17 =	vld [tilespmem:s14+$0x80B0];
	[tilespmem:s9+$0x5880] =	vst v2;
	v1 =	vpop (erf)  }
0xf5: {  	v6 =	vld [tilespmem:s14+$0x80C0];
	[tilespmem:s9+$0x5890] =	vst v1;
	v1 =	vpop (erf)  }
0xf6: {  	v5 =	vld [tilespmem:s14+$0x80D0];
	[tilespmem:s9+$0x58A0] =	vst v1;
	v1 =	vpop (erf)  }
0xf7: {  	v4 =	vld [tilespmem:s14+$0x80E0];
	[tilespmem:s9+$0x58B0] =	vst v1;
	v1 =	vpop (erf)  }
0xf8: {  	v3 =	vld [tilespmem:s14+$0x80F0];
	[tilespmem:s9+$0x58C0] =	vst v1;
	v1 =	vpop (erf)  }
0xf9: {  	v2 =	vld [tilespmem:s14+$0x8100];
	[tilespmem:s9+$0x58D0] =	vst v1;
	v9 =	vpop (erf)  }
0xfa: {  	v1 =	vld [tilespmem:s14+$0x8110];
	[tilespmem:s9+$0x58E0] =	vst v9;
	v9 =	vpop (erf)  }
0xfb: {  	v18 =	vld [tilespmem:s14+$0x5820];
	[tilespmem:s9+$0x58F0] =	vst v9;
	v9 =	vpop (erf)  }
0xfc: {  	v19 =	vld [tilespmem:s14+$0x5830];
	[tilespmem:s9+$0x5900] =	vst v9;
	v9 =	vpop (erf)  }
0xfd: {  	v20 =	vld [tilespmem:s14+$0x5840];
	[tilespmem:s9+$0x5910] =	vst v9;
	s9 =	smov.u32 s14  }
0xfe: {  	v9 =	vld [tilespmem:s9+$0x5850]  }
0xff: {  	v21 =	vld [tilespmem:s9+$0x5860]  }
0x100: {  	v12 =	vmul.f32 v12, v18;
	v18 =	vld [tilespmem:s9+$0x5870]  }
0x101: {  	v8 =	vmul.f32 v8, v19;
	v19 =	vld [tilespmem:s9+$0x5880]  }
0x102: {  	v12 =	vadd.f32 $1.000000000e+00, v12;
	v10 =	vmul.f32 v10, v20;
	v20 =	vld [tilespmem:s9+$0x5890]  }
0x103: {  	v8 =	vadd.f32 $1.000000000e+00, v8;
	v9 =	vmul.f32 v13, v9;
	v13 =	vld [tilespmem:s9+$0x58A0]  }
0x104: {  	v10 =	vadd.f32 $1.000000000e+00, v10;
	v11 =	vmul.f32 v11, v21;
	v21 =	vld [tilespmem:s9+$0x58B0];
	(erf) = vrcp.f32 v12  }
.Ltmp2:
0x105: {  	v12 =	vadd.f32 $1.000000000e+00, v9;
	v7 =	vmul.f32 v7, v18;
	v9 =	vld [tilespmem:s9+$0x58C0];
	(erf) = vrcp.f32 v8;
	(pc) =	sbr.rel @p0 .LBB2_6-.Ltmp2, $4  }
0x106: {  	v18 =	vadd.f32 $1.000000000e+00, v11;
	v11 =	vmul.f32 v14, v19;
	v8 =	vld [tilespmem:s9+$0x58D0];
	(erf) = vrcp.f32 v10  }
0x107: {  	v19 =	vadd.f32 $1.000000000e+00, v7;
	v7 =	vmul.f32 v15, v20;
	v10 =	vld [tilespmem:s9+$0x58E0];
	(erf) = vrcp.f32 v12  }
0x108: {  	v12 =	vadd.f32 $1.000000000e+00, v11;
	v15 =	vmul.f32 v16, v13;
	v11 =	vld [tilespmem:s9+$0x58F0];
	(erf) = vrcp.f32 v18  }
0x109: {  	s12 =	sadd.s32 $0x400, s12;
	v13 =	vadd.f32 $1.000000000e+00, v7;
	v14 =	vmul.f32 v17, v21;
	v7 =	vld [tilespmem:s9+$0x5900];
	(erf) = vrcp.f32 v19  }
0x10a: {  	v15 =	vadd.f32 $1.000000000e+00, v15;
	v6 =	vmul.f32 v6, v9;
	v57 =	vld [tilespmem:s9+$0x5910]  }
0x10b: {  	(erf) = vrcp.f32 v12;
	v58 =	vadd.f32 $1.000000000e+00, v14;
	v5 =	vmul.f32 v5, v8  }
0x10c: {  	(erf) = vrcp.f32 v13;
	v6 =	vadd.f32 $1.000000000e+00, v6;
	v4 =	vmul.f32 v4, v10  }
0x10d: {  	(erf) = vrcp.f32 v15;
	v5 =	vadd.f32 $1.000000000e+00, v5;
	v3 =	vmul.f32 v3, v11  }
0x10e: {  	v59 =	vpop (erf);
	(erf) = vrcp.f32 v58;
	v4 =	vadd.f32 $1.000000000e+00, v4;
	v2 =	vmul.f32 v2, v7  }
0x10f: {  	[tilespmem:s9+$0x5820] =	vst v59;
	v60 =	vpop (erf);
	(erf) = vrcp.f32 v6;
	v3 =	vadd.f32 $1.000000000e+00, v3;
	v1 =	vmul.f32 v1, v57  }
0x110: {  	[tilespmem:s9+$0x5830] =	vst v60;
	v61 =	vpop (erf);
	(erf) = vrcp.f32 v5;
	v2 =	vadd.f32 $1.000000000e+00, v2  }
0x111: {  	[tilespmem:s9+$0x5840] =	vst v61;
	v62 =	vpop (erf);
	(erf) = vrcp.f32 v4;
	v1 =	vadd.f32 $1.000000000e+00, v1  }
0x112: {  	[tilespmem:s9+$0x5850] =	vst v62;
	v63 =	vpop (erf);
	(erf) = vrcp.f32 v3  }
0x113: {  	[tilespmem:s9+$0x5860] =	vst v63;
	v3 =	vpop (erf);
	(erf) = vrcp.f32 v2  }
0x114: {  	[tilespmem:s9+$0x5870] =	vst v3;
	v2 =	vpop (erf);
	(erf) = vrcp.f32 v1  }
0x115: {  	[tilespmem:s9+$0x5880] =	vst v2;
	v1 =	vpop (erf)  }
0x116: {  	[tilespmem:s9+$0x5890] =	vst v1;
	v1 =	vpop (erf)  }
0x117: {  	[tilespmem:s9+$0x58A0] =	vst v1;
	v1 =	vpop (erf)  }
0x118: {  	[tilespmem:s9+$0x58B0] =	vst v1;
	v1 =	vpop (erf)  }
0x119: {  	[tilespmem:s9+$0x58C0] =	vst v1;
	v1 =	vpop (erf)  }
0x11a: {  	[tilespmem:s9+$0x58D0] =	vst v1;
	v1 =	vpop (erf)  }
0x11b: {  	[tilespmem:s9+$0x58E0] =	vst v1;
	v1 =	vpop (erf)  }
0x11c: {  	[tilespmem:s9+$0x58F0] =	vst v1;
	v1 =	vpop (erf)  }
0x11d: {  	[tilespmem:s9+$0x5900] =	vst v1;
	v1 =	vpop (erf)  }
0x11e: {  	s16 =	simm.s32 $0x0;
	[tilespmem:s9+$0x5910] =	vst v1  }
0x11f: {  	[spmem:s4] =	stream.indirect.scatter.add.f32 [tilespmem:s29], [sflag:$0xA], $0x20, s25, s25, $0xb8;
	[tilespmem:$0x1DE20] =	vst v63  }
.LBB2_8:
0x120: {  	_ =	swait.ge [sflag:s6], $0xA00;
	s17 =	smul.u32 $0x140, s16  }
0x121: {  	[sflag:s6] =	ssyncset.done $0x0  }
0x122: {  	[sflag:s6] =	ssyncadd.s32 $0xFFFFF600;
	s18 =	sadd.s32 $0x140, s17  }
0x123: {  	[tilespmem:s26], [sflag:$0x1] =	stream.indirect.gather [spmem:s1], $0x20, s18, s25, $0xb8;
	[tilespmem:$0x1DE20] =	vst v63  }
0x124: {  	s9 =	sadd.s32 $0x2850, s17  }
0x125: {  	[tilespmem:s28], [sflag:$0x5] =	stream.indirect.gather [spmem:s2], $0x20, s9, s25, $0xb8;
	[tilespmem:$0x1DE20] =	vst v63  }
0x126: {  	_ =	swait.ge [sflag:s21], $0xA00  }
0x127: {  	[sflag:s21] =	ssyncset.done $0x0  }
0x128: {  	[sflag:s21] =	ssyncadd.s32 $0xFFFFF600  }
0x129: {  	_ =	swait.ge [sflag:s7], $0xA00  }
0x12a: {  	[sflag:s7] =	ssyncset.done $0x0  }
0x12b: {  	s9 =	simm.s32 $0x0;
	[sflag:s7] =	ssyncadd.s32 $0xFFFFF600  }
0x12c: {  	v7 =	vld [tilespmem:s9+$0x8A20]  }
0x12d: {  	v8 =	vld [tilespmem:s9+$0x8A30]  }
0x12e: {  	v9 =	vld [tilespmem:s9+$0x8A40]  }
0x12f: {  	v10 =	vld [tilespmem:s9+$0x8A50]  }
0x130: {  	v11 =	vld [tilespmem:s9+$0x8A60]  }
0x131: {  	v12 =	vld [tilespmem:s9+$0x8A70]  }
0x132: {  	v13 =	vld [tilespmem:s9+$0x8A80]  }
0x133: {  	v14 =	vld [tilespmem:s9+$0x8A90]  }
0x134: {  	v15 =	vld [tilespmem:s9+$0x8AA0]  }
0x135: {  	v16 =	vld [tilespmem:s9+$0x8AB0]  }
0x136: {  	v6 =	vld [tilespmem:s9+$0x8AC0]  }
0x137: {  	v5 =	vld [tilespmem:s9+$0x8AD0]  }
0x138: {  	v4 =	vld [tilespmem:s9+$0x8AE0]  }
0x139: {  	v3 =	vld [tilespmem:s9+$0x8AF0]  }
0x13a: {  	v2 =	vld [tilespmem:s9+$0x8B00]  }
0x13b: {  	v1 =	vld [tilespmem:s9+$0x8B10]  }
0x13c: {  	v17 =	vld [tilespmem:s9+$0x6220]  }
0x13d: {  	v18 =	vld [tilespmem:s9+$0x6230]  }
0x13e: {  	v19 =	vld [tilespmem:s9+$0x6240]  }
0x13f: {  	v20 =	vld [tilespmem:s9+$0x6250]  }
0x140: {  	v21 =	vld [tilespmem:s9+$0x6260]  }
0x141: {  	v7 =	vmul.f32 v7, v17;
	v17 =	vld [tilespmem:s9+$0x6270]  }
0x142: {  	v59 =	vld [tilespmem:s9+$0x6280];
	v8 =	vmul.f32 v8, v18  }
0x143: {  	v60 =	vld [tilespmem:s9+$0x6290];
	v9 =	vmul.f32 v9, v19;
	v7 =	vadd.f32 $1.000000000e+00, v7  }
0x144: {  	v61 =	vld [tilespmem:s9+$0x62A0];
	v10 =	vmul.f32 v10, v20;
	v8 =	vadd.f32 $1.000000000e+00, v8  }
0x145: {  	v62 =	vld [tilespmem:s9+$0x62B0];
	v11 =	vmul.f32 v11, v21;
	v22 =	vadd.f32 $1.000000000e+00, v9;
	(erf) = vrcp.f32 v7  }
0x146: {  	v9 =	vld [tilespmem:s9+$0x62C0];
	v7 =	vadd.f32 $1.000000000e+00, v10;
	v10 =	vmul.f32 v12, v17;
	(erf) = vrcp.f32 v8  }
0x147: {  	v17 =	vadd.f32 $1.000000000e+00, v11;
	v11 =	vmul.f32 v13, v59;
	v8 =	vld [tilespmem:s9+$0x62D0];
	(erf) = vrcp.f32 v22  }
0x148: {  	v13 =	vmul.f32 v14, v60;
	v63 =	vadd.f32 $1.000000000e+00, v10;
	v10 =	vld [tilespmem:s9+$0x62E0];
	(erf) = vrcp.f32 v7  }
0x149: {  	v15 =	vmul.f32 v15, v61;
	v12 =	vadd.f32 $1.000000000e+00, v11;
	v11 =	vld [tilespmem:s9+$0x62F0];
	(erf) = vrcp.f32 v17  }
0x14a: {  	s12 =	simm.s32 $0x400;
	v14 =	vmul.f32 v16, v62;
	v13 =	vadd.f32 $1.000000000e+00, v13;
	v7 =	vld [tilespmem:s9+$0x6300];
	(erf) = vrcp.f32 v63  }
.LBB2_9:
0x14b: {  	s14 =	sshra.s32 s12, $0x2;
	p0 =	sne.s32 s12, $0x2400;
	v15 =	vadd.f32 $1.000000000e+00, v15;
	v6 =	vmul.f32 v6, v9;
	v9 =	vld [tilespmem:s9+$0x6310];
	(erf) = vrcp.f32 v12  }
0x14c: {  	v12 =	vld [tilespmem:s14+$0x8A20];
	v14 =	vadd.f32 $1.000000000e+00, v14;
	v5 =	vmul.f32 v5, v8;
	(erf) = vrcp.f32 v13  }
0x14d: {  	v8 =	vld [tilespmem:s14+$0x8A30];
	v16 =	vadd.f32 $1.000000000e+00, v6;
	v4 =	vmul.f32 v4, v10;
	(erf) = vrcp.f32 v15  }
0x14e: {  	v10 =	vld [tilespmem:s14+$0x8A40];
	v15 =	vadd.f32 $1.000000000e+00, v5;
	v3 =	vmul.f32 v3, v11;
	v11 =	vpop (erf);
	(erf) = vrcp.f32 v14  }
0x14f: {  	v13 =	vld [tilespmem:s14+$0x8A50];
	[tilespmem:s9+$0x6220] =	vst v11;
	v17 =	vadd.f32 $1.000000000e+00, v4;
	v2 =	vmul.f32 v2, v7;
	v7 =	vpop (erf);
	(erf) = vrcp.f32 v16  }
0x150: {  	v11 =	vld [tilespmem:s14+$0x8A60];
	[tilespmem:s9+$0x6230] =	vst v7;
	v16 =	vadd.f32 $1.000000000e+00, v3;
	v1 =	vmul.f32 v1, v9;
	v6 =	vpop (erf);
	(erf) = vrcp.f32 v15  }
0x151: {  	v7 =	vld [tilespmem:s14+$0x8A70];
	[tilespmem:s9+$0x6240] =	vst v6;
	v6 =	vadd.f32 $1.000000000e+00, v2;
	v5 =	vpop (erf);
	(erf) = vrcp.f32 v17  }
0x152: {  	v14 =	vld [tilespmem:s14+$0x8A80];
	[tilespmem:s9+$0x6250] =	vst v5;
	v5 =	vadd.f32 $1.000000000e+00, v1;
	v4 =	vpop (erf);
	(erf) = vrcp.f32 v16  }
0x153: {  	v15 =	vld [tilespmem:s14+$0x8A90];
	[tilespmem:s9+$0x6260] =	vst v4;
	v3 =	vpop (erf);
	(erf) = vrcp.f32 v6  }
0x154: {  	v16 =	vld [tilespmem:s14+$0x8AA0];
	[tilespmem:s9+$0x6270] =	vst v3;
	v2 =	vpop (erf);
	(erf) = vrcp.f32 v5  }
0x155: {  	v17 =	vld [tilespmem:s14+$0x8AB0];
	[tilespmem:s9+$0x6280] =	vst v2;
	v1 =	vpop (erf)  }
0x156: {  	v6 =	vld [tilespmem:s14+$0x8AC0];
	[tilespmem:s9+$0x6290] =	vst v1;
	v1 =	vpop (erf)  }
0x157: {  	v5 =	vld [tilespmem:s14+$0x8AD0];
	[tilespmem:s9+$0x62A0] =	vst v1;
	v1 =	vpop (erf)  }
0x158: {  	v4 =	vld [tilespmem:s14+$0x8AE0];
	[tilespmem:s9+$0x62B0] =	vst v1;
	v1 =	vpop (erf)  }
0x159: {  	v3 =	vld [tilespmem:s14+$0x8AF0];
	[tilespmem:s9+$0x62C0] =	vst v1;
	v1 =	vpop (erf)  }
0x15a: {  	v2 =	vld [tilespmem:s14+$0x8B00];
	[tilespmem:s9+$0x62D0] =	vst v1;
	v9 =	vpop (erf)  }
0x15b: {  	v1 =	vld [tilespmem:s14+$0x8B10];
	[tilespmem:s9+$0x62E0] =	vst v9;
	v9 =	vpop (erf)  }
0x15c: {  	v18 =	vld [tilespmem:s14+$0x6220];
	[tilespmem:s9+$0x62F0] =	vst v9;
	v9 =	vpop (erf)  }
0x15d: {  	v19 =	vld [tilespmem:s14+$0x6230];
	[tilespmem:s9+$0x6300] =	vst v9;
	v9 =	vpop (erf)  }
0x15e: {  	v20 =	vld [tilespmem:s14+$0x6240];
	[tilespmem:s9+$0x6310] =	vst v9;
	s9 =	smov.u32 s14  }
0x15f: {  	v9 =	vld [tilespmem:s9+$0x6250]  }
0x160: {  	v21 =	vld [tilespmem:s9+$0x6260]  }
0x161: {  	v12 =	vmul.f32 v12, v18;
	v18 =	vld [tilespmem:s9+$0x6270]  }
0x162: {  	v8 =	vmul.f32 v8, v19;
	v19 =	vld [tilespmem:s9+$0x6280]  }
0x163: {  	v12 =	vadd.f32 $1.000000000e+00, v12;
	v10 =	vmul.f32 v10, v20;
	v20 =	vld [tilespmem:s9+$0x6290]  }
0x164: {  	v8 =	vadd.f32 $1.000000000e+00, v8;
	v9 =	vmul.f32 v13, v9;
	v13 =	vld [tilespmem:s9+$0x62A0]  }
0x165: {  	v10 =	vadd.f32 $1.000000000e+00, v10;
	v11 =	vmul.f32 v11, v21;
	v21 =	vld [tilespmem:s9+$0x62B0];
	(erf) = vrcp.f32 v12  }
.Ltmp3:
0x166: {  	v12 =	vadd.f32 $1.000000000e+00, v9;
	v7 =	vmul.f32 v7, v18;
	v9 =	vld [tilespmem:s9+$0x62C0];
	(erf) = vrcp.f32 v8;
	(pc) =	sbr.rel @p0 .LBB2_9-.Ltmp3, $4  }
0x167: {  	v18 =	vadd.f32 $1.000000000e+00, v11;
	v11 =	vmul.f32 v14, v19;
	v8 =	vld [tilespmem:s9+$0x62D0];
	(erf) = vrcp.f32 v10  }
0x168: {  	v19 =	vadd.f32 $1.000000000e+00, v7;
	v7 =	vmul.f32 v15, v20;
	v10 =	vld [tilespmem:s9+$0x62E0];
	(erf) = vrcp.f32 v12  }
0x169: {  	v12 =	vadd.f32 $1.000000000e+00, v11;
	v15 =	vmul.f32 v16, v13;
	v11 =	vld [tilespmem:s9+$0x62F0];
	(erf) = vrcp.f32 v18  }
0x16a: {  	s12 =	sadd.s32 $0x400, s12;
	v13 =	vadd.f32 $1.000000000e+00, v7;
	v14 =	vmul.f32 v17, v21;
	v7 =	vld [tilespmem:s9+$0x6300];
	(erf) = vrcp.f32 v19  }
0x16b: {  	v15 =	vadd.f32 $1.000000000e+00, v15;
	v6 =	vmul.f32 v6, v9;
	v9 =	vld [tilespmem:s9+$0x6310]  }
0x16c: {  	(erf) = vrcp.f32 v12;
	v12 =	vadd.f32 $1.000000000e+00, v14;
	v5 =	vmul.f32 v5, v8  }
0x16d: {  	(erf) = vrcp.f32 v13;
	v6 =	vadd.f32 $1.000000000e+00, v6;
	v4 =	vmul.f32 v4, v10  }
0x16e: {  	(erf) = vrcp.f32 v15;
	v5 =	vadd.f32 $1.000000000e+00, v5;
	v3 =	vmul.f32 v3, v11  }
0x16f: {  	v8 =	vpop (erf);
	(erf) = vrcp.f32 v12;
	v4 =	vadd.f32 $1.000000000e+00, v4;
	v2 =	vmul.f32 v2, v7  }
0x170: {  	[tilespmem:s9+$0x6220] =	vst v8;
	v7 =	vpop (erf);
	(erf) = vrcp.f32 v6;
	v3 =	vadd.f32 $1.000000000e+00, v3;
	v1 =	vmul.f32 v1, v9  }
0x171: {  	[tilespmem:s9+$0x6230] =	vst v7;
	v6 =	vpop (erf);
	(erf) = vrcp.f32 v5;
	v2 =	vadd.f32 $1.000000000e+00, v2  }
0x172: {  	[tilespmem:s9+$0x6240] =	vst v6;
	v5 =	vpop (erf);
	(erf) = vrcp.f32 v4;
	v1 =	vadd.f32 $1.000000000e+00, v1  }
0x173: {  	[tilespmem:s9+$0x6250] =	vst v5;
	v4 =	vpop (erf);
	(erf) = vrcp.f32 v3  }
0x174: {  	[tilespmem:s9+$0x6260] =	vst v4;
	v3 =	vpop (erf);
	(erf) = vrcp.f32 v2  }
0x175: {  	[tilespmem:s9+$0x6270] =	vst v3;
	v2 =	vpop (erf);
	(erf) = vrcp.f32 v1  }
0x176: {  	[tilespmem:s9+$0x6280] =	vst v2;
	v1 =	vpop (erf)  }
0x177: {  	[tilespmem:s9+$0x6290] =	vst v1;
	v1 =	vpop (erf)  }
0x178: {  	[tilespmem:s9+$0x62A0] =	vst v1;
	v1 =	vpop (erf)  }
0x179: {  	[tilespmem:s9+$0x62B0] =	vst v1;
	v1 =	vpop (erf)  }
0x17a: {  	[tilespmem:s9+$0x62C0] =	vst v1;
	v1 =	vpop (erf)  }
0x17b: {  	[tilespmem:s9+$0x62D0] =	vst v1;
	v1 =	vpop (erf)  }
0x17c: {  	s12 =	smul.u32 $0x500, s16;
	[tilespmem:s9+$0x62E0] =	vst v1;
	v1 =	vpop (erf)  }
0x17d: {  	[tilespmem:s9+$0x62F0] =	vst v1;
	v1 =	vpop (erf)  }
0x17e: {  	s12 =	sshra.s32 s12, $0x2;
	[tilespmem:s9+$0x6300] =	vst v1;
	v1 =	vpop (erf)  }
0x17f: {  	s31 =	sadd.s32 $0xA0, s12;
	[tilespmem:s9+$0x6310] =	vst v1  }
0x180: {  	[spmem:s4] =	stream.indirect.scatter.add.f32 [tilespmem:s3], [sflag:$0xB], $0x20, s31, s25, $0xb8;
	[tilespmem:$0x1DE20] =	vst v63  }
0x181: {  	_ =	swait.ge [sflag:s8], $0xA00  }
0x182: {  	[sflag:s8] =	ssyncset.done $0x0  }
0x183: {  	s9 =	sadd.s32 $0x190, s17;
	[sflag:s8] =	ssyncadd.s32 $0xFFFFF600  }
0x184: {  	[tilespmem:s29], [sflag:$0x2] =	stream.indirect.gather [spmem:s1], $0x20, s9, s25, $0xb8;
	[tilespmem:$0x1DE20] =	vst v63  }
0x185: {  	s14 =	sadd.s32 $0x28A0, s17;
	s24 =	simm.s32 $0x8020  }
0x186: {  	[tilespmem:s24], [sflag:$0x6] =	stream.indirect.gather [spmem:s2], $0x20, s14, s25, $0xb8;
	[tilespmem:$0x1DE20] =	vst v63  }
0x187: {  	_ =	swait.ge [sflag:s22], $0xA00  }
0x188: {  	[sflag:s22] =	ssyncset.done $0x0  }
0x189: {  	[sflag:s22] =	ssyncadd.s32 $0xFFFFF600  }
0x18a: {  	_ =	swait.ge [sflag:s10], $0xA00  }
0x18b: {  	[sflag:s10] =	ssyncset.done $0x0  }
0x18c: {  	s24 =	simm.s32 $0x0;
	[sflag:s10] =	ssyncadd.s32 $0xFFFFF600  }
0x18d: {  	v7 =	vld [tilespmem:s24+$0x9420]  }
0x18e: {  	v8 =	vld [tilespmem:s24+$0x9430]  }
0x18f: {  	v9 =	vld [tilespmem:s24+$0x9440]  }
0x190: {  	v10 =	vld [tilespmem:s24+$0x9450]  }
0x191: {  	v11 =	vld [tilespmem:s24+$0x9460]  }
0x192: {  	v12 =	vld [tilespmem:s24+$0x9470]  }
0x193: {  	v13 =	vld [tilespmem:s24+$0x9480]  }
0x194: {  	v14 =	vld [tilespmem:s24+$0x9490]  }
0x195: {  	v15 =	vld [tilespmem:s24+$0x94A0]  }
0x196: {  	v16 =	vld [tilespmem:s24+$0x94B0]  }
0x197: {  	v6 =	vld [tilespmem:s24+$0x94C0]  }
0x198: {  	v5 =	vld [tilespmem:s24+$0x94D0]  }
0x199: {  	v4 =	vld [tilespmem:s24+$0x94E0]  }
0x19a: {  	v3 =	vld [tilespmem:s24+$0x94F0]  }
0x19b: {  	v2 =	vld [tilespmem:s24+$0x9500]  }
0x19c: {  	v1 =	vld [tilespmem:s24+$0x9510]  }
0x19d: {  	v17 =	vld [tilespmem:s24+$0x6C20]  }
0x19e: {  	v18 =	vld [tilespmem:s24+$0x6C30]  }
0x19f: {  	v19 =	vld [tilespmem:s24+$0x6C40]  }
0x1a0: {  	v20 =	vld [tilespmem:s24+$0x6C50]  }
0x1a1: {  	v21 =	vld [tilespmem:s24+$0x6C60]  }
0x1a2: {  	v7 =	vmul.f32 v7, v17;
	v17 =	vld [tilespmem:s24+$0x6C70]  }
0x1a3: {  	v59 =	vld [tilespmem:s24+$0x6C80];
	v8 =	vmul.f32 v8, v18  }
0x1a4: {  	v60 =	vld [tilespmem:s24+$0x6C90];
	v9 =	vmul.f32 v9, v19;
	v7 =	vadd.f32 $1.000000000e+00, v7  }
0x1a5: {  	v61 =	vld [tilespmem:s24+$0x6CA0];
	v10 =	vmul.f32 v10, v20;
	v8 =	vadd.f32 $1.000000000e+00, v8  }
0x1a6: {  	v62 =	vld [tilespmem:s24+$0x6CB0];
	v11 =	vmul.f32 v11, v21;
	v22 =	vadd.f32 $1.000000000e+00, v9;
	(erf) = vrcp.f32 v7  }
0x1a7: {  	v9 =	vld [tilespmem:s24+$0x6CC0];
	v7 =	vadd.f32 $1.000000000e+00, v10;
	v10 =	vmul.f32 v12, v17;
	(erf) = vrcp.f32 v8  }
0x1a8: {  	v17 =	vadd.f32 $1.000000000e+00, v11;
	v11 =	vmul.f32 v13, v59;
	v8 =	vld [tilespmem:s24+$0x6CD0];
	(erf) = vrcp.f32 v22  }
0x1a9: {  	v13 =	vmul.f32 v14, v60;
	v63 =	vadd.f32 $1.000000000e+00, v10;
	v10 =	vld [tilespmem:s24+$0x6CE0];
	(erf) = vrcp.f32 v7  }
0x1aa: {  	v15 =	vmul.f32 v15, v61;
	v12 =	vadd.f32 $1.000000000e+00, v11;
	v11 =	vld [tilespmem:s24+$0x6CF0];
	(erf) = vrcp.f32 v17  }
0x1ab: {  	s14 =	simm.s32 $0x400;
	v14 =	vmul.f32 v16, v62;
	v13 =	vadd.f32 $1.000000000e+00, v13;
	v7 =	vld [tilespmem:s24+$0x6D00];
	(erf) = vrcp.f32 v63  }
.LBB2_11:
0x1ac: {  	s31 =	sshra.s32 s14, $0x2;
	p0 =	sne.s32 s14, $0x2400;
	v15 =	vadd.f32 $1.000000000e+00, v15;
	v6 =	vmul.f32 v6, v9;
	v9 =	vld [tilespmem:s24+$0x6D10];
	(erf) = vrcp.f32 v12  }
0x1ad: {  	v12 =	vld [tilespmem:s31+$0x9420];
	v14 =	vadd.f32 $1.000000000e+00, v14;
	v5 =	vmul.f32 v5, v8;
	(erf) = vrcp.f32 v13  }
0x1ae: {  	v8 =	vld [tilespmem:s31+$0x9430];
	v16 =	vadd.f32 $1.000000000e+00, v6;
	v4 =	vmul.f32 v4, v10;
	(erf) = vrcp.f32 v15  }
0x1af: {  	v10 =	vld [tilespmem:s31+$0x9440];
	v15 =	vadd.f32 $1.000000000e+00, v5;
	v3 =	vmul.f32 v3, v11;
	v11 =	vpop (erf);
	(erf) = vrcp.f32 v14  }
0x1b0: {  	v13 =	vld [tilespmem:s31+$0x9450];
	[tilespmem:s24+$0x6C20] =	vst v11;
	v17 =	vadd.f32 $1.000000000e+00, v4;
	v2 =	vmul.f32 v2, v7;
	v7 =	vpop (erf);
	(erf) = vrcp.f32 v16  }
0x1b1: {  	v11 =	vld [tilespmem:s31+$0x9460];
	[tilespmem:s24+$0x6C30] =	vst v7;
	v16 =	vadd.f32 $1.000000000e+00, v3;
	v1 =	vmul.f32 v1, v9;
	v6 =	vpop (erf);
	(erf) = vrcp.f32 v15  }
0x1b2: {  	v7 =	vld [tilespmem:s31+$0x9470];
	[tilespmem:s24+$0x6C40] =	vst v6;
	v6 =	vadd.f32 $1.000000000e+00, v2;
	v5 =	vpop (erf);
	(erf) = vrcp.f32 v17  }
0x1b3: {  	v14 =	vld [tilespmem:s31+$0x9480];
	[tilespmem:s24+$0x6C50] =	vst v5;
	v5 =	vadd.f32 $1.000000000e+00, v1;
	v4 =	vpop (erf);
	(erf) = vrcp.f32 v16  }
0x1b4: {  	v15 =	vld [tilespmem:s31+$0x9490];
	[tilespmem:s24+$0x6C60] =	vst v4;
	v3 =	vpop (erf);
	(erf) = vrcp.f32 v6  }
0x1b5: {  	v16 =	vld [tilespmem:s31+$0x94A0];
	[tilespmem:s24+$0x6C70] =	vst v3;
	v2 =	vpop (erf);
	(erf) = vrcp.f32 v5  }
0x1b6: {  	v17 =	vld [tilespmem:s31+$0x94B0];
	[tilespmem:s24+$0x6C80] =	vst v2;
	v1 =	vpop (erf)  }
0x1b7: {  	v6 =	vld [tilespmem:s31+$0x94C0];
	[tilespmem:s24+$0x6C90] =	vst v1;
	v1 =	vpop (erf)  }
0x1b8: {  	v5 =	vld [tilespmem:s31+$0x94D0];
	[tilespmem:s24+$0x6CA0] =	vst v1;
	v1 =	vpop (erf)  }
0x1b9: {  	v4 =	vld [tilespmem:s31+$0x94E0];
	[tilespmem:s24+$0x6CB0] =	vst v1;
	v1 =	vpop (erf)  }
0x1ba: {  	v3 =	vld [tilespmem:s31+$0x94F0];
	[tilespmem:s24+$0x6CC0] =	vst v1;
	v1 =	vpop (erf)  }
0x1bb: {  	v2 =	vld [tilespmem:s31+$0x9500];
	[tilespmem:s24+$0x6CD0] =	vst v1;
	v9 =	vpop (erf)  }
0x1bc: {  	v1 =	vld [tilespmem:s31+$0x9510];
	[tilespmem:s24+$0x6CE0] =	vst v9;
	v9 =	vpop (erf)  }
0x1bd: {  	v18 =	vld [tilespmem:s31+$0x6C20];
	[tilespmem:s24+$0x6CF0] =	vst v9;
	v9 =	vpop (erf)  }
0x1be: {  	v19 =	vld [tilespmem:s31+$0x6C30];
	[tilespmem:s24+$0x6D00] =	vst v9;
	v9 =	vpop (erf)  }
0x1bf: {  	v20 =	vld [tilespmem:s31+$0x6C40];
	[tilespmem:s24+$0x6D10] =	vst v9;
	s24 =	smov.u32 s31  }
0x1c0: {  	v9 =	vld [tilespmem:s24+$0x6C50]  }
0x1c1: {  	v21 =	vld [tilespmem:s24+$0x6C60]  }
0x1c2: {  	v12 =	vmul.f32 v12, v18;
	v18 =	vld [tilespmem:s24+$0x6C70]  }
0x1c3: {  	v8 =	vmul.f32 v8, v19;
	v19 =	vld [tilespmem:s24+$0x6C80]  }
0x1c4: {  	v12 =	vadd.f32 $1.000000000e+00, v12;
	v10 =	vmul.f32 v10, v20;
	v20 =	vld [tilespmem:s24+$0x6C90]  }
0x1c5: {  	v8 =	vadd.f32 $1.000000000e+00, v8;
	v9 =	vmul.f32 v13, v9;
	v13 =	vld [tilespmem:s24+$0x6CA0]  }
0x1c6: {  	v10 =	vadd.f32 $1.000000000e+00, v10;
	v11 =	vmul.f32 v11, v21;
	v21 =	vld [tilespmem:s24+$0x6CB0];
	(erf) = vrcp.f32 v12  }
.Ltmp4:
0x1c7: {  	v12 =	vadd.f32 $1.000000000e+00, v9;
	v7 =	vmul.f32 v7, v18;
	v9 =	vld [tilespmem:s24+$0x6CC0];
	(erf) = vrcp.f32 v8;
	(pc) =	sbr.rel @p0 .LBB2_11-.Ltmp4, $4  }
0x1c8: {  	v18 =	vadd.f32 $1.000000000e+00, v11;
	v11 =	vmul.f32 v14, v19;
	v8 =	vld [tilespmem:s24+$0x6CD0];
	(erf) = vrcp.f32 v10  }
0x1c9: {  	v19 =	vadd.f32 $1.000000000e+00, v7;
	v7 =	vmul.f32 v15, v20;
	v10 =	vld [tilespmem:s24+$0x6CE0];
	(erf) = vrcp.f32 v12  }
0x1ca: {  	v12 =	vadd.f32 $1.000000000e+00, v11;
	v15 =	vmul.f32 v16, v13;
	v11 =	vld [tilespmem:s24+$0x6CF0];
	(erf) = vrcp.f32 v18  }
0x1cb: {  	s14 =	sadd.s32 $0x400, s14;
	v13 =	vadd.f32 $1.000000000e+00, v7;
	v14 =	vmul.f32 v17, v21;
	v7 =	vld [tilespmem:s24+$0x6D00];
	(erf) = vrcp.f32 v19  }
0x1cc: {  	v15 =	vadd.f32 $1.000000000e+00, v15;
	v6 =	vmul.f32 v6, v9;
	v9 =	vld [tilespmem:s24+$0x6D10]  }
0x1cd: {  	(erf) = vrcp.f32 v12;
	v12 =	vadd.f32 $1.000000000e+00, v14;
	v5 =	vmul.f32 v5, v8  }
0x1ce: {  	(erf) = vrcp.f32 v13;
	v6 =	vadd.f32 $1.000000000e+00, v6;
	v4 =	vmul.f32 v4, v10  }
0x1cf: {  	(erf) = vrcp.f32 v15;
	v5 =	vadd.f32 $1.000000000e+00, v5;
	v3 =	vmul.f32 v3, v11  }
0x1d0: {  	v8 =	vpop (erf);
	(erf) = vrcp.f32 v12;
	v4 =	vadd.f32 $1.000000000e+00, v4;
	v2 =	vmul.f32 v2, v7  }
0x1d1: {  	[tilespmem:s24+$0x6C20] =	vst v8;
	v7 =	vpop (erf);
	(erf) = vrcp.f32 v6;
	v3 =	vadd.f32 $1.000000000e+00, v3;
	v1 =	vmul.f32 v1, v9  }
0x1d2: {  	[tilespmem:s24+$0x6C30] =	vst v7;
	v6 =	vpop (erf);
	(erf) = vrcp.f32 v5;
	v2 =	vadd.f32 $1.000000000e+00, v2  }
0x1d3: {  	[tilespmem:s24+$0x6C40] =	vst v6;
	v5 =	vpop (erf);
	(erf) = vrcp.f32 v4;
	v1 =	vadd.f32 $1.000000000e+00, v1  }
0x1d4: {  	[tilespmem:s24+$0x6C50] =	vst v5;
	v4 =	vpop (erf);
	(erf) = vrcp.f32 v3  }
0x1d5: {  	[tilespmem:s24+$0x6C60] =	vst v4;
	v3 =	vpop (erf);
	(erf) = vrcp.f32 v2  }
0x1d6: {  	[tilespmem:s24+$0x6C70] =	vst v3;
	v2 =	vpop (erf);
	(erf) = vrcp.f32 v1  }
0x1d7: {  	[tilespmem:s24+$0x6C80] =	vst v2;
	v1 =	vpop (erf)  }
0x1d8: {  	[tilespmem:s24+$0x6C90] =	vst v1;
	v1 =	vpop (erf)  }
0x1d9: {  	[tilespmem:s24+$0x6CA0] =	vst v1;
	v1 =	vpop (erf)  }
0x1da: {  	[tilespmem:s24+$0x6CB0] =	vst v1;
	v1 =	vpop (erf)  }
0x1db: {  	[tilespmem:s24+$0x6CC0] =	vst v1;
	v1 =	vpop (erf)  }
0x1dc: {  	[tilespmem:s24+$0x6CD0] =	vst v1;
	v1 =	vpop (erf)  }
0x1dd: {  	[tilespmem:s24+$0x6CE0] =	vst v1;
	v1 =	vpop (erf)  }
0x1de: {  	[tilespmem:s24+$0x6CF0] =	vst v1;
	v1 =	vpop (erf)  }
0x1df: {  	[tilespmem:s24+$0x6D00] =	vst v1;
	v1 =	vpop (erf)  }
0x1e0: {  	s12 =	sadd.s32 $0xF0, s12;
	[tilespmem:s24+$0x6D10] =	vst v1  }
0x1e1: {  	[spmem:s4] =	stream.indirect.scatter.add.f32 [tilespmem:s23], [sflag:$0xC], $0x20, s12, s25, $0xb8;
	[tilespmem:$0x1DE20] =	vst v63  }
0x1e2: {  	_ =	swait.ge [sflag:s11], $0xA00  }
0x1e3: {  	[sflag:s11] =	ssyncset.done $0x0  }
0x1e4: {  	s24 =	sadd.s32 $0x1E0, s17;
	[sflag:s11] =	ssyncadd.s32 $0xFFFFF600  }
0x1e5: {  	[tilespmem:s3], [sflag:$0x3] =	stream.indirect.gather [spmem:s1], $0x20, s24, s25, $0xb8;
	[tilespmem:$0x1DE20] =	vst v63  }
0x1e6: {  	s31 =	sadd.s32 $0x28F0, s17  }
0x1e7: {  	[tilespmem:s30], [sflag:$0x7] =	stream.indirect.gather [spmem:s2], $0x20, s31, s25, $0xb8;
	[tilespmem:$0x1DE20] =	vst v63  }
0x1e8: {  	_ =	swait.ge [sflag:s19], $0xA00  }
0x1e9: {  	[sflag:s19] =	ssyncset.done $0x0  }
0x1ea: {  	[sflag:s19] =	ssyncadd.s32 $0xFFFFF600  }
0x1eb: {  	_ =	swait.ge [sflag:s0], $0xA00  }
0x1ec: {  	[sflag:s0] =	ssyncset.done $0x0  }
0x1ed: {  	s12 =	simm.s32 $0x0;
	[sflag:s0] =	ssyncadd.s32 $0xFFFFF600  }
0x1ee: {  	v7 =	vld [tilespmem:s12+$0x7620]  }
0x1ef: {  	v8 =	vld [tilespmem:s12+$0x7630]  }
0x1f0: {  	v9 =	vld [tilespmem:s12+$0x7640]  }
0x1f1: {  	v10 =	vld [tilespmem:s12+$0x7650]  }
0x1f2: {  	v11 =	vld [tilespmem:s12+$0x7660]  }
0x1f3: {  	v12 =	vld [tilespmem:s12+$0x7670]  }
0x1f4: {  	v13 =	vld [tilespmem:s12+$0x7680]  }
0x1f5: {  	v14 =	vld [tilespmem:s12+$0x7690]  }
0x1f6: {  	v15 =	vld [tilespmem:s12+$0x76A0]  }
0x1f7: {  	v16 =	vld [tilespmem:s12+$0x76B0]  }
0x1f8: {  	v6 =	vld [tilespmem:s12+$0x76C0]  }
0x1f9: {  	v5 =	vld [tilespmem:s12+$0x76D0]  }
0x1fa: {  	v4 =	vld [tilespmem:s12+$0x76E0]  }
0x1fb: {  	v3 =	vld [tilespmem:s12+$0x76F0]  }
0x1fc: {  	v2 =	vld [tilespmem:s12+$0x7700]  }
0x1fd: {  	v1 =	vld [tilespmem:s12+$0x7710]  }
0x1fe: {  	v17 =	vld [tilespmem:s12+$0x4E20]  }
0x1ff: {  	v18 =	vld [tilespmem:s12+$0x4E30]  }
0x200: {  	v19 =	vld [tilespmem:s12+$0x4E40]  }
0x201: {  	v20 =	vld [tilespmem:s12+$0x4E50]  }
0x202: {  	v21 =	vld [tilespmem:s12+$0x4E60]  }
0x203: {  	v7 =	vmul.f32 v7, v17;
	v17 =	vld [tilespmem:s12+$0x4E70]  }
0x204: {  	v59 =	vld [tilespmem:s12+$0x4E80];
	v8 =	vmul.f32 v8, v18  }
0x205: {  	v60 =	vld [tilespmem:s12+$0x4E90];
	v9 =	vmul.f32 v9, v19;
	v7 =	vadd.f32 $1.000000000e+00, v7  }
0x206: {  	v61 =	vld [tilespmem:s12+$0x4EA0];
	v10 =	vmul.f32 v10, v20;
	v8 =	vadd.f32 $1.000000000e+00, v8  }
0x207: {  	v62 =	vld [tilespmem:s12+$0x4EB0];
	v11 =	vmul.f32 v11, v21;
	v22 =	vadd.f32 $1.000000000e+00, v9;
	(erf) = vrcp.f32 v7  }
0x208: {  	v9 =	vld [tilespmem:s12+$0x4EC0];
	v7 =	vadd.f32 $1.000000000e+00, v10;
	v10 =	vmul.f32 v12, v17;
	(erf) = vrcp.f32 v8  }
0x209: {  	v17 =	vadd.f32 $1.000000000e+00, v11;
	v11 =	vmul.f32 v13, v59;
	v8 =	vld [tilespmem:s12+$0x4ED0];
	(erf) = vrcp.f32 v22  }
0x20a: {  	v13 =	vmul.f32 v14, v60;
	v63 =	vadd.f32 $1.000000000e+00, v10;
	v10 =	vld [tilespmem:s12+$0x4EE0];
	(erf) = vrcp.f32 v7  }
0x20b: {  	v15 =	vmul.f32 v15, v61;
	v12 =	vadd.f32 $1.000000000e+00, v11;
	v11 =	vld [tilespmem:s12+$0x4EF0];
	(erf) = vrcp.f32 v17  }
0x20c: {  	s14 =	simm.s32 $0x400;
	v14 =	vmul.f32 v16, v62;
	v13 =	vadd.f32 $1.000000000e+00, v13;
	v7 =	vld [tilespmem:s12+$0x4F00];
	(erf) = vrcp.f32 v63  }
.LBB2_13:
0x20d: {  	s24 =	sshra.s32 s14, $0x2;
	p0 =	sne.s32 s14, $0x2400;
	v15 =	vadd.f32 $1.000000000e+00, v15;
	v6 =	vmul.f32 v6, v9;
	v9 =	vld [tilespmem:s12+$0x4F10];
	(erf) = vrcp.f32 v12  }
0x20e: {  	v12 =	vld [tilespmem:s24+$0x7620];
	v14 =	vadd.f32 $1.000000000e+00, v14;
	v5 =	vmul.f32 v5, v8;
	(erf) = vrcp.f32 v13  }
0x20f: {  	v8 =	vld [tilespmem:s24+$0x7630];
	v16 =	vadd.f32 $1.000000000e+00, v6;
	v4 =	vmul.f32 v4, v10;
	(erf) = vrcp.f32 v15  }
0x210: {  	v10 =	vld [tilespmem:s24+$0x7640];
	v15 =	vadd.f32 $1.000000000e+00, v5;
	v3 =	vmul.f32 v3, v11;
	v11 =	vpop (erf);
	(erf) = vrcp.f32 v14  }
0x211: {  	v13 =	vld [tilespmem:s24+$0x7650];
	[tilespmem:s12+$0x4E20] =	vst v11;
	v17 =	vadd.f32 $1.000000000e+00, v4;
	v2 =	vmul.f32 v2, v7;
	v7 =	vpop (erf);
	(erf) = vrcp.f32 v16  }
0x212: {  	v11 =	vld [tilespmem:s24+$0x7660];
	[tilespmem:s12+$0x4E30] =	vst v7;
	v16 =	vadd.f32 $1.000000000e+00, v3;
	v1 =	vmul.f32 v1, v9;
	v6 =	vpop (erf);
	(erf) = vrcp.f32 v15  }
0x213: {  	v7 =	vld [tilespmem:s24+$0x7670];
	[tilespmem:s12+$0x4E40] =	vst v6;
	v6 =	vadd.f32 $1.000000000e+00, v2;
	v5 =	vpop (erf);
	(erf) = vrcp.f32 v17  }
0x214: {  	v14 =	vld [tilespmem:s24+$0x7680];
	[tilespmem:s12+$0x4E50] =	vst v5;
	v5 =	vadd.f32 $1.000000000e+00, v1;
	v4 =	vpop (erf);
	(erf) = vrcp.f32 v16  }
0x215: {  	v15 =	vld [tilespmem:s24+$0x7690];
	[tilespmem:s12+$0x4E60] =	vst v4;
	v3 =	vpop (erf);
	(erf) = vrcp.f32 v6  }
0x216: {  	v16 =	vld [tilespmem:s24+$0x76A0];
	[tilespmem:s12+$0x4E70] =	vst v3;
	v2 =	vpop (erf);
	(erf) = vrcp.f32 v5  }
0x217: {  	v17 =	vld [tilespmem:s24+$0x76B0];
	[tilespmem:s12+$0x4E80] =	vst v2;
	v1 =	vpop (erf)  }
0x218: {  	v6 =	vld [tilespmem:s24+$0x76C0];
	[tilespmem:s12+$0x4E90] =	vst v1;
	v1 =	vpop (erf)  }
0x219: {  	v5 =	vld [tilespmem:s24+$0x76D0];
	[tilespmem:s12+$0x4EA0] =	vst v1;
	v1 =	vpop (erf)  }
0x21a: {  	v4 =	vld [tilespmem:s24+$0x76E0];
	[tilespmem:s12+$0x4EB0] =	vst v1;
	v1 =	vpop (erf)  }
0x21b: {  	v3 =	vld [tilespmem:s24+$0x76F0];
	[tilespmem:s12+$0x4EC0] =	vst v1;
	v1 =	vpop (erf)  }
0x21c: {  	v2 =	vld [tilespmem:s24+$0x7700];
	[tilespmem:s12+$0x4ED0] =	vst v1;
	v9 =	vpop (erf)  }
0x21d: {  	v1 =	vld [tilespmem:s24+$0x7710];
	[tilespmem:s12+$0x4EE0] =	vst v9;
	v9 =	vpop (erf)  }
0x21e: {  	v18 =	vld [tilespmem:s24+$0x4E20];
	[tilespmem:s12+$0x4EF0] =	vst v9;
	v9 =	vpop (erf)  }
0x21f: {  	v19 =	vld [tilespmem:s24+$0x4E30];
	[tilespmem:s12+$0x4F00] =	vst v9;
	v9 =	vpop (erf)  }
0x220: {  	v20 =	vld [tilespmem:s24+$0x4E40];
	[tilespmem:s12+$0x4F10] =	vst v9;
	s12 =	smov.u32 s24  }
0x221: {  	v9 =	vld [tilespmem:s12+$0x4E50]  }
0x222: {  	v21 =	vld [tilespmem:s12+$0x4E60]  }
0x223: {  	v12 =	vmul.f32 v12, v18;
	v18 =	vld [tilespmem:s12+$0x4E70]  }
0x224: {  	v8 =	vmul.f32 v8, v19;
	v19 =	vld [tilespmem:s12+$0x4E80]  }
0x225: {  	v12 =	vadd.f32 $1.000000000e+00, v12;
	v10 =	vmul.f32 v10, v20;
	v20 =	vld [tilespmem:s12+$0x4E90]  }
0x226: {  	v8 =	vadd.f32 $1.000000000e+00, v8;
	v9 =	vmul.f32 v13, v9;
	v13 =	vld [tilespmem:s12+$0x4EA0]  }
0x227: {  	v10 =	vadd.f32 $1.000000000e+00, v10;
	v11 =	vmul.f32 v11, v21;
	v21 =	vld [tilespmem:s12+$0x4EB0];
	(erf) = vrcp.f32 v12  }
.Ltmp5:
0x228: {  	v12 =	vadd.f32 $1.000000000e+00, v9;
	v7 =	vmul.f32 v7, v18;
	v9 =	vld [tilespmem:s12+$0x4EC0];
	(erf) = vrcp.f32 v8;
	(pc) =	sbr.rel @p0 .LBB2_13-.Ltmp5, $4  }
0x229: {  	v18 =	vadd.f32 $1.000000000e+00, v11;
	v11 =	vmul.f32 v14, v19;
	v8 =	vld [tilespmem:s12+$0x4ED0];
	(erf) = vrcp.f32 v10  }
0x22a: {  	v19 =	vadd.f32 $1.000000000e+00, v7;
	v7 =	vmul.f32 v15, v20;
	v10 =	vld [tilespmem:s12+$0x4EE0];
	(erf) = vrcp.f32 v12  }
0x22b: {  	v12 =	vadd.f32 $1.000000000e+00, v11;
	v15 =	vmul.f32 v16, v13;
	v11 =	vld [tilespmem:s12+$0x4EF0];
	(erf) = vrcp.f32 v18  }
0x22c: {  	s14 =	sadd.s32 $0x400, s14;
	v13 =	vadd.f32 $1.000000000e+00, v7;
	v14 =	vmul.f32 v17, v21;
	v7 =	vld [tilespmem:s12+$0x4F00];
	(erf) = vrcp.f32 v19  }
0x22d: {  	v15 =	vadd.f32 $1.000000000e+00, v15;
	v6 =	vmul.f32 v6, v9;
	v9 =	vld [tilespmem:s12+$0x4F10]  }
0x22e: {  	(erf) = vrcp.f32 v12;
	v12 =	vadd.f32 $1.000000000e+00, v14;
	v5 =	vmul.f32 v5, v8  }
0x22f: {  	(erf) = vrcp.f32 v13;
	v6 =	vadd.f32 $1.000000000e+00, v6;
	v4 =	vmul.f32 v4, v10  }
0x230: {  	(erf) = vrcp.f32 v15;
	v5 =	vadd.f32 $1.000000000e+00, v5;
	v3 =	vmul.f32 v3, v11  }
0x231: {  	v8 =	vpop (erf);
	(erf) = vrcp.f32 v12;
	v4 =	vadd.f32 $1.000000000e+00, v4;
	v2 =	vmul.f32 v2, v7  }
0x232: {  	[tilespmem:s12+$0x4E20] =	vst v8;
	v7 =	vpop (erf);
	(erf) = vrcp.f32 v6;
	v3 =	vadd.f32 $1.000000000e+00, v3;
	v1 =	vmul.f32 v1, v9  }
0x233: {  	[tilespmem:s12+$0x4E30] =	vst v7;
	v6 =	vpop (erf);
	(erf) = vrcp.f32 v5;
	v2 =	vadd.f32 $1.000000000e+00, v2  }
0x234: {  	[tilespmem:s12+$0x4E40] =	vst v6;
	v5 =	vpop (erf);
	(erf) = vrcp.f32 v4;
	v1 =	vadd.f32 $1.000000000e+00, v1  }
0x235: {  	[tilespmem:s12+$0x4E50] =	vst v5;
	v4 =	vpop (erf);
	(erf) = vrcp.f32 v3  }
0x236: {  	[tilespmem:s12+$0x4E60] =	vst v4;
	v3 =	vpop (erf);
	(erf) = vrcp.f32 v2  }
0x237: {  	[tilespmem:s12+$0x4E70] =	vst v3;
	v2 =	vpop (erf);
	(erf) = vrcp.f32 v1  }
0x238: {  	[tilespmem:s12+$0x4E80] =	vst v2;
	v1 =	vpop (erf)  }
0x239: {  	[tilespmem:s12+$0x4E90] =	vst v1;
	v1 =	vpop (erf)  }
0x23a: {  	[tilespmem:s12+$0x4EA0] =	vst v1;
	v1 =	vpop (erf)  }
0x23b: {  	[tilespmem:s12+$0x4EB0] =	vst v1;
	v1 =	vpop (erf)  }
0x23c: {  	[tilespmem:s12+$0x4EC0] =	vst v1;
	v1 =	vpop (erf)  }
0x23d: {  	[tilespmem:s12+$0x4ED0] =	vst v1;
	v1 =	vpop (erf)  }
0x23e: {  	[tilespmem:s12+$0x4EE0] =	vst v1;
	v1 =	vpop (erf)  }
0x23f: {  	[tilespmem:s12+$0x4EF0] =	vst v1;
	v1 =	vpop (erf)  }
0x240: {  	[tilespmem:s12+$0x4F00] =	vst v1;
	v1 =	vpop (erf)  }
0x241: {  	[tilespmem:s12+$0x4F10] =	vst v1  }
0x242: {  	[spmem:s4] =	stream.indirect.scatter.add.f32 [tilespmem:s26], [sflag:$0x9], $0x20, s18, s25, $0xb8;
	[tilespmem:$0x1DE20] =	vst v63  }
0x243: {  	_ =	swait.ge [sflag:s13], $0xA00  }
0x244: {  	[sflag:s13] =	ssyncset.done $0x0  }
0x245: {  	s24 =	sadd.s32 $0x230, s17;
	[sflag:s13] =	ssyncadd.s32 $0xFFFFF600  }
0x246: {  	[tilespmem:s23], [sflag:$0x4] =	stream.indirect.gather [spmem:s1], $0x20, s24, s25, $0xb8;
	[tilespmem:$0x1DE20] =	vst v63  }
0x247: {  	s31 =	sadd.s32 $0x2940, s17  }
0x248: {  	[tilespmem:s15], [sflag:$0x8] =	stream.indirect.gather [spmem:s2], $0x20, s31, s25, $0xb8;
	[tilespmem:$0x1DE20] =	vst v63  }
0x249: {  	_ =	swait.ge [sflag:s20], $0xA00  }
0x24a: {  	[sflag:s20] =	ssyncset.done $0x0  }
0x24b: {  	[sflag:s20] =	ssyncadd.s32 $0xFFFFF600  }
0x24c: {  	_ =	swait.ge [sflag:s5], $0xA00  }
0x24d: {  	[sflag:s5] =	ssyncset.done $0x0  }
0x24e: {  	s12 =	simm.s32 $0x0;
	[sflag:s5] =	ssyncadd.s32 $0xFFFFF600  }
0x24f: {  	v7 =	vld [tilespmem:s12+$0x8020]  }
0x250: {  	v8 =	vld [tilespmem:s12+$0x8030]  }
0x251: {  	v9 =	vld [tilespmem:s12+$0x8040]  }
0x252: {  	v10 =	vld [tilespmem:s12+$0x8050]  }
0x253: {  	v11 =	vld [tilespmem:s12+$0x8060]  }
0x254: {  	v12 =	vld [tilespmem:s12+$0x8070]  }
0x255: {  	v13 =	vld [tilespmem:s12+$0x8080]  }
0x256: {  	v14 =	vld [tilespmem:s12+$0x8090]  }
0x257: {  	v15 =	vld [tilespmem:s12+$0x80A0]  }
0x258: {  	v16 =	vld [tilespmem:s12+$0x80B0]  }
0x259: {  	v6 =	vld [tilespmem:s12+$0x80C0]  }
0x25a: {  	v5 =	vld [tilespmem:s12+$0x80D0]  }
0x25b: {  	v4 =	vld [tilespmem:s12+$0x80E0]  }
0x25c: {  	v3 =	vld [tilespmem:s12+$0x80F0]  }
0x25d: {  	v2 =	vld [tilespmem:s12+$0x8100]  }
0x25e: {  	v1 =	vld [tilespmem:s12+$0x8110]  }
0x25f: {  	v17 =	vld [tilespmem:s12+$0x5820]  }
0x260: {  	v18 =	vld [tilespmem:s12+$0x5830]  }
0x261: {  	v19 =	vld [tilespmem:s12+$0x5840]  }
0x262: {  	v20 =	vld [tilespmem:s12+$0x5850]  }
0x263: {  	v21 =	vld [tilespmem:s12+$0x5860]  }
0x264: {  	v7 =	vmul.f32 v7, v17;
	v17 =	vld [tilespmem:s12+$0x5870]  }
0x265: {  	v59 =	vld [tilespmem:s12+$0x5880];
	v8 =	vmul.f32 v8, v18  }
0x266: {  	v60 =	vld [tilespmem:s12+$0x5890];
	v9 =	vmul.f32 v9, v19;
	v7 =	vadd.f32 $1.000000000e+00, v7  }
0x267: {  	v61 =	vld [tilespmem:s12+$0x58A0];
	v10 =	vmul.f32 v10, v20;
	v8 =	vadd.f32 $1.000000000e+00, v8  }
0x268: {  	v62 =	vld [tilespmem:s12+$0x58B0];
	v11 =	vmul.f32 v11, v21;
	v22 =	vadd.f32 $1.000000000e+00, v9;
	(erf) = vrcp.f32 v7  }
0x269: {  	v9 =	vld [tilespmem:s12+$0x58C0];
	v7 =	vadd.f32 $1.000000000e+00, v10;
	v10 =	vmul.f32 v12, v17;
	(erf) = vrcp.f32 v8  }
0x26a: {  	v17 =	vadd.f32 $1.000000000e+00, v11;
	v11 =	vmul.f32 v13, v59;
	v8 =	vld [tilespmem:s12+$0x58D0];
	(erf) = vrcp.f32 v22  }
0x26b: {  	v13 =	vmul.f32 v14, v60;
	v63 =	vadd.f32 $1.000000000e+00, v10;
	v10 =	vld [tilespmem:s12+$0x58E0];
	(erf) = vrcp.f32 v7  }
0x26c: {  	v15 =	vmul.f32 v15, v61;
	v12 =	vadd.f32 $1.000000000e+00, v11;
	v11 =	vld [tilespmem:s12+$0x58F0];
	(erf) = vrcp.f32 v17  }
0x26d: {  	s14 =	simm.s32 $0x400;
	v14 =	vmul.f32 v16, v62;
	v13 =	vadd.f32 $1.000000000e+00, v13;
	v7 =	vld [tilespmem:s12+$0x5900];
	(erf) = vrcp.f32 v63  }
.LBB2_15:
0x26e: {  	s17 =	sshra.s32 s14, $0x2;
	p0 =	sne.s32 s14, $0x2400;
	v15 =	vadd.f32 $1.000000000e+00, v15;
	v6 =	vmul.f32 v6, v9;
	v9 =	vld [tilespmem:s12+$0x5910];
	(erf) = vrcp.f32 v12  }
0x26f: {  	v12 =	vld [tilespmem:s17+$0x8020];
	v14 =	vadd.f32 $1.000000000e+00, v14;
	v5 =	vmul.f32 v5, v8;
	(erf) = vrcp.f32 v13  }
0x270: {  	v8 =	vld [tilespmem:s17+$0x8030];
	v16 =	vadd.f32 $1.000000000e+00, v6;
	v4 =	vmul.f32 v4, v10;
	(erf) = vrcp.f32 v15  }
0x271: {  	v10 =	vld [tilespmem:s17+$0x8040];
	v15 =	vadd.f32 $1.000000000e+00, v5;
	v3 =	vmul.f32 v3, v11;
	v11 =	vpop (erf);
	(erf) = vrcp.f32 v14  }
0x272: {  	v13 =	vld [tilespmem:s17+$0x8050];
	[tilespmem:s12+$0x5820] =	vst v11;
	v17 =	vadd.f32 $1.000000000e+00, v4;
	v2 =	vmul.f32 v2, v7;
	v7 =	vpop (erf);
	(erf) = vrcp.f32 v16  }
0x273: {  	v11 =	vld [tilespmem:s17+$0x8060];
	[tilespmem:s12+$0x5830] =	vst v7;
	v16 =	vadd.f32 $1.000000000e+00, v3;
	v1 =	vmul.f32 v1, v9;
	v6 =	vpop (erf);
	(erf) = vrcp.f32 v15  }
0x274: {  	v7 =	vld [tilespmem:s17+$0x8070];
	[tilespmem:s12+$0x5840] =	vst v6;
	v6 =	vadd.f32 $1.000000000e+00, v2;
	v5 =	vpop (erf);
	(erf) = vrcp.f32 v17  }
0x275: {  	v14 =	vld [tilespmem:s17+$0x8080];
	[tilespmem:s12+$0x5850] =	vst v5;
	v5 =	vadd.f32 $1.000000000e+00, v1;
	v4 =	vpop (erf);
	(erf) = vrcp.f32 v16  }
0x276: {  	v15 =	vld [tilespmem:s17+$0x8090];
	[tilespmem:s12+$0x5860] =	vst v4;
	v3 =	vpop (erf);
	(erf) = vrcp.f32 v6  }
0x277: {  	v16 =	vld [tilespmem:s17+$0x80A0];
	[tilespmem:s12+$0x5870] =	vst v3;
	v2 =	vpop (erf);
	(erf) = vrcp.f32 v5  }
0x278: {  	v17 =	vld [tilespmem:s17+$0x80B0];
	[tilespmem:s12+$0x5880] =	vst v2;
	v1 =	vpop (erf)  }
0x279: {  	v6 =	vld [tilespmem:s17+$0x80C0];
	[tilespmem:s12+$0x5890] =	vst v1;
	v1 =	vpop (erf)  }
0x27a: {  	v5 =	vld [tilespmem:s17+$0x80D0];
	[tilespmem:s12+$0x58A0] =	vst v1;
	v1 =	vpop (erf)  }
0x27b: {  	v4 =	vld [tilespmem:s17+$0x80E0];
	[tilespmem:s12+$0x58B0] =	vst v1;
	v1 =	vpop (erf)  }
0x27c: {  	v3 =	vld [tilespmem:s17+$0x80F0];
	[tilespmem:s12+$0x58C0] =	vst v1;
	v1 =	vpop (erf)  }
0x27d: {  	v2 =	vld [tilespmem:s17+$0x8100];
	[tilespmem:s12+$0x58D0] =	vst v1;
	v9 =	vpop (erf)  }
0x27e: {  	v1 =	vld [tilespmem:s17+$0x8110];
	[tilespmem:s12+$0x58E0] =	vst v9;
	v9 =	vpop (erf)  }
0x27f: {  	v18 =	vld [tilespmem:s17+$0x5820];
	[tilespmem:s12+$0x58F0] =	vst v9;
	v9 =	vpop (erf)  }
0x280: {  	v19 =	vld [tilespmem:s17+$0x5830];
	[tilespmem:s12+$0x5900] =	vst v9;
	v9 =	vpop (erf)  }
0x281: {  	v20 =	vld [tilespmem:s17+$0x5840];
	[tilespmem:s12+$0x5910] =	vst v9;
	s12 =	smov.u32 s17  }
0x282: {  	v9 =	vld [tilespmem:s12+$0x5850]  }
0x283: {  	v21 =	vld [tilespmem:s12+$0x5860]  }
0x284: {  	v12 =	vmul.f32 v12, v18;
	v18 =	vld [tilespmem:s12+$0x5870]  }
0x285: {  	v8 =	vmul.f32 v8, v19;
	v19 =	vld [tilespmem:s12+$0x5880]  }
0x286: {  	v12 =	vadd.f32 $1.000000000e+00, v12;
	v10 =	vmul.f32 v10, v20;
	v20 =	vld [tilespmem:s12+$0x5890]  }
0x287: {  	v8 =	vadd.f32 $1.000000000e+00, v8;
	v9 =	vmul.f32 v13, v9;
	v13 =	vld [tilespmem:s12+$0x58A0]  }
0x288: {  	v10 =	vadd.f32 $1.000000000e+00, v10;
	v11 =	vmul.f32 v11, v21;
	v21 =	vld [tilespmem:s12+$0x58B0];
	(erf) = vrcp.f32 v12  }
.Ltmp6:
0x289: {  	v12 =	vadd.f32 $1.000000000e+00, v9;
	v7 =	vmul.f32 v7, v18;
	v9 =	vld [tilespmem:s12+$0x58C0];
	(erf) = vrcp.f32 v8;
	(pc) =	sbr.rel @p0 .LBB2_15-.Ltmp6, $4  }
0x28a: {  	v18 =	vadd.f32 $1.000000000e+00, v11;
	v11 =	vmul.f32 v14, v19;
	v8 =	vld [tilespmem:s12+$0x58D0];
	(erf) = vrcp.f32 v10  }
0x28b: {  	v19 =	vadd.f32 $1.000000000e+00, v7;
	v7 =	vmul.f32 v15, v20;
	v10 =	vld [tilespmem:s12+$0x58E0];
	(erf) = vrcp.f32 v12  }
0x28c: {  	v12 =	vadd.f32 $1.000000000e+00, v11;
	v15 =	vmul.f32 v16, v13;
	v11 =	vld [tilespmem:s12+$0x58F0];
	(erf) = vrcp.f32 v18  }
0x28d: {  	s14 =	sadd.s32 $0x400, s14;
	v13 =	vadd.f32 $1.000000000e+00, v7;
	v14 =	vmul.f32 v17, v21;
	v7 =	vld [tilespmem:s12+$0x5900];
	(erf) = vrcp.f32 v19  }
0x28e: {  	v15 =	vadd.f32 $1.000000000e+00, v15;
	v6 =	vmul.f32 v6, v9;
	v57 =	vld [tilespmem:s12+$0x5910]  }
0x28f: {  	(erf) = vrcp.f32 v12;
	v58 =	vadd.f32 $1.000000000e+00, v14;
	v5 =	vmul.f32 v5, v8  }
0x290: {  	(erf) = vrcp.f32 v13;
	v6 =	vadd.f32 $1.000000000e+00, v6;
	v4 =	vmul.f32 v4, v10  }
0x291: {  	(erf) = vrcp.f32 v15;
	v5 =	vadd.f32 $1.000000000e+00, v5;
	v3 =	vmul.f32 v3, v11  }
0x292: {  	v59 =	vpop (erf);
	(erf) = vrcp.f32 v58;
	v4 =	vadd.f32 $1.000000000e+00, v4;
	v2 =	vmul.f32 v2, v7  }
0x293: {  	[tilespmem:s12+$0x5820] =	vst v59;
	v60 =	vpop (erf);
	(erf) = vrcp.f32 v6;
	v3 =	vadd.f32 $1.000000000e+00, v3;
	v1 =	vmul.f32 v1, v57  }
0x294: {  	[tilespmem:s12+$0x5830] =	vst v60;
	v61 =	vpop (erf);
	(erf) = vrcp.f32 v5;
	v2 =	vadd.f32 $1.000000000e+00, v2  }
0x295: {  	[tilespmem:s12+$0x5840] =	vst v61;
	v62 =	vpop (erf);
	(erf) = vrcp.f32 v4;
	v1 =	vadd.f32 $1.000000000e+00, v1  }
0x296: {  	[tilespmem:s12+$0x5850] =	vst v62;
	v63 =	vpop (erf);
	(erf) = vrcp.f32 v3  }
0x297: {  	[tilespmem:s12+$0x5860] =	vst v63;
	v3 =	vpop (erf);
	(erf) = vrcp.f32 v2  }
0x298: {  	[tilespmem:s12+$0x5870] =	vst v3;
	v2 =	vpop (erf);
	(erf) = vrcp.f32 v1  }
0x299: {  	[tilespmem:s12+$0x5880] =	vst v2;
	v1 =	vpop (erf)  }
0x29a: {  	[tilespmem:s12+$0x5890] =	vst v1;
	v1 =	vpop (erf)  }
0x29b: {  	[tilespmem:s12+$0x58A0] =	vst v1;
	v1 =	vpop (erf)  }
0x29c: {  	[tilespmem:s12+$0x58B0] =	vst v1;
	v1 =	vpop (erf)  }
0x29d: {  	s16 =	sadd.s32 $0x1, s16;
	[tilespmem:s12+$0x58C0] =	vst v1;
	v1 =	vpop (erf)  }
0x29e: {  	p0 =	sne.s32 s16, $0x1E;
	[tilespmem:s12+$0x58D0] =	vst v1;
	v1 =	vpop (erf)  }
.Ltmp7:
0x29f: {  	[tilespmem:s12+$0x58E0] =	vst v1;
	v1 =	vpop (erf);
	(pc) =	sbr.rel @p0 .LBB2_8-.Ltmp7, $4  }
0x2a0: {  	[tilespmem:s12+$0x58F0] =	vst v1;
	v1 =	vpop (erf)  }
0x2a1: {  	[tilespmem:s12+$0x5900] =	vst v1;
	v1 =	vpop (erf)  }
0x2a2: {  	[tilespmem:s12+$0x5910] =	vst v1  }
0x2a3: {  	[spmem:s4] =	stream.indirect.scatter.add.f32 [tilespmem:s29], [sflag:$0xA], $0x20, s9, s25, $0xb8;
	[tilespmem:$0x1DE20] =	vst v63  }
0x2a4: {  	_ =	swait.ge [sflag:s6], $0xA00  }
0x2a5: {  	[sflag:s6] =	ssyncset.done $0x0  }
0x2a6: {  	s16 =	simm.s32 $0x26C0;
	[sflag:s6] =	ssyncadd.s32 $0xFFFFF600  }
0x2a7: {  	[tilespmem:s26], [sflag:$0x1] =	stream.indirect.gather [spmem:s1], $0x20, s16, s25, $0xb8;
	[tilespmem:$0x1DE20] =	vst v63  }
0x2a8: {  	s9 =	simm.s32 $0x4DD0  }
0x2a9: {  	[tilespmem:s28], [sflag:$0x5] =	stream.indirect.gather [spmem:s2], $0x20, s9, s25, $0xb8;
	[tilespmem:$0x1DE20] =	vst v63  }
0x2aa: {  	_ =	swait.ge [sflag:s21], $0xA00  }
0x2ab: {  	[sflag:s21] =	ssyncset.done $0x0  }
0x2ac: {  	[sflag:s21] =	ssyncadd.s32 $0xFFFFF600  }
0x2ad: {  	_ =	swait.ge [sflag:s7], $0xA00  }
0x2ae: {  	[sflag:s7] =	ssyncset.done $0x0  }
0x2af: {  	s9 =	simm.s32 $0x0;
	[sflag:s7] =	ssyncadd.s32 $0xFFFFF600  }
0x2b0: {  	v7 =	vld [tilespmem:s9+$0x8A20]  }
0x2b1: {  	v8 =	vld [tilespmem:s9+$0x8A30]  }
0x2b2: {  	v9 =	vld [tilespmem:s9+$0x8A40]  }
0x2b3: {  	v10 =	vld [tilespmem:s9+$0x8A50]  }
0x2b4: {  	v11 =	vld [tilespmem:s9+$0x8A60]  }
0x2b5: {  	v12 =	vld [tilespmem:s9+$0x8A70]  }
0x2b6: {  	v13 =	vld [tilespmem:s9+$0x8A80]  }
0x2b7: {  	v14 =	vld [tilespmem:s9+$0x8A90]  }
0x2b8: {  	v15 =	vld [tilespmem:s9+$0x8AA0]  }
0x2b9: {  	v16 =	vld [tilespmem:s9+$0x8AB0]  }
0x2ba: {  	v6 =	vld [tilespmem:s9+$0x8AC0]  }
0x2bb: {  	v5 =	vld [tilespmem:s9+$0x8AD0]  }
0x2bc: {  	v4 =	vld [tilespmem:s9+$0x8AE0]  }
0x2bd: {  	v3 =	vld [tilespmem:s9+$0x8AF0]  }
0x2be: {  	v2 =	vld [tilespmem:s9+$0x8B00]  }
0x2bf: {  	v1 =	vld [tilespmem:s9+$0x8B10]  }
0x2c0: {  	v17 =	vld [tilespmem:s9+$0x6220]  }
0x2c1: {  	v18 =	vld [tilespmem:s9+$0x6230]  }
0x2c2: {  	v19 =	vld [tilespmem:s9+$0x6240]  }
0x2c3: {  	v20 =	vld [tilespmem:s9+$0x6250]  }
0x2c4: {  	v21 =	vld [tilespmem:s9+$0x6260]  }
0x2c5: {  	v7 =	vmul.f32 v7, v17;
	v17 =	vld [tilespmem:s9+$0x6270]  }
0x2c6: {  	v59 =	vld [tilespmem:s9+$0x6280];
	v8 =	vmul.f32 v8, v18  }
0x2c7: {  	v60 =	vld [tilespmem:s9+$0x6290];
	v9 =	vmul.f32 v9, v19;
	v7 =	vadd.f32 $1.000000000e+00, v7  }
0x2c8: {  	v61 =	vld [tilespmem:s9+$0x62A0];
	v10 =	vmul.f32 v10, v20;
	v8 =	vadd.f32 $1.000000000e+00, v8  }
0x2c9: {  	v62 =	vld [tilespmem:s9+$0x62B0];
	v11 =	vmul.f32 v11, v21;
	v22 =	vadd.f32 $1.000000000e+00, v9;
	(erf) = vrcp.f32 v7  }
0x2ca: {  	v9 =	vld [tilespmem:s9+$0x62C0];
	v7 =	vadd.f32 $1.000000000e+00, v10;
	v10 =	vmul.f32 v12, v17;
	(erf) = vrcp.f32 v8  }
0x2cb: {  	v17 =	vadd.f32 $1.000000000e+00, v11;
	v11 =	vmul.f32 v13, v59;
	v8 =	vld [tilespmem:s9+$0x62D0];
	(erf) = vrcp.f32 v22  }
0x2cc: {  	v13 =	vmul.f32 v14, v60;
	v63 =	vadd.f32 $1.000000000e+00, v10;
	v10 =	vld [tilespmem:s9+$0x62E0];
	(erf) = vrcp.f32 v7  }
0x2cd: {  	v15 =	vmul.f32 v15, v61;
	v12 =	vadd.f32 $1.000000000e+00, v11;
	v11 =	vld [tilespmem:s9+$0x62F0];
	(erf) = vrcp.f32 v17  }
0x2ce: {  	s12 =	simm.s32 $0x400;
	v14 =	vmul.f32 v16, v62;
	v13 =	vadd.f32 $1.000000000e+00, v13;
	v7 =	vld [tilespmem:s9+$0x6300];
	(erf) = vrcp.f32 v63  }
.LBB2_18:
0x2cf: {  	s14 =	sshra.s32 s12, $0x2;
	p0 =	sne.s32 s12, $0x2400;
	v15 =	vadd.f32 $1.000000000e+00, v15;
	v6 =	vmul.f32 v6, v9;
	v9 =	vld [tilespmem:s9+$0x6310];
	(erf) = vrcp.f32 v12  }
0x2d0: {  	v12 =	vld [tilespmem:s14+$0x8A20];
	v14 =	vadd.f32 $1.000000000e+00, v14;
	v5 =	vmul.f32 v5, v8;
	(erf) = vrcp.f32 v13  }
0x2d1: {  	v8 =	vld [tilespmem:s14+$0x8A30];
	v16 =	vadd.f32 $1.000000000e+00, v6;
	v4 =	vmul.f32 v4, v10;
	(erf) = vrcp.f32 v15  }
0x2d2: {  	v10 =	vld [tilespmem:s14+$0x8A40];
	v15 =	vadd.f32 $1.000000000e+00, v5;
	v3 =	vmul.f32 v3, v11;
	v11 =	vpop (erf);
	(erf) = vrcp.f32 v14  }
0x2d3: {  	v13 =	vld [tilespmem:s14+$0x8A50];
	[tilespmem:s9+$0x6220] =	vst v11;
	v17 =	vadd.f32 $1.000000000e+00, v4;
	v2 =	vmul.f32 v2, v7;
	v7 =	vpop (erf);
	(erf) = vrcp.f32 v16  }
0x2d4: {  	v11 =	vld [tilespmem:s14+$0x8A60];
	[tilespmem:s9+$0x6230] =	vst v7;
	v16 =	vadd.f32 $1.000000000e+00, v3;
	v1 =	vmul.f32 v1, v9;
	v6 =	vpop (erf);
	(erf) = vrcp.f32 v15  }
0x2d5: {  	v7 =	vld [tilespmem:s14+$0x8A70];
	[tilespmem:s9+$0x6240] =	vst v6;
	v6 =	vadd.f32 $1.000000000e+00, v2;
	v5 =	vpop (erf);
	(erf) = vrcp.f32 v17  }
0x2d6: {  	v14 =	vld [tilespmem:s14+$0x8A80];
	[tilespmem:s9+$0x6250] =	vst v5;
	v5 =	vadd.f32 $1.000000000e+00, v1;
	v4 =	vpop (erf);
	(erf) = vrcp.f32 v16  }
0x2d7: {  	v15 =	vld [tilespmem:s14+$0x8A90];
	[tilespmem:s9+$0x6260] =	vst v4;
	v3 =	vpop (erf);
	(erf) = vrcp.f32 v6  }
0x2d8: {  	v16 =	vld [tilespmem:s14+$0x8AA0];
	[tilespmem:s9+$0x6270] =	vst v3;
	v2 =	vpop (erf);
	(erf) = vrcp.f32 v5  }
0x2d9: {  	v17 =	vld [tilespmem:s14+$0x8AB0];
	[tilespmem:s9+$0x6280] =	vst v2;
	v1 =	vpop (erf)  }
0x2da: {  	v6 =	vld [tilespmem:s14+$0x8AC0];
	[tilespmem:s9+$0x6290] =	vst v1;
	v1 =	vpop (erf)  }
0x2db: {  	v5 =	vld [tilespmem:s14+$0x8AD0];
	[tilespmem:s9+$0x62A0] =	vst v1;
	v1 =	vpop (erf)  }
0x2dc: {  	v4 =	vld [tilespmem:s14+$0x8AE0];
	[tilespmem:s9+$0x62B0] =	vst v1;
	v1 =	vpop (erf)  }
0x2dd: {  	v3 =	vld [tilespmem:s14+$0x8AF0];
	[tilespmem:s9+$0x62C0] =	vst v1;
	v1 =	vpop (erf)  }
0x2de: {  	v2 =	vld [tilespmem:s14+$0x8B00];
	[tilespmem:s9+$0x62D0] =	vst v1;
	v9 =	vpop (erf)  }
0x2df: {  	v1 =	vld [tilespmem:s14+$0x8B10];
	[tilespmem:s9+$0x62E0] =	vst v9;
	v9 =	vpop (erf)  }
0x2e0: {  	v18 =	vld [tilespmem:s14+$0x6220];
	[tilespmem:s9+$0x62F0] =	vst v9;
	v9 =	vpop (erf)  }
0x2e1: {  	v19 =	vld [tilespmem:s14+$0x6230];
	[tilespmem:s9+$0x6300] =	vst v9;
	v9 =	vpop (erf)  }
0x2e2: {  	v20 =	vld [tilespmem:s14+$0x6240];
	[tilespmem:s9+$0x6310] =	vst v9;
	s9 =	smov.u32 s14  }
0x2e3: {  	v9 =	vld [tilespmem:s9+$0x6250]  }
0x2e4: {  	v21 =	vld [tilespmem:s9+$0x6260]  }
0x2e5: {  	v12 =	vmul.f32 v12, v18;
	v18 =	vld [tilespmem:s9+$0x6270]  }
0x2e6: {  	v8 =	vmul.f32 v8, v19;
	v19 =	vld [tilespmem:s9+$0x6280]  }
0x2e7: {  	v12 =	vadd.f32 $1.000000000e+00, v12;
	v10 =	vmul.f32 v10, v20;
	v20 =	vld [tilespmem:s9+$0x6290]  }
0x2e8: {  	v8 =	vadd.f32 $1.000000000e+00, v8;
	v9 =	vmul.f32 v13, v9;
	v13 =	vld [tilespmem:s9+$0x62A0]  }
0x2e9: {  	v10 =	vadd.f32 $1.000000000e+00, v10;
	v11 =	vmul.f32 v11, v21;
	v21 =	vld [tilespmem:s9+$0x62B0];
	(erf) = vrcp.f32 v12  }
.Ltmp8:
0x2ea: {  	v12 =	vadd.f32 $1.000000000e+00, v9;
	v7 =	vmul.f32 v7, v18;
	v9 =	vld [tilespmem:s9+$0x62C0];
	(erf) = vrcp.f32 v8;
	(pc) =	sbr.rel @p0 .LBB2_18-.Ltmp8, $4  }
0x2eb: {  	v18 =	vadd.f32 $1.000000000e+00, v11;
	v11 =	vmul.f32 v14, v19;
	v8 =	vld [tilespmem:s9+$0x62D0];
	(erf) = vrcp.f32 v10  }
0x2ec: {  	v19 =	vadd.f32 $1.000000000e+00, v7;
	v7 =	vmul.f32 v15, v20;
	v10 =	vld [tilespmem:s9+$0x62E0];
	(erf) = vrcp.f32 v12  }
0x2ed: {  	v12 =	vadd.f32 $1.000000000e+00, v11;
	v15 =	vmul.f32 v16, v13;
	v11 =	vld [tilespmem:s9+$0x62F0];
	(erf) = vrcp.f32 v18  }
0x2ee: {  	s12 =	sadd.s32 $0x400, s12;
	v13 =	vadd.f32 $1.000000000e+00, v7;
	v14 =	vmul.f32 v17, v21;
	v7 =	vld [tilespmem:s9+$0x6300];
	(erf) = vrcp.f32 v19  }
0x2ef: {  	v15 =	vadd.f32 $1.000000000e+00, v15;
	v6 =	vmul.f32 v6, v9;
	v9 =	vld [tilespmem:s9+$0x6310]  }
0x2f0: {  	(erf) = vrcp.f32 v12;
	v12 =	vadd.f32 $1.000000000e+00, v14;
	v5 =	vmul.f32 v5, v8  }
0x2f1: {  	(erf) = vrcp.f32 v13;
	v6 =	vadd.f32 $1.000000000e+00, v6;
	v4 =	vmul.f32 v4, v10  }
0x2f2: {  	(erf) = vrcp.f32 v15;
	v5 =	vadd.f32 $1.000000000e+00, v5;
	v3 =	vmul.f32 v3, v11  }
0x2f3: {  	v8 =	vpop (erf);
	(erf) = vrcp.f32 v12;
	v4 =	vadd.f32 $1.000000000e+00, v4;
	v2 =	vmul.f32 v2, v7  }
0x2f4: {  	[tilespmem:s9+$0x6220] =	vst v8;
	v7 =	vpop (erf);
	(erf) = vrcp.f32 v6;
	v3 =	vadd.f32 $1.000000000e+00, v3;
	v1 =	vmul.f32 v1, v9  }
0x2f5: {  	[tilespmem:s9+$0x6230] =	vst v7;
	v6 =	vpop (erf);
	(erf) = vrcp.f32 v5;
	v2 =	vadd.f32 $1.000000000e+00, v2  }
0x2f6: {  	[tilespmem:s9+$0x6240] =	vst v6;
	v5 =	vpop (erf);
	(erf) = vrcp.f32 v4;
	v1 =	vadd.f32 $1.000000000e+00, v1  }
0x2f7: {  	[tilespmem:s9+$0x6250] =	vst v5;
	v4 =	vpop (erf);
	(erf) = vrcp.f32 v3  }
0x2f8: {  	[tilespmem:s9+$0x6260] =	vst v4;
	v3 =	vpop (erf);
	(erf) = vrcp.f32 v2  }
0x2f9: {  	[tilespmem:s9+$0x6270] =	vst v3;
	v2 =	vpop (erf);
	(erf) = vrcp.f32 v1  }
0x2fa: {  	[tilespmem:s9+$0x6280] =	vst v2;
	v1 =	vpop (erf)  }
0x2fb: {  	[tilespmem:s9+$0x6290] =	vst v1;
	v1 =	vpop (erf)  }
0x2fc: {  	[tilespmem:s9+$0x62A0] =	vst v1;
	v1 =	vpop (erf)  }
0x2fd: {  	[tilespmem:s9+$0x62B0] =	vst v1;
	v1 =	vpop (erf)  }
0x2fe: {  	[tilespmem:s9+$0x62C0] =	vst v1;
	v1 =	vpop (erf)  }
0x2ff: {  	[tilespmem:s9+$0x62D0] =	vst v1;
	v1 =	vpop (erf)  }
0x300: {  	[tilespmem:s9+$0x62E0] =	vst v1;
	v1 =	vpop (erf)  }
0x301: {  	[tilespmem:s9+$0x62F0] =	vst v1;
	v1 =	vpop (erf)  }
0x302: {  	[tilespmem:s9+$0x6300] =	vst v1;
	v1 =	vpop (erf)  }
0x303: {  	s31 =	simm.s32 $0x2620;
	[tilespmem:s9+$0x6310] =	vst v1  }
0x304: {  	[spmem:s4] =	stream.indirect.scatter.add.f32 [tilespmem:s3], [sflag:$0xB], $0x20, s31, s25, $0xb8;
	[tilespmem:$0x1DE20] =	vst v63  }
0x305: {  	_ =	swait.ge [sflag:s8], $0xA00  }
0x306: {  	[sflag:s8] =	ssyncset.done $0x0  }
0x307: {  	[sflag:s8] =	ssyncadd.s32 $0xFFFFF600  }
0x308: {  	_ =	swait.ge [sflag:s22], $0xA00  }
0x309: {  	[sflag:s22] =	ssyncset.done $0x0  }
0x30a: {  	[sflag:s22] =	ssyncadd.s32 $0xFFFFF600  }
0x30b: {  	_ =	swait.ge [sflag:s10], $0xA00  }
0x30c: {  	[sflag:s10] =	ssyncset.done $0x0  }
0x30d: {  	s9 =	simm.s32 $0x0;
	[sflag:s10] =	ssyncadd.s32 $0xFFFFF600  }
0x30e: {  	v7 =	vld [tilespmem:s9+$0x9420]  }
0x30f: {  	v8 =	vld [tilespmem:s9+$0x9430]  }
0x310: {  	v9 =	vld [tilespmem:s9+$0x9440]  }
0x311: {  	v10 =	vld [tilespmem:s9+$0x9450]  }
0x312: {  	v11 =	vld [tilespmem:s9+$0x9460]  }
0x313: {  	v12 =	vld [tilespmem:s9+$0x9470]  }
0x314: {  	v13 =	vld [tilespmem:s9+$0x9480]  }
0x315: {  	v14 =	vld [tilespmem:s9+$0x9490]  }
0x316: {  	v15 =	vld [tilespmem:s9+$0x94A0]  }
0x317: {  	v16 =	vld [tilespmem:s9+$0x94B0]  }
0x318: {  	v6 =	vld [tilespmem:s9+$0x94C0]  }
0x319: {  	v5 =	vld [tilespmem:s9+$0x94D0]  }
0x31a: {  	v4 =	vld [tilespmem:s9+$0x94E0]  }
0x31b: {  	v3 =	vld [tilespmem:s9+$0x94F0]  }
0x31c: {  	v2 =	vld [tilespmem:s9+$0x9500]  }
0x31d: {  	v1 =	vld [tilespmem:s9+$0x9510]  }
0x31e: {  	v17 =	vld [tilespmem:s9+$0x6C20]  }
0x31f: {  	v18 =	vld [tilespmem:s9+$0x6C30]  }
0x320: {  	v19 =	vld [tilespmem:s9+$0x6C40]  }
0x321: {  	v20 =	vld [tilespmem:s9+$0x6C50]  }
0x322: {  	v21 =	vld [tilespmem:s9+$0x6C60]  }
0x323: {  	v7 =	vmul.f32 v7, v17;
	v17 =	vld [tilespmem:s9+$0x6C70]  }
0x324: {  	v59 =	vld [tilespmem:s9+$0x6C80];
	v8 =	vmul.f32 v8, v18  }
0x325: {  	v60 =	vld [tilespmem:s9+$0x6C90];
	v9 =	vmul.f32 v9, v19;
	v7 =	vadd.f32 $1.000000000e+00, v7  }
0x326: {  	v61 =	vld [tilespmem:s9+$0x6CA0];
	v10 =	vmul.f32 v10, v20;
	v8 =	vadd.f32 $1.000000000e+00, v8  }
0x327: {  	v62 =	vld [tilespmem:s9+$0x6CB0];
	v11 =	vmul.f32 v11, v21;
	v22 =	vadd.f32 $1.000000000e+00, v9;
	(erf) = vrcp.f32 v7  }
0x328: {  	v9 =	vld [tilespmem:s9+$0x6CC0];
	v7 =	vadd.f32 $1.000000000e+00, v10;
	v10 =	vmul.f32 v12, v17;
	(erf) = vrcp.f32 v8  }
0x329: {  	v17 =	vadd.f32 $1.000000000e+00, v11;
	v11 =	vmul.f32 v13, v59;
	v8 =	vld [tilespmem:s9+$0x6CD0];
	(erf) = vrcp.f32 v22  }
0x32a: {  	v13 =	vmul.f32 v14, v60;
	v63 =	vadd.f32 $1.000000000e+00, v10;
	v10 =	vld [tilespmem:s9+$0x6CE0];
	(erf) = vrcp.f32 v7  }
0x32b: {  	v15 =	vmul.f32 v15, v61;
	v12 =	vadd.f32 $1.000000000e+00, v11;
	v11 =	vld [tilespmem:s9+$0x6CF0];
	(erf) = vrcp.f32 v17  }
0x32c: {  	s12 =	simm.s32 $0x400;
	s18 =	simm.s32 $0xD;
	v14 =	vmul.f32 v16, v62;
	v13 =	vadd.f32 $1.000000000e+00, v13;
	v7 =	vld [tilespmem:s9+$0x6D00];
	(erf) = vrcp.f32 v63  }
.LBB2_20:
0x32d: {  	s14 =	sshra.s32 s12, $0x2;
	p0 =	sne.s32 s12, $0x2400;
	v15 =	vadd.f32 $1.000000000e+00, v15;
	v6 =	vmul.f32 v6, v9;
	v9 =	vld [tilespmem:s9+$0x6D10];
	(erf) = vrcp.f32 v12  }
0x32e: {  	v12 =	vld [tilespmem:s14+$0x9420];
	v14 =	vadd.f32 $1.000000000e+00, v14;
	v5 =	vmul.f32 v5, v8;
	(erf) = vrcp.f32 v13  }
0x32f: {  	v8 =	vld [tilespmem:s14+$0x9430];
	v16 =	vadd.f32 $1.000000000e+00, v6;
	v4 =	vmul.f32 v4, v10;
	(erf) = vrcp.f32 v15  }
0x330: {  	v10 =	vld [tilespmem:s14+$0x9440];
	v15 =	vadd.f32 $1.000000000e+00, v5;
	v3 =	vmul.f32 v3, v11;
	v11 =	vpop (erf);
	(erf) = vrcp.f32 v14  }
0x331: {  	v13 =	vld [tilespmem:s14+$0x9450];
	[tilespmem:s9+$0x6C20] =	vst v11;
	v17 =	vadd.f32 $1.000000000e+00, v4;
	v2 =	vmul.f32 v2, v7;
	v7 =	vpop (erf);
	(erf) = vrcp.f32 v16  }
0x332: {  	v11 =	vld [tilespmem:s14+$0x9460];
	[tilespmem:s9+$0x6C30] =	vst v7;
	v16 =	vadd.f32 $1.000000000e+00, v3;
	v1 =	vmul.f32 v1, v9;
	v6 =	vpop (erf);
	(erf) = vrcp.f32 v15  }
0x333: {  	v7 =	vld [tilespmem:s14+$0x9470];
	[tilespmem:s9+$0x6C40] =	vst v6;
	v6 =	vadd.f32 $1.000000000e+00, v2;
	v5 =	vpop (erf);
	(erf) = vrcp.f32 v17  }
0x334: {  	v14 =	vld [tilespmem:s14+$0x9480];
	[tilespmem:s9+$0x6C50] =	vst v5;
	v5 =	vadd.f32 $1.000000000e+00, v1;
	v4 =	vpop (erf);
	(erf) = vrcp.f32 v16  }
0x335: {  	v15 =	vld [tilespmem:s14+$0x9490];
	[tilespmem:s9+$0x6C60] =	vst v4;
	v3 =	vpop (erf);
	(erf) = vrcp.f32 v6  }
0x336: {  	v16 =	vld [tilespmem:s14+$0x94A0];
	[tilespmem:s9+$0x6C70] =	vst v3;
	v2 =	vpop (erf);
	(erf) = vrcp.f32 v5  }
0x337: {  	v17 =	vld [tilespmem:s14+$0x94B0];
	[tilespmem:s9+$0x6C80] =	vst v2;
	v1 =	vpop (erf)  }
0x338: {  	v6 =	vld [tilespmem:s14+$0x94C0];
	[tilespmem:s9+$0x6C90] =	vst v1;
	v1 =	vpop (erf)  }
0x339: {  	v5 =	vld [tilespmem:s14+$0x94D0];
	[tilespmem:s9+$0x6CA0] =	vst v1;
	v1 =	vpop (erf)  }
0x33a: {  	v4 =	vld [tilespmem:s14+$0x94E0];
	[tilespmem:s9+$0x6CB0] =	vst v1;
	v1 =	vpop (erf)  }
0x33b: {  	v3 =	vld [tilespmem:s14+$0x94F0];
	[tilespmem:s9+$0x6CC0] =	vst v1;
	v1 =	vpop (erf)  }
0x33c: {  	v2 =	vld [tilespmem:s14+$0x9500];
	[tilespmem:s9+$0x6CD0] =	vst v1;
	v9 =	vpop (erf)  }
0x33d: {  	v1 =	vld [tilespmem:s14+$0x9510];
	[tilespmem:s9+$0x6CE0] =	vst v9;
	v9 =	vpop (erf)  }
0x33e: {  	v18 =	vld [tilespmem:s14+$0x6C20];
	[tilespmem:s9+$0x6CF0] =	vst v9;
	v9 =	vpop (erf)  }
0x33f: {  	v19 =	vld [tilespmem:s14+$0x6C30];
	[tilespmem:s9+$0x6D00] =	vst v9;
	v9 =	vpop (erf)  }
0x340: {  	v20 =	vld [tilespmem:s14+$0x6C40];
	[tilespmem:s9+$0x6D10] =	vst v9;
	s9 =	smov.u32 s14  }
0x341: {  	v9 =	vld [tilespmem:s9+$0x6C50]  }
0x342: {  	v21 =	vld [tilespmem:s9+$0x6C60]  }
0x343: {  	v12 =	vmul.f32 v12, v18;
	v18 =	vld [tilespmem:s9+$0x6C70]  }
0x344: {  	v8 =	vmul.f32 v8, v19;
	v19 =	vld [tilespmem:s9+$0x6C80]  }
0x345: {  	v12 =	vadd.f32 $1.000000000e+00, v12;
	v10 =	vmul.f32 v10, v20;
	v20 =	vld [tilespmem:s9+$0x6C90]  }
0x346: {  	v8 =	vadd.f32 $1.000000000e+00, v8;
	v9 =	vmul.f32 v13, v9;
	v13 =	vld [tilespmem:s9+$0x6CA0]  }
0x347: {  	v10 =	vadd.f32 $1.000000000e+00, v10;
	v11 =	vmul.f32 v11, v21;
	v21 =	vld [tilespmem:s9+$0x6CB0];
	(erf) = vrcp.f32 v12  }
.Ltmp9:
0x348: {  	v12 =	vadd.f32 $1.000000000e+00, v9;
	v7 =	vmul.f32 v7, v18;
	v9 =	vld [tilespmem:s9+$0x6CC0];
	(erf) = vrcp.f32 v8;
	(pc) =	sbr.rel @p0 .LBB2_20-.Ltmp9, $4  }
0x349: {  	v18 =	vadd.f32 $1.000000000e+00, v11;
	v11 =	vmul.f32 v14, v19;
	v8 =	vld [tilespmem:s9+$0x6CD0];
	(erf) = vrcp.f32 v10  }
0x34a: {  	v19 =	vadd.f32 $1.000000000e+00, v7;
	v7 =	vmul.f32 v15, v20;
	v10 =	vld [tilespmem:s9+$0x6CE0];
	(erf) = vrcp.f32 v12  }
0x34b: {  	v12 =	vadd.f32 $1.000000000e+00, v11;
	v15 =	vmul.f32 v16, v13;
	v11 =	vld [tilespmem:s9+$0x6CF0];
	(erf) = vrcp.f32 v18  }
0x34c: {  	s12 =	sadd.s32 $0x400, s12;
	v13 =	vadd.f32 $1.000000000e+00, v7;
	v14 =	vmul.f32 v17, v21;
	v7 =	vld [tilespmem:s9+$0x6D00];
	(erf) = vrcp.f32 v19  }
0x34d: {  	v15 =	vadd.f32 $1.000000000e+00, v15;
	v6 =	vmul.f32 v6, v9;
	v9 =	vld [tilespmem:s9+$0x6D10]  }
0x34e: {  	(erf) = vrcp.f32 v12;
	v12 =	vadd.f32 $1.000000000e+00, v14;
	v5 =	vmul.f32 v5, v8  }
0x34f: {  	(erf) = vrcp.f32 v13;
	v6 =	vadd.f32 $1.000000000e+00, v6;
	v4 =	vmul.f32 v4, v10  }
0x350: {  	(erf) = vrcp.f32 v15;
	v5 =	vadd.f32 $1.000000000e+00, v5;
	v3 =	vmul.f32 v3, v11  }
0x351: {  	v8 =	vpop (erf);
	(erf) = vrcp.f32 v12;
	v4 =	vadd.f32 $1.000000000e+00, v4;
	v2 =	vmul.f32 v2, v7  }
0x352: {  	[tilespmem:s9+$0x6C20] =	vst v8;
	v7 =	vpop (erf);
	(erf) = vrcp.f32 v6;
	v3 =	vadd.f32 $1.000000000e+00, v3;
	v1 =	vmul.f32 v1, v9  }
0x353: {  	[tilespmem:s9+$0x6C30] =	vst v7;
	v6 =	vpop (erf);
	(erf) = vrcp.f32 v5;
	v2 =	vadd.f32 $1.000000000e+00, v2  }
0x354: {  	[tilespmem:s9+$0x6C40] =	vst v6;
	v5 =	vpop (erf);
	(erf) = vrcp.f32 v4;
	v1 =	vadd.f32 $1.000000000e+00, v1  }
0x355: {  	[tilespmem:s9+$0x6C50] =	vst v5;
	v4 =	vpop (erf);
	(erf) = vrcp.f32 v3  }
0x356: {  	[tilespmem:s9+$0x6C60] =	vst v4;
	v3 =	vpop (erf);
	(erf) = vrcp.f32 v2  }
0x357: {  	[tilespmem:s9+$0x6C70] =	vst v3;
	v2 =	vpop (erf);
	(erf) = vrcp.f32 v1  }
0x358: {  	[tilespmem:s9+$0x6C80] =	vst v2;
	v1 =	vpop (erf)  }
0x359: {  	[tilespmem:s9+$0x6C90] =	vst v1;
	v1 =	vpop (erf)  }
0x35a: {  	[tilespmem:s9+$0x6CA0] =	vst v1;
	v1 =	vpop (erf)  }
0x35b: {  	[tilespmem:s9+$0x6CB0] =	vst v1;
	v1 =	vpop (erf)  }
0x35c: {  	[tilespmem:s9+$0x6CC0] =	vst v1;
	v1 =	vpop (erf)  }
0x35d: {  	[tilespmem:s9+$0x6CD0] =	vst v1;
	v1 =	vpop (erf)  }
0x35e: {  	[tilespmem:s9+$0x6CE0] =	vst v1;
	v1 =	vpop (erf)  }
0x35f: {  	[tilespmem:s9+$0x6CF0] =	vst v1;
	v1 =	vpop (erf)  }
0x360: {  	[tilespmem:s9+$0x6D00] =	vst v1;
	v1 =	vpop (erf)  }
0x361: {  	s31 =	simm.s32 $0x2670;
	[tilespmem:s9+$0x6D10] =	vst v1  }
0x362: {  	[spmem:s4] =	stream.indirect.scatter.add.f32 [tilespmem:s23], [sflag:$0xC], $0x20, s31, s25, $0xb8;
	[tilespmem:$0x1DE20] =	vst v63  }
0x363: {  	_ =	swait.ge [sflag:s11], $0xA00  }
0x364: {  	[sflag:s11] =	ssyncset.done $0x0  }
0x365: {  	[sflag:s11] =	ssyncadd.s32 $0xFFFFF600  }
0x366: {  	_ =	swait.ge [sflag:s19], $0xA00  }
0x367: {  	[sflag:s19] =	ssyncset.done $0x0  }
0x368: {  	[sflag:s19] =	ssyncadd.s32 $0xFFFFF600  }
0x369: {  	_ =	swait.ge [sflag:s0], $0xA00  }
0x36a: {  	[sflag:s0] =	ssyncset.done $0x0  }
0x36b: {  	s9 =	simm.s32 $0x0;
	[sflag:s0] =	ssyncadd.s32 $0xFFFFF600  }
0x36c: {  	v7 =	vld [tilespmem:s9+$0x7620]  }
0x36d: {  	v8 =	vld [tilespmem:s9+$0x7630]  }
0x36e: {  	v9 =	vld [tilespmem:s9+$0x7640]  }
0x36f: {  	v10 =	vld [tilespmem:s9+$0x7650]  }
0x370: {  	v11 =	vld [tilespmem:s9+$0x7660]  }
0x371: {  	v12 =	vld [tilespmem:s9+$0x7670]  }
0x372: {  	v13 =	vld [tilespmem:s9+$0x7680]  }
0x373: {  	v14 =	vld [tilespmem:s9+$0x7690]  }
0x374: {  	v15 =	vld [tilespmem:s9+$0x76A0]  }
0x375: {  	v16 =	vld [tilespmem:s9+$0x76B0]  }
0x376: {  	v6 =	vld [tilespmem:s9+$0x76C0]  }
0x377: {  	v5 =	vld [tilespmem:s9+$0x76D0]  }
0x378: {  	v4 =	vld [tilespmem:s9+$0x76E0]  }
0x379: {  	v3 =	vld [tilespmem:s9+$0x76F0]  }
0x37a: {  	v2 =	vld [tilespmem:s9+$0x7700]  }
0x37b: {  	v1 =	vld [tilespmem:s9+$0x7710]  }
0x37c: {  	v17 =	vld [tilespmem:s9+$0x4E20]  }
0x37d: {  	v18 =	vld [tilespmem:s9+$0x4E30]  }
0x37e: {  	v19 =	vld [tilespmem:s9+$0x4E40]  }
0x37f: {  	v20 =	vld [tilespmem:s9+$0x4E50]  }
0x380: {  	v21 =	vld [tilespmem:s9+$0x4E60]  }
0x381: {  	v7 =	vmul.f32 v7, v17;
	v17 =	vld [tilespmem:s9+$0x4E70]  }
0x382: {  	v59 =	vld [tilespmem:s9+$0x4E80];
	v8 =	vmul.f32 v8, v18  }
0x383: {  	v60 =	vld [tilespmem:s9+$0x4E90];
	v9 =	vmul.f32 v9, v19;
	v7 =	vadd.f32 $1.000000000e+00, v7  }
0x384: {  	v61 =	vld [tilespmem:s9+$0x4EA0];
	v10 =	vmul.f32 v10, v20;
	v8 =	vadd.f32 $1.000000000e+00, v8  }
0x385: {  	v62 =	vld [tilespmem:s9+$0x4EB0];
	v11 =	vmul.f32 v11, v21;
	v22 =	vadd.f32 $1.000000000e+00, v9;
	(erf) = vrcp.f32 v7  }
0x386: {  	v9 =	vld [tilespmem:s9+$0x4EC0];
	v7 =	vadd.f32 $1.000000000e+00, v10;
	v10 =	vmul.f32 v12, v17;
	(erf) = vrcp.f32 v8  }
0x387: {  	v17 =	vadd.f32 $1.000000000e+00, v11;
	v11 =	vmul.f32 v13, v59;
	v8 =	vld [tilespmem:s9+$0x4ED0];
	(erf) = vrcp.f32 v22  }
0x388: {  	v13 =	vmul.f32 v14, v60;
	v63 =	vadd.f32 $1.000000000e+00, v10;
	v10 =	vld [tilespmem:s9+$0x4EE0];
	(erf) = vrcp.f32 v7  }
0x389: {  	v15 =	vmul.f32 v15, v61;
	v12 =	vadd.f32 $1.000000000e+00, v11;
	v11 =	vld [tilespmem:s9+$0x4EF0];
	(erf) = vrcp.f32 v17  }
0x38a: {  	s12 =	simm.s32 $0x400;
	v14 =	vmul.f32 v16, v62;
	v13 =	vadd.f32 $1.000000000e+00, v13;
	v7 =	vld [tilespmem:s9+$0x4F00];
	(erf) = vrcp.f32 v63  }
.LBB2_22:
0x38b: {  	s14 =	sshra.s32 s12, $0x2;
	p0 =	sne.s32 s12, $0x2400;
	v15 =	vadd.f32 $1.000000000e+00, v15;
	v6 =	vmul.f32 v6, v9;
	v9 =	vld [tilespmem:s9+$0x4F10];
	(erf) = vrcp.f32 v12  }
0x38c: {  	v12 =	vld [tilespmem:s14+$0x7620];
	v14 =	vadd.f32 $1.000000000e+00, v14;
	v5 =	vmul.f32 v5, v8;
	(erf) = vrcp.f32 v13  }
0x38d: {  	v8 =	vld [tilespmem:s14+$0x7630];
	v16 =	vadd.f32 $1.000000000e+00, v6;
	v4 =	vmul.f32 v4, v10;
	(erf) = vrcp.f32 v15  }
0x38e: {  	v10 =	vld [tilespmem:s14+$0x7640];
	v15 =	vadd.f32 $1.000000000e+00, v5;
	v3 =	vmul.f32 v3, v11;
	v11 =	vpop (erf);
	(erf) = vrcp.f32 v14  }
0x38f: {  	v13 =	vld [tilespmem:s14+$0x7650];
	[tilespmem:s9+$0x4E20] =	vst v11;
	v17 =	vadd.f32 $1.000000000e+00, v4;
	v2 =	vmul.f32 v2, v7;
	v7 =	vpop (erf);
	(erf) = vrcp.f32 v16  }
0x390: {  	v11 =	vld [tilespmem:s14+$0x7660];
	[tilespmem:s9+$0x4E30] =	vst v7;
	v16 =	vadd.f32 $1.000000000e+00, v3;
	v1 =	vmul.f32 v1, v9;
	v6 =	vpop (erf);
	(erf) = vrcp.f32 v15  }
0x391: {  	v7 =	vld [tilespmem:s14+$0x7670];
	[tilespmem:s9+$0x4E40] =	vst v6;
	v6 =	vadd.f32 $1.000000000e+00, v2;
	v5 =	vpop (erf);
	(erf) = vrcp.f32 v17  }
0x392: {  	v14 =	vld [tilespmem:s14+$0x7680];
	[tilespmem:s9+$0x4E50] =	vst v5;
	v5 =	vadd.f32 $1.000000000e+00, v1;
	v4 =	vpop (erf);
	(erf) = vrcp.f32 v16  }
0x393: {  	v15 =	vld [tilespmem:s14+$0x7690];
	[tilespmem:s9+$0x4E60] =	vst v4;
	v3 =	vpop (erf);
	(erf) = vrcp.f32 v6  }
0x394: {  	v16 =	vld [tilespmem:s14+$0x76A0];
	[tilespmem:s9+$0x4E70] =	vst v3;
	v2 =	vpop (erf);
	(erf) = vrcp.f32 v5  }
0x395: {  	v17 =	vld [tilespmem:s14+$0x76B0];
	[tilespmem:s9+$0x4E80] =	vst v2;
	v1 =	vpop (erf)  }
0x396: {  	v6 =	vld [tilespmem:s14+$0x76C0];
	[tilespmem:s9+$0x4E90] =	vst v1;
	v1 =	vpop (erf)  }
0x397: {  	v5 =	vld [tilespmem:s14+$0x76D0];
	[tilespmem:s9+$0x4EA0] =	vst v1;
	v1 =	vpop (erf)  }
0x398: {  	v4 =	vld [tilespmem:s14+$0x76E0];
	[tilespmem:s9+$0x4EB0] =	vst v1;
	v1 =	vpop (erf)  }
0x399: {  	v3 =	vld [tilespmem:s14+$0x76F0];
	[tilespmem:s9+$0x4EC0] =	vst v1;
	v1 =	vpop (erf)  }
0x39a: {  	v2 =	vld [tilespmem:s14+$0x7700];
	[tilespmem:s9+$0x4ED0] =	vst v1;
	v9 =	vpop (erf)  }
0x39b: {  	v1 =	vld [tilespmem:s14+$0x7710];
	[tilespmem:s9+$0x4EE0] =	vst v9;
	v9 =	vpop (erf)  }
0x39c: {  	v18 =	vld [tilespmem:s14+$0x4E20];
	[tilespmem:s9+$0x4EF0] =	vst v9;
	v9 =	vpop (erf)  }
0x39d: {  	v19 =	vld [tilespmem:s14+$0x4E30];
	[tilespmem:s9+$0x4F00] =	vst v9;
	v9 =	vpop (erf)  }
0x39e: {  	v20 =	vld [tilespmem:s14+$0x4E40];
	[tilespmem:s9+$0x4F10] =	vst v9;
	s9 =	smov.u32 s14  }
0x39f: {  	v9 =	vld [tilespmem:s9+$0x4E50]  }
0x3a0: {  	v21 =	vld [tilespmem:s9+$0x4E60]  }
0x3a1: {  	v12 =	vmul.f32 v12, v18;
	v18 =	vld [tilespmem:s9+$0x4E70]  }
0x3a2: {  	v8 =	vmul.f32 v8, v19;
	v19 =	vld [tilespmem:s9+$0x4E80]  }
0x3a3: {  	v12 =	vadd.f32 $1.000000000e+00, v12;
	v10 =	vmul.f32 v10, v20;
	v20 =	vld [tilespmem:s9+$0x4E90]  }
0x3a4: {  	v8 =	vadd.f32 $1.000000000e+00, v8;
	v9 =	vmul.f32 v13, v9;
	v13 =	vld [tilespmem:s9+$0x4EA0]  }
0x3a5: {  	v10 =	vadd.f32 $1.000000000e+00, v10;
	v11 =	vmul.f32 v11, v21;
	v21 =	vld [tilespmem:s9+$0x4EB0];
	(erf) = vrcp.f32 v12  }
.Ltmp10:
0x3a6: {  	v12 =	vadd.f32 $1.000000000e+00, v9;
	v7 =	vmul.f32 v7, v18;
	v9 =	vld [tilespmem:s9+$0x4EC0];
	(erf) = vrcp.f32 v8;
	(pc) =	sbr.rel @p0 .LBB2_22-.Ltmp10, $4  }
0x3a7: {  	v18 =	vadd.f32 $1.000000000e+00, v11;
	v11 =	vmul.f32 v14, v19;
	v8 =	vld [tilespmem:s9+$0x4ED0];
	(erf) = vrcp.f32 v10  }
0x3a8: {  	v19 =	vadd.f32 $1.000000000e+00, v7;
	v7 =	vmul.f32 v15, v20;
	v10 =	vld [tilespmem:s9+$0x4EE0];
	(erf) = vrcp.f32 v12  }
0x3a9: {  	v12 =	vadd.f32 $1.000000000e+00, v11;
	v15 =	vmul.f32 v16, v13;
	v11 =	vld [tilespmem:s9+$0x4EF0];
	(erf) = vrcp.f32 v18  }
0x3aa: {  	s12 =	sadd.s32 $0x400, s12;
	v13 =	vadd.f32 $1.000000000e+00, v7;
	v14 =	vmul.f32 v17, v21;
	v7 =	vld [tilespmem:s9+$0x4F00];
	(erf) = vrcp.f32 v19  }
0x3ab: {  	v15 =	vadd.f32 $1.000000000e+00, v15;
	v6 =	vmul.f32 v6, v9;
	v57 =	vld [tilespmem:s9+$0x4F10]  }
0x3ac: {  	(erf) = vrcp.f32 v12;
	v58 =	vadd.f32 $1.000000000e+00, v14;
	v5 =	vmul.f32 v5, v8  }
0x3ad: {  	(erf) = vrcp.f32 v13;
	v6 =	vadd.f32 $1.000000000e+00, v6;
	v4 =	vmul.f32 v4, v10  }
0x3ae: {  	(erf) = vrcp.f32 v15;
	v5 =	vadd.f32 $1.000000000e+00, v5;
	v3 =	vmul.f32 v3, v11  }
0x3af: {  	v59 =	vpop (erf);
	(erf) = vrcp.f32 v58;
	v4 =	vadd.f32 $1.000000000e+00, v4;
	v2 =	vmul.f32 v2, v7  }
0x3b0: {  	[tilespmem:s9+$0x4E20] =	vst v59;
	v60 =	vpop (erf);
	(erf) = vrcp.f32 v6;
	v3 =	vadd.f32 $1.000000000e+00, v3;
	v1 =	vmul.f32 v1, v57  }
0x3b1: {  	[tilespmem:s9+$0x4E30] =	vst v60;
	v61 =	vpop (erf);
	(erf) = vrcp.f32 v5;
	v2 =	vadd.f32 $1.000000000e+00, v2  }
0x3b2: {  	[tilespmem:s9+$0x4E40] =	vst v61;
	v62 =	vpop (erf);
	(erf) = vrcp.f32 v4;
	v1 =	vadd.f32 $1.000000000e+00, v1  }
0x3b3: {  	[tilespmem:s9+$0x4E50] =	vst v62;
	v63 =	vpop (erf);
	(erf) = vrcp.f32 v3  }
0x3b4: {  	[tilespmem:s9+$0x4E60] =	vst v63;
	v3 =	vpop (erf);
	(erf) = vrcp.f32 v2  }
0x3b5: {  	[tilespmem:s9+$0x4E70] =	vst v3;
	v2 =	vpop (erf);
	(erf) = vrcp.f32 v1  }
0x3b6: {  	[tilespmem:s9+$0x4E80] =	vst v2;
	v1 =	vpop (erf)  }
0x3b7: {  	[tilespmem:s9+$0x4E90] =	vst v1;
	v1 =	vpop (erf)  }
0x3b8: {  	[tilespmem:s9+$0x4EA0] =	vst v1;
	v1 =	vpop (erf)  }
0x3b9: {  	[tilespmem:s9+$0x4EB0] =	vst v1;
	v1 =	vpop (erf)  }
0x3ba: {  	[tilespmem:s9+$0x4EC0] =	vst v1;
	v1 =	vpop (erf)  }
0x3bb: {  	[tilespmem:s9+$0x4ED0] =	vst v1;
	v1 =	vpop (erf)  }
0x3bc: {  	[tilespmem:s9+$0x4EE0] =	vst v1;
	v1 =	vpop (erf)  }
0x3bd: {  	[tilespmem:s9+$0x4EF0] =	vst v1;
	v1 =	vpop (erf)  }
0x3be: {  	[tilespmem:s9+$0x4F00] =	vst v1;
	v1 =	vpop (erf)  }
0x3bf: {  	[tilespmem:s9+$0x4F10] =	vst v1  }
0x3c0: {  	[spmem:s4] =	stream.indirect.scatter.add.f32 [tilespmem:s26], [sflag:$0x9], $0x20, s16, s25, $0xb8;
	[tilespmem:$0x1DE20] =	vst v63  }
0x3c1: {  	_ =	swait.ge [sflag:s13], $0xA00  }
0x3c2: {  	[sflag:s13] =	ssyncset.done $0x0  }
0x3c3: {  	[sflag:s13] =	ssyncadd.s32 $0xFFFFF600  }
0x3c4: {  	_ =	swait.ge [sflag:s6], $0xA00  }
0x3c5: {  	[sflag:s6] =	ssyncset.done $0x0  }
0x3c6: {  	[sflag:s6] =	ssyncadd.s32 $0xFFFFF600  }
0x3c7: {  	[bflag:$0x0] =	sbarrier.arrive $0xFFFF  }
0x3c8: {  	s16 =	rddreg [dreg:$0x9]  }
0x3c9: {  	s14 =	rddreg [dreg:$0xc]  }
0x3ca: {  	s17 =	rddreg [dreg:$0xd];
	s9 =	sor.u32 $0x1C0D, s16;
	s12 =	sshrl.u32 s14, $0x3  }
0x3cb: {  	[hbm:s17], [sflag:s9] =	dma.local [spmem:s12], $0xA00  }
0x3cc: {  	_ =	swait.ge [sflag:s18], $0xA00  }
0x3cd: {  	s24 =	rddreg [dreg:$0x12]  }
0x3ce: {  	s31 =	rddreg [dreg:$0xe];
	s12 =	sadd.s32 $0x1, s24  }
0x3cf: {  	p0 =	sne.s32 s12, s31  }
.Ltmp11:
0x3d0: {  	_ = 	snop;
	(pc) =	sbr.rel @p0 .LBB2_1-.Ltmp11, $3  }
0x3d1: {  	_ =	sdelay $0x1  }
0x3d2: {  	[sflag:s18] =	ssyncset.done $0x0  }
0x3d3: {  	s16 =	simm.s32 $0x2710;
	[sflag:s18] =	ssyncadd.s32 $0xFFFFF600  }
0x3d4: {  	_ =	sfence.sel $0x180000  }
0x3d5: {  	[bflag:$0x0] =	sbarrier.arrive $0xFFFF  }
0x3d6: {  	_ =	strace $0x90000047  }
0x3d7: {  	s0 =	stileid.u32;
	[bflag:$0x2] =	sbarrier.arrive $0xFFFF  }
0x3d8: {  	p0 =	sne.s32 s0, $0x0;
	s0 =	rddreg [dreg:$0x5]  }
0x3d9: {  	s0 =	sadd.s32 @!p0 $0x100000, s0  }
0x3da: {  	[sflag:s0] =	ssyncadd.tile.s32 @!p0 $0x1;
	_ =	shalt  }
.Lfunc_end2:
_tile_overlayer_lowered:
.L_overlay_start_2:
0x3db: {  	(tag) =	ssettag $0x2  }
0x3dc: {  	s0 =	rddreg [dreg:$0x0];
	s2 =	stileid.u32  }
0x3dd: {  	s1 =	rddreg [dreg:$0x1];
	p0 =	sne.s32 s2, $0x0  }
0x3de: {  	s3 =	rddreg [dreg:$0x2];
	[bflag:$0x3] =	sbarrier.arrive $0xFFFF;
	s2 =	simm.s32 @!p0 $0x1C0D  }
0x3df: {  	[timem:s3], [sflag:s2] =	dma.local @!p0 [hbm:s0], s1  }
0x3e0: {  	s0 =	simm.s32 @!p0 $0xD  }
0x3e1: {  	_ =	swait.ge @!p0 [sflag:s0], s1  }
0x3e2: {  	s1 =	ssub.s32 @!p0 $0x0, s1;
	[sflag:s0] =	ssyncset.done @!p0 $0x0  }
0x3e3: {  	[sflag:s0] =	ssyncadd.s32 @!p0 s1  }
0x3e4: {  	[bflag:$0x3] =	sbarrier.arrive $0xFFFF  }
0x3e5: {  	_ =	shalt  }

</sc_bundles>
